<compile_context>
chip_gen: v7x
topology: tpu7x:2x2x1
jax: 0.10.2.dev20260603
libtpu: 0.0.44.dev20260713+nightly
codegen_flags: <defaults>
</compile_context>

<pallas_src>
import functools
import numpy as np
import jax
import jax.numpy as jnp
from jax import lax
from jax.experimental import pallas as pl
from jax.experimental.pallas import tpu as pltpu
from jax.experimental.pallas import tpu_sc as plsc

N = 10000
E = 160000
HID = 128
HEADS = 16
DH = 8
NRG = 20
EFD = 4
RFD = NRG * 4

BE = 2000
BN = 2000

_OFF = np.linspace(0.0, 10.0, NRG).astype(np.float32)
_COEFF = np.float32(-0.5 / (_OFF[1] - _OFF[0]) ** 2)
_A4 = np.zeros((EFD, RFD), np.float32)
_G20 = np.zeros((NRG, RFD), np.float32)
for _a in range(EFD):
    for _g in range(NRG):
        _A4[_a, _a * NRG + _g] = 1.0
        _G20[_g, _a * NRG + _g] = 1.0
_HS = np.zeros((HID, HEADS), np.float32)
_EXH = np.zeros((HEADS, HID), np.float32)
for _h in range(HEADS):
    for _j in range(DH):
        _HS[_h * DH + _j, _h] = 1.0
        _EXH[_h, _h * DH + _j] = 1.0
_P48 = np.zeros((HEADS, 48), np.float32)
_Q48 = np.zeros((16, 48), np.float32)
_M48 = np.zeros((48, 8), np.float32)
for _h in range(HEADS):
    for _c in range(3):
        _P48[_h, 3 * _h + _c] = 1.0
        _Q48[_c, 3 * _h + _c] = 1.0
        _M48[3 * _h + _c, _c] = 1.0 / HEADS
_ISQ = np.float32(1.0 / np.sqrt(DH))


_CHW = 128
_CH2 = 256
_NCH = E // _CH2
_NW = 32

_SC_MESH = dict(core_axis_name="c", subcore_axis_name="s")
_SC_PARAMS = pltpu.CompilerParams(use_tc_tiling_on_sc=False)


def _sc_gather(table, idxm, d):

    @functools.partial(
        pl.kernel,
        out_type=jax.ShapeDtypeStruct((E, d), jnp.float32),
        mesh=plsc.VectorSubcoreMesh(**_SC_MESH),
        compiler_params=_SC_PARAMS,
        scratch_types=[
            pltpu.VMEM((2, _CHW), jnp.int32),
            pltpu.VMEM((_CH2, d), jnp.float32),
            pltpu.SemaphoreType.DMA,
            pltpu.SemaphoreType.DMA,
        ],
    )
    def k(table_hbm, idxm_hbm, out_hbm, idx_v, rows_v, sem0, sem1):
        wid = lax.axis_index("s") * 2 + lax.axis_index("c")
        nch = (_NCH - wid + (_NW - 1)) // _NW

        def body(t, carry):
            ch = wid + t * _NW
            pltpu.sync_copy(idxm_hbm.at[ch], idx_v)
            pltpu.async_copy(table_hbm.at[idx_v.at[0]],
                             rows_v.at[pl.ds(0, _CHW)], sem0)
            pltpu.async_copy(table_hbm.at[idx_v.at[1]],
                             rows_v.at[pl.ds(_CHW, _CHW)], sem1)
            pltpu.make_async_copy(table_hbm.at[idx_v.at[0]],
                                  rows_v.at[pl.ds(0, _CHW)], sem0).wait()
            pltpu.make_async_copy(table_hbm.at[idx_v.at[1]],
                                  rows_v.at[pl.ds(_CHW, _CHW)], sem1).wait()
            pltpu.sync_copy(rows_v, out_hbm.at[pl.ds(ch * _CH2, _CH2)])
            return carry

        lax.fori_loop(0, nch, body, 0)

    return k(table, idxm)


def _sc_scatter(exw, wv, idxm, d):

    @functools.partial(
        pl.kernel,
        out_type=(jax.ShapeDtypeStruct((2, N, 16), jnp.float32),
                  jax.ShapeDtypeStruct((2, N, d), jnp.float32)),
        mesh=plsc.VectorSubcoreMesh(**_SC_MESH),
        compiler_params=_SC_PARAMS,
        scratch_types=[
            pltpu.VMEM((2, _CHW), jnp.int32),
            pltpu.VMEM((_CH2, 16), jnp.float32),
            pltpu.VMEM((_CH2, d), jnp.float32),
            pltpu.VMEM_SHARED((N, 16), jnp.float32),
            pltpu.VMEM_SHARED((N, d), jnp.float32),
        ],
    )
    def k(ex_hbm, wv_hbm, idxm_hbm, zex_hbm, zwv_hbm, oex_hbm, owv_hbm,
          idx_v, exb, wvb, tex, twv):
        cid = lax.axis_index("c")
        sid = lax.axis_index("s")
        wid = sid * 2 + cid

        @pl.when(sid == 0)
        def _init():
            pltpu.sync_copy(zex_hbm, tex)
            pltpu.sync_copy(zwv_hbm, twv)

        plsc.subcore_barrier()
        nch = (_NCH - wid + (_NW - 1)) // _NW

        def body(t, carry):
            ch = wid + t * _NW
            pltpu.sync_copy(idxm_hbm.at[ch], idx_v)
            pltpu.sync_copy(ex_hbm.at[pl.ds(ch * _CH2, _CH2)], exb)
            pltpu.sync_copy(wv_hbm.at[pl.ds(ch * _CH2, _CH2)], wvb)
            pltpu.sync_copy(exb.at[pl.ds(0, _CHW)],
                            tex.at[idx_v.at[0]], add=True)
            pltpu.sync_copy(wvb.at[pl.ds(0, _CHW)],
                            twv.at[idx_v.at[0]], add=True)
            pltpu.sync_copy(exb.at[pl.ds(_CHW, _CHW)],
                            tex.at[idx_v.at[1]], add=True)
            pltpu.sync_copy(wvb.at[pl.ds(_CHW, _CHW)],
                            twv.at[idx_v.at[1]], add=True)
            return carry

        lax.fori_loop(0, nch, body, 0)
        plsc.subcore_barrier()

        @pl.when(sid == 0)
        def _dump():
            pltpu.sync_copy(tex, oex_hbm.at[cid])
            pltpu.sync_copy(twv, owv_hbm.at[cid])

    zex = jnp.zeros((N, 16), jnp.float32)
    zwv = jnp.zeros((N, d), jnp.float32)
    return k(exw, wv, idxm, zex, zwv)


def _ln(v, g, b):
    mu = jnp.mean(v, -1, keepdims=True)
    var = jnp.mean((v - mu) ** 2, -1, keepdims=True)
    return (v - mu) / jnp.sqrt(var + 1e-5) * g + b


def _dot(a, b):
    return jnp.dot(a, b, preferred_element_type=jnp.float32)



def _mlp128_body(h_ref, w1, b1, g1, be1, w2, b2, o_ref):
    v = _dot(h_ref[...], w1[...]) + b1[...]
    v = jnp.maximum(_ln(v, g1[...], be1[...]), 0.0)
    o_ref[...] = _dot(v, w2[...]) + b2[...]


def _mlp128(hin, p):
    return pl.pallas_call(
        _mlp128_body,
        grid=(N // BN,),
        in_specs=[
            pl.BlockSpec((BN, HID), lambda i: (i, 0)),
            pl.BlockSpec((HID, HID), lambda i: (0, 0)),
            pl.BlockSpec((1, HID), lambda i: (0, 0)),
            pl.BlockSpec((1, HID), lambda i: (0, 0)),
            pl.BlockSpec((1, HID), lambda i: (0, 0)),
            pl.BlockSpec((HID, HID), lambda i: (0, 0)),
            pl.BlockSpec((1, HID), lambda i: (0, 0)),
        ],
        out_specs=pl.BlockSpec((BN, HID), lambda i: (i, 0)),
        out_shape=jax.ShapeDtypeStruct((N, HID), jnp.float32),
    )(hin, p['W1'], p['b1'][None, :], p['g'][None, :], p['be'][None, :],
      p['W2'], p['b2'][None, :])


def _rfeat(ea, rel, off, a4, g20):
    d2 = jnp.sum(rel * rel, -1, keepdims=True)
    dist = jnp.sqrt(d2)
    sm = jnp.exp(_COEFF * (dist - off) ** 2)
    return _dot(ea, a4) * _dot(sm, g20)


def _edge1_body(ea_ref, dd_ref, ss_ref,
                off, a4, g20, hs_m, exh,
                w1e, w1r, w1d, w1s, b1,
                gk, bek, w2k, b2k, gv, bev, w2v, b2v,
                eww, ewb,
                ex_ref, wv_ref, rel_ref):
    ea = ea_ref[...]
    hd = dd_ref[:, 0:HID]
    qd = dd_ref[:, HID:2 * HID]
    xd = dd_ref[:, 2 * HID:2 * HID + 16]
    hs = ss_ref[:, 0:HID]
    xs = ss_ref[:, HID:HID + 16]
    rel = xd - xs
    rf = _rfeat(ea, rel, off[...], a4[...], g20[...])
    pre = (_dot(ea, w1e[...]) + _dot(rf, w1r[...])
           + _dot(hd, w1d[...]) + _dot(hs, w1s[...])) + b1[...]
    pk = pre[:, :HID]
    pv = pre[:, HID:]
    k = _dot(jnp.maximum(_ln(pk, gk[...], bek[...]), 0.0), w2k[...]) + b2k[...]
    v = _dot(jnp.maximum(_ln(pv, gv[...], bev[...]), 0.0), w2v[...]) + b2v[...]
    ewl = jnp.sum(rf * eww[...], -1, keepdims=True) + ewb[...]
    v = v * (1.0 / (1.0 + jnp.exp(-ewl)))
    ex = jnp.exp(_dot(qd * k, hs_m[...]) * _ISQ)
    ex_ref[...] = ex
    wv_ref[...] = _dot(ex, exh[...]) * v
    rel_ref[...] = rel


def _edge2_body(ea_ref, rel_ref, dd_ref, ss_ref,
                off, a4, g20, hs_m, p48, q48,
                w1e, w1r, w1d, w1s, b1,
                gk, bek, w2k, b2k, gv, bev, w2v, b2v,
                eww, ewb,
                ex_ref, wv_ref):
    ea = ea_ref[...]
    rel = rel_ref[...]
    hd = dd_ref[:, 0:HID]
    qd = dd_ref[:, HID:2 * HID]
    hs = ss_ref[...]
    rf = _rfeat(ea, rel, off[...], a4[...], g20[...])
    pre = (_dot(ea, w1e[...]) + _dot(rf, w1r[...])
           + _dot(hd, w1d[...]) + _dot(hs, w1s[...])) + b1[...]
    pk = pre[:, :HID]
    pv = pre[:, HID:]
    k = _dot(jnp.maximum(_ln(pk, gk[...], bek[...]), 0.0), w2k[...]) + b2k[...]
    v = _dot(jnp.maximum(_ln(pv, gv[...], bev[...]), 0.0), w2v[...]) + b2v[...]
    ewl = jnp.sum(rf * eww[...], -1, keepdims=True) + ewb[...]
    v = v * (1.0 / (1.0 + jnp.exp(-ewl)))
    ex = jnp.exp(_dot(qd * k, hs_m[...]) * _ISQ)
    ex_ref[...] = ex
    wv_ref[...] = _dot(ex * v, p48[...]) * _dot(rel, q48[...])


def _node1_body(ex0_ref, ex1_ref, wv0_ref, wv1_ref, h_ref, exh,
                w1a, w1b, b1, g1, be1, w2, b2, ho_ref):
    exb = _dot(ex0_ref[...] + ex1_ref[...], exh[...])
    out1 = (wv0_ref[...] + wv1_ref[...]) / (exb + 1e-16)
    pre = _dot(out1, w1a[...]) + _dot(h_ref[...], w1b[...]) + b1[...]
    o = _dot(jnp.maximum(_ln(pre, g1[...], be1[...]), 0.0), w2[...]) + b2[...]
    ho_ref[...] = o + h_ref[...]


def _node2_body(ex0_ref, ex1_ref, wv0_ref, wv1_ref, x_ref, m_ref,
                p48, m48, xo_ref):
    den = _dot(ex0_ref[...] + ex1_ref[...], p48[...])
    o = (wv0_ref[...] + wv1_ref[...]) / (den + 1e-16)
    delta = _dot(o, m48[...])
    xo_ref[...] = x_ref[:, :8] + delta * m_ref[...]


_FULL = lambda r, c: pl.BlockSpec((r, c), lambda i: (0, 0))
_ROWB = lambda b, c: pl.BlockSpec((b, c), lambda i: (i, 0))


def _edge1_call(ea, dd, ss, consts, w):
    return pl.pallas_call(
        _edge1_body,
        grid=(E // BE,),
        in_specs=[
            _ROWB(BE, EFD), _ROWB(BE, 2 * HID + 16), _ROWB(BE, HID + 16),
            _FULL(1, NRG), _FULL(EFD, RFD), _FULL(NRG, RFD),
            _FULL(HID, HEADS), _FULL(HEADS, HID),
            _FULL(EFD, 2 * HID), _FULL(RFD, 2 * HID),
            _FULL(HID, 2 * HID), _FULL(HID, 2 * HID), _FULL(1, 2 * HID),
            _FULL(1, HID), _FULL(1, HID), _FULL(HID, HID), _FULL(1, HID),
            _FULL(1, HID), _FULL(1, HID), _FULL(HID, HID), _FULL(1, HID),
            _FULL(1, RFD), _FULL(1, 1),
        ],
        out_specs=[_ROWB(BE, HEADS), _ROWB(BE, HID), _ROWB(BE, 16)],
        out_shape=[
            jax.ShapeDtypeStruct((E, HEADS), jnp.float32),
            jax.ShapeDtypeStruct((E, HID), jnp.float32),
            jax.ShapeDtypeStruct((E, 16), jnp.float32),
        ],
    )(ea, dd, ss, *consts, *w)


def _edge2_call(ea, rel, dd, ss, consts, w):
    return pl.pallas_call(
        _edge2_body,
        grid=(E // BE,),
        in_specs=[
            _ROWB(BE, EFD), _ROWB(BE, 16), _ROWB(BE, 2 * HID), _ROWB(BE, HID),
            _FULL(1, NRG), _FULL(EFD, RFD), _FULL(NRG, RFD),
            _FULL(HID, HEADS), _FULL(HEADS, 48), _FULL(16, 48),
            _FULL(EFD, 2 * HID), _FULL(RFD, 2 * HID),
            _FULL(HID, 2 * HID), _FULL(HID, 2 * HID), _FULL(1, 2 * HID),
            _FULL(1, HID), _FULL(1, HID), _FULL(HID, HID), _FULL(1, HID),
            _FULL(1, HID), _FULL(1, HID), _FULL(HID, HEADS), _FULL(1, HEADS),
            _FULL(1, RFD), _FULL(1, 1),
        ],
        out_specs=[_ROWB(BE, HEADS), _ROWB(BE, 48)],
        out_shape=[
            jax.ShapeDtypeStruct((E, HEADS), jnp.float32),
            jax.ShapeDtypeStruct((E, 48), jnp.float32),
        ],
    )(ea, rel, dd, ss, *consts, *w)


def _split_w1(p):
    w1 = p['W1']
    return (w1[0:EFD], w1[EFD:EFD + RFD],
            w1[EFD + RFD:EFD + RFD + HID], w1[EFD + RFD + HID:])


def _edge_weights(pk, pv, eww, ewb):
    ke, kr, kd, ks = _split_w1(pk)
    ve, vr, vd, vs = _split_w1(pv)
    w1e = jnp.concatenate([ke, ve], 1)
    w1r = jnp.concatenate([kr, vr], 1)
    w1d = jnp.concatenate([kd, vd], 1)
    w1s = jnp.concatenate([ks, vs], 1)
    b1 = jnp.concatenate([pk['b1'], pv['b1']])[None, :]
    return [w1e, w1r, w1d, w1s, b1,
            pk['g'][None, :], pk['be'][None, :], pk['W2'], pk['b2'][None, :],
            pv['g'][None, :], pv['be'][None, :], pv['W2'], pv['b2'][None, :],
            eww.reshape(1, RFD), ewb.reshape(1, 1)]


def kernel(h, x, edge_attr, edge_index, mask_ligand, params):
    p = params
    src = edge_index[0]
    dst = edge_index[1]
    xpad = jnp.concatenate([x, jnp.zeros((N, 13), jnp.float32)], 1)

    off = jnp.asarray(_OFF)[None, :]
    a4 = jnp.asarray(_A4)
    g20 = jnp.asarray(_G20)
    hs_m = jnp.asarray(_HS)
    exh = jnp.asarray(_EXH)
    p48 = jnp.asarray(_P48)
    q48 = jnp.asarray(_Q48)
    m48 = jnp.asarray(_M48)

    srcm = src.reshape(_NCH, 2, _CHW)
    dstm = dst.reshape(_NCH, 2, _CHW)

    q1 = _mlp128(h, p['x2h_hq'])
    dd1 = _sc_gather(jnp.concatenate([h, q1, xpad], 1), dstm, 2 * HID + 16)
    ss1 = _sc_gather(jnp.concatenate([h, xpad], 1), srcm, HID + 16)
    w1 = _edge_weights(p['x2h_hk'], p['x2h_hv'], p['x2h_ew_W'], p['x2h_ew_b'])
    ex1, wv1, rel = _edge1_call(edge_attr, dd1, ss1,
                                (off, a4, g20, hs_m, exh), w1)
    exs1, wvs1 = _sc_scatter(ex1, wv1, dstm, HID)

    po = p['x2h_out']
    hout = pl.pallas_call(
        _node1_body,
        grid=(N // BN,),
        in_specs=[
            _ROWB(BN, HEADS), _ROWB(BN, HEADS), _ROWB(BN, HID), _ROWB(BN, HID),
            _ROWB(BN, HID), _FULL(HEADS, HID),
            _FULL(HID, HID), _FULL(HID, HID), _FULL(1, HID),
            _FULL(1, HID), _FULL(1, HID), _FULL(HID, HID), _FULL(1, HID),
        ],
        out_specs=_ROWB(BN, HID),
        out_shape=jax.ShapeDtypeStruct((N, HID), jnp.float32),
    )(exs1[0], exs1[1], wvs1[0], wvs1[1], h, exh,
      po['W1'][:HID], po['W1'][HID:], po['b1'][None, :],
      po['g'][None, :], po['be'][None, :], po['W2'], po['b2'][None, :])

    q2 = _mlp128(hout, p['h2x_xq'])
    dd2 = _sc_gather(jnp.concatenate([hout, q2], 1), dstm, 2 * HID)
    ss2 = _sc_gather(hout, srcm, HID)
    w2 = _edge_weights(p['h2x_xk'], p['h2x_xv'], p['h2x_ew_W'], p['h2x_ew_b'])
    ex2, wv2 = _edge2_call(edge_attr, rel, dd2, ss2,
                           (off, a4, g20, hs_m, p48, q48), w2)
    exs2, wvs2 = _sc_scatter(ex2, wv2, dstm, 48)

    x8 = pl.pallas_call(
        _node2_body,
        grid=(N // BN,),
        in_specs=[
            _ROWB(BN, HEADS), _ROWB(BN, HEADS), _ROWB(BN, 48), _ROWB(BN, 48),
            _ROWB(BN, 16), _ROWB(BN, 8),
            _FULL(HEADS, 48), _FULL(48, 8),
        ],
        out_specs=_ROWB(BN, 8),
        out_shape=jax.ShapeDtypeStruct((N, 8), jnp.float32),
    )(exs2[0], exs2[1], wvs2[0], wvs2[1], xpad,
      jnp.broadcast_to(mask_ligand[:, None], (N, 8)), p48, m48)

    return (hout, x8[:, :3])

# --- scband reference (transcript-rebuilt; emitter-appended) ---
"""Pipeline reference for scband-uni-transformer-o2-two-update-general-78726750536230 (READ-ONLY COPY).

The authoritative reference and input builder live on the scoring server;
editing this copy changes nothing except your own understanding.
"""

import jax, jax.numpy as jnp
import numpy as np

N = 10000
E = 160000
HID = 128
HEADS = 16
DH = HID // HEADS
NRG = 20
EFD = 4
RFD = NRG * 4
KV_DIM = HID * 2 + EFD + RFD


def _mlp_params(key, din, dout, hid):
    k1, k2 = jax.random.split(key)
    return {
        'W1': jax.random.normal(k1, (din, hid), jnp.float32) * 0.02,
        'b1': jnp.zeros((hid,), jnp.float32),
        'g': jnp.ones((hid,), jnp.float32),
        'be': jnp.zeros((hid,), jnp.float32),
        'W2': jax.random.normal(k2, (hid, dout), jnp.float32) * 0.02,
        'b2': jnp.zeros((dout,), jnp.float32),
    }


def setup_inputs(seed: int = 0) -> dict:
    key = jax.random.key(seed)
    ks = jax.random.split(key, 16)
    h = jax.random.normal(ks[0], (N, HID), jnp.float32)
    x = jax.random.normal(ks[1], (N, 3), jnp.float32)
    edge_attr = jax.random.uniform(ks[2], (E, EFD), dtype=jnp.float32)
    edge_index = jax.random.randint(ks[3], (2, E), 0, N, dtype=jnp.int32)
    mask_ligand = jnp.ones((N,), jnp.float32)
    params = {
        'x2h_hk': _mlp_params(ks[4], KV_DIM, HID, HID),
        'x2h_hv': _mlp_params(ks[5], KV_DIM, HID, HID),
        'x2h_hq': _mlp_params(ks[6], HID, HID, HID),
        'x2h_ew_W': jax.random.normal(ks[7], (RFD, 1), jnp.float32) * 0.02,
        'x2h_ew_b': jnp.zeros((1,), jnp.float32),
        'x2h_out': _mlp_params(ks[8], 2 * HID, HID, HID),
        'h2x_xk': _mlp_params(ks[9], KV_DIM, HID, HID),
        'h2x_xv': _mlp_params(ks[10], KV_DIM, HEADS, HID),
        'h2x_xq': _mlp_params(ks[11], HID, HID, HID),
        'h2x_ew_W': jax.random.normal(ks[12], (RFD, 1), jnp.float32) * 0.02,
        'h2x_ew_b': jnp.zeros((1,), jnp.float32),
    }
    return {'h': h, 'x': x, 'edge_attr': edge_attr, 'edge_index': edge_index, 'mask_ligand': mask_ligand, 'params': params}


def _layernorm(v, g, b):
    mu = v.mean(-1, keepdims=True)
    var = jnp.mean((v - mu) ** 2, -1, keepdims=True)
    return (v - mu) / jnp.sqrt(var + 1e-5) * g + b


def _mlp(v, p):
    v = v @ p['W1'] + p['b1']
    v = jax.nn.relu(_layernorm(v, p['g'], p['be']))
    return v @ p['W2'] + p['b2']


def _scatter_softmax(logits, dst, n):
    mx = jax.ops.segment_max(logits, dst, num_segments=n)
    mx = jnp.where(jnp.isfinite(mx), mx, 0.0)
    ex = jnp.exp(logits - mx[dst])
    s = jax.ops.segment_sum(ex, dst, num_segments=n)
    return ex / (s[dst] + 1e-16)


def _smearing(dist):
    offset = jnp.linspace(0.0, 10.0, NRG)
    coeff = -0.5 / (offset[1] - offset[0]) ** 2
    return jnp.exp(coeff * (dist - offset[None, :]) ** 2)


def _outer(a, b):
    return (a[:, :, None] * b[:, None, :]).reshape(a.shape[0], -1)


def _x2h(h, r_feat, edge_feat, src, dst, p):
    n = h.shape[0]
    kv = jnp.concatenate([edge_feat, r_feat, h[dst], h[src]], -1)
    k = _mlp(kv, p['x2h_hk']).reshape(-1, HEADS, DH)
    v = _mlp(kv, p['x2h_hv'])
    e_w = jax.nn.sigmoid(r_feat @ p['x2h_ew_W'] + p['x2h_ew_b'])
    v = (v * e_w).reshape(-1, HEADS, DH)
    q = _mlp(h, p['x2h_hq']).reshape(-1, HEADS, DH)
    alpha = _scatter_softmax((q[dst] * k).sum(-1) / np.sqrt(DH), dst, n)
    out = jax.ops.segment_sum(alpha[..., None] * v, dst, num_segments=n).reshape(n, HID)
    out = _mlp(jnp.concatenate([out, h], -1), p['x2h_out'])
    return out + h


def _h2x(h, rel_x, r_feat, edge_feat, src, dst, p):
    n = h.shape[0]
    kv = jnp.concatenate([edge_feat, r_feat, h[dst], h[src]], -1)
    k = _mlp(kv, p['h2x_xk']).reshape(-1, HEADS, DH)
    v = _mlp(kv, p['h2x_xv'])
    e_w = jax.nn.sigmoid(r_feat @ p['h2x_ew_W'] + p['h2x_ew_b'])
    v = v * e_w
    v = v[:, :, None] * rel_x[:, None, :]
    q = _mlp(h, p['h2x_xq']).reshape(-1, HEADS, DH)
    alpha = _scatter_softmax((q[dst] * k).sum(-1) / np.sqrt(DH), dst, n)
    out = jax.ops.segment_sum(alpha[..., None] * v, dst, num_segments=n)
    return out.mean(1)


def _forward(h, x, edge_attr, mask_ligand, params, edge_index):
    src = edge_index[0]
    dst = edge_index[1]
    rel_x = x[dst] - x[src]
    dist = jnp.linalg.norm(rel_x, axis=-1, keepdims=True)
    r_feat = _outer(edge_attr, _smearing(dist))
    h_out = _x2h(h, r_feat, edge_attr, src, dst, params)
    r_feat = _outer(edge_attr, _smearing(dist))
    delta_x = _h2x(h_out, rel_x, r_feat, edge_attr, src, dst, params)
    x_new = x + delta_x * mask_ligand[:, None]
    return (h_out, x_new)


def reference(h, x, edge_attr, edge_index, mask_ligand, params):
    return _forward(h, x, edge_attr, mask_ligand, params, edge_index)

if __name__ == "__main__":
    import jax
    _d = setup_inputs()
    print(jax.jit(kernel)(*tuple(_d.values())))

</pallas_src>

<mosaic_0001>
#map = affine_map<(d0, d1) -> (0, 0)>
#map1 = affine_map<(d0, d1) -> (0, 0, 0)>
module attributes {stable_mosaic.version = 14 : i64} {
  func.func @k(%arg0: i32, %arg1: i32, %arg2: memref<10000x272xf32, #tpu.memory_space<hbm>>, %arg3: memref<625x2x128xi32, #tpu.memory_space<hbm>>, %arg4: memref<160000x272xf32, #tpu.memory_space<hbm>>, %arg5: memref<2x128xi32, #tpu.memory_space<vmem>>, %arg6: memref<256x272xf32, #tpu.memory_space<vmem>>, %arg7: memref<!tpu.dma_semaphore, #tpu.memory_space<semaphore_mem>>, %arg8: memref<!tpu.dma_semaphore, #tpu.memory_space<semaphore_mem>>) attributes {dimension_semantics = [#tpu.dimension_semantics<core_parallel>, #tpu.dimension_semantics<subcore_parallel>], iteration_bounds = array<i64: 2, 16>, scalar_prefetch = 0 : i64, scratch_operands = 4 : i64, tpu.core_type = #tpu.core_type<sc_vector_subcore>, window_params = [{transform_indices = #map}, {transform_indices = #map1}, {transform_indices = #map}]} {
    %mul3A = arith.constant 2 : i32
    %mul3A_0 = arith.muli %arg1, %mul3A : i32
    %add3A = arith.addi %mul3A_0, %arg0 : i32
    %sub3A = arith.constant 625 : i32
    %sub3A_1 = arith.subi %sub3A, %add3A : i32
    %add3A_2 = arith.constant 31 : i32
    %add3A_3 = arith.addi %sub3A_1, %add3A_2 : i32
    %jit3A = arith.constant 32 : i32
    %div3A = arith.divsi %add3A_3, %jit3A : i32
    %sign3A = arith.constant 0 : i32
    %sign3A_4 = arith.cmpi sgt, %add3A_3, %sign3A : i32
    %sign3A_5 = arith.extui %sign3A_4 : i1 to i32
    %sign3A_6 = arith.constant 0 : i32
    %sign3A_7 = arith.cmpi slt, %add3A_3, %sign3A_6 : i32
    %sign3A_8 = arith.extui %sign3A_7 : i1 to i32
    %sign3A_9 = arith.subi %sign3A_5, %sign3A_8 : i32
    %sign3A_10 = arith.constant 0 : i32
    %sign3A_11 = arith.cmpi sgt, %jit3A, %sign3A_10 : i32
    %sign3A_12 = arith.extui %sign3A_11 : i1 to i32
    %sign3A_13 = arith.constant 0 : i32
    %sign3A_14 = arith.cmpi slt, %jit3A, %sign3A_13 : i32
    %sign3A_15 = arith.extui %sign3A_14 : i1 to i32
    %sign3A_16 = arith.subi %sign3A_12, %sign3A_15 : i32
    %ne3A = arith.cmpi ne, %sign3A_9, %sign3A_16 : i32
    %rem3A = arith.remsi %add3A_3, %jit3A : i32
    %ne3A_17 = arith.constant 0 : i32
    %ne3A_18 = arith.cmpi ne, %rem3A, %ne3A_17 : i32
    %and3A = arith.andi %ne3A, %ne3A_18 : i1
    %sub3A_19 = arith.constant 1 : i32
    %sub3A_20 = arith.subi %div3A, %sub3A_19 : i32
    %select_n3A = arith.select %and3A, %sub3A_20, %div3A : i32
    %while3A = arith.constant 0 : i32
    %while3A_21 = arith.constant 0 : i32
    %while3A_22 = arith.subi %select_n3A, %while3A_21 : i32
    %while3A_23 = arith.addi %while3A_21, %while3A_22 : i32
    %while3A_24 = arith.constant 1 : i32
    %while3A_25 = arith.divsi %while3A_22, %while3A_24 : i32
    %while3A_26 = arith.muli %while3A_25, %while3A_24 : i32
    %while3A_27 = arith.addi %while3A_21, %while3A_26 : i32
    %while3A_28 = arith.constant 1 : i32
    scf.for %while3A_30 = %while3A_21 to %while3A_27 step %while3A_28  : i32 {
      %mul3A_31 = arith.constant 32 : i32
      %mul3A_32 = arith.muli %while3A_30, %mul3A_31 : i32
      %add3A_33 = arith.addi %add3A, %mul3A_32 : i32
      "tpu.region"() ({
        %run_scoped3A = tpu.sem_alloc : memref<!tpu.dma_semaphore, #tpu.memory_space<semaphore_mem>>
        %dma_start3A_74 = arith.constant 0 : i32
        %dma_start3A_75 = arith.constant 0 : i32
        %dma_start3A_76 = tpu.memref_slice %arg3[%add3A_33, %dma_start3A_74, %dma_start3A_75] : memref<625x2x128xi32, #tpu.memory_space<hbm>> -> memref<1x2x128xi32, #tpu.memory_space<hbm>>
        %dma_start3A_77 = tpu.memref_squeeze %dma_start3A_76 : memref<1x2x128xi32, #tpu.memory_space<hbm>> -> memref<2x128xi32, #tpu.memory_space<hbm>>
        %dma_start3A_78 = arith.constant 0 : i32
        %dma_start3A_79 = arith.constant 0 : i32
        %dma_start3A_80 = tpu.memref_slice %arg3[%add3A_33, %dma_start3A_78, %dma_start3A_79] : memref<625x2x128xi32, #tpu.memory_space<hbm>> -> memref<1x2x128xi32, #tpu.memory_space<hbm>>
        %dma_start3A_81 = tpu.memref_squeeze %dma_start3A_80 : memref<1x2x128xi32, #tpu.memory_space<hbm>> -> memref<2x128xi32, #tpu.memory_space<hbm>>
        tpu.enqueue_dma source(%dma_start3A_81 : memref<2x128xi32, #tpu.memory_space<hbm>>) target(%arg5 : memref<2x128xi32, #tpu.memory_space<vmem>>) target_semaphore(%run_scoped3A : memref<!tpu.dma_semaphore, #tpu.memory_space<semaphore_mem>>)
        %dma_wait3A_82 = arith.constant 0 : i32
        %dma_wait3A_83 = arith.constant 0 : i32
        %dma_wait3A_84 = tpu.memref_slice %arg3[%add3A_33, %dma_wait3A_82, %dma_wait3A_83] : memref<625x2x128xi32, #tpu.memory_space<hbm>> -> memref<1x2x128xi32, #tpu.memory_space<hbm>>
        %dma_wait3A_85 = tpu.memref_squeeze %dma_wait3A_84 : memref<1x2x128xi32, #tpu.memory_space<hbm>> -> memref<2x128xi32, #tpu.memory_space<hbm>>
        %dma_wait3A_86 = arith.constant 0 : i32
        %dma_wait3A_87 = arith.constant 0 : i32
        %dma_wait3A_88 = tpu.memref_slice %arg3[%add3A_33, %dma_wait3A_86, %dma_wait3A_87] : memref<625x2x128xi32, #tpu.memory_space<hbm>> -> memref<1x2x128xi32, #tpu.memory_space<hbm>>
        %dma_wait3A_89 = tpu.memref_squeeze %dma_wait3A_88 : memref<1x2x128xi32, #tpu.memory_space<hbm>> -> memref<2x128xi32, #tpu.memory_space<hbm>>
        tpu.wait_dma2 semaphore(%run_scoped3A : memref<!tpu.dma_semaphore, #tpu.memory_space<semaphore_mem>>) src(%dma_wait3A_89 : memref<2x128xi32, #tpu.memory_space<hbm>>) dst(%arg5 : memref<2x128xi32, #tpu.memory_space<vmem>>)
        tpu.yield
      }) : () -> ()
      %dma_start3A = arith.constant 0 : i32
      %dma_start3A_34 = arith.constant 0 : i32
      %dma_start3A_35 = arith.constant 0 : i32
      %dma_start3A_36 = tpu.memref_slice %arg6[%dma_start3A_34, %dma_start3A_35] : memref<256x272xf32, #tpu.memory_space<vmem>> -> memref<128x272xf32, #tpu.memory_space<vmem>>
      %dma_start3A_37 = arith.constant 0 : i32
      %dma_start3A_38 = tpu.memref_slice %arg5[%dma_start3A, %dma_start3A_37] : memref<2x128xi32, #tpu.memory_space<vmem>> -> memref<1x128xi32, #tpu.memory_space<vmem>>
      %dma_start3A_39 = tpu.memref_squeeze %dma_start3A_38 : memref<1x128xi32, #tpu.memory_space<vmem>> -> memref<128xi32, #tpu.memory_space<vmem>>
      %dma_start3A_40 = arith.constant 0 : i32
      %dma_start3A_41 = arith.constant 0 : i32
      %dma_start3A_42 = tpu.memref_slice %arg2[%dma_start3A_40, %dma_start3A_41] : memref<10000x272xf32, #tpu.memory_space<hbm>> -> memref<10000x272xf32, #tpu.memory_space<hbm>>
      tpu.enqueue_indirect_dma source(%dma_start3A_42 : memref<10000x272xf32, #tpu.memory_space<hbm>>) target(%dma_start3A_36 : memref<128x272xf32, #tpu.memory_space<vmem>>) offsets(%dma_start3A_39 : memref<128xi32, #tpu.memory_space<vmem>>) semaphore(%arg7 : memref<!tpu.dma_semaphore, #tpu.memory_space<semaphore_mem>>)
      %dma_start3A_43 = arith.constant 1 : i32
      %dma_start3A_44 = arith.constant 128 : i32
      %dma_start3A_45 = arith.constant 0 : i32
      %dma_start3A_46 = tpu.memref_slice %arg6[%dma_start3A_44, %dma_start3A_45] : memref<256x272xf32, #tpu.memory_space<vmem>> -> memref<128x272xf32, #tpu.memory_space<vmem>>
      %dma_start3A_47 = arith.constant 0 : i32
      %dma_start3A_48 = tpu.memref_slice %arg5[%dma_start3A_43, %dma_start3A_47] : memref<2x128xi32, #tpu.memory_space<vmem>> -> memref<1x128xi32, #tpu.memory_space<vmem>>
      %dma_start3A_49 = tpu.memref_squeeze %dma_start3A_48 : memref<1x128xi32, #tpu.memory_space<vmem>> -> memref<128xi32, #tpu.memory_space<vmem>>
      %dma_start3A_50 = arith.constant 0 : i32
      %dma_start3A_51 = arith.constant 0 : i32
      %dma_start3A_52 = tpu.memref_slice %arg2[%dma_start3A_50, %dma_start3A_51] : memref<10000x272xf32, #tpu.memory_space<hbm>> -> memref<10000x272xf32, #tpu.memory_space<hbm>>
      tpu.enqueue_indirect_dma source(%dma_start3A_52 : memref<10000x272xf32, #tpu.memory_space<hbm>>) target(%dma_start3A_46 : memref<128x272xf32, #tpu.memory_space<vmem>>) offsets(%dma_start3A_49 : memref<128xi32, #tpu.memory_space<vmem>>) semaphore(%arg8 : memref<!tpu.dma_semaphore, #tpu.memory_space<semaphore_mem>>)
      %dma_wait3A = arith.constant 0 : i32
      %dma_wait3A_53 = arith.constant 0 : i32
      %dma_wait3A_54 = arith.constant 0 : i32
      %dma_wait3A_55 = tpu.memref_slice %arg6[%dma_wait3A_53, %dma_wait3A_54] : memref<256x272xf32, #tpu.memory_space<vmem>> -> memref<128x272xf32, #tpu.memory_space<vmem>>
      %dma_wait3A_56 = arith.constant 0 : i32
      %dma_wait3A_57 = tpu.memref_slice %arg5[%dma_wait3A, %dma_wait3A_56] : memref<2x128xi32, #tpu.memory_space<vmem>> -> memref<1x128xi32, #tpu.memory_space<vmem>>
      %dma_wait3A_58 = tpu.memref_squeeze %dma_wait3A_57 : memref<1x128xi32, #tpu.memory_space<vmem>> -> memref<128xi32, #tpu.memory_space<vmem>>
      %dma_wait3A_59 = arith.constant 0 : i32
      %dma_wait3A_60 = arith.constant 0 : i32
      %dma_wait3A_61 = tpu.memref_slice %arg2[%dma_wait3A_59, %dma_wait3A_60] : memref<10000x272xf32, #tpu.memory_space<hbm>> -> memref<10000x272xf32, #tpu.memory_space<hbm>>
      tpu.wait_indirect_dma semaphore(%arg7 : memref<!tpu.dma_semaphore, #tpu.memory_space<semaphore_mem>>) src(%dma_wait3A_61 : memref<10000x272xf32, #tpu.memory_space<hbm>>) dst(%dma_wait3A_55 : memref<128x272xf32, #tpu.memory_space<vmem>>)
      %dma_wait3A_62 = arith.constant 1 : i32
      %dma_wait3A_63 = arith.constant 128 : i32
      %dma_wait3A_64 = arith.constant 0 : i32
      %dma_wait3A_65 = tpu.memref_slice %arg6[%dma_wait3A_63, %dma_wait3A_64] : memref<256x272xf32, #tpu.memory_space<vmem>> -> memref<128x272xf32, #tpu.memory_space<vmem>>
      %dma_wait3A_66 = arith.constant 0 : i32
      %dma_wait3A_67 = tpu.memref_slice %arg5[%dma_wait3A_62, %dma_wait3A_66] : memref<2x128xi32, #tpu.memory_space<vmem>> -> memref<1x128xi32, #tpu.memory_space<vmem>>
      %dma_wait3A_68 = tpu.memref_squeeze %dma_wait3A_67 : memref<1x128xi32, #tpu.memory_space<vmem>> -> memref<128xi32, #tpu.memory_space<vmem>>
      %dma_wait3A_69 = arith.constant 0 : i32
      %dma_wait3A_70 = arith.constant 0 : i32
      %dma_wait3A_71 = tpu.memref_slice %arg2[%dma_wait3A_69, %dma_wait3A_70] : memref<10000x272xf32, #tpu.memory_space<hbm>> -> memref<10000x272xf32, #tpu.memory_space<hbm>>
      tpu.wait_indirect_dma semaphore(%arg8 : memref<!tpu.dma_semaphore, #tpu.memory_space<semaphore_mem>>) src(%dma_wait3A_71 : memref<10000x272xf32, #tpu.memory_space<hbm>>) dst(%dma_wait3A_65 : memref<128x272xf32, #tpu.memory_space<vmem>>)
      %mul3A_72 = arith.constant 256 : i32
      %mul3A_73 = arith.muli %add3A_33, %mul3A_72 : i32
      "tpu.region"() ({
        %run_scoped3A = tpu.sem_alloc : memref<!tpu.dma_semaphore, #tpu.memory_space<semaphore_mem>>
        %dma_start3A_74 = arith.constant 0 : i32
        %dma_start3A_75 = tpu.memref_slice %arg4[%mul3A_73, %dma_start3A_74] : memref<160000x272xf32, #tpu.memory_space<hbm>> -> memref<256x272xf32, #tpu.memory_space<hbm>>
        %dma_start3A_76 = arith.constant 0 : i32
        %dma_start3A_77 = tpu.memref_slice %arg4[%mul3A_73, %dma_start3A_76] : memref<160000x272xf32, #tpu.memory_space<hbm>> -> memref<256x272xf32, #tpu.memory_space<hbm>>
        tpu.enqueue_dma source(%arg6 : memref<256x272xf32, #tpu.memory_space<vmem>>) target(%dma_start3A_77 : memref<256x272xf32, #tpu.memory_space<hbm>>) target_semaphore(%run_scoped3A : memref<!tpu.dma_semaphore, #tpu.memory_space<semaphore_mem>>)
        %dma_wait3A_78 = arith.constant 0 : i32
        %dma_wait3A_79 = tpu.memref_slice %arg4[%mul3A_73, %dma_wait3A_78] : memref<160000x272xf32, #tpu.memory_space<hbm>> -> memref<256x272xf32, #tpu.memory_space<hbm>>
        %dma_wait3A_80 = arith.constant 0 : i32
        %dma_wait3A_81 = tpu.memref_slice %arg4[%mul3A_73, %dma_wait3A_80] : memref<160000x272xf32, #tpu.memory_space<hbm>> -> memref<256x272xf32, #tpu.memory_space<hbm>>
        tpu.wait_dma2 semaphore(%run_scoped3A : memref<!tpu.dma_semaphore, #tpu.memory_space<semaphore_mem>>) src(%arg6 : memref<256x272xf32, #tpu.memory_space<vmem>>) dst(%dma_wait3A_81 : memref<256x272xf32, #tpu.memory_space<hbm>>)
        tpu.yield
      }) : () -> ()
    }
    %while3A_29 = arith.constant 1 : i32
    scf.for %while3A_30 = %while3A_27 to %while3A_23 step %while3A_29  : i32 {
      %mul3A_31 = arith.constant 32 : i32
      %mul3A_32 = arith.muli %while3A_30, %mul3A_31 : i32
      %add3A_33 = arith.addi %add3A, %mul3A_32 : i32
      "tpu.region"() ({
        %run_scoped3A = tpu.sem_alloc : memref<!tpu.dma_semaphore, #tpu.memory_space<semaphore_mem>>
        %dma_start3A_74 = arith.constant 0 : i32
        %dma_start3A_75 = arith.constant 0 : i32
        %dma_start3A_76 = tpu.memref_slice %arg3[%add3A_33, %dma_start3A_74, %dma_start3A_75] : memref<625x2x128xi32, #tpu.memory_space<hbm>> -> memref<1x2x128xi32, #tpu.memory_space<hbm>>
        %dma_start3A_77 = tpu.memref_squeeze %dma_start3A_76 : memref<1x2x128xi32, #tpu.memory_space<hbm>> -> memref<2x128xi32, #tpu.memory_space<hbm>>
        %dma_start3A_78 = arith.constant 0 : i32
        %dma_start3A_79 = arith.constant 0 : i32
        %dma_start3A_80 = tpu.memref_slice %arg3[%add3A_33, %dma_start3A_78, %dma_start3A_79] : memref<625x2x128xi32, #tpu.memory_space<hbm>> -> memref<1x2x128xi32, #tpu.memory_space<hbm>>
        %dma_start3A_81 = tpu.memref_squeeze %dma_start3A_80 : memref<1x2x128xi32, #tpu.memory_space<hbm>> -> memref<2x128xi32, #tpu.memory_space<hbm>>
        tpu.enqueue_dma source(%dma_start3A_81 : memref<2x128xi32, #tpu.memory_space<hbm>>) target(%arg5 : memref<2x128xi32, #tpu.memory_space<vmem>>) target_semaphore(%run_scoped3A : memref<!tpu.dma_semaphore, #tpu.memory_space<semaphore_mem>>)
        %dma_wait3A_82 = arith.constant 0 : i32
        %dma_wait3A_83 = arith.constant 0 : i32
        %dma_wait3A_84 = tpu.memref_slice %arg3[%add3A_33, %dma_wait3A_82, %dma_wait3A_83] : memref<625x2x128xi32, #tpu.memory_space<hbm>> -> memref<1x2x128xi32, #tpu.memory_space<hbm>>
        %dma_wait3A_85 = tpu.memref_squeeze %dma_wait3A_84 : memref<1x2x128xi32, #tpu.memory_space<hbm>> -> memref<2x128xi32, #tpu.memory_space<hbm>>
        %dma_wait3A_86 = arith.constant 0 : i32
        %dma_wait3A_87 = arith.constant 0 : i32
        %dma_wait3A_88 = tpu.memref_slice %arg3[%add3A_33, %dma_wait3A_86, %dma_wait3A_87] : memref<625x2x128xi32, #tpu.memory_space<hbm>> -> memref<1x2x128xi32, #tpu.memory_space<hbm>>
        %dma_wait3A_89 = tpu.memref_squeeze %dma_wait3A_88 : memref<1x2x128xi32, #tpu.memory_space<hbm>> -> memref<2x128xi32, #tpu.memory_space<hbm>>
        tpu.wait_dma2 semaphore(%run_scoped3A : memref<!tpu.dma_semaphore, #tpu.memory_space<semaphore_mem>>) src(%dma_wait3A_89 : memref<2x128xi32, #tpu.memory_space<hbm>>) dst(%arg5 : memref<2x128xi32, #tpu.memory_space<vmem>>)
        tpu.yield
      }) : () -> ()
      %dma_start3A = arith.constant 0 : i32
      %dma_start3A_34 = arith.constant 0 : i32
      %dma_start3A_35 = arith.constant 0 : i32
      %dma_start3A_36 = tpu.memref_slice %arg6[%dma_start3A_34, %dma_start3A_35] : memref<256x272xf32, #tpu.memory_space<vmem>> -> memref<128x272xf32, #tpu.memory_space<vmem>>
      %dma_start3A_37 = arith.constant 0 : i32
      %dma_start3A_38 = tpu.memref_slice %arg5[%dma_start3A, %dma_start3A_37] : memref<2x128xi32, #tpu.memory_space<vmem>> -> memref<1x128xi32, #tpu.memory_space<vmem>>
      %dma_start3A_39 = tpu.memref_squeeze %dma_start3A_38 : memref<1x128xi32, #tpu.memory_space<vmem>> -> memref<128xi32, #tpu.memory_space<vmem>>
      %dma_start3A_40 = arith.constant 0 : i32
      %dma_start3A_41 = arith.constant 0 : i32
      %dma_start3A_42 = tpu.memref_slice %arg2[%dma_start3A_40, %dma_start3A_41] : memref<10000x272xf32, #tpu.memory_space<hbm>> -> memref<10000x272xf32, #tpu.memory_space<hbm>>
      tpu.enqueue_indirect_dma source(%dma_start3A_42 : memref<10000x272xf32, #tpu.memory_space<hbm>>) target(%dma_start3A_36 : memref<128x272xf32, #tpu.memory_space<vmem>>) offsets(%dma_start3A_39 : memref<128xi32, #tpu.memory_space<vmem>>) semaphore(%arg7 : memref<!tpu.dma_semaphore, #tpu.memory_space<semaphore_mem>>)
      %dma_start3A_43 = arith.constant 1 : i32
      %dma_start3A_44 = arith.constant 128 : i32
      %dma_start3A_45 = arith.constant 0 : i32
      %dma_start3A_46 = tpu.memref_slice %arg6[%dma_start3A_44, %dma_start3A_45] : memref<256x272xf32, #tpu.memory_space<vmem>> -> memref<128x272xf32, #tpu.memory_space<vmem>>
      %dma_start3A_47 = arith.constant 0 : i32
      %dma_start3A_48 = tpu.memref_slice %arg5[%dma_start3A_43, %dma_start3A_47] : memref<2x128xi32, #tpu.memory_space<vmem>> -> memref<1x128xi32, #tpu.memory_space<vmem>>
      %dma_start3A_49 = tpu.memref_squeeze %dma_start3A_48 : memref<1x128xi32, #tpu.memory_space<vmem>> -> memref<128xi32, #tpu.memory_space<vmem>>
      %dma_start3A_50 = arith.constant 0 : i32
      %dma_start3A_51 = arith.constant 0 : i32
      %dma_start3A_52 = tpu.memref_slice %arg2[%dma_start3A_50, %dma_start3A_51] : memref<10000x272xf32, #tpu.memory_space<hbm>> -> memref<10000x272xf32, #tpu.memory_space<hbm>>
      tpu.enqueue_indirect_dma source(%dma_start3A_52 : memref<10000x272xf32, #tpu.memory_space<hbm>>) target(%dma_start3A_46 : memref<128x272xf32, #tpu.memory_space<vmem>>) offsets(%dma_start3A_49 : memref<128xi32, #tpu.memory_space<vmem>>) semaphore(%arg8 : memref<!tpu.dma_semaphore, #tpu.memory_space<semaphore_mem>>)
      %dma_wait3A = arith.constant 0 : i32
      %dma_wait3A_53 = arith.constant 0 : i32
      %dma_wait3A_54 = arith.constant 0 : i32
      %dma_wait3A_55 = tpu.memref_slice %arg6[%dma_wait3A_53, %dma_wait3A_54] : memref<256x272xf32, #tpu.memory_space<vmem>> -> memref<128x272xf32, #tpu.memory_space<vmem>>
      %dma_wait3A_56 = arith.constant 0 : i32
      %dma_wait3A_57 = tpu.memref_slice %arg5[%dma_wait3A, %dma_wait3A_56] : memref<2x128xi32, #tpu.memory_space<vmem>> -> memref<1x128xi32, #tpu.memory_space<vmem>>
      %dma_wait3A_58 = tpu.memref_squeeze %dma_wait3A_57 : memref<1x128xi32, #tpu.memory_space<vmem>> -> memref<128xi32, #tpu.memory_space<vmem>>
      %dma_wait3A_59 = arith.constant 0 : i32
      %dma_wait3A_60 = arith.constant 0 : i32
      %dma_wait3A_61 = tpu.memref_slice %arg2[%dma_wait3A_59, %dma_wait3A_60] : memref<10000x272xf32, #tpu.memory_space<hbm>> -> memref<10000x272xf32, #tpu.memory_space<hbm>>
      tpu.wait_indirect_dma semaphore(%arg7 : memref<!tpu.dma_semaphore, #tpu.memory_space<semaphore_mem>>) src(%dma_wait3A_61 : memref<10000x272xf32, #tpu.memory_space<hbm>>) dst(%dma_wait3A_55 : memref<128x272xf32, #tpu.memory_space<vmem>>)
      %dma_wait3A_62 = arith.constant 1 : i32
      %dma_wait3A_63 = arith.constant 128 : i32
      %dma_wait3A_64 = arith.constant 0 : i32
      %dma_wait3A_65 = tpu.memref_slice %arg6[%dma_wait3A_63, %dma_wait3A_64] : memref<256x272xf32, #tpu.memory_space<vmem>> -> memref<128x272xf32, #tpu.memory_space<vmem>>
      %dma_wait3A_66 = arith.constant 0 : i32
      %dma_wait3A_67 = tpu.memref_slice %arg5[%dma_wait3A_62, %dma_wait3A_66] : memref<2x128xi32, #tpu.memory_space<vmem>> -> memref<1x128xi32, #tpu.memory_space<vmem>>
      %dma_wait3A_68 = tpu.memref_squeeze %dma_wait3A_67 : memref<1x128xi32, #tpu.memory_space<vmem>> -> memref<128xi32, #tpu.memory_space<vmem>>
      %dma_wait3A_69 = arith.constant 0 : i32
      %dma_wait3A_70 = arith.constant 0 : i32
      %dma_wait3A_71 = tpu.memref_slice %arg2[%dma_wait3A_69, %dma_wait3A_70] : memref<10000x272xf32, #tpu.memory_space<hbm>> -> memref<10000x272xf32, #tpu.memory_space<hbm>>
      tpu.wait_indirect_dma semaphore(%arg8 : memref<!tpu.dma_semaphore, #tpu.memory_space<semaphore_mem>>) src(%dma_wait3A_71 : memref<10000x272xf32, #tpu.memory_space<hbm>>) dst(%dma_wait3A_65 : memref<128x272xf32, #tpu.memory_space<vmem>>)
      %mul3A_72 = arith.constant 256 : i32
      %mul3A_73 = arith.muli %add3A_33, %mul3A_72 : i32
      "tpu.region"() ({
        %run_scoped3A = tpu.sem_alloc : memref<!tpu.dma_semaphore, #tpu.memory_space<semaphore_mem>>
        %dma_start3A_74 = arith.constant 0 : i32
        %dma_start3A_75 = tpu.memref_slice %arg4[%mul3A_73, %dma_start3A_74] : memref<160000x272xf32, #tpu.memory_space<hbm>> -> memref<256x272xf32, #tpu.memory_space<hbm>>
        %dma_start3A_76 = arith.constant 0 : i32
        %dma_start3A_77 = tpu.memref_slice %arg4[%mul3A_73, %dma_start3A_76] : memref<160000x272xf32, #tpu.memory_space<hbm>> -> memref<256x272xf32, #tpu.memory_space<hbm>>
        tpu.enqueue_dma source(%arg6 : memref<256x272xf32, #tpu.memory_space<vmem>>) target(%dma_start3A_77 : memref<256x272xf32, #tpu.memory_space<hbm>>) target_semaphore(%run_scoped3A : memref<!tpu.dma_semaphore, #tpu.memory_space<semaphore_mem>>)
        %dma_wait3A_78 = arith.constant 0 : i32
        %dma_wait3A_79 = tpu.memref_slice %arg4[%mul3A_73, %dma_wait3A_78] : memref<160000x272xf32, #tpu.memory_space<hbm>> -> memref<256x272xf32, #tpu.memory_space<hbm>>
        %dma_wait3A_80 = arith.constant 0 : i32
        %dma_wait3A_81 = tpu.memref_slice %arg4[%mul3A_73, %dma_wait3A_80] : memref<160000x272xf32, #tpu.memory_space<hbm>> -> memref<256x272xf32, #tpu.memory_space<hbm>>
        tpu.wait_dma2 semaphore(%run_scoped3A : memref<!tpu.dma_semaphore, #tpu.memory_space<semaphore_mem>>) src(%arg6 : memref<256x272xf32, #tpu.memory_space<vmem>>) dst(%dma_wait3A_81 : memref<256x272xf32, #tpu.memory_space<hbm>>)
        tpu.yield
      }) : () -> ()
    }
    return
  }
}

#map = affine_map<(d0, d1) -> (0, 0)>
#map1 = affine_map<(d0, d1) -> (0, 0, 0)>
module attributes {stable_mosaic.version = 14 : i64} {
  func.func @k(%arg0: i32, %arg1: i32, %arg2: memref<160000x16xf32, #tpu.memory_space<hbm>>, %arg3: memref<160000x128xf32, #tpu.memory_space<hbm>>, %arg4: memref<625x2x128xi32, #tpu.memory_space<hbm>>, %arg5: memref<10000x16xf32, #tpu.memory_space<hbm>>, %arg6: memref<10000x128xf32, #tpu.memory_space<hbm>>, %arg7: memref<2x10000x16xf32, #tpu.memory_space<hbm>>, %arg8: memref<2x10000x128xf32, #tpu.memory_space<hbm>>, %arg9: memref<2x128xi32, #tpu.memory_space<vmem>>, %arg10: memref<256x16xf32, #tpu.memory_space<vmem>>, %arg11: memref<256x128xf32, #tpu.memory_space<vmem>>, %arg12: memref<10000x16xf32, #tpu.memory_space<vmem_shared>>, %arg13: memref<10000x128xf32, #tpu.memory_space<vmem_shared>>) attributes {dimension_semantics = [#tpu.dimension_semantics<core_parallel>, #tpu.dimension_semantics<subcore_parallel>], iteration_bounds = array<i64: 2, 16>, scalar_prefetch = 0 : i64, scratch_operands = 5 : i64, tpu.core_type = #tpu.core_type<sc_vector_subcore>, window_params = [{transform_indices = #map}, {transform_indices = #map}, {transform_indices = #map1}, {transform_indices = #map}, {transform_indices = #map}, {transform_indices = #map1}, {transform_indices = #map1}]} {
    %mul3A = arith.constant 2 : i32
    %mul3A_0 = arith.muli %arg1, %mul3A : i32
    %add3A = arith.addi %mul3A_0, %arg0 : i32
    %eq3A = arith.constant 0 : i32
    %eq3A_1 = arith.cmpi eq, %arg1, %eq3A : i32
    %convert_element_type3A = arith.extui %eq3A_1 : i1 to i32
    %cond3A = arith.constant 0 : i32
    %cond3A_2 = arith.cmpi ne, %convert_element_type3A, %cond3A : i32
    scf.if %cond3A_2 {
      "tpu.region"() ({
        %run_scoped3A = tpu.sem_alloc : memref<!tpu.dma_semaphore, #tpu.memory_space<semaphore_mem>>
        tpu.enqueue_dma source(%arg5 : memref<10000x16xf32, #tpu.memory_space<hbm>>) target(%arg12 : memref<10000x16xf32, #tpu.memory_space<vmem_shared>>) target_semaphore(%run_scoped3A : memref<!tpu.dma_semaphore, #tpu.memory_space<semaphore_mem>>)
        tpu.wait_dma2 semaphore(%run_scoped3A : memref<!tpu.dma_semaphore, #tpu.memory_space<semaphore_mem>>) src(%arg5 : memref<10000x16xf32, #tpu.memory_space<hbm>>) dst(%arg12 : memref<10000x16xf32, #tpu.memory_space<vmem_shared>>)
        tpu.yield
      }) : () -> ()
      "tpu.region"() ({
        %run_scoped3A = tpu.sem_alloc : memref<!tpu.dma_semaphore, #tpu.memory_space<semaphore_mem>>
        tpu.enqueue_dma source(%arg6 : memref<10000x128xf32, #tpu.memory_space<hbm>>) target(%arg13 : memref<10000x128xf32, #tpu.memory_space<vmem_shared>>) target_semaphore(%run_scoped3A : memref<!tpu.dma_semaphore, #tpu.memory_space<semaphore_mem>>)
        tpu.wait_dma2 semaphore(%run_scoped3A : memref<!tpu.dma_semaphore, #tpu.memory_space<semaphore_mem>>) src(%arg6 : memref<10000x128xf32, #tpu.memory_space<hbm>>) dst(%arg13 : memref<10000x128xf32, #tpu.memory_space<vmem_shared>>)
        tpu.yield
      }) : () -> ()
    } else {
    }
    %barrier3A = arith.constant 0 : index
    tpu.barrier barrier_id(%barrier3A)
    %sub3A = arith.constant 625 : i32
    %sub3A_3 = arith.subi %sub3A, %add3A : i32
    %add3A_4 = arith.constant 31 : i32
    %add3A_5 = arith.addi %sub3A_3, %add3A_4 : i32
    %jit3A = arith.constant 32 : i32
    %div3A = arith.divsi %add3A_5, %jit3A : i32
    %sign3A = arith.constant 0 : i32
    %sign3A_6 = arith.cmpi sgt, %add3A_5, %sign3A : i32
    %sign3A_7 = arith.extui %sign3A_6 : i1 to i32
    %sign3A_8 = arith.constant 0 : i32
    %sign3A_9 = arith.cmpi slt, %add3A_5, %sign3A_8 : i32
    %sign3A_10 = arith.extui %sign3A_9 : i1 to i32
    %sign3A_11 = arith.subi %sign3A_7, %sign3A_10 : i32
    %sign3A_12 = arith.constant 0 : i32
    %sign3A_13 = arith.cmpi sgt, %jit3A, %sign3A_12 : i32
    %sign3A_14 = arith.extui %sign3A_13 : i1 to i32
    %sign3A_15 = arith.constant 0 : i32
    %sign3A_16 = arith.cmpi slt, %jit3A, %sign3A_15 : i32
    %sign3A_17 = arith.extui %sign3A_16 : i1 to i32
    %sign3A_18 = arith.subi %sign3A_14, %sign3A_17 : i32
    %ne3A = arith.cmpi ne, %sign3A_11, %sign3A_18 : i32
    %rem3A = arith.remsi %add3A_5, %jit3A : i32
    %ne3A_19 = arith.constant 0 : i32
    %ne3A_20 = arith.cmpi ne, %rem3A, %ne3A_19 : i32
    %and3A = arith.andi %ne3A, %ne3A_20 : i1
    %sub3A_21 = arith.constant 1 : i32
    %sub3A_22 = arith.subi %div3A, %sub3A_21 : i32
    %select_n3A = arith.select %and3A, %sub3A_22, %div3A : i32
    %while3A = arith.constant 0 : i32
    %while3A_23 = arith.constant 0 : i32
    %while3A_24 = arith.subi %select_n3A, %while3A_23 : i32
    %while3A_25 = arith.addi %while3A_23, %while3A_24 : i32
    %while3A_26 = arith.constant 1 : i32
    %while3A_27 = arith.divsi %while3A_24, %while3A_26 : i32
    %while3A_28 = arith.muli %while3A_27, %while3A_26 : i32
    %while3A_29 = arith.addi %while3A_23, %while3A_28 : i32
    %while3A_30 = arith.constant 1 : i32
    scf.for %while3A_38 = %while3A_23 to %while3A_29 step %while3A_30  : i32 {
      %mul3A_39 = arith.constant 32 : i32
      %mul3A_40 = arith.muli %while3A_38, %mul3A_39 : i32
      %add3A_41 = arith.addi %add3A, %mul3A_40 : i32
      "tpu.region"() ({
        %run_scoped3A_49 = tpu.sem_alloc : memref<!tpu.dma_semaphore, #tpu.memory_space<semaphore_mem>>
        %dma_start3A = arith.constant 0 : i32
        %dma_start3A_50 = arith.constant 0 : i32
        %dma_start3A_51 = tpu.memref_slice %arg4[%add3A_41, %dma_start3A, %dma_start3A_50] : memref<625x2x128xi32, #tpu.memory_space<hbm>> -> memref<1x2x128xi32, #tpu.memory_space<hbm>>
        %dma_start3A_52 = tpu.memref_squeeze %dma_start3A_51 : memref<1x2x128xi32, #tpu.memory_space<hbm>> -> memref<2x128xi32, #tpu.memory_space<hbm>>
        %dma_start3A_53 = arith.constant 0 : i32
        %dma_start3A_54 = arith.constant 0 : i32
        %dma_start3A_55 = tpu.memref_slice %arg4[%add3A_41, %dma_start3A_53, %dma_start3A_54] : memref<625x2x128xi32, #tpu.memory_space<hbm>> -> memref<1x2x128xi32, #tpu.memory_space<hbm>>
        %dma_start3A_56 = tpu.memref_squeeze %dma_start3A_55 : memref<1x2x128xi32, #tpu.memory_space<hbm>> -> memref<2x128xi32, #tpu.memory_space<hbm>>
        tpu.enqueue_dma source(%dma_start3A_56 : memref<2x128xi32, #tpu.memory_space<hbm>>) target(%arg9 : memref<2x128xi32, #tpu.memory_space<vmem>>) target_semaphore(%run_scoped3A_49 : memref<!tpu.dma_semaphore, #tpu.memory_space<semaphore_mem>>)
        %dma_wait3A = arith.constant 0 : i32
        %dma_wait3A_57 = arith.constant 0 : i32
        %dma_wait3A_58 = tpu.memref_slice %arg4[%add3A_41, %dma_wait3A, %dma_wait3A_57] : memref<625x2x128xi32, #tpu.memory_space<hbm>> -> memref<1x2x128xi32, #tpu.memory_space<hbm>>
        %dma_wait3A_59 = tpu.memref_squeeze %dma_wait3A_58 : memref<1x2x128xi32, #tpu.memory_space<hbm>> -> memref<2x128xi32, #tpu.memory_space<hbm>>
        %dma_wait3A_60 = arith.constant 0 : i32
        %dma_wait3A_61 = arith.constant 0 : i32
        %dma_wait3A_62 = tpu.memref_slice %arg4[%add3A_41, %dma_wait3A_60, %dma_wait3A_61] : memref<625x2x128xi32, #tpu.memory_space<hbm>> -> memref<1x2x128xi32, #tpu.memory_space<hbm>>
        %dma_wait3A_63 = tpu.memref_squeeze %dma_wait3A_62 : memref<1x2x128xi32, #tpu.memory_space<hbm>> -> memref<2x128xi32, #tpu.memory_space<hbm>>
        tpu.wait_dma2 semaphore(%run_scoped3A_49 : memref<!tpu.dma_semaphore, #tpu.memory_space<semaphore_mem>>) src(%dma_wait3A_63 : memref<2x128xi32, #tpu.memory_space<hbm>>) dst(%arg9 : memref<2x128xi32, #tpu.memory_space<vmem>>)
        tpu.yield
      }) : () -> ()
      %mul3A_42 = arith.constant 256 : i32
      %mul3A_43 = arith.muli %add3A_41, %mul3A_42 : i32
      "tpu.region"() ({
        %run_scoped3A_49 = tpu.sem_alloc : memref<!tpu.dma_semaphore, #tpu.memory_space<semaphore_mem>>
        %dma_start3A = arith.constant 0 : i32
        %dma_start3A_50 = tpu.memref_slice %arg2[%mul3A_43, %dma_start3A] : memref<160000x16xf32, #tpu.memory_space<hbm>> -> memref<256x16xf32, #tpu.memory_space<hbm>>
        %dma_start3A_51 = arith.constant 0 : i32
        %dma_start3A_52 = tpu.memref_slice %arg2[%mul3A_43, %dma_start3A_51] : memref<160000x16xf32, #tpu.memory_space<hbm>> -> memref<256x16xf32, #tpu.memory_space<hbm>>
        tpu.enqueue_dma source(%dma_start3A_52 : memref<256x16xf32, #tpu.memory_space<hbm>>) target(%arg10 : memref<256x16xf32, #tpu.memory_space<vmem>>) target_semaphore(%run_scoped3A_49 : memref<!tpu.dma_semaphore, #tpu.memory_space<semaphore_mem>>)
        %dma_wait3A = arith.constant 0 : i32
        %dma_wait3A_53 = tpu.memref_slice %arg2[%mul3A_43, %dma_wait3A] : memref<160000x16xf32, #tpu.memory_space<hbm>> -> memref<256x16xf32, #tpu.memory_space<hbm>>
        %dma_wait3A_54 = arith.constant 0 : i32
        %dma_wait3A_55 = tpu.memref_slice %arg2[%mul3A_43, %dma_wait3A_54] : memref<160000x16xf32, #tpu.memory_space<hbm>> -> memref<256x16xf32, #tpu.memory_space<hbm>>
        tpu.wait_dma2 semaphore(%run_scoped3A_49 : memref<!tpu.dma_semaphore, #tpu.memory_space<semaphore_mem>>) src(%dma_wait3A_55 : memref<256x16xf32, #tpu.memory_space<hbm>>) dst(%arg10 : memref<256x16xf32, #tpu.memory_space<vmem>>)
        tpu.yield
      }) : () -> ()
      %mul3A_44 = arith.constant 256 : i32
      %mul3A_45 = arith.muli %add3A_41, %mul3A_44 : i32
      "tpu.region"() ({
        %run_scoped3A_49 = tpu.sem_alloc : memref<!tpu.dma_semaphore, #tpu.memory_space<semaphore_mem>>
        %dma_start3A = arith.constant 0 : i32
        %dma_start3A_50 = tpu.memref_slice %arg3[%mul3A_45, %dma_start3A] : memref<160000x128xf32, #tpu.memory_space<hbm>> -> memref<256x128xf32, #tpu.memory_space<hbm>>
        %dma_start3A_51 = arith.constant 0 : i32
        %dma_start3A_52 = tpu.memref_slice %arg3[%mul3A_45, %dma_start3A_51] : memref<160000x128xf32, #tpu.memory_space<hbm>> -> memref<256x128xf32, #tpu.memory_space<hbm>>
        tpu.enqueue_dma source(%dma_start3A_52 : memref<256x128xf32, #tpu.memory_space<hbm>>) target(%arg11 : memref<256x128xf32, #tpu.memory_space<vmem>>) target_semaphore(%run_scoped3A_49 : memref<!tpu.dma_semaphore, #tpu.memory_space<semaphore_mem>>)
        %dma_wait3A = arith.constant 0 : i32
        %dma_wait3A_53 = tpu.memref_slice %arg3[%mul3A_45, %dma_wait3A] : memref<160000x128xf32, #tpu.memory_space<hbm>> -> memref<256x128xf32, #tpu.memory_space<hbm>>
        %dma_wait3A_54 = arith.constant 0 : i32
        %dma_wait3A_55 = tpu.memref_slice %arg3[%mul3A_45, %dma_wait3A_54] : memref<160000x128xf32, #tpu.memory_space<hbm>> -> memref<256x128xf32, #tpu.memory_space<hbm>>
        tpu.wait_dma2 semaphore(%run_scoped3A_49 : memref<!tpu.dma_semaphore, #tpu.memory_space<semaphore_mem>>) src(%dma_wait3A_55 : memref<256x128xf32, #tpu.memory_space<hbm>>) dst(%arg11 : memref<256x128xf32, #tpu.memory_space<vmem>>)
        tpu.yield
      }) : () -> ()
      %run_scoped3A = arith.constant 0 : i32
      "tpu.region"() ({
        %run_scoped3A_49 = tpu.sem_alloc : memref<!tpu.dma_semaphore, #tpu.memory_space<semaphore_mem>>
        %dma_start3A = arith.constant 0 : i32
        %dma_start3A_50 = arith.constant 0 : i32
        %dma_start3A_51 = tpu.memref_slice %arg10[%dma_start3A, %dma_start3A_50] : memref<256x16xf32, #tpu.memory_space<vmem>> -> memref<128x16xf32, #tpu.memory_space<vmem>>
        %dma_start3A_52 = arith.constant 0 : i32
        %dma_start3A_53 = tpu.memref_slice %arg9[%run_scoped3A, %dma_start3A_52] : memref<2x128xi32, #tpu.memory_space<vmem>> -> memref<1x128xi32, #tpu.memory_space<vmem>>
        %dma_start3A_54 = tpu.memref_squeeze %dma_start3A_53 : memref<1x128xi32, #tpu.memory_space<vmem>> -> memref<128xi32, #tpu.memory_space<vmem>>
        %dma_start3A_55 = arith.constant 0 : i32
        %dma_start3A_56 = arith.constant 0 : i32
        %dma_start3A_57 = tpu.memref_slice %arg12[%dma_start3A_55, %dma_start3A_56] : memref<10000x16xf32, #tpu.memory_space<vmem_shared>> -> memref<10000x16xf32, #tpu.memory_space<vmem_shared>>
        tpu.enqueue_indirect_dma source(%dma_start3A_51 : memref<128x16xf32, #tpu.memory_space<vmem>>) target(%dma_start3A_57 : memref<10000x16xf32, #tpu.memory_space<vmem_shared>>) offsets(%dma_start3A_54 : memref<128xi32, #tpu.memory_space<vmem>>) semaphore(%run_scoped3A_49 : memref<!tpu.dma_semaphore, #tpu.memory_space<semaphore_mem>>) {add = true}
        %dma_wait3A = arith.constant 0 : i32
        %dma_wait3A_58 = arith.constant 0 : i32
        %dma_wait3A_59 = tpu.memref_slice %arg10[%dma_wait3A, %dma_wait3A_58] : memref<256x16xf32, #tpu.memory_space<vmem>> -> memref<128x16xf32, #tpu.memory_space<vmem>>
        %dma_wait3A_60 = arith.constant 0 : i32
        %dma_wait3A_61 = tpu.memref_slice %arg9[%run_scoped3A, %dma_wait3A_60] : memref<2x128xi32, #tpu.memory_space<vmem>> -> memref<1x128xi32, #tpu.memory_space<vmem>>
        %dma_wait3A_62 = tpu.memref_squeeze %dma_wait3A_61 : memref<1x128xi32, #tpu.memory_space<vmem>> -> memref<128xi32, #tpu.memory_space<vmem>>
        %dma_wait3A_63 = arith.constant 0 : i32
        %dma_wait3A_64 = arith.constant 0 : i32
        %dma_wait3A_65 = tpu.memref_slice %arg12[%dma_wait3A_63, %dma_wait3A_64] : memref<10000x16xf32, #tpu.memory_space<vmem_shared>> -> memref<10000x16xf32, #tpu.memory_space<vmem_shared>>
        tpu.wait_indirect_dma semaphore(%run_scoped3A_49 : memref<!tpu.dma_semaphore, #tpu.memory_space<semaphore_mem>>) src(%dma_wait3A_59 : memref<128x16xf32, #tpu.memory_space<vmem>>) dst(%dma_wait3A_65 : memref<10000x16xf32, #tpu.memory_space<vmem_shared>>)
        tpu.yield
      }) : () -> ()
      %run_scoped3A_46 = arith.constant 0 : i32
      "tpu.region"() ({
        %run_scoped3A_49 = tpu.sem_alloc : memref<!tpu.dma_semaphore, #tpu.memory_space<semaphore_mem>>
        %dma_start3A = arith.constant 0 : i32
        %dma_start3A_50 = arith.constant 0 : i32
        %dma_start3A_51 = tpu.memref_slice %arg11[%dma_start3A, %dma_start3A_50] : memref<256x128xf32, #tpu.memory_space<vmem>> -> memref<128x128xf32, #tpu.memory_space<vmem>>
        %dma_start3A_52 = arith.constant 0 : i32
        %dma_start3A_53 = tpu.memref_slice %arg9[%run_scoped3A_46, %dma_start3A_52] : memref<2x128xi32, #tpu.memory_space<vmem>> -> memref<1x128xi32, #tpu.memory_space<vmem>>
        %dma_start3A_54 = tpu.memref_squeeze %dma_start3A_53 : memref<1x128xi32, #tpu.memory_space<vmem>> -> memref<128xi32, #tpu.memory_space<vmem>>
        %dma_start3A_55 = arith.constant 0 : i32
        %dma_start3A_56 = arith.constant 0 : i32
        %dma_start3A_57 = tpu.memref_slice %arg13[%dma_start3A_55, %dma_start3A_56] : memref<10000x128xf32, #tpu.memory_space<vmem_shared>> -> memref<10000x128xf32, #tpu.memory_space<vmem_shared>>
        tpu.enqueue_indirect_dma source(%dma_start3A_51 : memref<128x128xf32, #tpu.memory_space<vmem>>) target(%dma_start3A_57 : memref<10000x128xf32, #tpu.memory_space<vmem_shared>>) offsets(%dma_start3A_54 : memref<128xi32, #tpu.memory_space<vmem>>) semaphore(%run_scoped3A_49 : memref<!tpu.dma_semaphore, #tpu.memory_space<semaphore_mem>>) {add = true}
        %dma_wait3A = arith.constant 0 : i32
        %dma_wait3A_58 = arith.constant 0 : i32
        %dma_wait3A_59 = tpu.memref_slice %arg11[%dma_wait3A, %dma_wait3A_58] : memref<256x128xf32, #tpu.memory_space<vmem>> -> memref<128x128xf32, #tpu.memory_space<vmem>>
        %dma_wait3A_60 = arith.constant 0 : i32
        %dma_wait3A_61 = tpu.memref_slice %arg9[%run_scoped3A_46, %dma_wait3A_60] : memref<2x128xi32, #tpu.memory_space<vmem>> -> memref<1x128xi32, #tpu.memory_space<vmem>>
        %dma_wait3A_62 = tpu.memref_squeeze %dma_wait3A_61 : memref<1x128xi32, #tpu.memory_space<vmem>> -> memref<128xi32, #tpu.memory_space<vmem>>
        %dma_wait3A_63 = arith.constant 0 : i32
        %dma_wait3A_64 = arith.constant 0 : i32
        %dma_wait3A_65 = tpu.memref_slice %arg13[%dma_wait3A_63, %dma_wait3A_64] : memref<10000x128xf32, #tpu.memory_space<vmem_shared>> -> memref<10000x128xf32, #tpu.memory_space<vmem_shared>>
        tpu.wait_indirect_dma semaphore(%run_scoped3A_49 : memref<!tpu.dma_semaphore, #tpu.memory_space<semaphore_mem>>) src(%dma_wait3A_59 : memref<128x128xf32, #tpu.memory_space<vmem>>) dst(%dma_wait3A_65 : memref<10000x128xf32, #tpu.memory_space<vmem_shared>>)
        tpu.yield
      }) : () -> ()
      %run_scoped3A_47 = arith.constant 1 : i32
      "tpu.region"() ({
        %run_scoped3A_49 = tpu.sem_alloc : memref<!tpu.dma_semaphore, #tpu.memory_space<semaphore_mem>>
        %dma_start3A = arith.constant 128 : i32
        %dma_start3A_50 = arith.constant 0 : i32
        %dma_start3A_51 = tpu.memref_slice %arg10[%dma_start3A, %dma_start3A_50] : memref<256x16xf32, #tpu.memory_space<vmem>> -> memref<128x16xf32, #tpu.memory_space<vmem>>
        %dma_start3A_52 = arith.constant 0 : i32
        %dma_start3A_53 = tpu.memref_slice %arg9[%run_scoped3A_47, %dma_start3A_52] : memref<2x128xi32, #tpu.memory_space<vmem>> -> memref<1x128xi32, #tpu.memory_space<vmem>>
        %dma_start3A_54 = tpu.memref_squeeze %dma_start3A_53 : memref<1x128xi32, #tpu.memory_space<vmem>> -> memref<128xi32, #tpu.memory_space<vmem>>
        %dma_start3A_55 = arith.constant 0 : i32
        %dma_start3A_56 = arith.constant 0 : i32
        %dma_start3A_57 = tpu.memref_slice %arg12[%dma_start3A_55, %dma_start3A_56] : memref<10000x16xf32, #tpu.memory_space<vmem_shared>> -> memref<10000x16xf32, #tpu.memory_space<vmem_shared>>
        tpu.enqueue_indirect_dma source(%dma_start3A_51 : memref<128x16xf32, #tpu.memory_space<vmem>>) target(%dma_start3A_57 : memref<10000x16xf32, #tpu.memory_space<vmem_shared>>) offsets(%dma_start3A_54 : memref<128xi32, #tpu.memory_space<vmem>>) semaphore(%run_scoped3A_49 : memref<!tpu.dma_semaphore, #tpu.memory_space<semaphore_mem>>) {add = true}
        %dma_wait3A = arith.constant 128 : i32
        %dma_wait3A_58 = arith.constant 0 : i32
        %dma_wait3A_59 = tpu.memref_slice %arg10[%dma_wait3A, %dma_wait3A_58] : memref<256x16xf32, #tpu.memory_space<vmem>> -> memref<128x16xf32, #tpu.memory_space<vmem>>
        %dma_wait3A_60 = arith.constant 0 : i32
        %dma_wait3A_61 = tpu.memref_slice %arg9[%run_scoped3A_47, %dma_wait3A_60] : memref<2x128xi32, #tpu.memory_space<vmem>> -> memref<1x128xi32, #tpu.memory_space<vmem>>
        %dma_wait3A_62 = tpu.memref_squeeze %dma_wait3A_61 : memref<1x128xi32, #tpu.memory_space<vmem>> -> memref<128xi32, #tpu.memory_space<vmem>>
        %dma_wait3A_63 = arith.constant 0 : i32
        %dma_wait3A_64 = arith.constant 0 : i32
        %dma_wait3A_65 = tpu.memref_slice %arg12[%dma_wait3A_63, %dma_wait3A_64] : memref<10000x16xf32, #tpu.memory_space<vmem_shared>> -> memref<10000x16xf32, #tpu.memory_space<vmem_shared>>
        tpu.wait_indirect_dma semaphore(%run_scoped3A_49 : memref<!tpu.dma_semaphore, #tpu.memory_space<semaphore_mem>>) src(%dma_wait3A_59 : memref<128x16xf32, #tpu.memory_space<vmem>>) dst(%dma_wait3A_65 : memref<10000x16xf32, #tpu.memory_space<vmem_shared>>)
        tpu.yield
      }) : () -> ()
      %run_scoped3A_48 = arith.constant 1 : i32
      "tpu.region"() ({
        %run_scoped3A_49 = tpu.sem_alloc : memref<!tpu.dma_semaphore, #tpu.memory_space<semaphore_mem>>
        %dma_start3A = arith.constant 128 : i32
        %dma_start3A_50 = arith.constant 0 : i32
        %dma_start3A_51 = tpu.memref_slice %arg11[%dma_start3A, %dma_start3A_50] : memref<256x128xf32, #tpu.memory_space<vmem>> -> memref<128x128xf32, #tpu.memory_space<vmem>>
        %dma_start3A_52 = arith.constant 0 : i32
        %dma_start3A_53 = tpu.memref_slice %arg9[%run_scoped3A_48, %dma_start3A_52] : memref<2x128xi32, #tpu.memory_space<vmem>> -> memref<1x128xi32, #tpu.memory_space<vmem>>
        %dma_start3A_54 = tpu.memref_squeeze %dma_start3A_53 : memref<1x128xi32, #tpu.memory_space<vmem>> -> memref<128xi32, #tpu.memory_space<vmem>>
        %dma_start3A_55 = arith.constant 0 : i32
        %dma_start3A_56 = arith.constant 0 : i32
        %dma_start3A_57 = tpu.memref_slice %arg13[%dma_start3A_55, %dma_start3A_56] : memref<10000x128xf32, #tpu.memory_space<vmem_shared>> -> memref<10000x128xf32, #tpu.memory_space<vmem_shared>>
        tpu.enqueue_indirect_dma source(%dma_start3A_51 : memref<128x128xf32, #tpu.memory_space<vmem>>) target(%dma_start3A_57 : memref<10000x128xf32, #tpu.memory_space<vmem_shared>>) offsets(%dma_start3A_54 : memref<128xi32, #tpu.memory_space<vmem>>) semaphore(%run_scoped3A_49 : memref<!tpu.dma_semaphore, #tpu.memory_space<semaphore_mem>>) {add = true}
        %dma_wait3A = arith.constant 128 : i32
        %dma_wait3A_58 = arith.constant 0 : i32
        %dma_wait3A_59 = tpu.memref_slice %arg11[%dma_wait3A, %dma_wait3A_58] : memref<256x128xf32, #tpu.memory_space<vmem>> -> memref<128x128xf32, #tpu.memory_space<vmem>>
        %dma_wait3A_60 = arith.constant 0 : i32
        %dma_wait3A_61 = tpu.memref_slice %arg9[%run_scoped3A_48, %dma_wait3A_60] : memref<2x128xi32, #tpu.memory_space<vmem>> -> memref<1x128xi32, #tpu.memory_space<vmem>>
        %dma_wait3A_62 = tpu.memref_squeeze %dma_wait3A_61 : memref<1x128xi32, #tpu.memory_space<vmem>> -> memref<128xi32, #tpu.memory_space<vmem>>
        %dma_wait3A_63 = arith.constant 0 : i32
        %dma_wait3A_64 = arith.constant 0 : i32
        %dma_wait3A_65 = tpu.memref_slice %arg13[%dma_wait3A_63, %dma_wait3A_64] : memref<10000x128xf32, #tpu.memory_space<vmem_shared>> -> memref<10000x128xf32, #tpu.memory_space<vmem_shared>>
        tpu.wait_indirect_dma semaphore(%run_scoped3A_49 : memref<!tpu.dma_semaphore, #tpu.memory_space<semaphore_mem>>) src(%dma_wait3A_59 : memref<128x128xf32, #tpu.memory_space<vmem>>) dst(%dma_wait3A_65 : memref<10000x128xf32, #tpu.memory_space<vmem_shared>>)
        tpu.yield
      }) : () -> ()
    }
    %while3A_31 = arith.constant 1 : i32
    scf.for %while3A_38 = %while3A_29 to %while3A_25 step %while3A_31  : i32 {
      %mul3A_39 = arith.constant 32 : i32
      %mul3A_40 = arith.muli %while3A_38, %mul3A_39 : i32
      %add3A_41 = arith.addi %add3A, %mul3A_40 : i32
      "tpu.region"() ({
        %run_scoped3A_49 = tpu.sem_alloc : memref<!tpu.dma_semaphore, #tpu.memory_space<semaphore_mem>>
        %dma_start3A = arith.constant 0 : i32
        %dma_start3A_50 = arith.constant 0 : i32
        %dma_start3A_51 = tpu.memref_slice %arg4[%add3A_41, %dma_start3A, %dma_start3A_50] : memref<625x2x128xi32, #tpu.memory_space<hbm>> -> memref<1x2x128xi32, #tpu.memory_space<hbm>>
        %dma_start3A_52 = tpu.memref_squeeze %dma_start3A_51 : memref<1x2x128xi32, #tpu.memory_space<hbm>> -> memref<2x128xi32, #tpu.memory_space<hbm>>
        %dma_start3A_53 = arith.constant 0 : i32
        %dma_start3A_54 = arith.constant 0 : i32
        %dma_start3A_55 = tpu.memref_slice %arg4[%add3A_41, %dma_start3A_53, %dma_start3A_54] : memref<625x2x128xi32, #tpu.memory_space<hbm>> -> memref<1x2x128xi32, #tpu.memory_space<hbm>>
        %dma_start3A_56 = tpu.memref_squeeze %dma_start3A_55 : memref<1x2x128xi32, #tpu.memory_space<hbm>> -> memref<2x128xi32, #tpu.memory_space<hbm>>
        tpu.enqueue_dma source(%dma_start3A_56 : memref<2x128xi32, #tpu.memory_space<hbm>>) target(%arg9 : memref<2x128xi32, #tpu.memory_space<vmem>>) target_semaphore(%run_scoped3A_49 : memref<!tpu.dma_semaphore, #tpu.memory_space<semaphore_mem>>)
        %dma_wait3A = arith.constant 0 : i32
        %dma_wait3A_57 = arith.constant 0 : i32
        %dma_wait3A_58 = tpu.memref_slice %arg4[%add3A_41, %dma_wait3A, %dma_wait3A_57] : memref<625x2x128xi32, #tpu.memory_space<hbm>> -> memref<1x2x128xi32, #tpu.memory_space<hbm>>
        %dma_wait3A_59 = tpu.memref_squeeze %dma_wait3A_58 : memref<1x2x128xi32, #tpu.memory_space<hbm>> -> memref<2x128xi32, #tpu.memory_space<hbm>>
        %dma_wait3A_60 = arith.constant 0 : i32
        %dma_wait3A_61 = arith.constant 0 : i32
        %dma_wait3A_62 = tpu.memref_slice %arg4[%add3A_41, %dma_wait3A_60, %dma_wait3A_61] : memref<625x2x128xi32, #tpu.memory_space<hbm>> -> memref<1x2x128xi32, #tpu.memory_space<hbm>>
        %dma_wait3A_63 = tpu.memref_squeeze %dma_wait3A_62 : memref<1x2x128xi32, #tpu.memory_space<hbm>> -> memref<2x128xi32, #tpu.memory_space<hbm>>
        tpu.wait_dma2 semaphore(%run_scoped3A_49 : memref<!tpu.dma_semaphore, #tpu.memory_space<semaphore_mem>>) src(%dma_wait3A_63 : memref<2x128xi32, #tpu.memory_space<hbm>>) dst(%arg9 : memref<2x128xi32, #tpu.memory_space<vmem>>)
        tpu.yield
      }) : () -> ()
      %mul3A_42 = arith.constant 256 : i32
      %mul3A_43 = arith.muli %add3A_41, %mul3A_42 : i32
      "tpu.region"() ({
        %run_scoped3A_49 = tpu.sem_alloc : memref<!tpu.dma_semaphore, #tpu.memory_space<semaphore_mem>>
        %dma_start3A = arith.constant 0 : i32
        %dma_start3A_50 = tpu.memref_slice %arg2[%mul3A_43, %dma_start3A] : memref<160000x16xf32, #tpu.memory_space<hbm>> -> memref<256x16xf32, #tpu.memory_space<hbm>>
        %dma_start3A_51 = arith.constant 0 : i32
        %dma_start3A_52 = tpu.memref_slice %arg2[%mul3A_43, %dma_start3A_51] : memref<160000x16xf32, #tpu.memory_space<hbm>> -> memref<256x16xf32, #tpu.memory_space<hbm>>
        tpu.enqueue_dma source(%dma_start3A_52 : memref<256x16xf32, #tpu.memory_space<hbm>>) target(%arg10 : memref<256x16xf32, #tpu.memory_space<vmem>>) target_semaphore(%run_scoped3A_49 : memref<!tpu.dma_semaphore, #tpu.memory_space<semaphore_mem>>)
        %dma_wait3A = arith.constant 0 : i32
        %dma_wait3A_53 = tpu.memref_slice %arg2[%mul3A_43, %dma_wait3A] : memref<160000x16xf32, #tpu.memory_space<hbm>> -> memref<256x16xf32, #tpu.memory_space<hbm>>
        %dma_wait3A_54 = arith.constant 0 : i32
        %dma_wait3A_55 = tpu.memref_slice %arg2[%mul3A_43, %dma_wait3A_54] : memref<160000x16xf32, #tpu.memory_space<hbm>> -> memref<256x16xf32, #tpu.memory_space<hbm>>
        tpu.wait_dma2 semaphore(%run_scoped3A_49 : memref<!tpu.dma_semaphore, #tpu.memory_space<semaphore_mem>>) src(%dma_wait3A_55 : memref<256x16xf32, #tpu.memory_space<hbm>>) dst(%arg10 : memref<256x16xf32, #tpu.memory_space<vmem>>)
        tpu.yield
      }) : () -> ()
      %mul3A_44 = arith.constant 256 : i32
      %mul3A_45 = arith.muli %add3A_41, %mul3A_44 : i32
      "tpu.region"() ({
        %run_scoped3A_49 = tpu.sem_alloc : memref<!tpu.dma_semaphore, #tpu.memory_space<semaphore_mem>>
        %dma_start3A = arith.constant 0 : i32
        %dma_start3A_50 = tpu.memref_slice %arg3[%mul3A_45, %dma_start3A] : memref<160000x128xf32, #tpu.memory_space<hbm>> -> memref<256x128xf32, #tpu.memory_space<hbm>>
        %dma_start3A_51 = arith.constant 0 : i32
        %dma_start3A_52 = tpu.memref_slice %arg3[%mul3A_45, %dma_start3A_51] : memref<160000x128xf32, #tpu.memory_space<hbm>> -> memref<256x128xf32, #tpu.memory_space<hbm>>
        tpu.enqueue_dma source(%dma_start3A_52 : memref<256x128xf32, #tpu.memory_space<hbm>>) target(%arg11 : memref<256x128xf32, #tpu.memory_space<vmem>>) target_semaphore(%run_scoped3A_49 : memref<!tpu.dma_semaphore, #tpu.memory_space<semaphore_mem>>)
        %dma_wait3A = arith.constant 0 : i32
        %dma_wait3A_53 = tpu.memref_slice %arg3[%mul3A_45, %dma_wait3A] : memref<160000x128xf32, #tpu.memory_space<hbm>> -> memref<256x128xf32, #tpu.memory_space<hbm>>
        %dma_wait3A_54 = arith.constant 0 : i32
        %dma_wait3A_55 = tpu.memref_slice %arg3[%mul3A_45, %dma_wait3A_54] : memref<160000x128xf32, #tpu.memory_space<hbm>> -> memref<256x128xf32, #tpu.memory_space<hbm>>
        tpu.wait_dma2 semaphore(%run_scoped3A_49 : memref<!tpu.dma_semaphore, #tpu.memory_space<semaphore_mem>>) src(%dma_wait3A_55 : memref<256x128xf32, #tpu.memory_space<hbm>>) dst(%arg11 : memref<256x128xf32, #tpu.memory_space<vmem>>)
        tpu.yield
      }) : () -> ()
      %run_scoped3A = arith.constant 0 : i32
      "tpu.region"() ({
        %run_scoped3A_49 = tpu.sem_alloc : memref<!tpu.dma_semaphore, #tpu.memory_space<semaphore_mem>>
        %dma_start3A = arith.constant 0 : i32
        %dma_start3A_50 = arith.constant 0 : i32
        %dma_start3A_51 = tpu.memref_slice %arg10[%dma_start3A, %dma_start3A_50] : memref<256x16xf32, #tpu.memory_space<vmem>> -> memref<128x16xf32, #tpu.memory_space<vmem>>
        %dma_start3A_52 = arith.constant 0 : i32
        %dma_start3A_53 = tpu.memref_slice %arg9[%run_scoped3A, %dma_start3A_52] : memref<2x128xi32, #tpu.memory_space<vmem>> -> memref<1x128xi32, #tpu.memory_space<vmem>>
        %dma_start3A_54 = tpu.memref_squeeze %dma_start3A_53 : memref<1x128xi32, #tpu.memory_space<vmem>> -> memref<128xi32, #tpu.memory_space<vmem>>
        %dma_start3A_55 = arith.constant 0 : i32
        %dma_start3A_56 = arith.constant 0 : i32
        %dma_start3A_57 = tpu.memref_slice %arg12[%dma_start3A_55, %dma_start3A_56] : memref<10000x16xf32, #tpu.memory_space<vmem_shared>> -> memref<10000x16xf32, #tpu.memory_space<vmem_shared>>
        tpu.enqueue_indirect_dma source(%dma_start3A_51 : memref<128x16xf32, #tpu.memory_space<vmem>>) target(%dma_start3A_57 : memref<10000x16xf32, #tpu.memory_space<vmem_shared>>) offsets(%dma_start3A_54 : memref<128xi32, #tpu.memory_space<vmem>>) semaphore(%run_scoped3A_49 : memref<!tpu.dma_semaphore, #tpu.memory_space<semaphore_mem>>) {add = true}
        %dma_wait3A = arith.constant 0 : i32
        %dma_wait3A_58 = arith.constant 0 : i32
        %dma_wait3A_59 = tpu.memref_slice %arg10[%dma_wait3A, %dma_wait3A_58] : memref<256x16xf32, #tpu.memory_space<vmem>> -> memref<128x16xf32, #tpu.memory_space<vmem>>
        %dma_wait3A_60 = arith.constant 0 : i32
        %dma_wait3A_61 = tpu.memref_slice %arg9[%run_scoped3A, %dma_wait3A_60] : memref<2x128xi32, #tpu.memory_space<vmem>> -> memref<1x128xi32, #tpu.memory_space<vmem>>
        %dma_wait3A_62 = tpu.memref_squeeze %dma_wait3A_61 : memref<1x128xi32, #tpu.memory_space<vmem>> -> memref<128xi32, #tpu.memory_space<vmem>>
        %dma_wait3A_63 = arith.constant 0 : i32
        %dma_wait3A_64 = arith.constant 0 : i32
        %dma_wait3A_65 = tpu.memref_slice %arg12[%dma_wait3A_63, %dma_wait3A_64] : memref<10000x16xf32, #tpu.memory_space<vmem_shared>> -> memref<10000x16xf32, #tpu.memory_space<vmem_shared>>
        tpu.wait_indirect_dma semaphore(%run_scoped3A_49 : memref<!tpu.dma_semaphore, #tpu.memory_space<semaphore_mem>>) src(%dma_wait3A_59 : memref<128x16xf32, #tpu.memory_space<vmem>>) dst(%dma_wait3A_65 : memref<10000x16xf32, #tpu.memory_space<vmem_shared>>)
        tpu.yield
      }) : () -> ()
      %run_scoped3A_46 = arith.constant 0 : i32
      "tpu.region"() ({
        %run_scoped3A_49 = tpu.sem_alloc : memref<!tpu.dma_semaphore, #tpu.memory_space<semaphore_mem>>
        %dma_start3A = arith.constant 0 : i32
        %dma_start3A_50 = arith.constant 0 : i32
        %dma_start3A_51 = tpu.memref_slice %arg11[%dma_start3A, %dma_start3A_50] : memref<256x128xf32, #tpu.memory_space<vmem>> -> memref<128x128xf32, #tpu.memory_space<vmem>>
        %dma_start3A_52 = arith.constant 0 : i32
        %dma_start3A_53 = tpu.memref_slice %arg9[%run_scoped3A_46, %dma_start3A_52] : memref<2x128xi32, #tpu.memory_space<vmem>> -> memref<1x128xi32, #tpu.memory_space<vmem>>
        %dma_start3A_54 = tpu.memref_squeeze %dma_start3A_53 : memref<1x128xi32, #tpu.memory_space<vmem>> -> memref<128xi32, #tpu.memory_space<vmem>>
        %dma_start3A_55 = arith.constant 0 : i32
        %dma_start3A_56 = arith.constant 0 : i32
        %dma_start3A_57 = tpu.memref_slice %arg13[%dma_start3A_55, %dma_start3A_56] : memref<10000x128xf32, #tpu.memory_space<vmem_shared>> -> memref<10000x128xf32, #tpu.memory_space<vmem_shared>>
        tpu.enqueue_indirect_dma source(%dma_start3A_51 : memref<128x128xf32, #tpu.memory_space<vmem>>) target(%dma_start3A_57 : memref<10000x128xf32, #tpu.memory_space<vmem_shared>>) offsets(%dma_start3A_54 : memref<128xi32, #tpu.memory_space<vmem>>) semaphore(%run_scoped3A_49 : memref<!tpu.dma_semaphore, #tpu.memory_space<semaphore_mem>>) {add = true}
        %dma_wait3A = arith.constant 0 : i32
        %dma_wait3A_58 = arith.constant 0 : i32
        %dma_wait3A_59 = tpu.memref_slice %arg11[%dma_wait3A, %dma_wait3A_58] : memref<256x128xf32, #tpu.memory_space<vmem>> -> memref<128x128xf32, #tpu.memory_space<vmem>>
        %dma_wait3A_60 = arith.constant 0 : i32
        %dma_wait3A_61 = tpu.memref_slice %arg9[%run_scoped3A_46, %dma_wait3A_60] : memref<2x128xi32, #tpu.memory_space<vmem>> -> memref<1x128xi32, #tpu.memory_space<vmem>>
        %dma_wait3A_62 = tpu.memref_squeeze %dma_wait3A_61 : memref<1x128xi32, #tpu.memory_space<vmem>> -> memref<128xi32, #tpu.memory_space<vmem>>
        %dma_wait3A_63 = arith.constant 0 : i32
        %dma_wait3A_64 = arith.constant 0 : i32
        %dma_wait3A_65 = tpu.memref_slice %arg13[%dma_wait3A_63, %dma_wait3A_64] : memref<10000x128xf32, #tpu.memory_space<vmem_shared>> -> memref<10000x128xf32, #tpu.memory_space<vmem_shared>>
        tpu.wait_indirect_dma semaphore(%run_scoped3A_49 : memref<!tpu.dma_semaphore, #tpu.memory_space<semaphore_mem>>) src(%dma_wait3A_59 : memref<128x128xf32, #tpu.memory_space<vmem>>) dst(%dma_wait3A_65 : memref<10000x128xf32, #tpu.memory_space<vmem_shared>>)
        tpu.yield
      }) : () -> ()
      %run_scoped3A_47 = arith.constant 1 : i32
      "tpu.region"() ({
        %run_scoped3A_49 = tpu.sem_alloc : memref<!tpu.dma_semaphore, #tpu.memory_space<semaphore_mem>>
        %dma_start3A = arith.constant 128 : i32
        %dma_start3A_50 = arith.constant 0 : i32
        %dma_start3A_51 = tpu.memref_slice %arg10[%dma_start3A, %dma_start3A_50] : memref<256x16xf32, #tpu.memory_space<vmem>> -> memref<128x16xf32, #tpu.memory_space<vmem>>
        %dma_start3A_52 = arith.constant 0 : i32
        %dma_start3A_53 = tpu.memref_slice %arg9[%run_scoped3A_47, %dma_start3A_52] : memref<2x128xi32, #tpu.memory_space<vmem>> -> memref<1x128xi32, #tpu.memory_space<vmem>>
        %dma_start3A_54 = tpu.memref_squeeze %dma_start3A_53 : memref<1x128xi32, #tpu.memory_space<vmem>> -> memref<128xi32, #tpu.memory_space<vmem>>
        %dma_start3A_55 = arith.constant 0 : i32
        %dma_start3A_56 = arith.constant 0 : i32
        %dma_start3A_57 = tpu.memref_slice %arg12[%dma_start3A_55, %dma_start3A_56] : memref<10000x16xf32, #tpu.memory_space<vmem_shared>> -> memref<10000x16xf32, #tpu.memory_space<vmem_shared>>
        tpu.enqueue_indirect_dma source(%dma_start3A_51 : memref<128x16xf32, #tpu.memory_space<vmem>>) target(%dma_start3A_57 : memref<10000x16xf32, #tpu.memory_space<vmem_shared>>) offsets(%dma_start3A_54 : memref<128xi32, #tpu.memory_space<vmem>>) semaphore(%run_scoped3A_49 : memref<!tpu.dma_semaphore, #tpu.memory_space<semaphore_mem>>) {add = true}
        %dma_wait3A = arith.constant 128 : i32
        %dma_wait3A_58 = arith.constant 0 : i32
        %dma_wait3A_59 = tpu.memref_slice %arg10[%dma_wait3A, %dma_wait3A_58] : memref<256x16xf32, #tpu.memory_space<vmem>> -> memref<128x16xf32, #tpu.memory_space<vmem>>
        %dma_wait3A_60 = arith.constant 0 : i32
        %dma_wait3A_61 = tpu.memref_slice %arg9[%run_scoped3A_47, %dma_wait3A_60] : memref<2x128xi32, #tpu.memory_space<vmem>> -> memref<1x128xi32, #tpu.memory_space<vmem>>
        %dma_wait3A_62 = tpu.memref_squeeze %dma_wait3A_61 : memref<1x128xi32, #tpu.memory_space<vmem>> -> memref<128xi32, #tpu.memory_space<vmem>>
        %dma_wait3A_63 = arith.constant 0 : i32
        %dma_wait3A_64 = arith.constant 0 : i32
        %dma_wait3A_65 = tpu.memref_slice %arg12[%dma_wait3A_63, %dma_wait3A_64] : memref<10000x16xf32, #tpu.memory_space<vmem_shared>> -> memref<10000x16xf32, #tpu.memory_space<vmem_shared>>
        tpu.wait_indirect_dma semaphore(%run_scoped3A_49 : memref<!tpu.dma_semaphore, #tpu.memory_space<semaphore_mem>>) src(%dma_wait3A_59 : memref<128x16xf32, #tpu.memory_space<vmem>>) dst(%dma_wait3A_65 : memref<10000x16xf32, #tpu.memory_space<vmem_shared>>)
        tpu.yield
      }) : () -> ()
      %run_scoped3A_48 = arith.constant 1 : i32
      "tpu.region"() ({
        %run_scoped3A_49 = tpu.sem_alloc : memref<!tpu.dma_semaphore, #tpu.memory_space<semaphore_mem>>
        %dma_start3A = arith.constant 128 : i32
        %dma_start3A_50 = arith.constant 0 : i32
        %dma_start3A_51 = tpu.memref_slice %arg11[%dma_start3A, %dma_start3A_50] : memref<256x128xf32, #tpu.memory_space<vmem>> -> memref<128x128xf32, #tpu.memory_space<vmem>>
        %dma_start3A_52 = arith.constant 0 : i32
        %dma_start3A_53 = tpu.memref_slice %arg9[%run_scoped3A_48, %dma_start3A_52] : memref<2x128xi32, #tpu.memory_space<vmem>> -> memref<1x128xi32, #tpu.memory_space<vmem>>
        %dma_start3A_54 = tpu.memref_squeeze %dma_start3A_53 : memref<1x128xi32, #tpu.memory_space<vmem>> -> memref<128xi32, #tpu.memory_space<vmem>>
        %dma_start3A_55 = arith.constant 0 : i32
        %dma_start3A_56 = arith.constant 0 : i32
        %dma_start3A_57 = tpu.memref_slice %arg13[%dma_start3A_55, %dma_start3A_56] : memref<10000x128xf32, #tpu.memory_space<vmem_shared>> -> memref<10000x128xf32, #tpu.memory_space<vmem_shared>>
        tpu.enqueue_indirect_dma source(%dma_start3A_51 : memref<128x128xf32, #tpu.memory_space<vmem>>) target(%dma_start3A_57 : memref<10000x128xf32, #tpu.memory_space<vmem_shared>>) offsets(%dma_start3A_54 : memref<128xi32, #tpu.memory_space<vmem>>) semaphore(%run_scoped3A_49 : memref<!tpu.dma_semaphore, #tpu.memory_space<semaphore_mem>>) {add = true}
        %dma_wait3A = arith.constant 128 : i32
        %dma_wait3A_58 = arith.constant 0 : i32
        %dma_wait3A_59 = tpu.memref_slice %arg11[%dma_wait3A, %dma_wait3A_58] : memref<256x128xf32, #tpu.memory_space<vmem>> -> memref<128x128xf32, #tpu.memory_space<vmem>>
        %dma_wait3A_60 = arith.constant 0 : i32
        %dma_wait3A_61 = tpu.memref_slice %arg9[%run_scoped3A_48, %dma_wait3A_60] : memref<2x128xi32, #tpu.memory_space<vmem>> -> memref<1x128xi32, #tpu.memory_space<vmem>>
        %dma_wait3A_62 = tpu.memref_squeeze %dma_wait3A_61 : memref<1x128xi32, #tpu.memory_space<vmem>> -> memref<128xi32, #tpu.memory_space<vmem>>
        %dma_wait3A_63 = arith.constant 0 : i32
        %dma_wait3A_64 = arith.constant 0 : i32
        %dma_wait3A_65 = tpu.memref_slice %arg13[%dma_wait3A_63, %dma_wait3A_64] : memref<10000x128xf32, #tpu.memory_space<vmem_shared>> -> memref<10000x128xf32, #tpu.memory_space<vmem_shared>>
        tpu.wait_indirect_dma semaphore(%run_scoped3A_49 : memref<!tpu.dma_semaphore, #tpu.memory_space<semaphore_mem>>) src(%dma_wait3A_59 : memref<128x128xf32, #tpu.memory_space<vmem>>) dst(%dma_wait3A_65 : memref<10000x128xf32, #tpu.memory_space<vmem_shared>>)
        tpu.yield
      }) : () -> ()
    }
    %barrier3A_32 = arith.constant 0 : index
    tpu.barrier barrier_id(%barrier3A_32)
    %eq3A_33 = arith.constant 0 : i32
    %eq3A_34 = arith.cmpi eq, %arg1, %eq3A_33 : i32
    %convert_element_type3A_35 = arith.extui %eq3A_34 : i1 to i32
    %cond3A_36 = arith.constant 0 : i32
    %cond3A_37 = arith.cmpi ne, %convert_element_type3A_35, %cond3A_36 : i32
    scf.if %cond3A_37 {
      "tpu.region"() ({
        %run_scoped3A = tpu.sem_alloc : memref<!tpu.dma_semaphore, #tpu.memory_space<semaphore_mem>>
        %dma_start3A = arith.constant 0 : i32
        %dma_start3A_38 = arith.constant 0 : i32
        %dma_start3A_39 = tpu.memref_slice %arg7[%arg0, %dma_start3A, %dma_start3A_38] : memref<2x10000x16xf32, #tpu.memory_space<hbm>> -> memref<1x10000x16xf32, #tpu.memory_space<hbm>>
        %dma_start3A_40 = tpu.memref_squeeze %dma_start3A_39 : memref<1x10000x16xf32, #tpu.memory_space<hbm>> -> memref<10000x16xf32, #tpu.memory_space<hbm>>
        tpu.enqueue_dma source(%arg12 : memref<10000x16xf32, #tpu.memory_space<vmem_shared>>) target(%dma_start3A_40 : memref<10000x16xf32, #tpu.memory_space<hbm>>) target_semaphore(%run_scoped3A : memref<!tpu.dma_semaphore, #tpu.memory_space<semaphore_mem>>)
        %dma_wait3A = arith.constant 0 : i32
        %dma_wait3A_41 = arith.constant 0 : i32
        %dma_wait3A_42 = tpu.memref_slice %arg7[%arg0, %dma_wait3A, %dma_wait3A_41] : memref<2x10000x16xf32, #tpu.memory_space<hbm>> -> memref<1x10000x16xf32, #tpu.memory_space<hbm>>
        %dma_wait3A_43 = tpu.memref_squeeze %dma_wait3A_42 : memref<1x10000x16xf32, #tpu.memory_space<hbm>> -> memref<10000x16xf32, #tpu.memory_space<hbm>>
        tpu.wait_dma2 semaphore(%run_scoped3A : memref<!tpu.dma_semaphore, #tpu.memory_space<semaphore_mem>>) src(%arg12 : memref<10000x16xf32, #tpu.memory_space<vmem_shared>>) dst(%dma_wait3A_43 : memref<10000x16xf32, #tpu.memory_space<hbm>>)
        tpu.yield
      }) : () -> ()
      "tpu.region"() ({
        %run_scoped3A = tpu.sem_alloc : memref<!tpu.dma_semaphore, #tpu.memory_space<semaphore_mem>>
        %dma_start3A = arith.constant 0 : i32
        %dma_start3A_38 = arith.constant 0 : i32
        %dma_start3A_39 = tpu.memref_slice %arg8[%arg0, %dma_start3A, %dma_start3A_38] : memref<2x10000x128xf32, #tpu.memory_space<hbm>> -> memref<1x10000x128xf32, #tpu.memory_space<hbm>>
        %dma_start3A_40 = tpu.memref_squeeze %dma_start3A_39 : memref<1x10000x128xf32, #tpu.memory_space<hbm>> -> memref<10000x128xf32, #tpu.memory_space<hbm>>
        tpu.enqueue_dma source(%arg13 : memref<10000x128xf32, #tpu.memory_space<vmem_shared>>) target(%dma_start3A_40 : memref<10000x128xf32, #tpu.memory_space<hbm>>) target_semaphore(%run_scoped3A : memref<!tpu.dma_semaphore, #tpu.memory_space<semaphore_mem>>)
        %dma_wait3A = arith.constant 0 : i32
        %dma_wait3A_41 = arith.constant 0 : i32
        %dma_wait3A_42 = tpu.memref_slice %arg8[%arg0, %dma_wait3A, %dma_wait3A_41] : memref<2x10000x128xf32, #tpu.memory_space<hbm>> -> memref<1x10000x128xf32, #tpu.memory_space<hbm>>
        %dma_wait3A_43 = tpu.memref_squeeze %dma_wait3A_42 : memref<1x10000x128xf32, #tpu.memory_space<hbm>> -> memref<10000x128xf32, #tpu.memory_space<hbm>>
        tpu.wait_dma2 semaphore(%run_scoped3A : memref<!tpu.dma_semaphore, #tpu.memory_space<semaphore_mem>>) src(%arg13 : memref<10000x128xf32, #tpu.memory_space<vmem_shared>>) dst(%dma_wait3A_43 : memref<10000x128xf32, #tpu.memory_space<hbm>>)
        tpu.yield
      }) : () -> ()
    } else {
    }
    return
  }
}

#map = affine_map<(d0, d1) -> (0, 0)>
#map1 = affine_map<(d0, d1) -> (0, 0, 0)>
module attributes {stable_mosaic.version = 14 : i64} {
  func.func @k(%arg0: i32, %arg1: i32, %arg2: memref<10000x256xf32, #tpu.memory_space<hbm>>, %arg3: memref<625x2x128xi32, #tpu.memory_space<hbm>>, %arg4: memref<160000x256xf32, #tpu.memory_space<hbm>>, %arg5: memref<2x128xi32, #tpu.memory_space<vmem>>, %arg6: memref<256x256xf32, #tpu.memory_space<vmem>>, %arg7: memref<!tpu.dma_semaphore, #tpu.memory_space<semaphore_mem>>, %arg8: memref<!tpu.dma_semaphore, #tpu.memory_space<semaphore_mem>>) attributes {dimension_semantics = [#tpu.dimension_semantics<core_parallel>, #tpu.dimension_semantics<subcore_parallel>], iteration_bounds = array<i64: 2, 16>, scalar_prefetch = 0 : i64, scratch_operands = 4 : i64, tpu.core_type = #tpu.core_type<sc_vector_subcore>, window_params = [{transform_indices = #map}, {transform_indices = #map1}, {transform_indices = #map}]} {
    %mul3A = arith.constant 2 : i32
    %mul3A_0 = arith.muli %arg1, %mul3A : i32
    %add3A = arith.addi %mul3A_0, %arg0 : i32
    %sub3A = arith.constant 625 : i32
    %sub3A_1 = arith.subi %sub3A, %add3A : i32
    %add3A_2 = arith.constant 31 : i32
    %add3A_3 = arith.addi %sub3A_1, %add3A_2 : i32
    %jit3A = arith.constant 32 : i32
    %div3A = arith.divsi %add3A_3, %jit3A : i32
    %sign3A = arith.constant 0 : i32
    %sign3A_4 = arith.cmpi sgt, %add3A_3, %sign3A : i32
    %sign3A_5 = arith.extui %sign3A_4 : i1 to i32
    %sign3A_6 = arith.constant 0 : i32
    %sign3A_7 = arith.cmpi slt, %add3A_3, %sign3A_6 : i32
    %sign3A_8 = arith.extui %sign3A_7 : i1 to i32
    %sign3A_9 = arith.subi %sign3A_5, %sign3A_8 : i32
    %sign3A_10 = arith.constant 0 : i32
    %sign3A_11 = arith.cmpi sgt, %jit3A, %sign3A_10 : i32
    %sign3A_12 = arith.extui %sign3A_11 : i1 to i32
    %sign3A_13 = arith.constant 0 : i32
    %sign3A_14 = arith.cmpi slt, %jit3A, %sign3A_13 : i32
    %sign3A_15 = arith.extui %sign3A_14 : i1 to i32
    %sign3A_16 = arith.subi %sign3A_12, %sign3A_15 : i32
    %ne3A = arith.cmpi ne, %sign3A_9, %sign3A_16 : i32
    %rem3A = arith.remsi %add3A_3, %jit3A : i32
    %ne3A_17 = arith.constant 0 : i32
    %ne3A_18 = arith.cmpi ne, %rem3A, %ne3A_17 : i32
    %and3A = arith.andi %ne3A, %ne3A_18 : i1
    %sub3A_19 = arith.constant 1 : i32
    %sub3A_20 = arith.subi %div3A, %sub3A_19 : i32
    %select_n3A = arith.select %and3A, %sub3A_20, %div3A : i32
    %while3A = arith.constant 0 : i32
    %while3A_21 = arith.constant 0 : i32
    %while3A_22 = arith.subi %select_n3A, %while3A_21 : i32
    %while3A_23 = arith.addi %while3A_21, %while3A_22 : i32
    %while3A_24 = arith.constant 1 : i32
    %while3A_25 = arith.divsi %while3A_22, %while3A_24 : i32
    %while3A_26 = arith.muli %while3A_25, %while3A_24 : i32
    %while3A_27 = arith.addi %while3A_21, %while3A_26 : i32
    %while3A_28 = arith.constant 1 : i32
    scf.for %while3A_30 = %while3A_21 to %while3A_27 step %while3A_28  : i32 {
      %mul3A_31 = arith.constant 32 : i32
      %mul3A_32 = arith.muli %while3A_30, %mul3A_31 : i32
      %add3A_33 = arith.addi %add3A, %mul3A_32 : i32
      "tpu.region"() ({
        %run_scoped3A = tpu.sem_alloc : memref<!tpu.dma_semaphore, #tpu.memory_space<semaphore_mem>>
        %dma_start3A_74 = arith.constant 0 : i32
        %dma_start3A_75 = arith.constant 0 : i32
        %dma_start3A_76 = tpu.memref_slice %arg3[%add3A_33, %dma_start3A_74, %dma_start3A_75] : memref<625x2x128xi32, #tpu.memory_space<hbm>> -> memref<1x2x128xi32, #tpu.memory_space<hbm>>
        %dma_start3A_77 = tpu.memref_squeeze %dma_start3A_76 : memref<1x2x128xi32, #tpu.memory_space<hbm>> -> memref<2x128xi32, #tpu.memory_space<hbm>>
        %dma_start3A_78 = arith.constant 0 : i32
        %dma_start3A_79 = arith.constant 0 : i32
        %dma_start3A_80 = tpu.memref_slice %arg3[%add3A_33, %dma_start3A_78, %dma_start3A_79] : memref<625x2x128xi32, #tpu.memory_space<hbm>> -> memref<1x2x128xi32, #tpu.memory_space<hbm>>
        %dma_start3A_81 = tpu.memref_squeeze %dma_start3A_80 : memref<1x2x128xi32, #tpu.memory_space<hbm>> -> memref<2x128xi32, #tpu.memory_space<hbm>>
        tpu.enqueue_dma source(%dma_start3A_81 : memref<2x128xi32, #tpu.memory_space<hbm>>) target(%arg5 : memref<2x128xi32, #tpu.memory_space<vmem>>) target_semaphore(%run_scoped3A : memref<!tpu.dma_semaphore, #tpu.memory_space<semaphore_mem>>)
        %dma_wait3A_82 = arith.constant 0 : i32
        %dma_wait3A_83 = arith.constant 0 : i32
        %dma_wait3A_84 = tpu.memref_slice %arg3[%add3A_33, %dma_wait3A_82, %dma_wait3A_83] : memref<625x2x128xi32, #tpu.memory_space<hbm>> -> memref<1x2x128xi32, #tpu.memory_space<hbm>>
        %dma_wait3A_85 = tpu.memref_squeeze %dma_wait3A_84 : memref<1x2x128xi32, #tpu.memory_space<hbm>> -> memref<2x128xi32, #tpu.memory_space<hbm>>
        %dma_wait3A_86 = arith.constant 0 : i32
        %dma_wait3A_87 = arith.constant 0 : i32
        %dma_wait3A_88 = tpu.memref_slice %arg3[%add3A_33, %dma_wait3A_86, %dma_wait3A_87] : memref<625x2x128xi32, #tpu.memory_space<hbm>> -> memref<1x2x128xi32, #tpu.memory_space<hbm>>
        %dma_wait3A_89 = tpu.memref_squeeze %dma_wait3A_88 : memref<1x2x128xi32, #tpu.memory_space<hbm>> -> memref<2x128xi32, #tpu.memory_space<hbm>>
        tpu.wait_dma2 semaphore(%run_scoped3A : memref<!tpu.dma_semaphore, #tpu.memory_space<semaphore_mem>>) src(%dma_wait3A_89 : memref<2x128xi32, #tpu.memory_space<hbm>>) dst(%arg5 : memref<2x128xi32, #tpu.memory_space<vmem>>)
        tpu.yield
      }) : () -> ()
      %dma_start3A = arith.constant 0 : i32
      %dma_start3A_34 = arith.constant 0 : i32
      %dma_start3A_35 = arith.constant 0 : i32
      %dma_start3A_36 = tpu.memref_slice %arg6[%dma_start3A_34, %dma_start3A_35] : memref<256x256xf32, #tpu.memory_space<vmem>> -> memref<128x256xf32, #tpu.memory_space<vmem>>
      %dma_start3A_37 = arith.constant 0 : i32
      %dma_start3A_38 = tpu.memref_slice %arg5[%dma_start3A, %dma_start3A_37] : memref<2x128xi32, #tpu.memory_space<vmem>> -> memref<1x128xi32, #tpu.memory_space<vmem>>
      %dma_start3A_39 = tpu.memref_squeeze %dma_start3A_38 : memref<1x128xi32, #tpu.memory_space<vmem>> -> memref<128xi32, #tpu.memory_space<vmem>>
      %dma_start3A_40 = arith.constant 0 : i32
      %dma_start3A_41 = arith.constant 0 : i32
      %dma_start3A_42 = tpu.memref_slice %arg2[%dma_start3A_40, %dma_start3A_41] : memref<10000x256xf32, #tpu.memory_space<hbm>> -> memref<10000x256xf32, #tpu.memory_space<hbm>>
      tpu.enqueue_indirect_dma source(%dma_start3A_42 : memref<10000x256xf32, #tpu.memory_space<hbm>>) target(%dma_start3A_36 : memref<128x256xf32, #tpu.memory_space<vmem>>) offsets(%dma_start3A_39 : memref<128xi32, #tpu.memory_space<vmem>>) semaphore(%arg7 : memref<!tpu.dma_semaphore, #tpu.memory_space<semaphore_mem>>)
      %dma_start3A_43 = arith.constant 1 : i32
      %dma_start3A_44 = arith.constant 128 : i32
      %dma_start3A_45 = arith.constant 0 : i32
      %dma_start3A_46 = tpu.memref_slice %arg6[%dma_start3A_44, %dma_start3A_45] : memref<256x256xf32, #tpu.memory_space<vmem>> -> memref<128x256xf32, #tpu.memory_space<vmem>>
      %dma_start3A_47 = arith.constant 0 : i32
      %dma_start3A_48 = tpu.memref_slice %arg5[%dma_start3A_43, %dma_start3A_47] : memref<2x128xi32, #tpu.memory_space<vmem>> -> memref<1x128xi32, #tpu.memory_space<vmem>>
      %dma_start3A_49 = tpu.memref_squeeze %dma_start3A_48 : memref<1x128xi32, #tpu.memory_space<vmem>> -> memref<128xi32, #tpu.memory_space<vmem>>
      %dma_start3A_50 = arith.constant 0 : i32
      %dma_start3A_51 = arith.constant 0 : i32
      %dma_start3A_52 = tpu.memref_slice %arg2[%dma_start3A_50, %dma_start3A_51] : memref<10000x256xf32, #tpu.memory_space<hbm>> -> memref<10000x256xf32, #tpu.memory_space<hbm>>
      tpu.enqueue_indirect_dma source(%dma_start3A_52 : memref<10000x256xf32, #tpu.memory_space<hbm>>) target(%dma_start3A_46 : memref<128x256xf32, #tpu.memory_space<vmem>>) offsets(%dma_start3A_49 : memref<128xi32, #tpu.memory_space<vmem>>) semaphore(%arg8 : memref<!tpu.dma_semaphore, #tpu.memory_space<semaphore_mem>>)
      %dma_wait3A = arith.constant 0 : i32
      %dma_wait3A_53 = arith.constant 0 : i32
      %dma_wait3A_54 = arith.constant 0 : i32
      %dma_wait3A_55 = tpu.memref_slice %arg6[%dma_wait3A_53, %dma_wait3A_54] : memref<256x256xf32, #tpu.memory_space<vmem>> -> memref<128x256xf32, #tpu.memory_space<vmem>>
      %dma_wait3A_56 = arith.constant 0 : i32
      %dma_wait3A_57 = tpu.memref_slice %arg5[%dma_wait3A, %dma_wait3A_56] : memref<2x128xi32, #tpu.memory_space<vmem>> -> memref<1x128xi32, #tpu.memory_space<vmem>>
      %dma_wait3A_58 = tpu.memref_squeeze %dma_wait3A_57 : memref<1x128xi32, #tpu.memory_space<vmem>> -> memref<128xi32, #tpu.memory_space<vmem>>
      %dma_wait3A_59 = arith.constant 0 : i32
      %dma_wait3A_60 = arith.constant 0 : i32
      %dma_wait3A_61 = tpu.memref_slice %arg2[%dma_wait3A_59, %dma_wait3A_60] : memref<10000x256xf32, #tpu.memory_space<hbm>> -> memref<10000x256xf32, #tpu.memory_space<hbm>>
      tpu.wait_indirect_dma semaphore(%arg7 : memref<!tpu.dma_semaphore, #tpu.memory_space<semaphore_mem>>) src(%dma_wait3A_61 : memref<10000x256xf32, #tpu.memory_space<hbm>>) dst(%dma_wait3A_55 : memref<128x256xf32, #tpu.memory_space<vmem>>)
      %dma_wait3A_62 = arith.constant 1 : i32
      %dma_wait3A_63 = arith.constant 128 : i32
      %dma_wait3A_64 = arith.constant 0 : i32
      %dma_wait3A_65 = tpu.memref_slice %arg6[%dma_wait3A_63, %dma_wait3A_64] : memref<256x256xf32, #tpu.memory_space<vmem>> -> memref<128x256xf32, #tpu.memory_space<vmem>>
      %dma_wait3A_66 = arith.constant 0 : i32
      %dma_wait3A_67 = tpu.memref_slice %arg5[%dma_wait3A_62, %dma_wait3A_66] : memref<2x128xi32, #tpu.memory_space<vmem>> -> memref<1x128xi32, #tpu.memory_space<vmem>>
      %dma_wait3A_68 = tpu.memref_squeeze %dma_wait3A_67 : memref<1x128xi32, #tpu.memory_space<vmem>> -> memref<128xi32, #tpu.memory_space<vmem>>
      %dma_wait3A_69 = arith.constant 0 : i32
      %dma_wait3A_70 = arith.constant 0 : i32
      %dma_wait3A_71 = tpu.memref_slice %arg2[%dma_wait3A_69, %dma_wait3A_70] : memref<10000x256xf32, #tpu.memory_space<hbm>> -> memref<10000x256xf32, #tpu.memory_space<hbm>>
      tpu.wait_indirect_dma semaphore(%arg8 : memref<!tpu.dma_semaphore, #tpu.memory_space<semaphore_mem>>) src(%dma_wait3A_71 : memref<10000x256xf32, #tpu.memory_space<hbm>>) dst(%dma_wait3A_65 : memref<128x256xf32, #tpu.memory_space<vmem>>)
      %mul3A_72 = arith.constant 256 : i32
      %mul3A_73 = arith.muli %add3A_33, %mul3A_72 : i32
      "tpu.region"() ({
        %run_scoped3A = tpu.sem_alloc : memref<!tpu.dma_semaphore, #tpu.memory_space<semaphore_mem>>
        %dma_start3A_74 = arith.constant 0 : i32
        %dma_start3A_75 = tpu.memref_slice %arg4[%mul3A_73, %dma_start3A_74] : memref<160000x256xf32, #tpu.memory_space<hbm>> -> memref<256x256xf32, #tpu.memory_space<hbm>>
        %dma_start3A_76 = arith.constant 0 : i32
        %dma_start3A_77 = tpu.memref_slice %arg4[%mul3A_73, %dma_start3A_76] : memref<160000x256xf32, #tpu.memory_space<hbm>> -> memref<256x256xf32, #tpu.memory_space<hbm>>
        tpu.enqueue_dma source(%arg6 : memref<256x256xf32, #tpu.memory_space<vmem>>) target(%dma_start3A_77 : memref<256x256xf32, #tpu.memory_space<hbm>>) target_semaphore(%run_scoped3A : memref<!tpu.dma_semaphore, #tpu.memory_space<semaphore_mem>>)
        %dma_wait3A_78 = arith.constant 0 : i32
        %dma_wait3A_79 = tpu.memref_slice %arg4[%mul3A_73, %dma_wait3A_78] : memref<160000x256xf32, #tpu.memory_space<hbm>> -> memref<256x256xf32, #tpu.memory_space<hbm>>
        %dma_wait3A_80 = arith.constant 0 : i32
        %dma_wait3A_81 = tpu.memref_slice %arg4[%mul3A_73, %dma_wait3A_80] : memref<160000x256xf32, #tpu.memory_space<hbm>> -> memref<256x256xf32, #tpu.memory_space<hbm>>
        tpu.wait_dma2 semaphore(%run_scoped3A : memref<!tpu.dma_semaphore, #tpu.memory_space<semaphore_mem>>) src(%arg6 : memref<256x256xf32, #tpu.memory_space<vmem>>) dst(%dma_wait3A_81 : memref<256x256xf32, #tpu.memory_space<hbm>>)
        tpu.yield
      }) : () -> ()
    }
    %while3A_29 = arith.constant 1 : i32
    scf.for %while3A_30 = %while3A_27 to %while3A_23 step %while3A_29  : i32 {
      %mul3A_31 = arith.constant 32 : i32
      %mul3A_32 = arith.muli %while3A_30, %mul3A_31 : i32
      %add3A_33 = arith.addi %add3A, %mul3A_32 : i32
      "tpu.region"() ({
        %run_scoped3A = tpu.sem_alloc : memref<!tpu.dma_semaphore, #tpu.memory_space<semaphore_mem>>
        %dma_start3A_74 = arith.constant 0 : i32
        %dma_start3A_75 = arith.constant 0 : i32
        %dma_start3A_76 = tpu.memref_slice %arg3[%add3A_33, %dma_start3A_74, %dma_start3A_75] : memref<625x2x128xi32, #tpu.memory_space<hbm>> -> memref<1x2x128xi32, #tpu.memory_space<hbm>>
        %dma_start3A_77 = tpu.memref_squeeze %dma_start3A_76 : memref<1x2x128xi32, #tpu.memory_space<hbm>> -> memref<2x128xi32, #tpu.memory_space<hbm>>
        %dma_start3A_78 = arith.constant 0 : i32
        %dma_start3A_79 = arith.constant 0 : i32
        %dma_start3A_80 = tpu.memref_slice %arg3[%add3A_33, %dma_start3A_78, %dma_start3A_79] : memref<625x2x128xi32, #tpu.memory_space<hbm>> -> memref<1x2x128xi32, #tpu.memory_space<hbm>>
        %dma_start3A_81 = tpu.memref_squeeze %dma_start3A_80 : memref<1x2x128xi32, #tpu.memory_space<hbm>> -> memref<2x128xi32, #tpu.memory_space<hbm>>
        tpu.enqueue_dma source(%dma_start3A_81 : memref<2x128xi32, #tpu.memory_space<hbm>>) target(%arg5 : memref<2x128xi32, #tpu.memory_space<vmem>>) target_semaphore(%run_scoped3A : memref<!tpu.dma_semaphore, #tpu.memory_space<semaphore_mem>>)
        %dma_wait3A_82 = arith.constant 0 : i32
        %dma_wait3A_83 = arith.constant 0 : i32
        %dma_wait3A_84 = tpu.memref_slice %arg3[%add3A_33, %dma_wait3A_82, %dma_wait3A_83] : memref<625x2x128xi32, #tpu.memory_space<hbm>> -> memref<1x2x128xi32, #tpu.memory_space<hbm>>
        %dma_wait3A_85 = tpu.memref_squeeze %dma_wait3A_84 : memref<1x2x128xi32, #tpu.memory_space<hbm>> -> memref<2x128xi32, #tpu.memory_space<hbm>>
        %dma_wait3A_86 = arith.constant 0 : i32
        %dma_wait3A_87 = arith.constant 0 : i32
        %dma_wait3A_88 = tpu.memref_slice %arg3[%add3A_33, %dma_wait3A_86, %dma_wait3A_87] : memref<625x2x128xi32, #tpu.memory_space<hbm>> -> memref<1x2x128xi32, #tpu.memory_space<hbm>>
        %dma_wait3A_89 = tpu.memref_squeeze %dma_wait3A_88 : memref<1x2x128xi32, #tpu.memory_space<hbm>> -> memref<2x128xi32, #tpu.memory_space<hbm>>
        tpu.wait_dma2 semaphore(%run_scoped3A : memref<!tpu.dma_semaphore, #tpu.memory_space<semaphore_mem>>) src(%dma_wait3A_89 : memref<2x128xi32, #tpu.memory_space<hbm>>) dst(%arg5 : memref<2x128xi32, #tpu.memory_space<vmem>>)
        tpu.yield
      }) : () -> ()
      %dma_start3A = arith.constant 0 : i32
      %dma_start3A_34 = arith.constant 0 : i32
      %dma_start3A_35 = arith.constant 0 : i32
      %dma_start3A_36 = tpu.memref_slice %arg6[%dma_start3A_34, %dma_start3A_35] : memref<256x256xf32, #tpu.memory_space<vmem>> -> memref<128x256xf32, #tpu.memory_space<vmem>>
      %dma_start3A_37 = arith.constant 0 : i32
      %dma_start3A_38 = tpu.memref_slice %arg5[%dma_start3A, %dma_start3A_37] : memref<2x128xi32, #tpu.memory_space<vmem>> -> memref<1x128xi32, #tpu.memory_space<vmem>>
      %dma_start3A_39 = tpu.memref_squeeze %dma_start3A_38 : memref<1x128xi32, #tpu.memory_space<vmem>> -> memref<128xi32, #tpu.memory_space<vmem>>
      %dma_start3A_40 = arith.constant 0 : i32
      %dma_start3A_41 = arith.constant 0 : i32
      %dma_start3A_42 = tpu.memref_slice %arg2[%dma_start3A_40, %dma_start3A_41] : memref<10000x256xf32, #tpu.memory_space<hbm>> -> memref<10000x256xf32, #tpu.memory_space<hbm>>
      tpu.enqueue_indirect_dma source(%dma_start3A_42 : memref<10000x256xf32, #tpu.memory_space<hbm>>) target(%dma_start3A_36 : memref<128x256xf32, #tpu.memory_space<vmem>>) offsets(%dma_start3A_39 : memref<128xi32, #tpu.memory_space<vmem>>) semaphore(%arg7 : memref<!tpu.dma_semaphore, #tpu.memory_space<semaphore_mem>>)
      %dma_start3A_43 = arith.constant 1 : i32
      %dma_start3A_44 = arith.constant 128 : i32
      %dma_start3A_45 = arith.constant 0 : i32
      %dma_start3A_46 = tpu.memref_slice %arg6[%dma_start3A_44, %dma_start3A_45] : memref<256x256xf32, #tpu.memory_space<vmem>> -> memref<128x256xf32, #tpu.memory_space<vmem>>
      %dma_start3A_47 = arith.constant 0 : i32
      %dma_start3A_48 = tpu.memref_slice %arg5[%dma_start3A_43, %dma_start3A_47] : memref<2x128xi32, #tpu.memory_space<vmem>> -> memref<1x128xi32, #tpu.memory_space<vmem>>
      %dma_start3A_49 = tpu.memref_squeeze %dma_start3A_48 : memref<1x128xi32, #tpu.memory_space<vmem>> -> memref<128xi32, #tpu.memory_space<vmem>>
      %dma_start3A_50 = arith.constant 0 : i32
      %dma_start3A_51 = arith.constant 0 : i32
      %dma_start3A_52 = tpu.memref_slice %arg2[%dma_start3A_50, %dma_start3A_51] : memref<10000x256xf32, #tpu.memory_space<hbm>> -> memref<10000x256xf32, #tpu.memory_space<hbm>>
      tpu.enqueue_indirect_dma source(%dma_start3A_52 : memref<10000x256xf32, #tpu.memory_space<hbm>>) target(%dma_start3A_46 : memref<128x256xf32, #tpu.memory_space<vmem>>) offsets(%dma_start3A_49 : memref<128xi32, #tpu.memory_space<vmem>>) semaphore(%arg8 : memref<!tpu.dma_semaphore, #tpu.memory_space<semaphore_mem>>)
      %dma_wait3A = arith.constant 0 : i32
      %dma_wait3A_53 = arith.constant 0 : i32
      %dma_wait3A_54 = arith.constant 0 : i32
      %dma_wait3A_55 = tpu.memref_slice %arg6[%dma_wait3A_53, %dma_wait3A_54] : memref<256x256xf32, #tpu.memory_space<vmem>> -> memref<128x256xf32, #tpu.memory_space<vmem>>
      %dma_wait3A_56 = arith.constant 0 : i32
      %dma_wait3A_57 = tpu.memref_slice %arg5[%dma_wait3A, %dma_wait3A_56] : memref<2x128xi32, #tpu.memory_space<vmem>> -> memref<1x128xi32, #tpu.memory_space<vmem>>
      %dma_wait3A_58 = tpu.memref_squeeze %dma_wait3A_57 : memref<1x128xi32, #tpu.memory_space<vmem>> -> memref<128xi32, #tpu.memory_space<vmem>>
      %dma_wait3A_59 = arith.constant 0 : i32
      %dma_wait3A_60 = arith.constant 0 : i32
      %dma_wait3A_61 = tpu.memref_slice %arg2[%dma_wait3A_59, %dma_wait3A_60] : memref<10000x256xf32, #tpu.memory_space<hbm>> -> memref<10000x256xf32, #tpu.memory_space<hbm>>
      tpu.wait_indirect_dma semaphore(%arg7 : memref<!tpu.dma_semaphore, #tpu.memory_space<semaphore_mem>>) src(%dma_wait3A_61 : memref<10000x256xf32, #tpu.memory_space<hbm>>) dst(%dma_wait3A_55 : memref<128x256xf32, #tpu.memory_space<vmem>>)
      %dma_wait3A_62 = arith.constant 1 : i32
      %dma_wait3A_63 = arith.constant 128 : i32
      %dma_wait3A_64 = arith.constant 0 : i32
      %dma_wait3A_65 = tpu.memref_slice %arg6[%dma_wait3A_63, %dma_wait3A_64] : memref<256x256xf32, #tpu.memory_space<vmem>> -> memref<128x256xf32, #tpu.memory_space<vmem>>
      %dma_wait3A_66 = arith.constant 0 : i32
      %dma_wait3A_67 = tpu.memref_slice %arg5[%dma_wait3A_62, %dma_wait3A_66] : memref<2x128xi32, #tpu.memory_space<vmem>> -> memref<1x128xi32, #tpu.memory_space<vmem>>
      %dma_wait3A_68 = tpu.memref_squeeze %dma_wait3A_67 : memref<1x128xi32, #tpu.memory_space<vmem>> -> memref<128xi32, #tpu.memory_space<vmem>>
      %dma_wait3A_69 = arith.constant 0 : i32
      %dma_wait3A_70 = arith.constant 0 : i32
      %dma_wait3A_71 = tpu.memref_slice %arg2[%dma_wait3A_69, %dma_wait3A_70] : memref<10000x256xf32, #tpu.memory_space<hbm>> -> memref<10000x256xf32, #tpu.memory_space<hbm>>
      tpu.wait_indirect_dma semaphore(%arg8 : memref<!tpu.dma_semaphore, #tpu.memory_space<semaphore_mem>>) src(%dma_wait3A_71 : memref<10000x256xf32, #tpu.memory_space<hbm>>) dst(%dma_wait3A_65 : memref<128x256xf32, #tpu.memory_space<vmem>>)
      %mul3A_72 = arith.constant 256 : i32
      %mul3A_73 = arith.muli %add3A_33, %mul3A_72 : i32
      "tpu.region"() ({
        %run_scoped3A = tpu.sem_alloc : memref<!tpu.dma_semaphore, #tpu.memory_space<semaphore_mem>>
        %dma_start3A_74 = arith.constant 0 : i32
        %dma_start3A_75 = tpu.memref_slice %arg4[%mul3A_73, %dma_start3A_74] : memref<160000x256xf32, #tpu.memory_space<hbm>> -> memref<256x256xf32, #tpu.memory_space<hbm>>
        %dma_start3A_76 = arith.constant 0 : i32
        %dma_start3A_77 = tpu.memref_slice %arg4[%mul3A_73, %dma_start3A_76] : memref<160000x256xf32, #tpu.memory_space<hbm>> -> memref<256x256xf32, #tpu.memory_space<hbm>>
        tpu.enqueue_dma source(%arg6 : memref<256x256xf32, #tpu.memory_space<vmem>>) target(%dma_start3A_77 : memref<256x256xf32, #tpu.memory_space<hbm>>) target_semaphore(%run_scoped3A : memref<!tpu.dma_semaphore, #tpu.memory_space<semaphore_mem>>)
        %dma_wait3A_78 = arith.constant 0 : i32
        %dma_wait3A_79 = tpu.memref_slice %arg4[%mul3A_73, %dma_wait3A_78] : memref<160000x256xf32, #tpu.memory_space<hbm>> -> memref<256x256xf32, #tpu.memory_space<hbm>>
        %dma_wait3A_80 = arith.constant 0 : i32
        %dma_wait3A_81 = tpu.memref_slice %arg4[%mul3A_73, %dma_wait3A_80] : memref<160000x256xf32, #tpu.memory_space<hbm>> -> memref<256x256xf32, #tpu.memory_space<hbm>>
        tpu.wait_dma2 semaphore(%run_scoped3A : memref<!tpu.dma_semaphore, #tpu.memory_space<semaphore_mem>>) src(%arg6 : memref<256x256xf32, #tpu.memory_space<vmem>>) dst(%dma_wait3A_81 : memref<256x256xf32, #tpu.memory_space<hbm>>)
        tpu.yield
      }) : () -> ()
    }
    return
  }
}

#map = affine_map<(d0, d1) -> (0, 0)>
#map1 = affine_map<(d0, d1) -> (0, 0, 0)>
module attributes {stable_mosaic.version = 14 : i64} {
  func.func @k(%arg0: i32, %arg1: i32, %arg2: memref<10000x144xf32, #tpu.memory_space<hbm>>, %arg3: memref<625x2x128xi32, #tpu.memory_space<hbm>>, %arg4: memref<160000x144xf32, #tpu.memory_space<hbm>>, %arg5: memref<2x128xi32, #tpu.memory_space<vmem>>, %arg6: memref<256x144xf32, #tpu.memory_space<vmem>>, %arg7: memref<!tpu.dma_semaphore, #tpu.memory_space<semaphore_mem>>, %arg8: memref<!tpu.dma_semaphore, #tpu.memory_space<semaphore_mem>>) attributes {dimension_semantics = [#tpu.dimension_semantics<core_parallel>, #tpu.dimension_semantics<subcore_parallel>], iteration_bounds = array<i64: 2, 16>, scalar_prefetch = 0 : i64, scratch_operands = 4 : i64, tpu.core_type = #tpu.core_type<sc_vector_subcore>, window_params = [{transform_indices = #map}, {transform_indices = #map1}, {transform_indices = #map}]} {
    %mul3A = arith.constant 2 : i32
    %mul3A_0 = arith.muli %arg1, %mul3A : i32
    %add3A = arith.addi %mul3A_0, %arg0 : i32
    %sub3A = arith.constant 625 : i32
    %sub3A_1 = arith.subi %sub3A, %add3A : i32
    %add3A_2 = arith.constant 31 : i32
    %add3A_3 = arith.addi %sub3A_1, %add3A_2 : i32
    %jit3A = arith.constant 32 : i32
    %div3A = arith.divsi %add3A_3, %jit3A : i32
    %sign3A = arith.constant 0 : i32
    %sign3A_4 = arith.cmpi sgt, %add3A_3, %sign3A : i32
    %sign3A_5 = arith.extui %sign3A_4 : i1 to i32
    %sign3A_6 = arith.constant 0 : i32
    %sign3A_7 = arith.cmpi slt, %add3A_3, %sign3A_6 : i32
    %sign3A_8 = arith.extui %sign3A_7 : i1 to i32
    %sign3A_9 = arith.subi %sign3A_5, %sign3A_8 : i32
    %sign3A_10 = arith.constant 0 : i32
    %sign3A_11 = arith.cmpi sgt, %jit3A, %sign3A_10 : i32
    %sign3A_12 = arith.extui %sign3A_11 : i1 to i32
    %sign3A_13 = arith.constant 0 : i32
    %sign3A_14 = arith.cmpi slt, %jit3A, %sign3A_13 : i32
    %sign3A_15 = arith.extui %sign3A_14 : i1 to i32
    %sign3A_16 = arith.subi %sign3A_12, %sign3A_15 : i32
    %ne3A = arith.cmpi ne, %sign3A_9, %sign3A_16 : i32
    %rem3A = arith.remsi %add3A_3, %jit3A : i32
    %ne3A_17 = arith.constant 0 : i32
    %ne3A_18 = arith.cmpi ne, %rem3A, %ne3A_17 : i32
    %and3A = arith.andi %ne3A, %ne3A_18 : i1
    %sub3A_19 = arith.constant 1 : i32
    %sub3A_20 = arith.subi %div3A, %sub3A_19 : i32
    %select_n3A = arith.select %and3A, %sub3A_20, %div3A : i32
    %while3A = arith.constant 0 : i32
    %while3A_21 = arith.constant 0 : i32
    %while3A_22 = arith.subi %select_n3A, %while3A_21 : i32
    %while3A_23 = arith.addi %while3A_21, %while3A_22 : i32
    %while3A_24 = arith.constant 1 : i32
    %while3A_25 = arith.divsi %while3A_22, %while3A_24 : i32
    %while3A_26 = arith.muli %while3A_25, %while3A_24 : i32
    %while3A_27 = arith.addi %while3A_21, %while3A_26 : i32
    %while3A_28 = arith.constant 1 : i32
    scf.for %while3A_30 = %while3A_21 to %while3A_27 step %while3A_28  : i32 {
      %mul3A_31 = arith.constant 32 : i32
      %mul3A_32 = arith.muli %while3A_30, %mul3A_31 : i32
      %add3A_33 = arith.addi %add3A, %mul3A_32 : i32
      "tpu.region"() ({
        %run_scoped3A = tpu.sem_alloc : memref<!tpu.dma_semaphore, #tpu.memory_space<semaphore_mem>>
        %dma_start3A_74 = arith.constant 0 : i32
        %dma_start3A_75 = arith.constant 0 : i32
        %dma_start3A_76 = tpu.memref_slice %arg3[%add3A_33, %dma_start3A_74, %dma_start3A_75] : memref<625x2x128xi32, #tpu.memory_space<hbm>> -> memref<1x2x128xi32, #tpu.memory_space<hbm>>
        %dma_start3A_77 = tpu.memref_squeeze %dma_start3A_76 : memref<1x2x128xi32, #tpu.memory_space<hbm>> -> memref<2x128xi32, #tpu.memory_space<hbm>>
        %dma_start3A_78 = arith.constant 0 : i32
        %dma_start3A_79 = arith.constant 0 : i32
        %dma_start3A_80 = tpu.memref_slice %arg3[%add3A_33, %dma_start3A_78, %dma_start3A_79] : memref<625x2x128xi32, #tpu.memory_space<hbm>> -> memref<1x2x128xi32, #tpu.memory_space<hbm>>
        %dma_start3A_81 = tpu.memref_squeeze %dma_start3A_80 : memref<1x2x128xi32, #tpu.memory_space<hbm>> -> memref<2x128xi32, #tpu.memory_space<hbm>>
        tpu.enqueue_dma source(%dma_start3A_81 : memref<2x128xi32, #tpu.memory_space<hbm>>) target(%arg5 : memref<2x128xi32, #tpu.memory_space<vmem>>) target_semaphore(%run_scoped3A : memref<!tpu.dma_semaphore, #tpu.memory_space<semaphore_mem>>)
        %dma_wait3A_82 = arith.constant 0 : i32
        %dma_wait3A_83 = arith.constant 0 : i32
        %dma_wait3A_84 = tpu.memref_slice %arg3[%add3A_33, %dma_wait3A_82, %dma_wait3A_83] : memref<625x2x128xi32, #tpu.memory_space<hbm>> -> memref<1x2x128xi32, #tpu.memory_space<hbm>>
        %dma_wait3A_85 = tpu.memref_squeeze %dma_wait3A_84 : memref<1x2x128xi32, #tpu.memory_space<hbm>> -> memref<2x128xi32, #tpu.memory_space<hbm>>
        %dma_wait3A_86 = arith.constant 0 : i32
        %dma_wait3A_87 = arith.constant 0 : i32
        %dma_wait3A_88 = tpu.memref_slice %arg3[%add3A_33, %dma_wait3A_86, %dma_wait3A_87] : memref<625x2x128xi32, #tpu.memory_space<hbm>> -> memref<1x2x128xi32, #tpu.memory_space<hbm>>
        %dma_wait3A_89 = tpu.memref_squeeze %dma_wait3A_88 : memref<1x2x128xi32, #tpu.memory_space<hbm>> -> memref<2x128xi32, #tpu.memory_space<hbm>>
        tpu.wait_dma2 semaphore(%run_scoped3A : memref<!tpu.dma_semaphore, #tpu.memory_space<semaphore_mem>>) src(%dma_wait3A_89 : memref<2x128xi32, #tpu.memory_space<hbm>>) dst(%arg5 : memref<2x128xi32, #tpu.memory_space<vmem>>)
        tpu.yield
      }) : () -> ()
      %dma_start3A = arith.constant 0 : i32
      %dma_start3A_34 = arith.constant 0 : i32
      %dma_start3A_35 = arith.constant 0 : i32
      %dma_start3A_36 = tpu.memref_slice %arg6[%dma_start3A_34, %dma_start3A_35] : memref<256x144xf32, #tpu.memory_space<vmem>> -> memref<128x144xf32, #tpu.memory_space<vmem>>
      %dma_start3A_37 = arith.constant 0 : i32
      %dma_start3A_38 = tpu.memref_slice %arg5[%dma_start3A, %dma_start3A_37] : memref<2x128xi32, #tpu.memory_space<vmem>> -> memref<1x128xi32, #tpu.memory_space<vmem>>
      %dma_start3A_39 = tpu.memref_squeeze %dma_start3A_38 : memref<1x128xi32, #tpu.memory_space<vmem>> -> memref<128xi32, #tpu.memory_space<vmem>>
      %dma_start3A_40 = arith.constant 0 : i32
      %dma_start3A_41 = arith.constant 0 : i32
      %dma_start3A_42 = tpu.memref_slice %arg2[%dma_start3A_40, %dma_start3A_41] : memref<10000x144xf32, #tpu.memory_space<hbm>> -> memref<10000x144xf32, #tpu.memory_space<hbm>>
      tpu.enqueue_indirect_dma source(%dma_start3A_42 : memref<10000x144xf32, #tpu.memory_space<hbm>>) target(%dma_start3A_36 : memref<128x144xf32, #tpu.memory_space<vmem>>) offsets(%dma_start3A_39 : memref<128xi32, #tpu.memory_space<vmem>>) semaphore(%arg7 : memref<!tpu.dma_semaphore, #tpu.memory_space<semaphore_mem>>)
      %dma_start3A_43 = arith.constant 1 : i32
      %dma_start3A_44 = arith.constant 128 : i32
      %dma_start3A_45 = arith.constant 0 : i32
      %dma_start3A_46 = tpu.memref_slice %arg6[%dma_start3A_44, %dma_start3A_45] : memref<256x144xf32, #tpu.memory_space<vmem>> -> memref<128x144xf32, #tpu.memory_space<vmem>>
      %dma_start3A_47 = arith.constant 0 : i32
      %dma_start3A_48 = tpu.memref_slice %arg5[%dma_start3A_43, %dma_start3A_47] : memref<2x128xi32, #tpu.memory_space<vmem>> -> memref<1x128xi32, #tpu.memory_space<vmem>>
      %dma_start3A_49 = tpu.memref_squeeze %dma_start3A_48 : memref<1x128xi32, #tpu.memory_space<vmem>> -> memref<128xi32, #tpu.memory_space<vmem>>
      %dma_start3A_50 = arith.constant 0 : i32
      %dma_start3A_51 = arith.constant 0 : i32
      %dma_start3A_52 = tpu.memref_slice %arg2[%dma_start3A_50, %dma_start3A_51] : memref<10000x144xf32, #tpu.memory_space<hbm>> -> memref<10000x144xf32, #tpu.memory_space<hbm>>
      tpu.enqueue_indirect_dma source(%dma_start3A_52 : memref<10000x144xf32, #tpu.memory_space<hbm>>) target(%dma_start3A_46 : memref<128x144xf32, #tpu.memory_space<vmem>>) offsets(%dma_start3A_49 : memref<128xi32, #tpu.memory_space<vmem>>) semaphore(%arg8 : memref<!tpu.dma_semaphore, #tpu.memory_space<semaphore_mem>>)
      %dma_wait3A = arith.constant 0 : i32
      %dma_wait3A_53 = arith.constant 0 : i32
      %dma_wait3A_54 = arith.constant 0 : i32
      %dma_wait3A_55 = tpu.memref_slice %arg6[%dma_wait3A_53, %dma_wait3A_54] : memref<256x144xf32, #tpu.memory_space<vmem>> -> memref<128x144xf32, #tpu.memory_space<vmem>>
      %dma_wait3A_56 = arith.constant 0 : i32
      %dma_wait3A_57 = tpu.memref_slice %arg5[%dma_wait3A, %dma_wait3A_56] : memref<2x128xi32, #tpu.memory_space<vmem>> -> memref<1x128xi32, #tpu.memory_space<vmem>>
      %dma_wait3A_58 = tpu.memref_squeeze %dma_wait3A_57 : memref<1x128xi32, #tpu.memory_space<vmem>> -> memref<128xi32, #tpu.memory_space<vmem>>
      %dma_wait3A_59 = arith.constant 0 : i32
      %dma_wait3A_60 = arith.constant 0 : i32
      %dma_wait3A_61 = tpu.memref_slice %arg2[%dma_wait3A_59, %dma_wait3A_60] : memref<10000x144xf32, #tpu.memory_space<hbm>> -> memref<10000x144xf32, #tpu.memory_space<hbm>>
      tpu.wait_indirect_dma semaphore(%arg7 : memref<!tpu.dma_semaphore, #tpu.memory_space<semaphore_mem>>) src(%dma_wait3A_61 : memref<10000x144xf32, #tpu.memory_space<hbm>>) dst(%dma_wait3A_55 : memref<128x144xf32, #tpu.memory_space<vmem>>)
      %dma_wait3A_62 = arith.constant 1 : i32
      %dma_wait3A_63 = arith.constant 128 : i32
      %dma_wait3A_64 = arith.constant 0 : i32
      %dma_wait3A_65 = tpu.memref_slice %arg6[%dma_wait3A_63, %dma_wait3A_64] : memref<256x144xf32, #tpu.memory_space<vmem>> -> memref<128x144xf32, #tpu.memory_space<vmem>>
      %dma_wait3A_66 = arith.constant 0 : i32
      %dma_wait3A_67 = tpu.memref_slice %arg5[%dma_wait3A_62, %dma_wait3A_66] : memref<2x128xi32, #tpu.memory_space<vmem>> -> memref<1x128xi32, #tpu.memory_space<vmem>>
      %dma_wait3A_68 = tpu.memref_squeeze %dma_wait3A_67 : memref<1x128xi32, #tpu.memory_space<vmem>> -> memref<128xi32, #tpu.memory_space<vmem>>
      %dma_wait3A_69 = arith.constant 0 : i32
      %dma_wait3A_70 = arith.constant 0 : i32
      %dma_wait3A_71 = tpu.memref_slice %arg2[%dma_wait3A_69, %dma_wait3A_70] : memref<10000x144xf32, #tpu.memory_space<hbm>> -> memref<10000x144xf32, #tpu.memory_space<hbm>>
      tpu.wait_indirect_dma semaphore(%arg8 : memref<!tpu.dma_semaphore, #tpu.memory_space<semaphore_mem>>) src(%dma_wait3A_71 : memref<10000x144xf32, #tpu.memory_space<hbm>>) dst(%dma_wait3A_65 : memref<128x144xf32, #tpu.memory_space<vmem>>)
      %mul3A_72 = arith.constant 256 : i32
      %mul3A_73 = arith.muli %add3A_33, %mul3A_72 : i32
      "tpu.region"() ({
        %run_scoped3A = tpu.sem_alloc : memref<!tpu.dma_semaphore, #tpu.memory_space<semaphore_mem>>
        %dma_start3A_74 = arith.constant 0 : i32
        %dma_start3A_75 = tpu.memref_slice %arg4[%mul3A_73, %dma_start3A_74] : memref<160000x144xf32, #tpu.memory_space<hbm>> -> memref<256x144xf32, #tpu.memory_space<hbm>>
        %dma_start3A_76 = arith.constant 0 : i32
        %dma_start3A_77 = tpu.memref_slice %arg4[%mul3A_73, %dma_start3A_76] : memref<160000x144xf32, #tpu.memory_space<hbm>> -> memref<256x144xf32, #tpu.memory_space<hbm>>
        tpu.enqueue_dma source(%arg6 : memref<256x144xf32, #tpu.memory_space<vmem>>) target(%dma_start3A_77 : memref<256x144xf32, #tpu.memory_space<hbm>>) target_semaphore(%run_scoped3A : memref<!tpu.dma_semaphore, #tpu.memory_space<semaphore_mem>>)
        %dma_wait3A_78 = arith.constant 0 : i32
        %dma_wait3A_79 = tpu.memref_slice %arg4[%mul3A_73, %dma_wait3A_78] : memref<160000x144xf32, #tpu.memory_space<hbm>> -> memref<256x144xf32, #tpu.memory_space<hbm>>
        %dma_wait3A_80 = arith.constant 0 : i32
        %dma_wait3A_81 = tpu.memref_slice %arg4[%mul3A_73, %dma_wait3A_80] : memref<160000x144xf32, #tpu.memory_space<hbm>> -> memref<256x144xf32, #tpu.memory_space<hbm>>
        tpu.wait_dma2 semaphore(%run_scoped3A : memref<!tpu.dma_semaphore, #tpu.memory_space<semaphore_mem>>) src(%arg6 : memref<256x144xf32, #tpu.memory_space<vmem>>) dst(%dma_wait3A_81 : memref<256x144xf32, #tpu.memory_space<hbm>>)
        tpu.yield
      }) : () -> ()
    }
    %while3A_29 = arith.constant 1 : i32
    scf.for %while3A_30 = %while3A_27 to %while3A_23 step %while3A_29  : i32 {
      %mul3A_31 = arith.constant 32 : i32
      %mul3A_32 = arith.muli %while3A_30, %mul3A_31 : i32
      %add3A_33 = arith.addi %add3A, %mul3A_32 : i32
      "tpu.region"() ({
        %run_scoped3A = tpu.sem_alloc : memref<!tpu.dma_semaphore, #tpu.memory_space<semaphore_mem>>
        %dma_start3A_74 = arith.constant 0 : i32
        %dma_start3A_75 = arith.constant 0 : i32
        %dma_start3A_76 = tpu.memref_slice %arg3[%add3A_33, %dma_start3A_74, %dma_start3A_75] : memref<625x2x128xi32, #tpu.memory_space<hbm>> -> memref<1x2x128xi32, #tpu.memory_space<hbm>>
        %dma_start3A_77 = tpu.memref_squeeze %dma_start3A_76 : memref<1x2x128xi32, #tpu.memory_space<hbm>> -> memref<2x128xi32, #tpu.memory_space<hbm>>
        %dma_start3A_78 = arith.constant 0 : i32
        %dma_start3A_79 = arith.constant 0 : i32
        %dma_start3A_80 = tpu.memref_slice %arg3[%add3A_33, %dma_start3A_78, %dma_start3A_79] : memref<625x2x128xi32, #tpu.memory_space<hbm>> -> memref<1x2x128xi32, #tpu.memory_space<hbm>>
        %dma_start3A_81 = tpu.memref_squeeze %dma_start3A_80 : memref<1x2x128xi32, #tpu.memory_space<hbm>> -> memref<2x128xi32, #tpu.memory_space<hbm>>
        tpu.enqueue_dma source(%dma_start3A_81 : memref<2x128xi32, #tpu.memory_space<hbm>>) target(%arg5 : memref<2x128xi32, #tpu.memory_space<vmem>>) target_semaphore(%run_scoped3A : memref<!tpu.dma_semaphore, #tpu.memory_space<semaphore_mem>>)
        %dma_wait3A_82 = arith.constant 0 : i32
        %dma_wait3A_83 = arith.constant 0 : i32
        %dma_wait3A_84 = tpu.memref_slice %arg3[%add3A_33, %dma_wait3A_82, %dma_wait3A_83] : memref<625x2x128xi32, #tpu.memory_space<hbm>> -> memref<1x2x128xi32, #tpu.memory_space<hbm>>
        %dma_wait3A_85 = tpu.memref_squeeze %dma_wait3A_84 : memref<1x2x128xi32, #tpu.memory_space<hbm>> -> memref<2x128xi32, #tpu.memory_space<hbm>>
        %dma_wait3A_86 = arith.constant 0 : i32
        %dma_wait3A_87 = arith.constant 0 : i32
        %dma_wait3A_88 = tpu.memref_slice %arg3[%add3A_33, %dma_wait3A_86, %dma_wait3A_87] : memref<625x2x128xi32, #tpu.memory_space<hbm>> -> memref<1x2x128xi32, #tpu.memory_space<hbm>>
        %dma_wait3A_89 = tpu.memref_squeeze %dma_wait3A_88 : memref<1x2x128xi32, #tpu.memory_space<hbm>> -> memref<2x128xi32, #tpu.memory_space<hbm>>
        tpu.wait_dma2 semaphore(%run_scoped3A : memref<!tpu.dma_semaphore, #tpu.memory_space<semaphore_mem>>) src(%dma_wait3A_89 : memref<2x128xi32, #tpu.memory_space<hbm>>) dst(%arg5 : memref<2x128xi32, #tpu.memory_space<vmem>>)
        tpu.yield
      }) : () -> ()
      %dma_start3A = arith.constant 0 : i32
      %dma_start3A_34 = arith.constant 0 : i32
      %dma_start3A_35 = arith.constant 0 : i32
      %dma_start3A_36 = tpu.memref_slice %arg6[%dma_start3A_34, %dma_start3A_35] : memref<256x144xf32, #tpu.memory_space<vmem>> -> memref<128x144xf32, #tpu.memory_space<vmem>>
      %dma_start3A_37 = arith.constant 0 : i32
      %dma_start3A_38 = tpu.memref_slice %arg5[%dma_start3A, %dma_start3A_37] : memref<2x128xi32, #tpu.memory_space<vmem>> -> memref<1x128xi32, #tpu.memory_space<vmem>>
      %dma_start3A_39 = tpu.memref_squeeze %dma_start3A_38 : memref<1x128xi32, #tpu.memory_space<vmem>> -> memref<128xi32, #tpu.memory_space<vmem>>
      %dma_start3A_40 = arith.constant 0 : i32
      %dma_start3A_41 = arith.constant 0 : i32
      %dma_start3A_42 = tpu.memref_slice %arg2[%dma_start3A_40, %dma_start3A_41] : memref<10000x144xf32, #tpu.memory_space<hbm>> -> memref<10000x144xf32, #tpu.memory_space<hbm>>
      tpu.enqueue_indirect_dma source(%dma_start3A_42 : memref<10000x144xf32, #tpu.memory_space<hbm>>) target(%dma_start3A_36 : memref<128x144xf32, #tpu.memory_space<vmem>>) offsets(%dma_start3A_39 : memref<128xi32, #tpu.memory_space<vmem>>) semaphore(%arg7 : memref<!tpu.dma_semaphore, #tpu.memory_space<semaphore_mem>>)
      %dma_start3A_43 = arith.constant 1 : i32
      %dma_start3A_44 = arith.constant 128 : i32
      %dma_start3A_45 = arith.constant 0 : i32
      %dma_start3A_46 = tpu.memref_slice %arg6[%dma_start3A_44, %dma_start3A_45] : memref<256x144xf32, #tpu.memory_space<vmem>> -> memref<128x144xf32, #tpu.memory_space<vmem>>
      %dma_start3A_47 = arith.constant 0 : i32
      %dma_start3A_48 = tpu.memref_slice %arg5[%dma_start3A_43, %dma_start3A_47] : memref<2x128xi32, #tpu.memory_space<vmem>> -> memref<1x128xi32, #tpu.memory_space<vmem>>
      %dma_start3A_49 = tpu.memref_squeeze %dma_start3A_48 : memref<1x128xi32, #tpu.memory_space<vmem>> -> memref<128xi32, #tpu.memory_space<vmem>>
      %dma_start3A_50 = arith.constant 0 : i32
      %dma_start3A_51 = arith.constant 0 : i32
      %dma_start3A_52 = tpu.memref_slice %arg2[%dma_start3A_50, %dma_start3A_51] : memref<10000x144xf32, #tpu.memory_space<hbm>> -> memref<10000x144xf32, #tpu.memory_space<hbm>>
      tpu.enqueue_indirect_dma source(%dma_start3A_52 : memref<10000x144xf32, #tpu.memory_space<hbm>>) target(%dma_start3A_46 : memref<128x144xf32, #tpu.memory_space<vmem>>) offsets(%dma_start3A_49 : memref<128xi32, #tpu.memory_space<vmem>>) semaphore(%arg8 : memref<!tpu.dma_semaphore, #tpu.memory_space<semaphore_mem>>)
      %dma_wait3A = arith.constant 0 : i32
      %dma_wait3A_53 = arith.constant 0 : i32
      %dma_wait3A_54 = arith.constant 0 : i32
      %dma_wait3A_55 = tpu.memref_slice %arg6[%dma_wait3A_53, %dma_wait3A_54] : memref<256x144xf32, #tpu.memory_space<vmem>> -> memref<128x144xf32, #tpu.memory_space<vmem>>
      %dma_wait3A_56 = arith.constant 0 : i32
      %dma_wait3A_57 = tpu.memref_slice %arg5[%dma_wait3A, %dma_wait3A_56] : memref<2x128xi32, #tpu.memory_space<vmem>> -> memref<1x128xi32, #tpu.memory_space<vmem>>
      %dma_wait3A_58 = tpu.memref_squeeze %dma_wait3A_57 : memref<1x128xi32, #tpu.memory_space<vmem>> -> memref<128xi32, #tpu.memory_space<vmem>>
      %dma_wait3A_59 = arith.constant 0 : i32
      %dma_wait3A_60 = arith.constant 0 : i32
      %dma_wait3A_61 = tpu.memref_slice %arg2[%dma_wait3A_59, %dma_wait3A_60] : memref<10000x144xf32, #tpu.memory_space<hbm>> -> memref<10000x144xf32, #tpu.memory_space<hbm>>
      tpu.wait_indirect_dma semaphore(%arg7 : memref<!tpu.dma_semaphore, #tpu.memory_space<semaphore_mem>>) src(%dma_wait3A_61 : memref<10000x144xf32, #tpu.memory_space<hbm>>) dst(%dma_wait3A_55 : memref<128x144xf32, #tpu.memory_space<vmem>>)
      %dma_wait3A_62 = arith.constant 1 : i32
      %dma_wait3A_63 = arith.constant 128 : i32
      %dma_wait3A_64 = arith.constant 0 : i32
      %dma_wait3A_65 = tpu.memref_slice %arg6[%dma_wait3A_63, %dma_wait3A_64] : memref<256x144xf32, #tpu.memory_space<vmem>> -> memref<128x144xf32, #tpu.memory_space<vmem>>
      %dma_wait3A_66 = arith.constant 0 : i32
      %dma_wait3A_67 = tpu.memref_slice %arg5[%dma_wait3A_62, %dma_wait3A_66] : memref<2x128xi32, #tpu.memory_space<vmem>> -> memref<1x128xi32, #tpu.memory_space<vmem>>
      %dma_wait3A_68 = tpu.memref_squeeze %dma_wait3A_67 : memref<1x128xi32, #tpu.memory_space<vmem>> -> memref<128xi32, #tpu.memory_space<vmem>>
      %dma_wait3A_69 = arith.constant 0 : i32
      %dma_wait3A_70 = arith.constant 0 : i32
      %dma_wait3A_71 = tpu.memref_slice %arg2[%dma_wait3A_69, %dma_wait3A_70] : memref<10000x144xf32, #tpu.memory_space<hbm>> -> memref<10000x144xf32, #tpu.memory_space<hbm>>
      tpu.wait_indirect_dma semaphore(%arg8 : memref<!tpu.dma_semaphore, #tpu.memory_space<semaphore_mem>>) src(%dma_wait3A_71 : memref<10000x144xf32, #tpu.memory_space<hbm>>) dst(%dma_wait3A_65 : memref<128x144xf32, #tpu.memory_space<vmem>>)
      %mul3A_72 = arith.constant 256 : i32
      %mul3A_73 = arith.muli %add3A_33, %mul3A_72 : i32
      "tpu.region"() ({
        %run_scoped3A = tpu.sem_alloc : memref<!tpu.dma_semaphore, #tpu.memory_space<semaphore_mem>>
        %dma_start3A_74 = arith.constant 0 : i32
        %dma_start3A_75 = tpu.memref_slice %arg4[%mul3A_73, %dma_start3A_74] : memref<160000x144xf32, #tpu.memory_space<hbm>> -> memref<256x144xf32, #tpu.memory_space<hbm>>
        %dma_start3A_76 = arith.constant 0 : i32
        %dma_start3A_77 = tpu.memref_slice %arg4[%mul3A_73, %dma_start3A_76] : memref<160000x144xf32, #tpu.memory_space<hbm>> -> memref<256x144xf32, #tpu.memory_space<hbm>>
        tpu.enqueue_dma source(%arg6 : memref<256x144xf32, #tpu.memory_space<vmem>>) target(%dma_start3A_77 : memref<256x144xf32, #tpu.memory_space<hbm>>) target_semaphore(%run_scoped3A : memref<!tpu.dma_semaphore, #tpu.memory_space<semaphore_mem>>)
        %dma_wait3A_78 = arith.constant 0 : i32
        %dma_wait3A_79 = tpu.memref_slice %arg4[%mul3A_73, %dma_wait3A_78] : memref<160000x144xf32, #tpu.memory_space<hbm>> -> memref<256x144xf32, #tpu.memory_space<hbm>>
        %dma_wait3A_80 = arith.constant 0 : i32
        %dma_wait3A_81 = tpu.memref_slice %arg4[%mul3A_73, %dma_wait3A_80] : memref<160000x144xf32, #tpu.memory_space<hbm>> -> memref<256x144xf32, #tpu.memory_space<hbm>>
        tpu.wait_dma2 semaphore(%run_scoped3A : memref<!tpu.dma_semaphore, #tpu.memory_space<semaphore_mem>>) src(%arg6 : memref<256x144xf32, #tpu.memory_space<vmem>>) dst(%dma_wait3A_81 : memref<256x144xf32, #tpu.memory_space<hbm>>)
        tpu.yield
      }) : () -> ()
    }
    return
  }
}

#map = affine_map<(d0, d1) -> (0, 0)>
#map1 = affine_map<(d0, d1) -> (0, 0, 0)>
module attributes {stable_mosaic.version = 14 : i64} {
  func.func @k(%arg0: i32, %arg1: i32, %arg2: memref<10000x128xf32, #tpu.memory_space<hbm>>, %arg3: memref<625x2x128xi32, #tpu.memory_space<hbm>>, %arg4: memref<160000x128xf32, #tpu.memory_space<hbm>>, %arg5: memref<2x128xi32, #tpu.memory_space<vmem>>, %arg6: memref<256x128xf32, #tpu.memory_space<vmem>>, %arg7: memref<!tpu.dma_semaphore, #tpu.memory_space<semaphore_mem>>, %arg8: memref<!tpu.dma_semaphore, #tpu.memory_space<semaphore_mem>>) attributes {dimension_semantics = [#tpu.dimension_semantics<core_parallel>, #tpu.dimension_semantics<subcore_parallel>], iteration_bounds = array<i64: 2, 16>, scalar_prefetch = 0 : i64, scratch_operands = 4 : i64, tpu.core_type = #tpu.core_type<sc_vector_subcore>, window_params = [{transform_indices = #map}, {transform_indices = #map1}, {transform_indices = #map}]} {
    %mul3A = arith.constant 2 : i32
    %mul3A_0 = arith.muli %arg1, %mul3A : i32
    %add3A = arith.addi %mul3A_0, %arg0 : i32
    %sub3A = arith.constant 625 : i32
    %sub3A_1 = arith.subi %sub3A, %add3A : i32
    %add3A_2 = arith.constant 31 : i32
    %add3A_3 = arith.addi %sub3A_1, %add3A_2 : i32
    %jit3A = arith.constant 32 : i32
    %div3A = arith.divsi %add3A_3, %jit3A : i32
    %sign3A = arith.constant 0 : i32
    %sign3A_4 = arith.cmpi sgt, %add3A_3, %sign3A : i32
    %sign3A_5 = arith.extui %sign3A_4 : i1 to i32
    %sign3A_6 = arith.constant 0 : i32
    %sign3A_7 = arith.cmpi slt, %add3A_3, %sign3A_6 : i32
    %sign3A_8 = arith.extui %sign3A_7 : i1 to i32
    %sign3A_9 = arith.subi %sign3A_5, %sign3A_8 : i32
    %sign3A_10 = arith.constant 0 : i32
    %sign3A_11 = arith.cmpi sgt, %jit3A, %sign3A_10 : i32
    %sign3A_12 = arith.extui %sign3A_11 : i1 to i32
    %sign3A_13 = arith.constant 0 : i32
    %sign3A_14 = arith.cmpi slt, %jit3A, %sign3A_13 : i32
    %sign3A_15 = arith.extui %sign3A_14 : i1 to i32
    %sign3A_16 = arith.subi %sign3A_12, %sign3A_15 : i32
    %ne3A = arith.cmpi ne, %sign3A_9, %sign3A_16 : i32
    %rem3A = arith.remsi %add3A_3, %jit3A : i32
    %ne3A_17 = arith.constant 0 : i32
    %ne3A_18 = arith.cmpi ne, %rem3A, %ne3A_17 : i32
    %and3A = arith.andi %ne3A, %ne3A_18 : i1
    %sub3A_19 = arith.constant 1 : i32
    %sub3A_20 = arith.subi %div3A, %sub3A_19 : i32
    %select_n3A = arith.select %and3A, %sub3A_20, %div3A : i32
    %while3A = arith.constant 0 : i32
    %while3A_21 = arith.constant 0 : i32
    %while3A_22 = arith.subi %select_n3A, %while3A_21 : i32
    %while3A_23 = arith.addi %while3A_21, %while3A_22 : i32
    %while3A_24 = arith.constant 1 : i32
    %while3A_25 = arith.divsi %while3A_22, %while3A_24 : i32
    %while3A_26 = arith.muli %while3A_25, %while3A_24 : i32
    %while3A_27 = arith.addi %while3A_21, %while3A_26 : i32
    %while3A_28 = arith.constant 1 : i32
    scf.for %while3A_30 = %while3A_21 to %while3A_27 step %while3A_28  : i32 {
      %mul3A_31 = arith.constant 32 : i32
      %mul3A_32 = arith.muli %while3A_30, %mul3A_31 : i32
      %add3A_33 = arith.addi %add3A, %mul3A_32 : i32
      "tpu.region"() ({
        %run_scoped3A = tpu.sem_alloc : memref<!tpu.dma_semaphore, #tpu.memory_space<semaphore_mem>>
        %dma_start3A_74 = arith.constant 0 : i32
        %dma_start3A_75 = arith.constant 0 : i32
        %dma_start3A_76 = tpu.memref_slice %arg3[%add3A_33, %dma_start3A_74, %dma_start3A_75] : memref<625x2x128xi32, #tpu.memory_space<hbm>> -> memref<1x2x128xi32, #tpu.memory_space<hbm>>
        %dma_start3A_77 = tpu.memref_squeeze %dma_start3A_76 : memref<1x2x128xi32, #tpu.memory_space<hbm>> -> memref<2x128xi32, #tpu.memory_space<hbm>>
        %dma_start3A_78 = arith.constant 0 : i32
        %dma_start3A_79 = arith.constant 0 : i32
        %dma_start3A_80 = tpu.memref_slice %arg3[%add3A_33, %dma_start3A_78, %dma_start3A_79] : memref<625x2x128xi32, #tpu.memory_space<hbm>> -> memref<1x2x128xi32, #tpu.memory_space<hbm>>
        %dma_start3A_81 = tpu.memref_squeeze %dma_start3A_80 : memref<1x2x128xi32, #tpu.memory_space<hbm>> -> memref<2x128xi32, #tpu.memory_space<hbm>>
        tpu.enqueue_dma source(%dma_start3A_81 : memref<2x128xi32, #tpu.memory_space<hbm>>) target(%arg5 : memref<2x128xi32, #tpu.memory_space<vmem>>) target_semaphore(%run_scoped3A : memref<!tpu.dma_semaphore, #tpu.memory_space<semaphore_mem>>)
        %dma_wait3A_82 = arith.constant 0 : i32
        %dma_wait3A_83 = arith.constant 0 : i32
        %dma_wait3A_84 = tpu.memref_slice %arg3[%add3A_33, %dma_wait3A_82, %dma_wait3A_83] : memref<625x2x128xi32, #tpu.memory_space<hbm>> -> memref<1x2x128xi32, #tpu.memory_space<hbm>>
        %dma_wait3A_85 = tpu.memref_squeeze %dma_wait3A_84 : memref<1x2x128xi32, #tpu.memory_space<hbm>> -> memref<2x128xi32, #tpu.memory_space<hbm>>
        %dma_wait3A_86 = arith.constant 0 : i32
        %dma_wait3A_87 = arith.constant 0 : i32
        %dma_wait3A_88 = tpu.memref_slice %arg3[%add3A_33, %dma_wait3A_86, %dma_wait3A_87] : memref<625x2x128xi32, #tpu.memory_space<hbm>> -> memref<1x2x128xi32, #tpu.memory_space<hbm>>
        %dma_wait3A_89 = tpu.memref_squeeze %dma_wait3A_88 : memref<1x2x128xi32, #tpu.memory_space<hbm>> -> memref<2x128xi32, #tpu.memory_space<hbm>>
        tpu.wait_dma2 semaphore(%run_scoped3A : memref<!tpu.dma_semaphore, #tpu.memory_space<semaphore_mem>>) src(%dma_wait3A_89 : memref<2x128xi32, #tpu.memory_space<hbm>>) dst(%arg5 : memref<2x128xi32, #tpu.memory_space<vmem>>)
        tpu.yield
      }) : () -> ()
      %dma_start3A = arith.constant 0 : i32
      %dma_start3A_34 = arith.constant 0 : i32
      %dma_start3A_35 = arith.constant 0 : i32
      %dma_start3A_36 = tpu.memref_slice %arg6[%dma_start3A_34, %dma_start3A_35] : memref<256x128xf32, #tpu.memory_space<vmem>> -> memref<128x128xf32, #tpu.memory_space<vmem>>
      %dma_start3A_37 = arith.constant 0 : i32
      %dma_start3A_38 = tpu.memref_slice %arg5[%dma_start3A, %dma_start3A_37] : memref<2x128xi32, #tpu.memory_space<vmem>> -> memref<1x128xi32, #tpu.memory_space<vmem>>
      %dma_start3A_39 = tpu.memref_squeeze %dma_start3A_38 : memref<1x128xi32, #tpu.memory_space<vmem>> -> memref<128xi32, #tpu.memory_space<vmem>>
      %dma_start3A_40 = arith.constant 0 : i32
      %dma_start3A_41 = arith.constant 0 : i32
      %dma_start3A_42 = tpu.memref_slice %arg2[%dma_start3A_40, %dma_start3A_41] : memref<10000x128xf32, #tpu.memory_space<hbm>> -> memref<10000x128xf32, #tpu.memory_space<hbm>>
      tpu.enqueue_indirect_dma source(%dma_start3A_42 : memref<10000x128xf32, #tpu.memory_space<hbm>>) target(%dma_start3A_36 : memref<128x128xf32, #tpu.memory_space<vmem>>) offsets(%dma_start3A_39 : memref<128xi32, #tpu.memory_space<vmem>>) semaphore(%arg7 : memref<!tpu.dma_semaphore, #tpu.memory_space<semaphore_mem>>)
      %dma_start3A_43 = arith.constant 1 : i32
      %dma_start3A_44 = arith.constant 128 : i32
      %dma_start3A_45 = arith.constant 0 : i32
      %dma_start3A_46 = tpu.memref_slice %arg6[%dma_start3A_44, %dma_start3A_45] : memref<256x128xf32, #tpu.memory_space<vmem>> -> memref<128x128xf32, #tpu.memory_space<vmem>>
      %dma_start3A_47 = arith.constant 0 : i32
      %dma_start3A_48 = tpu.memref_slice %arg5[%dma_start3A_43, %dma_start3A_47] : memref<2x128xi32, #tpu.memory_space<vmem>> -> memref<1x128xi32, #tpu.memory_space<vmem>>
      %dma_start3A_49 = tpu.memref_squeeze %dma_start3A_48 : memref<1x128xi32, #tpu.memory_space<vmem>> -> memref<128xi32, #tpu.memory_space<vmem>>
      %dma_start3A_50 = arith.constant 0 : i32
      %dma_start3A_51 = arith.constant 0 : i32
      %dma_start3A_52 = tpu.memref_slice %arg2[%dma_start3A_50, %dma_start3A_51] : memref<10000x128xf32, #tpu.memory_space<hbm>> -> memref<10000x128xf32, #tpu.memory_space<hbm>>
      tpu.enqueue_indirect_dma source(%dma_start3A_52 : memref<10000x128xf32, #tpu.memory_space<hbm>>) target(%dma_start3A_46 : memref<128x128xf32, #tpu.memory_space<vmem>>) offsets(%dma_start3A_49 : memref<128xi32, #tpu.memory_space<vmem>>) semaphore(%arg8 : memref<!tpu.dma_semaphore, #tpu.memory_space<semaphore_mem>>)
      %dma_wait3A = arith.constant 0 : i32
      %dma_wait3A_53 = arith.constant 0 : i32
      %dma_wait3A_54 = arith.constant 0 : i32
      %dma_wait3A_55 = tpu.memref_slice %arg6[%dma_wait3A_53, %dma_wait3A_54] : memref<256x128xf32, #tpu.memory_space<vmem>> -> memref<128x128xf32, #tpu.memory_space<vmem>>
      %dma_wait3A_56 = arith.constant 0 : i32
      %dma_wait3A_57 = tpu.memref_slice %arg5[%dma_wait3A, %dma_wait3A_56] : memref<2x128xi32, #tpu.memory_space<vmem>> -> memref<1x128xi32, #tpu.memory_space<vmem>>
      %dma_wait3A_58 = tpu.memref_squeeze %dma_wait3A_57 : memref<1x128xi32, #tpu.memory_space<vmem>> -> memref<128xi32, #tpu.memory_space<vmem>>
      %dma_wait3A_59 = arith.constant 0 : i32
      %dma_wait3A_60 = arith.constant 0 : i32
      %dma_wait3A_61 = tpu.memref_slice %arg2[%dma_wait3A_59, %dma_wait3A_60] : memref<10000x128xf32, #tpu.memory_space<hbm>> -> memref<10000x128xf32, #tpu.memory_space<hbm>>
      tpu.wait_indirect_dma semaphore(%arg7 : memref<!tpu.dma_semaphore, #tpu.memory_space<semaphore_mem>>) src(%dma_wait3A_61 : memref<10000x128xf32, #tpu.memory_space<hbm>>) dst(%dma_wait3A_55 : memref<128x128xf32, #tpu.memory_space<vmem>>)
      %dma_wait3A_62 = arith.constant 1 : i32
      %dma_wait3A_63 = arith.constant 128 : i32
      %dma_wait3A_64 = arith.constant 0 : i32
      %dma_wait3A_65 = tpu.memref_slice %arg6[%dma_wait3A_63, %dma_wait3A_64] : memref<256x128xf32, #tpu.memory_space<vmem>> -> memref<128x128xf32, #tpu.memory_space<vmem>>
      %dma_wait3A_66 = arith.constant 0 : i32
      %dma_wait3A_67 = tpu.memref_slice %arg5[%dma_wait3A_62, %dma_wait3A_66] : memref<2x128xi32, #tpu.memory_space<vmem>> -> memref<1x128xi32, #tpu.memory_space<vmem>>
      %dma_wait3A_68 = tpu.memref_squeeze %dma_wait3A_67 : memref<1x128xi32, #tpu.memory_space<vmem>> -> memref<128xi32, #tpu.memory_space<vmem>>
      %dma_wait3A_69 = arith.constant 0 : i32
      %dma_wait3A_70 = arith.constant 0 : i32
      %dma_wait3A_71 = tpu.memref_slice %arg2[%dma_wait3A_69, %dma_wait3A_70] : memref<10000x128xf32, #tpu.memory_space<hbm>> -> memref<10000x128xf32, #tpu.memory_space<hbm>>
      tpu.wait_indirect_dma semaphore(%arg8 : memref<!tpu.dma_semaphore, #tpu.memory_space<semaphore_mem>>) src(%dma_wait3A_71 : memref<10000x128xf32, #tpu.memory_space<hbm>>) dst(%dma_wait3A_65 : memref<128x128xf32, #tpu.memory_space<vmem>>)
      %mul3A_72 = arith.constant 256 : i32
      %mul3A_73 = arith.muli %add3A_33, %mul3A_72 : i32
      "tpu.region"() ({
        %run_scoped3A = tpu.sem_alloc : memref<!tpu.dma_semaphore, #tpu.memory_space<semaphore_mem>>
        %dma_start3A_74 = arith.constant 0 : i32
        %dma_start3A_75 = tpu.memref_slice %arg4[%mul3A_73, %dma_start3A_74] : memref<160000x128xf32, #tpu.memory_space<hbm>> -> memref<256x128xf32, #tpu.memory_space<hbm>>
        %dma_start3A_76 = arith.constant 0 : i32
        %dma_start3A_77 = tpu.memref_slice %arg4[%mul3A_73, %dma_start3A_76] : memref<160000x128xf32, #tpu.memory_space<hbm>> -> memref<256x128xf32, #tpu.memory_space<hbm>>
        tpu.enqueue_dma source(%arg6 : memref<256x128xf32, #tpu.memory_space<vmem>>) target(%dma_start3A_77 : memref<256x128xf32, #tpu.memory_space<hbm>>) target_semaphore(%run_scoped3A : memref<!tpu.dma_semaphore, #tpu.memory_space<semaphore_mem>>)
        %dma_wait3A_78 = arith.constant 0 : i32
        %dma_wait3A_79 = tpu.memref_slice %arg4[%mul3A_73, %dma_wait3A_78] : memref<160000x128xf32, #tpu.memory_space<hbm>> -> memref<256x128xf32, #tpu.memory_space<hbm>>
        %dma_wait3A_80 = arith.constant 0 : i32
        %dma_wait3A_81 = tpu.memref_slice %arg4[%mul3A_73, %dma_wait3A_80] : memref<160000x128xf32, #tpu.memory_space<hbm>> -> memref<256x128xf32, #tpu.memory_space<hbm>>
        tpu.wait_dma2 semaphore(%run_scoped3A : memref<!tpu.dma_semaphore, #tpu.memory_space<semaphore_mem>>) src(%arg6 : memref<256x128xf32, #tpu.memory_space<vmem>>) dst(%dma_wait3A_81 : memref<256x128xf32, #tpu.memory_space<hbm>>)
        tpu.yield
      }) : () -> ()
    }
    %while3A_29 = arith.constant 1 : i32
    scf.for %while3A_30 = %while3A_27 to %while3A_23 step %while3A_29  : i32 {
      %mul3A_31 = arith.constant 32 : i32
      %mul3A_32 = arith.muli %while3A_30, %mul3A_31 : i32
      %add3A_33 = arith.addi %add3A, %mul3A_32 : i32
      "tpu.region"() ({
        %run_scoped3A = tpu.sem_alloc : memref<!tpu.dma_semaphore, #tpu.memory_space<semaphore_mem>>
        %dma_start3A_74 = arith.constant 0 : i32
        %dma_start3A_75 = arith.constant 0 : i32
        %dma_start3A_76 = tpu.memref_slice %arg3[%add3A_33, %dma_start3A_74, %dma_start3A_75] : memref<625x2x128xi32, #tpu.memory_space<hbm>> -> memref<1x2x128xi32, #tpu.memory_space<hbm>>
        %dma_start3A_77 = tpu.memref_squeeze %dma_start3A_76 : memref<1x2x128xi32, #tpu.memory_space<hbm>> -> memref<2x128xi32, #tpu.memory_space<hbm>>
        %dma_start3A_78 = arith.constant 0 : i32
        %dma_start3A_79 = arith.constant 0 : i32
        %dma_start3A_80 = tpu.memref_slice %arg3[%add3A_33, %dma_start3A_78, %dma_start3A_79] : memref<625x2x128xi32, #tpu.memory_space<hbm>> -> memref<1x2x128xi32, #tpu.memory_space<hbm>>
        %dma_start3A_81 = tpu.memref_squeeze %dma_start3A_80 : memref<1x2x128xi32, #tpu.memory_space<hbm>> -> memref<2x128xi32, #tpu.memory_space<hbm>>
        tpu.enqueue_dma source(%dma_start3A_81 : memref<2x128xi32, #tpu.memory_space<hbm>>) target(%arg5 : memref<2x128xi32, #tpu.memory_space<vmem>>) target_semaphore(%run_scoped3A : memref<!tpu.dma_semaphore, #tpu.memory_space<semaphore_mem>>)
        %dma_wait3A_82 = arith.constant 0 : i32
        %dma_wait3A_83 = arith.constant 0 : i32
        %dma_wait3A_84 = tpu.memref_slice %arg3[%add3A_33, %dma_wait3A_82, %dma_wait3A_83] : memref<625x2x128xi32, #tpu.memory_space<hbm>> -> memref<1x2x128xi32, #tpu.memory_space<hbm>>
        %dma_wait3A_85 = tpu.memref_squeeze %dma_wait3A_84 : memref<1x2x128xi32, #tpu.memory_space<hbm>> -> memref<2x128xi32, #tpu.memory_space<hbm>>
        %dma_wait3A_86 = arith.constant 0 : i32
        %dma_wait3A_87 = arith.constant 0 : i32
        %dma_wait3A_88 = tpu.memref_slice %arg3[%add3A_33, %dma_wait3A_86, %dma_wait3A_87] : memref<625x2x128xi32, #tpu.memory_space<hbm>> -> memref<1x2x128xi32, #tpu.memory_space<hbm>>
        %dma_wait3A_89 = tpu.memref_squeeze %dma_wait3A_88 : memref<1x2x128xi32, #tpu.memory_space<hbm>> -> memref<2x128xi32, #tpu.memory_space<hbm>>
        tpu.wait_dma2 semaphore(%run_scoped3A : memref<!tpu.dma_semaphore, #tpu.memory_space<semaphore_mem>>) src(%dma_wait3A_89 : memref<2x128xi32, #tpu.memory_space<hbm>>) dst(%arg5 : memref<2x128xi32, #tpu.memory_space<vmem>>)
        tpu.yield
      }) : () -> ()
      %dma_start3A = arith.constant 0 : i32
      %dma_start3A_34 = arith.constant 0 : i32
      %dma_start3A_35 = arith.constant 0 : i32
      %dma_start3A_36 = tpu.memref_slice %arg6[%dma_start3A_34, %dma_start3A_35] : memref<256x128xf32, #tpu.memory_space<vmem>> -> memref<128x128xf32, #tpu.memory_space<vmem>>
      %dma_start3A_37 = arith.constant 0 : i32
      %dma_start3A_38 = tpu.memref_slice %arg5[%dma_start3A, %dma_start3A_37] : memref<2x128xi32, #tpu.memory_space<vmem>> -> memref<1x128xi32, #tpu.memory_space<vmem>>
      %dma_start3A_39 = tpu.memref_squeeze %dma_start3A_38 : memref<1x128xi32, #tpu.memory_space<vmem>> -> memref<128xi32, #tpu.memory_space<vmem>>
      %dma_start3A_40 = arith.constant 0 : i32
      %dma_start3A_41 = arith.constant 0 : i32
      %dma_start3A_42 = tpu.memref_slice %arg2[%dma_start3A_40, %dma_start3A_41] : memref<10000x128xf32, #tpu.memory_space<hbm>> -> memref<10000x128xf32, #tpu.memory_space<hbm>>
      tpu.enqueue_indirect_dma source(%dma_start3A_42 : memref<10000x128xf32, #tpu.memory_space<hbm>>) target(%dma_start3A_36 : memref<128x128xf32, #tpu.memory_space<vmem>>) offsets(%dma_start3A_39 : memref<128xi32, #tpu.memory_space<vmem>>) semaphore(%arg7 : memref<!tpu.dma_semaphore, #tpu.memory_space<semaphore_mem>>)
      %dma_start3A_43 = arith.constant 1 : i32
      %dma_start3A_44 = arith.constant 128 : i32
      %dma_start3A_45 = arith.constant 0 : i32
      %dma_start3A_46 = tpu.memref_slice %arg6[%dma_start3A_44, %dma_start3A_45] : memref<256x128xf32, #tpu.memory_space<vmem>> -> memref<128x128xf32, #tpu.memory_space<vmem>>
      %dma_start3A_47 = arith.constant 0 : i32
      %dma_start3A_48 = tpu.memref_slice %arg5[%dma_start3A_43, %dma_start3A_47] : memref<2x128xi32, #tpu.memory_space<vmem>> -> memref<1x128xi32, #tpu.memory_space<vmem>>
      %dma_start3A_49 = tpu.memref_squeeze %dma_start3A_48 : memref<1x128xi32, #tpu.memory_space<vmem>> -> memref<128xi32, #tpu.memory_space<vmem>>
      %dma_start3A_50 = arith.constant 0 : i32
      %dma_start3A_51 = arith.constant 0 : i32
      %dma_start3A_52 = tpu.memref_slice %arg2[%dma_start3A_50, %dma_start3A_51] : memref<10000x128xf32, #tpu.memory_space<hbm>> -> memref<10000x128xf32, #tpu.memory_space<hbm>>
      tpu.enqueue_indirect_dma source(%dma_start3A_52 : memref<10000x128xf32, #tpu.memory_space<hbm>>) target(%dma_start3A_46 : memref<128x128xf32, #tpu.memory_space<vmem>>) offsets(%dma_start3A_49 : memref<128xi32, #tpu.memory_space<vmem>>) semaphore(%arg8 : memref<!tpu.dma_semaphore, #tpu.memory_space<semaphore_mem>>)
      %dma_wait3A = arith.constant 0 : i32
      %dma_wait3A_53 = arith.constant 0 : i32
      %dma_wait3A_54 = arith.constant 0 : i32
      %dma_wait3A_55 = tpu.memref_slice %arg6[%dma_wait3A_53, %dma_wait3A_54] : memref<256x128xf32, #tpu.memory_space<vmem>> -> memref<128x128xf32, #tpu.memory_space<vmem>>
      %dma_wait3A_56 = arith.constant 0 : i32
      %dma_wait3A_57 = tpu.memref_slice %arg5[%dma_wait3A, %dma_wait3A_56] : memref<2x128xi32, #tpu.memory_space<vmem>> -> memref<1x128xi32, #tpu.memory_space<vmem>>
      %dma_wait3A_58 = tpu.memref_squeeze %dma_wait3A_57 : memref<1x128xi32, #tpu.memory_space<vmem>> -> memref<128xi32, #tpu.memory_space<vmem>>
      %dma_wait3A_59 = arith.constant 0 : i32
      %dma_wait3A_60 = arith.constant 0 : i32
      %dma_wait3A_61 = tpu.memref_slice %arg2[%dma_wait3A_59, %dma_wait3A_60] : memref<10000x128xf32, #tpu.memory_space<hbm>> -> memref<10000x128xf32, #tpu.memory_space<hbm>>
      tpu.wait_indirect_dma semaphore(%arg7 : memref<!tpu.dma_semaphore, #tpu.memory_space<semaphore_mem>>) src(%dma_wait3A_61 : memref<10000x128xf32, #tpu.memory_space<hbm>>) dst(%dma_wait3A_55 : memref<128x128xf32, #tpu.memory_space<vmem>>)
      %dma_wait3A_62 = arith.constant 1 : i32
      %dma_wait3A_63 = arith.constant 128 : i32
      %dma_wait3A_64 = arith.constant 0 : i32
      %dma_wait3A_65 = tpu.memref_slice %arg6[%dma_wait3A_63, %dma_wait3A_64] : memref<256x128xf32, #tpu.memory_space<vmem>> -> memref<128x128xf32, #tpu.memory_space<vmem>>
      %dma_wait3A_66 = arith.constant 0 : i32
      %dma_wait3A_67 = tpu.memref_slice %arg5[%dma_wait3A_62, %dma_wait3A_66] : memref<2x128xi32, #tpu.memory_space<vmem>> -> memref<1x128xi32, #tpu.memory_space<vmem>>
      %dma_wait3A_68 = tpu.memref_squeeze %dma_wait3A_67 : memref<1x128xi32, #tpu.memory_space<vmem>> -> memref<128xi32, #tpu.memory_space<vmem>>
      %dma_wait3A_69 = arith.constant 0 : i32
      %dma_wait3A_70 = arith.constant 0 : i32
      %dma_wait3A_71 = tpu.memref_slice %arg2[%dma_wait3A_69, %dma_wait3A_70] : memref<10000x128xf32, #tpu.memory_space<hbm>> -> memref<10000x128xf32, #tpu.memory_space<hbm>>
      tpu.wait_indirect_dma semaphore(%arg8 : memref<!tpu.dma_semaphore, #tpu.memory_space<semaphore_mem>>) src(%dma_wait3A_71 : memref<10000x128xf32, #tpu.memory_space<hbm>>) dst(%dma_wait3A_65 : memref<128x128xf32, #tpu.memory_space<vmem>>)
      %mul3A_72 = arith.constant 256 : i32
      %mul3A_73 = arith.muli %add3A_33, %mul3A_72 : i32
      "tpu.region"() ({
        %run_scoped3A = tpu.sem_alloc : memref<!tpu.dma_semaphore, #tpu.memory_space<semaphore_mem>>
        %dma_start3A_74 = arith.constant 0 : i32
        %dma_start3A_75 = tpu.memref_slice %arg4[%mul3A_73, %dma_start3A_74] : memref<160000x128xf32, #tpu.memory_space<hbm>> -> memref<256x128xf32, #tpu.memory_space<hbm>>
        %dma_start3A_76 = arith.constant 0 : i32
        %dma_start3A_77 = tpu.memref_slice %arg4[%mul3A_73, %dma_start3A_76] : memref<160000x128xf32, #tpu.memory_space<hbm>> -> memref<256x128xf32, #tpu.memory_space<hbm>>
        tpu.enqueue_dma source(%arg6 : memref<256x128xf32, #tpu.memory_space<vmem>>) target(%dma_start3A_77 : memref<256x128xf32, #tpu.memory_space<hbm>>) target_semaphore(%run_scoped3A : memref<!tpu.dma_semaphore, #tpu.memory_space<semaphore_mem>>)
        %dma_wait3A_78 = arith.constant 0 : i32
        %dma_wait3A_79 = tpu.memref_slice %arg4[%mul3A_73, %dma_wait3A_78] : memref<160000x128xf32, #tpu.memory_space<hbm>> -> memref<256x128xf32, #tpu.memory_space<hbm>>
        %dma_wait3A_80 = arith.constant 0 : i32
        %dma_wait3A_81 = tpu.memref_slice %arg4[%mul3A_73, %dma_wait3A_80] : memref<160000x128xf32, #tpu.memory_space<hbm>> -> memref<256x128xf32, #tpu.memory_space<hbm>>
        tpu.wait_dma2 semaphore(%run_scoped3A : memref<!tpu.dma_semaphore, #tpu.memory_space<semaphore_mem>>) src(%arg6 : memref<256x128xf32, #tpu.memory_space<vmem>>) dst(%dma_wait3A_81 : memref<256x128xf32, #tpu.memory_space<hbm>>)
        tpu.yield
      }) : () -> ()
    }
    return
  }
}

#map = affine_map<(d0, d1) -> (0, 0)>
#map1 = affine_map<(d0, d1) -> (0, 0, 0)>
module attributes {stable_mosaic.version = 14 : i64} {
  func.func @k(%arg0: i32, %arg1: i32, %arg2: memref<160000x16xf32, #tpu.memory_space<hbm>>, %arg3: memref<160000x48xf32, #tpu.memory_space<hbm>>, %arg4: memref<625x2x128xi32, #tpu.memory_space<hbm>>, %arg5: memref<10000x16xf32, #tpu.memory_space<hbm>>, %arg6: memref<10000x48xf32, #tpu.memory_space<hbm>>, %arg7: memref<2x10000x16xf32, #tpu.memory_space<hbm>>, %arg8: memref<2x10000x48xf32, #tpu.memory_space<hbm>>, %arg9: memref<2x128xi32, #tpu.memory_space<vmem>>, %arg10: memref<256x16xf32, #tpu.memory_space<vmem>>, %arg11: memref<256x48xf32, #tpu.memory_space<vmem>>, %arg12: memref<10000x16xf32, #tpu.memory_space<vmem_shared>>, %arg13: memref<10000x48xf32, #tpu.memory_space<vmem_shared>>) attributes {dimension_semantics = [#tpu.dimension_semantics<core_parallel>, #tpu.dimension_semantics<subcore_parallel>], iteration_bounds = array<i64: 2, 16>, scalar_prefetch = 0 : i64, scratch_operands = 5 : i64, tpu.core_type = #tpu.core_type<sc_vector_subcore>, window_params = [{transform_indices = #map}, {transform_indices = #map}, {transform_indices = #map1}, {transform_indices = #map}, {transform_indices = #map}, {transform_indices = #map1}, {transform_indices = #map1}]} {
    %mul3A = arith.constant 2 : i32
    %mul3A_0 = arith.muli %arg1, %mul3A : i32
    %add3A = arith.addi %mul3A_0, %arg0 : i32
    %eq3A = arith.constant 0 : i32
    %eq3A_1 = arith.cmpi eq, %arg1, %eq3A : i32
    %convert_element_type3A = arith.extui %eq3A_1 : i1 to i32
    %cond3A = arith.constant 0 : i32
    %cond3A_2 = arith.cmpi ne, %convert_element_type3A, %cond3A : i32
    scf.if %cond3A_2 {
      "tpu.region"() ({
        %run_scoped3A = tpu.sem_alloc : memref<!tpu.dma_semaphore, #tpu.memory_space<semaphore_mem>>
        tpu.enqueue_dma source(%arg5 : memref<10000x16xf32, #tpu.memory_space<hbm>>) target(%arg12 : memref<10000x16xf32, #tpu.memory_space<vmem_shared>>) target_semaphore(%run_scoped3A : memref<!tpu.dma_semaphore, #tpu.memory_space<semaphore_mem>>)
        tpu.wait_dma2 semaphore(%run_scoped3A : memref<!tpu.dma_semaphore, #tpu.memory_space<semaphore_mem>>) src(%arg5 : memref<10000x16xf32, #tpu.memory_space<hbm>>) dst(%arg12 : memref<10000x16xf32, #tpu.memory_space<vmem_shared>>)
        tpu.yield
      }) : () -> ()
      "tpu.region"() ({
        %run_scoped3A = tpu.sem_alloc : memref<!tpu.dma_semaphore, #tpu.memory_space<semaphore_mem>>
        tpu.enqueue_dma source(%arg6 : memref<10000x48xf32, #tpu.memory_space<hbm>>) target(%arg13 : memref<10000x48xf32, #tpu.memory_space<vmem_shared>>) target_semaphore(%run_scoped3A : memref<!tpu.dma_semaphore, #tpu.memory_space<semaphore_mem>>)
        tpu.wait_dma2 semaphore(%run_scoped3A : memref<!tpu.dma_semaphore, #tpu.memory_space<semaphore_mem>>) src(%arg6 : memref<10000x48xf32, #tpu.memory_space<hbm>>) dst(%arg13 : memref<10000x48xf32, #tpu.memory_space<vmem_shared>>)
        tpu.yield
      }) : () -> ()
    } else {
    }
    %barrier3A = arith.constant 0 : index
    tpu.barrier barrier_id(%barrier3A)
    %sub3A = arith.constant 625 : i32
    %sub3A_3 = arith.subi %sub3A, %add3A : i32
    %add3A_4 = arith.constant 31 : i32
    %add3A_5 = arith.addi %sub3A_3, %add3A_4 : i32
    %jit3A = arith.constant 32 : i32
    %div3A = arith.divsi %add3A_5, %jit3A : i32
    %sign3A = arith.constant 0 : i32
    %sign3A_6 = arith.cmpi sgt, %add3A_5, %sign3A : i32
    %sign3A_7 = arith.extui %sign3A_6 : i1 to i32
    %sign3A_8 = arith.constant 0 : i32
    %sign3A_9 = arith.cmpi slt, %add3A_5, %sign3A_8 : i32
    %sign3A_10 = arith.extui %sign3A_9 : i1 to i32
    %sign3A_11 = arith.subi %sign3A_7, %sign3A_10 : i32
    %sign3A_12 = arith.constant 0 : i32
    %sign3A_13 = arith.cmpi sgt, %jit3A, %sign3A_12 : i32
    %sign3A_14 = arith.extui %sign3A_13 : i1 to i32
    %sign3A_15 = arith.constant 0 : i32
    %sign3A_16 = arith.cmpi slt, %jit3A, %sign3A_15 : i32
    %sign3A_17 = arith.extui %sign3A_16 : i1 to i32
    %sign3A_18 = arith.subi %sign3A_14, %sign3A_17 : i32
    %ne3A = arith.cmpi ne, %sign3A_11, %sign3A_18 : i32
    %rem3A = arith.remsi %add3A_5, %jit3A : i32
    %ne3A_19 = arith.constant 0 : i32
    %ne3A_20 = arith.cmpi ne, %rem3A, %ne3A_19 : i32
    %and3A = arith.andi %ne3A, %ne3A_20 : i1
    %sub3A_21 = arith.constant 1 : i32
    %sub3A_22 = arith.subi %div3A, %sub3A_21 : i32
    %select_n3A = arith.select %and3A, %sub3A_22, %div3A : i32
    %while3A = arith.constant 0 : i32
    %while3A_23 = arith.constant 0 : i32
    %while3A_24 = arith.subi %select_n3A, %while3A_23 : i32
    %while3A_25 = arith.addi %while3A_23, %while3A_24 : i32
    %while3A_26 = arith.constant 1 : i32
    %while3A_27 = arith.divsi %while3A_24, %while3A_26 : i32
    %while3A_28 = arith.muli %while3A_27, %while3A_26 : i32
    %while3A_29 = arith.addi %while3A_23, %while3A_28 : i32
    %while3A_30 = arith.constant 1 : i32
    scf.for %while3A_38 = %while3A_23 to %while3A_29 step %while3A_30  : i32 {
      %mul3A_39 = arith.constant 32 : i32
      %mul3A_40 = arith.muli %while3A_38, %mul3A_39 : i32
      %add3A_41 = arith.addi %add3A, %mul3A_40 : i32
      "tpu.region"() ({
        %run_scoped3A_49 = tpu.sem_alloc : memref<!tpu.dma_semaphore, #tpu.memory_space<semaphore_mem>>
        %dma_start3A = arith.constant 0 : i32
        %dma_start3A_50 = arith.constant 0 : i32
        %dma_start3A_51 = tpu.memref_slice %arg4[%add3A_41, %dma_start3A, %dma_start3A_50] : memref<625x2x128xi32, #tpu.memory_space<hbm>> -> memref<1x2x128xi32, #tpu.memory_space<hbm>>
        %dma_start3A_52 = tpu.memref_squeeze %dma_start3A_51 : memref<1x2x128xi32, #tpu.memory_space<hbm>> -> memref<2x128xi32, #tpu.memory_space<hbm>>
        %dma_start3A_53 = arith.constant 0 : i32
        %dma_start3A_54 = arith.constant 0 : i32
        %dma_start3A_55 = tpu.memref_slice %arg4[%add3A_41, %dma_start3A_53, %dma_start3A_54] : memref<625x2x128xi32, #tpu.memory_space<hbm>> -> memref<1x2x128xi32, #tpu.memory_space<hbm>>
        %dma_start3A_56 = tpu.memref_squeeze %dma_start3A_55 : memref<1x2x128xi32, #tpu.memory_space<hbm>> -> memref<2x128xi32, #tpu.memory_space<hbm>>
        tpu.enqueue_dma source(%dma_start3A_56 : memref<2x128xi32, #tpu.memory_space<hbm>>) target(%arg9 : memref<2x128xi32, #tpu.memory_space<vmem>>) target_semaphore(%run_scoped3A_49 : memref<!tpu.dma_semaphore, #tpu.memory_space<semaphore_mem>>)
        %dma_wait3A = arith.constant 0 : i32
        %dma_wait3A_57 = arith.constant 0 : i32
        %dma_wait3A_58 = tpu.memref_slice %arg4[%add3A_41, %dma_wait3A, %dma_wait3A_57] : memref<625x2x128xi32, #tpu.memory_space<hbm>> -> memref<1x2x128xi32, #tpu.memory_space<hbm>>
        %dma_wait3A_59 = tpu.memref_squeeze %dma_wait3A_58 : memref<1x2x128xi32, #tpu.memory_space<hbm>> -> memref<2x128xi32, #tpu.memory_space<hbm>>
        %dma_wait3A_60 = arith.constant 0 : i32
        %dma_wait3A_61 = arith.constant 0 : i32
        %dma_wait3A_62 = tpu.memref_slice %arg4[%add3A_41, %dma_wait3A_60, %dma_wait3A_61] : memref<625x2x128xi32, #tpu.memory_space<hbm>> -> memref<1x2x128xi32, #tpu.memory_space<hbm>>
        %dma_wait3A_63 = tpu.memref_squeeze %dma_wait3A_62 : memref<1x2x128xi32, #tpu.memory_space<hbm>> -> memref<2x128xi32, #tpu.memory_space<hbm>>
        tpu.wait_dma2 semaphore(%run_scoped3A_49 : memref<!tpu.dma_semaphore, #tpu.memory_space<semaphore_mem>>) src(%dma_wait3A_63 : memref<2x128xi32, #tpu.memory_space<hbm>>) dst(%arg9 : memref<2x128xi32, #tpu.memory_space<vmem>>)
        tpu.yield
      }) : () -> ()
      %mul3A_42 = arith.constant 256 : i32
      %mul3A_43 = arith.muli %add3A_41, %mul3A_42 : i32
      "tpu.region"() ({
        %run_scoped3A_49 = tpu.sem_alloc : memref<!tpu.dma_semaphore, #tpu.memory_space<semaphore_mem>>
        %dma_start3A = arith.constant 0 : i32
        %dma_start3A_50 = tpu.memref_slice %arg2[%mul3A_43, %dma_start3A] : memref<160000x16xf32, #tpu.memory_space<hbm>> -> memref<256x16xf32, #tpu.memory_space<hbm>>
        %dma_start3A_51 = arith.constant 0 : i32
        %dma_start3A_52 = tpu.memref_slice %arg2[%mul3A_43, %dma_start3A_51] : memref<160000x16xf32, #tpu.memory_space<hbm>> -> memref<256x16xf32, #tpu.memory_space<hbm>>
        tpu.enqueue_dma source(%dma_start3A_52 : memref<256x16xf32, #tpu.memory_space<hbm>>) target(%arg10 : memref<256x16xf32, #tpu.memory_space<vmem>>) target_semaphore(%run_scoped3A_49 : memref<!tpu.dma_semaphore, #tpu.memory_space<semaphore_mem>>)
        %dma_wait3A = arith.constant 0 : i32
        %dma_wait3A_53 = tpu.memref_slice %arg2[%mul3A_43, %dma_wait3A] : memref<160000x16xf32, #tpu.memory_space<hbm>> -> memref<256x16xf32, #tpu.memory_space<hbm>>
        %dma_wait3A_54 = arith.constant 0 : i32
        %dma_wait3A_55 = tpu.memref_slice %arg2[%mul3A_43, %dma_wait3A_54] : memref<160000x16xf32, #tpu.memory_space<hbm>> -> memref<256x16xf32, #tpu.memory_space<hbm>>
        tpu.wait_dma2 semaphore(%run_scoped3A_49 : memref<!tpu.dma_semaphore, #tpu.memory_space<semaphore_mem>>) src(%dma_wait3A_55 : memref<256x16xf32, #tpu.memory_space<hbm>>) dst(%arg10 : memref<256x16xf32, #tpu.memory_space<vmem>>)
        tpu.yield
      }) : () -> ()
      %mul3A_44 = arith.constant 256 : i32
      %mul3A_45 = arith.muli %add3A_41, %mul3A_44 : i32
      "tpu.region"() ({
        %run_scoped3A_49 = tpu.sem_alloc : memref<!tpu.dma_semaphore, #tpu.memory_space<semaphore_mem>>
        %dma_start3A = arith.constant 0 : i32
        %dma_start3A_50 = tpu.memref_slice %arg3[%mul3A_45, %dma_start3A] : memref<160000x48xf32, #tpu.memory_space<hbm>> -> memref<256x48xf32, #tpu.memory_space<hbm>>
        %dma_start3A_51 = arith.constant 0 : i32
        %dma_start3A_52 = tpu.memref_slice %arg3[%mul3A_45, %dma_start3A_51] : memref<160000x48xf32, #tpu.memory_space<hbm>> -> memref<256x48xf32, #tpu.memory_space<hbm>>
        tpu.enqueue_dma source(%dma_start3A_52 : memref<256x48xf32, #tpu.memory_space<hbm>>) target(%arg11 : memref<256x48xf32, #tpu.memory_space<vmem>>) target_semaphore(%run_scoped3A_49 : memref<!tpu.dma_semaphore, #tpu.memory_space<semaphore_mem>>)
        %dma_wait3A = arith.constant 0 : i32
        %dma_wait3A_53 = tpu.memref_slice %arg3[%mul3A_45, %dma_wait3A] : memref<160000x48xf32, #tpu.memory_space<hbm>> -> memref<256x48xf32, #tpu.memory_space<hbm>>
        %dma_wait3A_54 = arith.constant 0 : i32
        %dma_wait3A_55 = tpu.memref_slice %arg3[%mul3A_45, %dma_wait3A_54] : memref<160000x48xf32, #tpu.memory_space<hbm>> -> memref<256x48xf32, #tpu.memory_space<hbm>>
        tpu.wait_dma2 semaphore(%run_scoped3A_49 : memref<!tpu.dma_semaphore, #tpu.memory_space<semaphore_mem>>) src(%dma_wait3A_55 : memref<256x48xf32, #tpu.memory_space<hbm>>) dst(%arg11 : memref<256x48xf32, #tpu.memory_space<vmem>>)
        tpu.yield
      }) : () -> ()
      %run_scoped3A = arith.constant 0 : i32
      "tpu.region"() ({
        %run_scoped3A_49 = tpu.sem_alloc : memref<!tpu.dma_semaphore, #tpu.memory_space<semaphore_mem>>
        %dma_start3A = arith.constant 0 : i32
        %dma_start3A_50 = arith.constant 0 : i32
        %dma_start3A_51 = tpu.memref_slice %arg10[%dma_start3A, %dma_start3A_50] : memref<256x16xf32, #tpu.memory_space<vmem>> -> memref<128x16xf32, #tpu.memory_space<vmem>>
        %dma_start3A_52 = arith.constant 0 : i32
        %dma_start3A_53 = tpu.memref_slice %arg9[%run_scoped3A, %dma_start3A_52] : memref<2x128xi32, #tpu.memory_space<vmem>> -> memref<1x128xi32, #tpu.memory_space<vmem>>
        %dma_start3A_54 = tpu.memref_squeeze %dma_start3A_53 : memref<1x128xi32, #tpu.memory_space<vmem>> -> memref<128xi32, #tpu.memory_space<vmem>>
        %dma_start3A_55 = arith.constant 0 : i32
        %dma_start3A_56 = arith.constant 0 : i32
        %dma_start3A_57 = tpu.memref_slice %arg12[%dma_start3A_55, %dma_start3A_56] : memref<10000x16xf32, #tpu.memory_space<vmem_shared>> -> memref<10000x16xf32, #tpu.memory_space<vmem_shared>>
        tpu.enqueue_indirect_dma source(%dma_start3A_51 : memref<128x16xf32, #tpu.memory_space<vmem>>) target(%dma_start3A_57 : memref<10000x16xf32, #tpu.memory_space<vmem_shared>>) offsets(%dma_start3A_54 : memref<128xi32, #tpu.memory_space<vmem>>) semaphore(%run_scoped3A_49 : memref<!tpu.dma_semaphore, #tpu.memory_space<semaphore_mem>>) {add = true}
        %dma_wait3A = arith.constant 0 : i32
        %dma_wait3A_58 = arith.constant 0 : i32
        %dma_wait3A_59 = tpu.memref_slice %arg10[%dma_wait3A, %dma_wait3A_58] : memref<256x16xf32, #tpu.memory_space<vmem>> -> memref<128x16xf32, #tpu.memory_space<vmem>>
        %dma_wait3A_60 = arith.constant 0 : i32
        %dma_wait3A_61 = tpu.memref_slice %arg9[%run_scoped3A, %dma_wait3A_60] : memref<2x128xi32, #tpu.memory_space<vmem>> -> memref<1x128xi32, #tpu.memory_space<vmem>>
        %dma_wait3A_62 = tpu.memref_squeeze %dma_wait3A_61 : memref<1x128xi32, #tpu.memory_space<vmem>> -> memref<128xi32, #tpu.memory_space<vmem>>
        %dma_wait3A_63 = arith.constant 0 : i32
        %dma_wait3A_64 = arith.constant 0 : i32
        %dma_wait3A_65 = tpu.memref_slice %arg12[%dma_wait3A_63, %dma_wait3A_64] : memref<10000x16xf32, #tpu.memory_space<vmem_shared>> -> memref<10000x16xf32, #tpu.memory_space<vmem_shared>>
        tpu.wait_indirect_dma semaphore(%run_scoped3A_49 : memref<!tpu.dma_semaphore, #tpu.memory_space<semaphore_mem>>) src(%dma_wait3A_59 : memref<128x16xf32, #tpu.memory_space<vmem>>) dst(%dma_wait3A_65 : memref<10000x16xf32, #tpu.memory_space<vmem_shared>>)
        tpu.yield
      }) : () -> ()
      %run_scoped3A_46 = arith.constant 0 : i32
      "tpu.region"() ({
        %run_scoped3A_49 = tpu.sem_alloc : memref<!tpu.dma_semaphore, #tpu.memory_space<semaphore_mem>>
        %dma_start3A = arith.constant 0 : i32
        %dma_start3A_50 = arith.constant 0 : i32
        %dma_start3A_51 = tpu.memref_slice %arg11[%dma_start3A, %dma_start3A_50] : memref<256x48xf32, #tpu.memory_space<vmem>> -> memref<128x48xf32, #tpu.memory_space<vmem>>
        %dma_start3A_52 = arith.constant 0 : i32
        %dma_start3A_53 = tpu.memref_slice %arg9[%run_scoped3A_46, %dma_start3A_52] : memref<2x128xi32, #tpu.memory_space<vmem>> -> memref<1x128xi32, #tpu.memory_space<vmem>>
        %dma_start3A_54 = tpu.memref_squeeze %dma_start3A_53 : memref<1x128xi32, #tpu.memory_space<vmem>> -> memref<128xi32, #tpu.memory_space<vmem>>
        %dma_start3A_55 = arith.constant 0 : i32
        %dma_start3A_56 = arith.constant 0 : i32
        %dma_start3A_57 = tpu.memref_slice %arg13[%dma_start3A_55, %dma_start3A_56] : memref<10000x48xf32, #tpu.memory_space<vmem_shared>> -> memref<10000x48xf32, #tpu.memory_space<vmem_shared>>
        tpu.enqueue_indirect_dma source(%dma_start3A_51 : memref<128x48xf32, #tpu.memory_space<vmem>>) target(%dma_start3A_57 : memref<10000x48xf32, #tpu.memory_space<vmem_shared>>) offsets(%dma_start3A_54 : memref<128xi32, #tpu.memory_space<vmem>>) semaphore(%run_scoped3A_49 : memref<!tpu.dma_semaphore, #tpu.memory_space<semaphore_mem>>) {add = true}
        %dma_wait3A = arith.constant 0 : i32
        %dma_wait3A_58 = arith.constant 0 : i32
        %dma_wait3A_59 = tpu.memref_slice %arg11[%dma_wait3A, %dma_wait3A_58] : memref<256x48xf32, #tpu.memory_space<vmem>> -> memref<128x48xf32, #tpu.memory_space<vmem>>
        %dma_wait3A_60 = arith.constant 0 : i32
        %dma_wait3A_61 = tpu.memref_slice %arg9[%run_scoped3A_46, %dma_wait3A_60] : memref<2x128xi32, #tpu.memory_space<vmem>> -> memref<1x128xi32, #tpu.memory_space<vmem>>
        %dma_wait3A_62 = tpu.memref_squeeze %dma_wait3A_61 : memref<1x128xi32, #tpu.memory_space<vmem>> -> memref<128xi32, #tpu.memory_space<vmem>>
        %dma_wait3A_63 = arith.constant 0 : i32
        %dma_wait3A_64 = arith.constant 0 : i32
        %dma_wait3A_65 = tpu.memref_slice %arg13[%dma_wait3A_63, %dma_wait3A_64] : memref<10000x48xf32, #tpu.memory_space<vmem_shared>> -> memref<10000x48xf32, #tpu.memory_space<vmem_shared>>
        tpu.wait_indirect_dma semaphore(%run_scoped3A_49 : memref<!tpu.dma_semaphore, #tpu.memory_space<semaphore_mem>>) src(%dma_wait3A_59 : memref<128x48xf32, #tpu.memory_space<vmem>>) dst(%dma_wait3A_65 : memref<10000x48xf32, #tpu.memory_space<vmem_shared>>)
        tpu.yield
      }) : () -> ()
      %run_scoped3A_47 = arith.constant 1 : i32
      "tpu.region"() ({
        %run_scoped3A_49 = tpu.sem_alloc : memref<!tpu.dma_semaphore, #tpu.memory_space<semaphore_mem>>
        %dma_start3A = arith.constant 128 : i32
        %dma_start3A_50 = arith.constant 0 : i32
        %dma_start3A_51 = tpu.memref_slice %arg10[%dma_start3A, %dma_start3A_50] : memref<256x16xf32, #tpu.memory_space<vmem>> -> memref<128x16xf32, #tpu.memory_space<vmem>>
        %dma_start3A_52 = arith.constant 0 : i32
        %dma_start3A_53 = tpu.memref_slice %arg9[%run_scoped3A_47, %dma_start3A_52] : memref<2x128xi32, #tpu.memory_space<vmem>> -> memref<1x128xi32, #tpu.memory_space<vmem>>
        %dma_start3A_54 = tpu.memref_squeeze %dma_start3A_53 : memref<1x128xi32, #tpu.memory_space<vmem>> -> memref<128xi32, #tpu.memory_space<vmem>>
        %dma_start3A_55 = arith.constant 0 : i32
        %dma_start3A_56 = arith.constant 0 : i32
        %dma_start3A_57 = tpu.memref_slice %arg12[%dma_start3A_55, %dma_start3A_56] : memref<10000x16xf32, #tpu.memory_space<vmem_shared>> -> memref<10000x16xf32, #tpu.memory_space<vmem_shared>>
        tpu.enqueue_indirect_dma source(%dma_start3A_51 : memref<128x16xf32, #tpu.memory_space<vmem>>) target(%dma_start3A_57 : memref<10000x16xf32, #tpu.memory_space<vmem_shared>>) offsets(%dma_start3A_54 : memref<128xi32, #tpu.memory_space<vmem>>) semaphore(%run_scoped3A_49 : memref<!tpu.dma_semaphore, #tpu.memory_space<semaphore_mem>>) {add = true}
        %dma_wait3A = arith.constant 128 : i32
        %dma_wait3A_58 = arith.constant 0 : i32
        %dma_wait3A_59 = tpu.memref_slice %arg10[%dma_wait3A, %dma_wait3A_58] : memref<256x16xf32, #tpu.memory_space<vmem>> -> memref<128x16xf32, #tpu.memory_space<vmem>>
        %dma_wait3A_60 = arith.constant 0 : i32
        %dma_wait3A_61 = tpu.memref_slice %arg9[%run_scoped3A_47, %dma_wait3A_60] : memref<2x128xi32, #tpu.memory_space<vmem>> -> memref<1x128xi32, #tpu.memory_space<vmem>>
        %dma_wait3A_62 = tpu.memref_squeeze %dma_wait3A_61 : memref<1x128xi32, #tpu.memory_space<vmem>> -> memref<128xi32, #tpu.memory_space<vmem>>
        %dma_wait3A_63 = arith.constant 0 : i32
        %dma_wait3A_64 = arith.constant 0 : i32
        %dma_wait3A_65 = tpu.memref_slice %arg12[%dma_wait3A_63, %dma_wait3A_64] : memref<10000x16xf32, #tpu.memory_space<vmem_shared>> -> memref<10000x16xf32, #tpu.memory_space<vmem_shared>>
        tpu.wait_indirect_dma semaphore(%run_scoped3A_49 : memref<!tpu.dma_semaphore, #tpu.memory_space<semaphore_mem>>) src(%dma_wait3A_59 : memref<128x16xf32, #tpu.memory_space<vmem>>) dst(%dma_wait3A_65 : memref<10000x16xf32, #tpu.memory_space<vmem_shared>>)
        tpu.yield
      }) : () -> ()
      %run_scoped3A_48 = arith.constant 1 : i32
      "tpu.region"() ({
        %run_scoped3A_49 = tpu.sem_alloc : memref<!tpu.dma_semaphore, #tpu.memory_space<semaphore_mem>>
        %dma_start3A = arith.constant 128 : i32
        %dma_start3A_50 = arith.constant 0 : i32
        %dma_start3A_51 = tpu.memref_slice %arg11[%dma_start3A, %dma_start3A_50] : memref<256x48xf32, #tpu.memory_space<vmem>> -> memref<128x48xf32, #tpu.memory_space<vmem>>
        %dma_start3A_52 = arith.constant 0 : i32
        %dma_start3A_53 = tpu.memref_slice %arg9[%run_scoped3A_48, %dma_start3A_52] : memref<2x128xi32, #tpu.memory_space<vmem>> -> memref<1x128xi32, #tpu.memory_space<vmem>>
        %dma_start3A_54 = tpu.memref_squeeze %dma_start3A_53 : memref<1x128xi32, #tpu.memory_space<vmem>> -> memref<128xi32, #tpu.memory_space<vmem>>
        %dma_start3A_55 = arith.constant 0 : i32
        %dma_start3A_56 = arith.constant 0 : i32
        %dma_start3A_57 = tpu.memref_slice %arg13[%dma_start3A_55, %dma_start3A_56] : memref<10000x48xf32, #tpu.memory_space<vmem_shared>> -> memref<10000x48xf32, #tpu.memory_space<vmem_shared>>
        tpu.enqueue_indirect_dma source(%dma_start3A_51 : memref<128x48xf32, #tpu.memory_space<vmem>>) target(%dma_start3A_57 : memref<10000x48xf32, #tpu.memory_space<vmem_shared>>) offsets(%dma_start3A_54 : memref<128xi32, #tpu.memory_space<vmem>>) semaphore(%run_scoped3A_49 : memref<!tpu.dma_semaphore, #tpu.memory_space<semaphore_mem>>) {add = true}
        %dma_wait3A = arith.constant 128 : i32
        %dma_wait3A_58 = arith.constant 0 : i32
        %dma_wait3A_59 = tpu.memref_slice %arg11[%dma_wait3A, %dma_wait3A_58] : memref<256x48xf32, #tpu.memory_space<vmem>> -> memref<128x48xf32, #tpu.memory_space<vmem>>
        %dma_wait3A_60 = arith.constant 0 : i32
        %dma_wait3A_61 = tpu.memref_slice %arg9[%run_scoped3A_48, %dma_wait3A_60] : memref<2x128xi32, #tpu.memory_space<vmem>> -> memref<1x128xi32, #tpu.memory_space<vmem>>
        %dma_wait3A_62 = tpu.memref_squeeze %dma_wait3A_61 : memref<1x128xi32, #tpu.memory_space<vmem>> -> memref<128xi32, #tpu.memory_space<vmem>>
        %dma_wait3A_63 = arith.constant 0 : i32
        %dma_wait3A_64 = arith.constant 0 : i32
        %dma_wait3A_65 = tpu.memref_slice %arg13[%dma_wait3A_63, %dma_wait3A_64] : memref<10000x48xf32, #tpu.memory_space<vmem_shared>> -> memref<10000x48xf32, #tpu.memory_space<vmem_shared>>
        tpu.wait_indirect_dma semaphore(%run_scoped3A_49 : memref<!tpu.dma_semaphore, #tpu.memory_space<semaphore_mem>>) src(%dma_wait3A_59 : memref<128x48xf32, #tpu.memory_space<vmem>>) dst(%dma_wait3A_65 : memref<10000x48xf32, #tpu.memory_space<vmem_shared>>)
        tpu.yield
      }) : () -> ()
    }
    %while3A_31 = arith.constant 1 : i32
    scf.for %while3A_38 = %while3A_29 to %while3A_25 step %while3A_31  : i32 {
      %mul3A_39 = arith.constant 32 : i32
      %mul3A_40 = arith.muli %while3A_38, %mul3A_39 : i32
      %add3A_41 = arith.addi %add3A, %mul3A_40 : i32
      "tpu.region"() ({
        %run_scoped3A_49 = tpu.sem_alloc : memref<!tpu.dma_semaphore, #tpu.memory_space<semaphore_mem>>
        %dma_start3A = arith.constant 0 : i32
        %dma_start3A_50 = arith.constant 0 : i32
        %dma_start3A_51 = tpu.memref_slice %arg4[%add3A_41, %dma_start3A, %dma_start3A_50] : memref<625x2x128xi32, #tpu.memory_space<hbm>> -> memref<1x2x128xi32, #tpu.memory_space<hbm>>
        %dma_start3A_52 = tpu.memref_squeeze %dma_start3A_51 : memref<1x2x128xi32, #tpu.memory_space<hbm>> -> memref<2x128xi32, #tpu.memory_space<hbm>>
        %dma_start3A_53 = arith.constant 0 : i32
        %dma_start3A_54 = arith.constant 0 : i32
        %dma_start3A_55 = tpu.memref_slice %arg4[%add3A_41, %dma_start3A_53, %dma_start3A_54] : memref<625x2x128xi32, #tpu.memory_space<hbm>> -> memref<1x2x128xi32, #tpu.memory_space<hbm>>
        %dma_start3A_56 = tpu.memref_squeeze %dma_start3A_55 : memref<1x2x128xi32, #tpu.memory_space<hbm>> -> memref<2x128xi32, #tpu.memory_space<hbm>>
        tpu.enqueue_dma source(%dma_start3A_56 : memref<2x128xi32, #tpu.memory_space<hbm>>) target(%arg9 : memref<2x128xi32, #tpu.memory_space<vmem>>) target_semaphore(%run_scoped3A_49 : memref<!tpu.dma_semaphore, #tpu.memory_space<semaphore_mem>>)
        %dma_wait3A = arith.constant 0 : i32
        %dma_wait3A_57 = arith.constant 0 : i32
        %dma_wait3A_58 = tpu.memref_slice %arg4[%add3A_41, %dma_wait3A, %dma_wait3A_57] : memref<625x2x128xi32, #tpu.memory_space<hbm>> -> memref<1x2x128xi32, #tpu.memory_space<hbm>>
        %dma_wait3A_59 = tpu.memref_squeeze %dma_wait3A_58 : memref<1x2x128xi32, #tpu.memory_space<hbm>> -> memref<2x128xi32, #tpu.memory_space<hbm>>
        %dma_wait3A_60 = arith.constant 0 : i32
        %dma_wait3A_61 = arith.constant 0 : i32
        %dma_wait3A_62 = tpu.memref_slice %arg4[%add3A_41, %dma_wait3A_60, %dma_wait3A_61] : memref<625x2x128xi32, #tpu.memory_space<hbm>> -> memref<1x2x128xi32, #tpu.memory_space<hbm>>
        %dma_wait3A_63 = tpu.memref_squeeze %dma_wait3A_62 : memref<1x2x128xi32, #tpu.memory_space<hbm>> -> memref<2x128xi32, #tpu.memory_space<hbm>>
        tpu.wait_dma2 semaphore(%run_scoped3A_49 : memref<!tpu.dma_semaphore, #tpu.memory_space<semaphore_mem>>) src(%dma_wait3A_63 : memref<2x128xi32, #tpu.memory_space<hbm>>) dst(%arg9 : memref<2x128xi32, #tpu.memory_space<vmem>>)
        tpu.yield
      }) : () -> ()
      %mul3A_42 = arith.constant 256 : i32
      %mul3A_43 = arith.muli %add3A_41, %mul3A_42 : i32
      "tpu.region"() ({
        %run_scoped3A_49 = tpu.sem_alloc : memref<!tpu.dma_semaphore, #tpu.memory_space<semaphore_mem>>
        %dma_start3A = arith.constant 0 : i32
        %dma_start3A_50 = tpu.memref_slice %arg2[%mul3A_43, %dma_start3A] : memref<160000x16xf32, #tpu.memory_space<hbm>> -> memref<256x16xf32, #tpu.memory_space<hbm>>
        %dma_start3A_51 = arith.constant 0 : i32
        %dma_start3A_52 = tpu.memref_slice %arg2[%mul3A_43, %dma_start3A_51] : memref<160000x16xf32, #tpu.memory_space<hbm>> -> memref<256x16xf32, #tpu.memory_space<hbm>>
        tpu.enqueue_dma source(%dma_start3A_52 : memref<256x16xf32, #tpu.memory_space<hbm>>) target(%arg10 : memref<256x16xf32, #tpu.memory_space<vmem>>) target_semaphore(%run_scoped3A_49 : memref<!tpu.dma_semaphore, #tpu.memory_space<semaphore_mem>>)
        %dma_wait3A = arith.constant 0 : i32
        %dma_wait3A_53 = tpu.memref_slice %arg2[%mul3A_43, %dma_wait3A] : memref<160000x16xf32, #tpu.memory_space<hbm>> -> memref<256x16xf32, #tpu.memory_space<hbm>>
        %dma_wait3A_54 = arith.constant 0 : i32
        %dma_wait3A_55 = tpu.memref_slice %arg2[%mul3A_43, %dma_wait3A_54] : memref<160000x16xf32, #tpu.memory_space<hbm>> -> memref<256x16xf32, #tpu.memory_space<hbm>>
        tpu.wait_dma2 semaphore(%run_scoped3A_49 : memref<!tpu.dma_semaphore, #tpu.memory_space<semaphore_mem>>) src(%dma_wait3A_55 : memref<256x16xf32, #tpu.memory_space<hbm>>) dst(%arg10 : memref<256x16xf32, #tpu.memory_space<vmem>>)
        tpu.yield
      }) : () -> ()
      %mul3A_44 = arith.constant 256 : i32
      %mul3A_45 = arith.muli %add3A_41, %mul3A_44 : i32
      "tpu.region"() ({
        %run_scoped3A_49 = tpu.sem_alloc : memref<!tpu.dma_semaphore, #tpu.memory_space<semaphore_mem>>
        %dma_start3A = arith.constant 0 : i32
        %dma_start3A_50 = tpu.memref_slice %arg3[%mul3A_45, %dma_start3A] : memref<160000x48xf32, #tpu.memory_space<hbm>> -> memref<256x48xf32, #tpu.memory_space<hbm>>
        %dma_start3A_51 = arith.constant 0 : i32
        %dma_start3A_52 = tpu.memref_slice %arg3[%mul3A_45, %dma_start3A_51] : memref<160000x48xf32, #tpu.memory_space<hbm>> -> memref<256x48xf32, #tpu.memory_space<hbm>>
        tpu.enqueue_dma source(%dma_start3A_52 : memref<256x48xf32, #tpu.memory_space<hbm>>) target(%arg11 : memref<256x48xf32, #tpu.memory_space<vmem>>) target_semaphore(%run_scoped3A_49 : memref<!tpu.dma_semaphore, #tpu.memory_space<semaphore_mem>>)
        %dma_wait3A = arith.constant 0 : i32
        %dma_wait3A_53 = tpu.memref_slice %arg3[%mul3A_45, %dma_wait3A] : memref<160000x48xf32, #tpu.memory_space<hbm>> -> memref<256x48xf32, #tpu.memory_space<hbm>>
        %dma_wait3A_54 = arith.constant 0 : i32
        %dma_wait3A_55 = tpu.memref_slice %arg3[%mul3A_45, %dma_wait3A_54] : memref<160000x48xf32, #tpu.memory_space<hbm>> -> memref<256x48xf32, #tpu.memory_space<hbm>>
        tpu.wait_dma2 semaphore(%run_scoped3A_49 : memref<!tpu.dma_semaphore, #tpu.memory_space<semaphore_mem>>) src(%dma_wait3A_55 : memref<256x48xf32, #tpu.memory_space<hbm>>) dst(%arg11 : memref<256x48xf32, #tpu.memory_space<vmem>>)
        tpu.yield
      }) : () -> ()
      %run_scoped3A = arith.constant 0 : i32
      "tpu.region"() ({
        %run_scoped3A_49 = tpu.sem_alloc : memref<!tpu.dma_semaphore, #tpu.memory_space<semaphore_mem>>
        %dma_start3A = arith.constant 0 : i32
        %dma_start3A_50 = arith.constant 0 : i32
        %dma_start3A_51 = tpu.memref_slice %arg10[%dma_start3A, %dma_start3A_50] : memref<256x16xf32, #tpu.memory_space<vmem>> -> memref<128x16xf32, #tpu.memory_space<vmem>>
        %dma_start3A_52 = arith.constant 0 : i32
        %dma_start3A_53 = tpu.memref_slice %arg9[%run_scoped3A, %dma_start3A_52] : memref<2x128xi32, #tpu.memory_space<vmem>> -> memref<1x128xi32, #tpu.memory_space<vmem>>
        %dma_start3A_54 = tpu.memref_squeeze %dma_start3A_53 : memref<1x128xi32, #tpu.memory_space<vmem>> -> memref<128xi32, #tpu.memory_space<vmem>>
        %dma_start3A_55 = arith.constant 0 : i32
        %dma_start3A_56 = arith.constant 0 : i32
        %dma_start3A_57 = tpu.memref_slice %arg12[%dma_start3A_55, %dma_start3A_56] : memref<10000x16xf32, #tpu.memory_space<vmem_shared>> -> memref<10000x16xf32, #tpu.memory_space<vmem_shared>>
        tpu.enqueue_indirect_dma source(%dma_start3A_51 : memref<128x16xf32, #tpu.memory_space<vmem>>) target(%dma_start3A_57 : memref<10000x16xf32, #tpu.memory_space<vmem_shared>>) offsets(%dma_start3A_54 : memref<128xi32, #tpu.memory_space<vmem>>) semaphore(%run_scoped3A_49 : memref<!tpu.dma_semaphore, #tpu.memory_space<semaphore_mem>>) {add = true}
        %dma_wait3A = arith.constant 0 : i32
        %dma_wait3A_58 = arith.constant 0 : i32
        %dma_wait3A_59 = tpu.memref_slice %arg10[%dma_wait3A, %dma_wait3A_58] : memref<256x16xf32, #tpu.memory_space<vmem>> -> memref<128x16xf32, #tpu.memory_space<vmem>>
        %dma_wait3A_60 = arith.constant 0 : i32
        %dma_wait3A_61 = tpu.memref_slice %arg9[%run_scoped3A, %dma_wait3A_60] : memref<2x128xi32, #tpu.memory_space<vmem>> -> memref<1x128xi32, #tpu.memory_space<vmem>>
        %dma_wait3A_62 = tpu.memref_squeeze %dma_wait3A_61 : memref<1x128xi32, #tpu.memory_space<vmem>> -> memref<128xi32, #tpu.memory_space<vmem>>
        %dma_wait3A_63 = arith.constant 0 : i32
        %dma_wait3A_64 = arith.constant 0 : i32
        %dma_wait3A_65 = tpu.memref_slice %arg12[%dma_wait3A_63, %dma_wait3A_64] : memref<10000x16xf32, #tpu.memory_space<vmem_shared>> -> memref<10000x16xf32, #tpu.memory_space<vmem_shared>>
        tpu.wait_indirect_dma semaphore(%run_scoped3A_49 : memref<!tpu.dma_semaphore, #tpu.memory_space<semaphore_mem>>) src(%dma_wait3A_59 : memref<128x16xf32, #tpu.memory_space<vmem>>) dst(%dma_wait3A_65 : memref<10000x16xf32, #tpu.memory_space<vmem_shared>>)
        tpu.yield
      }) : () -> ()
      %run_scoped3A_46 = arith.constant 0 : i32
      "tpu.region"() ({
        %run_scoped3A_49 = tpu.sem_alloc : memref<!tpu.dma_semaphore, #tpu.memory_space<semaphore_mem>>
        %dma_start3A = arith.constant 0 : i32
        %dma_start3A_50 = arith.constant 0 : i32
        %dma_start3A_51 = tpu.memref_slice %arg11[%dma_start3A, %dma_start3A_50] : memref<256x48xf32, #tpu.memory_space<vmem>> -> memref<128x48xf32, #tpu.memory_space<vmem>>
        %dma_start3A_52 = arith.constant 0 : i32
        %dma_start3A_53 = tpu.memref_slice %arg9[%run_scoped3A_46, %dma_start3A_52] : memref<2x128xi32, #tpu.memory_space<vmem>> -> memref<1x128xi32, #tpu.memory_space<vmem>>
        %dma_start3A_54 = tpu.memref_squeeze %dma_start3A_53 : memref<1x128xi32, #tpu.memory_space<vmem>> -> memref<128xi32, #tpu.memory_space<vmem>>
        %dma_start3A_55 = arith.constant 0 : i32
        %dma_start3A_56 = arith.constant 0 : i32
        %dma_start3A_57 = tpu.memref_slice %arg13[%dma_start3A_55, %dma_start3A_56] : memref<10000x48xf32, #tpu.memory_space<vmem_shared>> -> memref<10000x48xf32, #tpu.memory_space<vmem_shared>>
        tpu.enqueue_indirect_dma source(%dma_start3A_51 : memref<128x48xf32, #tpu.memory_space<vmem>>) target(%dma_start3A_57 : memref<10000x48xf32, #tpu.memory_space<vmem_shared>>) offsets(%dma_start3A_54 : memref<128xi32, #tpu.memory_space<vmem>>) semaphore(%run_scoped3A_49 : memref<!tpu.dma_semaphore, #tpu.memory_space<semaphore_mem>>) {add = true}
        %dma_wait3A = arith.constant 0 : i32
        %dma_wait3A_58 = arith.constant 0 : i32
        %dma_wait3A_59 = tpu.memref_slice %arg11[%dma_wait3A, %dma_wait3A_58] : memref<256x48xf32, #tpu.memory_space<vmem>> -> memref<128x48xf32, #tpu.memory_space<vmem>>
        %dma_wait3A_60 = arith.constant 0 : i32
        %dma_wait3A_61 = tpu.memref_slice %arg9[%run_scoped3A_46, %dma_wait3A_60] : memref<2x128xi32, #tpu.memory_space<vmem>> -> memref<1x128xi32, #tpu.memory_space<vmem>>
        %dma_wait3A_62 = tpu.memref_squeeze %dma_wait3A_61 : memref<1x128xi32, #tpu.memory_space<vmem>> -> memref<128xi32, #tpu.memory_space<vmem>>
        %dma_wait3A_63 = arith.constant 0 : i32
        %dma_wait3A_64 = arith.constant 0 : i32
        %dma_wait3A_65 = tpu.memref_slice %arg13[%dma_wait3A_63, %dma_wait3A_64] : memref<10000x48xf32, #tpu.memory_space<vmem_shared>> -> memref<10000x48xf32, #tpu.memory_space<vmem_shared>>
        tpu.wait_indirect_dma semaphore(%run_scoped3A_49 : memref<!tpu.dma_semaphore, #tpu.memory_space<semaphore_mem>>) src(%dma_wait3A_59 : memref<128x48xf32, #tpu.memory_space<vmem>>) dst(%dma_wait3A_65 : memref<10000x48xf32, #tpu.memory_space<vmem_shared>>)
        tpu.yield
      }) : () -> ()
      %run_scoped3A_47 = arith.constant 1 : i32
      "tpu.region"() ({
        %run_scoped3A_49 = tpu.sem_alloc : memref<!tpu.dma_semaphore, #tpu.memory_space<semaphore_mem>>
        %dma_start3A = arith.constant 128 : i32
        %dma_start3A_50 = arith.constant 0 : i32
        %dma_start3A_51 = tpu.memref_slice %arg10[%dma_start3A, %dma_start3A_50] : memref<256x16xf32, #tpu.memory_space<vmem>> -> memref<128x16xf32, #tpu.memory_space<vmem>>
        %dma_start3A_52 = arith.constant 0 : i32
        %dma_start3A_53 = tpu.memref_slice %arg9[%run_scoped3A_47, %dma_start3A_52] : memref<2x128xi32, #tpu.memory_space<vmem>> -> memref<1x128xi32, #tpu.memory_space<vmem>>
        %dma_start3A_54 = tpu.memref_squeeze %dma_start3A_53 : memref<1x128xi32, #tpu.memory_space<vmem>> -> memref<128xi32, #tpu.memory_space<vmem>>
        %dma_start3A_55 = arith.constant 0 : i32
        %dma_start3A_56 = arith.constant 0 : i32
        %dma_start3A_57 = tpu.memref_slice %arg12[%dma_start3A_55, %dma_start3A_56] : memref<10000x16xf32, #tpu.memory_space<vmem_shared>> -> memref<10000x16xf32, #tpu.memory_space<vmem_shared>>
        tpu.enqueue_indirect_dma source(%dma_start3A_51 : memref<128x16xf32, #tpu.memory_space<vmem>>) target(%dma_start3A_57 : memref<10000x16xf32, #tpu.memory_space<vmem_shared>>) offsets(%dma_start3A_54 : memref<128xi32, #tpu.memory_space<vmem>>) semaphore(%run_scoped3A_49 : memref<!tpu.dma_semaphore, #tpu.memory_space<semaphore_mem>>) {add = true}
        %dma_wait3A = arith.constant 128 : i32
        %dma_wait3A_58 = arith.constant 0 : i32
        %dma_wait3A_59 = tpu.memref_slice %arg10[%dma_wait3A, %dma_wait3A_58] : memref<256x16xf32, #tpu.memory_space<vmem>> -> memref<128x16xf32, #tpu.memory_space<vmem>>
        %dma_wait3A_60 = arith.constant 0 : i32
        %dma_wait3A_61 = tpu.memref_slice %arg9[%run_scoped3A_47, %dma_wait3A_60] : memref<2x128xi32, #tpu.memory_space<vmem>> -> memref<1x128xi32, #tpu.memory_space<vmem>>
        %dma_wait3A_62 = tpu.memref_squeeze %dma_wait3A_61 : memref<1x128xi32, #tpu.memory_space<vmem>> -> memref<128xi32, #tpu.memory_space<vmem>>
        %dma_wait3A_63 = arith.constant 0 : i32
        %dma_wait3A_64 = arith.constant 0 : i32
        %dma_wait3A_65 = tpu.memref_slice %arg12[%dma_wait3A_63, %dma_wait3A_64] : memref<10000x16xf32, #tpu.memory_space<vmem_shared>> -> memref<10000x16xf32, #tpu.memory_space<vmem_shared>>
        tpu.wait_indirect_dma semaphore(%run_scoped3A_49 : memref<!tpu.dma_semaphore, #tpu.memory_space<semaphore_mem>>) src(%dma_wait3A_59 : memref<128x16xf32, #tpu.memory_space<vmem>>) dst(%dma_wait3A_65 : memref<10000x16xf32, #tpu.memory_space<vmem_shared>>)
        tpu.yield
      }) : () -> ()
      %run_scoped3A_48 = arith.constant 1 : i32
      "tpu.region"() ({
        %run_scoped3A_49 = tpu.sem_alloc : memref<!tpu.dma_semaphore, #tpu.memory_space<semaphore_mem>>
        %dma_start3A = arith.constant 128 : i32
        %dma_start3A_50 = arith.constant 0 : i32
        %dma_start3A_51 = tpu.memref_slice %arg11[%dma_start3A, %dma_start3A_50] : memref<256x48xf32, #tpu.memory_space<vmem>> -> memref<128x48xf32, #tpu.memory_space<vmem>>
        %dma_start3A_52 = arith.constant 0 : i32
        %dma_start3A_53 = tpu.memref_slice %arg9[%run_scoped3A_48, %dma_start3A_52] : memref<2x128xi32, #tpu.memory_space<vmem>> -> memref<1x128xi32, #tpu.memory_space<vmem>>
        %dma_start3A_54 = tpu.memref_squeeze %dma_start3A_53 : memref<1x128xi32, #tpu.memory_space<vmem>> -> memref<128xi32, #tpu.memory_space<vmem>>
        %dma_start3A_55 = arith.constant 0 : i32
        %dma_start3A_56 = arith.constant 0 : i32
        %dma_start3A_57 = tpu.memref_slice %arg13[%dma_start3A_55, %dma_start3A_56] : memref<10000x48xf32, #tpu.memory_space<vmem_shared>> -> memref<10000x48xf32, #tpu.memory_space<vmem_shared>>
        tpu.enqueue_indirect_dma source(%dma_start3A_51 : memref<128x48xf32, #tpu.memory_space<vmem>>) target(%dma_start3A_57 : memref<10000x48xf32, #tpu.memory_space<vmem_shared>>) offsets(%dma_start3A_54 : memref<128xi32, #tpu.memory_space<vmem>>) semaphore(%run_scoped3A_49 : memref<!tpu.dma_semaphore, #tpu.memory_space<semaphore_mem>>) {add = true}
        %dma_wait3A = arith.constant 128 : i32
        %dma_wait3A_58 = arith.constant 0 : i32
        %dma_wait3A_59 = tpu.memref_slice %arg11[%dma_wait3A, %dma_wait3A_58] : memref<256x48xf32, #tpu.memory_space<vmem>> -> memref<128x48xf32, #tpu.memory_space<vmem>>
        %dma_wait3A_60 = arith.constant 0 : i32
        %dma_wait3A_61 = tpu.memref_slice %arg9[%run_scoped3A_48, %dma_wait3A_60] : memref<2x128xi32, #tpu.memory_space<vmem>> -> memref<1x128xi32, #tpu.memory_space<vmem>>
        %dma_wait3A_62 = tpu.memref_squeeze %dma_wait3A_61 : memref<1x128xi32, #tpu.memory_space<vmem>> -> memref<128xi32, #tpu.memory_space<vmem>>
        %dma_wait3A_63 = arith.constant 0 : i32
        %dma_wait3A_64 = arith.constant 0 : i32
        %dma_wait3A_65 = tpu.memref_slice %arg13[%dma_wait3A_63, %dma_wait3A_64] : memref<10000x48xf32, #tpu.memory_space<vmem_shared>> -> memref<10000x48xf32, #tpu.memory_space<vmem_shared>>
        tpu.wait_indirect_dma semaphore(%run_scoped3A_49 : memref<!tpu.dma_semaphore, #tpu.memory_space<semaphore_mem>>) src(%dma_wait3A_59 : memref<128x48xf32, #tpu.memory_space<vmem>>) dst(%dma_wait3A_65 : memref<10000x48xf32, #tpu.memory_space<vmem_shared>>)
        tpu.yield
      }) : () -> ()
    }
    %barrier3A_32 = arith.constant 0 : index
    tpu.barrier barrier_id(%barrier3A_32)
    %eq3A_33 = arith.constant 0 : i32
    %eq3A_34 = arith.cmpi eq, %arg1, %eq3A_33 : i32
    %convert_element_type3A_35 = arith.extui %eq3A_34 : i1 to i32
    %cond3A_36 = arith.constant 0 : i32
    %cond3A_37 = arith.cmpi ne, %convert_element_type3A_35, %cond3A_36 : i32
    scf.if %cond3A_37 {
      "tpu.region"() ({
        %run_scoped3A = tpu.sem_alloc : memref<!tpu.dma_semaphore, #tpu.memory_space<semaphore_mem>>
        %dma_start3A = arith.constant 0 : i32
        %dma_start3A_38 = arith.constant 0 : i32
        %dma_start3A_39 = tpu.memref_slice %arg7[%arg0, %dma_start3A, %dma_start3A_38] : memref<2x10000x16xf32, #tpu.memory_space<hbm>> -> memref<1x10000x16xf32, #tpu.memory_space<hbm>>
        %dma_start3A_40 = tpu.memref_squeeze %dma_start3A_39 : memref<1x10000x16xf32, #tpu.memory_space<hbm>> -> memref<10000x16xf32, #tpu.memory_space<hbm>>
        tpu.enqueue_dma source(%arg12 : memref<10000x16xf32, #tpu.memory_space<vmem_shared>>) target(%dma_start3A_40 : memref<10000x16xf32, #tpu.memory_space<hbm>>) target_semaphore(%run_scoped3A : memref<!tpu.dma_semaphore, #tpu.memory_space<semaphore_mem>>)
        %dma_wait3A = arith.constant 0 : i32
        %dma_wait3A_41 = arith.constant 0 : i32
        %dma_wait3A_42 = tpu.memref_slice %arg7[%arg0, %dma_wait3A, %dma_wait3A_41] : memref<2x10000x16xf32, #tpu.memory_space<hbm>> -> memref<1x10000x16xf32, #tpu.memory_space<hbm>>
        %dma_wait3A_43 = tpu.memref_squeeze %dma_wait3A_42 : memref<1x10000x16xf32, #tpu.memory_space<hbm>> -> memref<10000x16xf32, #tpu.memory_space<hbm>>
        tpu.wait_dma2 semaphore(%run_scoped3A : memref<!tpu.dma_semaphore, #tpu.memory_space<semaphore_mem>>) src(%arg12 : memref<10000x16xf32, #tpu.memory_space<vmem_shared>>) dst(%dma_wait3A_43 : memref<10000x16xf32, #tpu.memory_space<hbm>>)
        tpu.yield
      }) : () -> ()
      "tpu.region"() ({
        %run_scoped3A = tpu.sem_alloc : memref<!tpu.dma_semaphore, #tpu.memory_space<semaphore_mem>>
        %dma_start3A = arith.constant 0 : i32
        %dma_start3A_38 = arith.constant 0 : i32
        %dma_start3A_39 = tpu.memref_slice %arg8[%arg0, %dma_start3A, %dma_start3A_38] : memref<2x10000x48xf32, #tpu.memory_space<hbm>> -> memref<1x10000x48xf32, #tpu.memory_space<hbm>>
        %dma_start3A_40 = tpu.memref_squeeze %dma_start3A_39 : memref<1x10000x48xf32, #tpu.memory_space<hbm>> -> memref<10000x48xf32, #tpu.memory_space<hbm>>
        tpu.enqueue_dma source(%arg13 : memref<10000x48xf32, #tpu.memory_space<vmem_shared>>) target(%dma_start3A_40 : memref<10000x48xf32, #tpu.memory_space<hbm>>) target_semaphore(%run_scoped3A : memref<!tpu.dma_semaphore, #tpu.memory_space<semaphore_mem>>)
        %dma_wait3A = arith.constant 0 : i32
        %dma_wait3A_41 = arith.constant 0 : i32
        %dma_wait3A_42 = tpu.memref_slice %arg8[%arg0, %dma_wait3A, %dma_wait3A_41] : memref<2x10000x48xf32, #tpu.memory_space<hbm>> -> memref<1x10000x48xf32, #tpu.memory_space<hbm>>
        %dma_wait3A_43 = tpu.memref_squeeze %dma_wait3A_42 : memref<1x10000x48xf32, #tpu.memory_space<hbm>> -> memref<10000x48xf32, #tpu.memory_space<hbm>>
        tpu.wait_dma2 semaphore(%run_scoped3A : memref<!tpu.dma_semaphore, #tpu.memory_space<semaphore_mem>>) src(%arg13 : memref<10000x48xf32, #tpu.memory_space<vmem_shared>>) dst(%dma_wait3A_43 : memref<10000x48xf32, #tpu.memory_space<hbm>>)
        tpu.yield
      }) : () -> ()
    } else {
    }
    return
  }
}

module attributes {stable_mosaic.version = 14 : i64} {
  func.func @_mlp128_body(%arg0: i32, %arg1: memref<2000x128xf32, #tpu.memory_space<vmem>>, %arg2: memref<128x128xf32, #tpu.memory_space<vmem>>, %arg3: memref<1x128xf32, #tpu.memory_space<vmem>>, %arg4: memref<1x128xf32, #tpu.memory_space<vmem>>, %arg5: memref<1x128xf32, #tpu.memory_space<vmem>>, %arg6: memref<128x128xf32, #tpu.memory_space<vmem>>, %arg7: memref<1x128xf32, #tpu.memory_space<vmem>>, %arg8: memref<2000x128xf32, #tpu.memory_space<vmem>>) attributes {dimension_semantics = [#tpu.dimension_semantics<arbitrary>], iteration_bounds = array<i64: 5>, scalar_prefetch = 0 : i64, scratch_operands = 0 : i64, tpu.core_type = #tpu.core_type<tc>, window_params = [{transform_indices = @transform_0, window_bounds = array<i64: 2000, 128>}, {pipeline_mode = #tpu.pipeline_mode<synchronous>, transform_indices = @transform_1, window_bounds = array<i64: 128, 128>}, {pipeline_mode = #tpu.pipeline_mode<synchronous>, transform_indices = @transform_2, window_bounds = array<i64: 1, 128>}, {pipeline_mode = #tpu.pipeline_mode<synchronous>, transform_indices = @transform_3, window_bounds = array<i64: 1, 128>}, {pipeline_mode = #tpu.pipeline_mode<synchronous>, transform_indices = @transform_4, window_bounds = array<i64: 1, 128>}, {pipeline_mode = #tpu.pipeline_mode<synchronous>, transform_indices = @transform_5, window_bounds = array<i64: 128, 128>}, {pipeline_mode = #tpu.pipeline_mode<synchronous>, transform_indices = @transform_6, window_bounds = array<i64: 1, 128>}, {transform_indices = @transform_7, window_bounds = array<i64: 2000, 128>}]} {
    %get3A = arith.constant 0 : index
    %get3A_0 = arith.constant 0 : index
    %get3A_1 = vector.load %arg1[%get3A, %get3A_0] : memref<2000x128xf32, #tpu.memory_space<vmem>>, vector<2000x128xf32>
    %get3A_2 = arith.constant 0 : index
    %get3A_3 = arith.constant 0 : index
    %get3A_4 = vector.load %arg2[%get3A_2, %get3A_3] : memref<128x128xf32, #tpu.memory_space<vmem>>, vector<128x128xf32>
    %dot_general3A = arith.constant dense<0.000000e+00> : vector<2000x128xf32>
    %dot_general3A_5 = tpu.matmul %get3A_1, %get3A_4, %dot_general3A {dimension_numbers = #tpu.dot_dimension_numbers<[1], [0], [0], [1], [0, 0, 1, 1], [], []>, transpose_lhs_hint = false} : vector<2000x128xf32>, vector<128x128xf32>, vector<2000x128xf32> -> vector<2000x128xf32>
    %get3A_6 = arith.constant 0 : index
    %get3A_7 = arith.constant 0 : index
    %get3A_8 = vector.load %arg3[%get3A_6, %get3A_7] : memref<1x128xf32, #tpu.memory_space<vmem>>, vector<1x128xf32>
    %add3A = vector.broadcast %get3A_8 : vector<1x128xf32> to vector<2000x128xf32>
    %add3A_9 = arith.addf %dot_general3A_5, %add3A : vector<2000x128xf32>
    %get3A_10 = arith.constant 0 : index
    %get3A_11 = arith.constant 0 : index
    %get3A_12 = vector.load %arg4[%get3A_10, %get3A_11] : memref<1x128xf32, #tpu.memory_space<vmem>>, vector<1x128xf32>
    %get3A_13 = arith.constant 0 : index
    %get3A_14 = arith.constant 0 : index
    %get3A_15 = vector.load %arg5[%get3A_13, %get3A_14] : memref<1x128xf32, #tpu.memory_space<vmem>>, vector<1x128xf32>
    %reduce_sum3A = arith.constant dense<0.000000e+00> : vector<2000xf32>
    %reduce_sum3A_16 = vector.multi_reduction <add>, %add3A_9, %reduce_sum3A [1] : vector<2000x128xf32> to vector<2000xf32>
    %broadcast_in_dim3A = vector.shape_cast %reduce_sum3A_16 : vector<2000xf32> to vector<2000x1xf32>
    %div3A = arith.constant 1.280000e+02 : f32
    %div3A_17 = vector.broadcast %div3A : f32 to vector<2000x1xf32>
    %div3A_18 = arith.divf %broadcast_in_dim3A, %div3A_17 : vector<2000x1xf32>
    %sub3A = vector.broadcast %div3A_18 : vector<2000x1xf32> to vector<2000x128xf32>
    %sub3A_19 = arith.subf %add3A_9, %sub3A : vector<2000x128xf32>
    %integer_pow3A = arith.mulf %sub3A_19, %sub3A_19 : vector<2000x128xf32>
    %reduce_sum3A_20 = arith.constant dense<0.000000e+00> : vector<2000xf32>
    %reduce_sum3A_21 = vector.multi_reduction <add>, %integer_pow3A, %reduce_sum3A_20 [1] : vector<2000x128xf32> to vector<2000xf32>
    %broadcast_in_dim3A_22 = vector.shape_cast %reduce_sum3A_21 : vector<2000xf32> to vector<2000x1xf32>
    %div3A_23 = arith.constant 1.280000e+02 : f32
    %div3A_24 = vector.broadcast %div3A_23 : f32 to vector<2000x1xf32>
    %div3A_25 = arith.divf %broadcast_in_dim3A_22, %div3A_24 : vector<2000x1xf32>
    %sub3A_26 = vector.broadcast %div3A_18 : vector<2000x1xf32> to vector<2000x128xf32>
    %sub3A_27 = arith.subf %add3A_9, %sub3A_26 : vector<2000x128xf32>
    %add3A_28 = arith.constant 9.99999974E-6 : f32
    %add3A_29 = vector.broadcast %add3A_28 : f32 to vector<2000x1xf32>
    %add3A_30 = arith.addf %div3A_25, %add3A_29 : vector<2000x1xf32>
    %sqrt3A = math.sqrt %add3A_30 : vector<2000x1xf32>
    %div3A_31 = vector.broadcast %sqrt3A : vector<2000x1xf32> to vector<2000x128xf32>
    %div3A_32 = arith.divf %sub3A_27, %div3A_31 : vector<2000x128xf32>
    %mul3A = vector.broadcast %get3A_12 : vector<1x128xf32> to vector<2000x128xf32>
    %mul3A_33 = arith.mulf %div3A_32, %mul3A : vector<2000x128xf32>
    %add3A_34 = vector.broadcast %get3A_15 : vector<1x128xf32> to vector<2000x128xf32>
    %add3A_35 = arith.addf %mul3A_33, %add3A_34 : vector<2000x128xf32>
    %max3A = arith.constant 0.000000e+00 : f32
    %max3A_36 = vector.broadcast %max3A : f32 to vector<2000x128xf32>
    %max3A_37 = arith.maximumf %add3A_35, %max3A_36 : vector<2000x128xf32>
    %get3A_38 = arith.constant 0 : index
    %get3A_39 = arith.constant 0 : index
    %get3A_40 = vector.load %arg6[%get3A_38, %get3A_39] : memref<128x128xf32, #tpu.memory_space<vmem>>, vector<128x128xf32>
    %dot_general3A_41 = arith.constant dense<0.000000e+00> : vector<2000x128xf32>
    %dot_general3A_42 = tpu.matmul %max3A_37, %get3A_40, %dot_general3A_41 {dimension_numbers = #tpu.dot_dimension_numbers<[1], [0], [0], [1], [0, 0, 1, 1], [], []>, transpose_lhs_hint = false} : vector<2000x128xf32>, vector<128x128xf32>, vector<2000x128xf32> -> vector<2000x128xf32>
    %get3A_43 = arith.constant 0 : index
    %get3A_44 = arith.constant 0 : index
    %get3A_45 = vector.load %arg7[%get3A_43, %get3A_44] : memref<1x128xf32, #tpu.memory_space<vmem>>, vector<1x128xf32>
    %add3A_46 = vector.broadcast %get3A_45 : vector<1x128xf32> to vector<2000x128xf32>
    %add3A_47 = arith.addf %dot_general3A_42, %add3A_46 : vector<2000x128xf32>
    %swap3A = arith.constant 0 : index
    %swap3A_48 = arith.constant 0 : index
    %swap3A_49 = vector.load %arg8[%swap3A, %swap3A_48] : memref<2000x128xf32, #tpu.memory_space<vmem>>, vector<2000x128xf32>
    tpu.vector_store %arg8[%swap3A, %swap3A_48], %add3A_47 {strides = array<i32>} : memref<2000x128xf32, #tpu.memory_space<vmem>>, vector<2000x128xf32>,
    return
  }
  func.func @transform_0(%arg0: i32) -> (i32, i32) {
    %c0_i32 = arith.constant 0 : i32
    %c0_i32_0 = arith.constant 0 : i32
    return %arg0, %c0_i32 : i32, i32
  }
  func.func @transform_1(%arg0: i32) -> (i32, i32) {
    %c0_i32 = arith.constant 0 : i32
    %c0_i32_0 = arith.constant 0 : i32
    %c0_i32_1 = arith.constant 0 : i32
    return %c0_i32, %c0_i32_0 : i32, i32
  }
  func.func @transform_2(%arg0: i32) -> (i32, i32) {
    %c0_i32 = arith.constant 0 : i32
    %c0_i32_0 = arith.constant 0 : i32
    %c0_i32_1 = arith.constant 0 : i32
    return %c0_i32, %c0_i32_0 : i32, i32
  }
  func.func @transform_3(%arg0: i32) -> (i32, i32) {
    %c0_i32 = arith.constant 0 : i32
    %c0_i32_0 = arith.constant 0 : i32
    %c0_i32_1 = arith.constant 0 : i32
    return %c0_i32, %c0_i32_0 : i32, i32
  }
  func.func @transform_4(%arg0: i32) -> (i32, i32) {
    %c0_i32 = arith.constant 0 : i32
    %c0_i32_0 = arith.constant 0 : i32
    %c0_i32_1 = arith.constant 0 : i32
    return %c0_i32, %c0_i32_0 : i32, i32
  }
  func.func @transform_5(%arg0: i32) -> (i32, i32) {
    %c0_i32 = arith.constant 0 : i32
    %c0_i32_0 = arith.constant 0 : i32
    %c0_i32_1 = arith.constant 0 : i32
    return %c0_i32, %c0_i32_0 : i32, i32
  }
  func.func @transform_6(%arg0: i32) -> (i32, i32) {
    %c0_i32 = arith.constant 0 : i32
    %c0_i32_0 = arith.constant 0 : i32
    %c0_i32_1 = arith.constant 0 : i32
    return %c0_i32, %c0_i32_0 : i32, i32
  }
  func.func @transform_7(%arg0: i32) -> (i32, i32) {
    %c0_i32 = arith.constant 0 : i32
    %c0_i32_0 = arith.constant 0 : i32
    return %arg0, %c0_i32 : i32, i32
  }
}

module attributes {stable_mosaic.version = 14 : i64} {
  func.func @_edge1_body(%arg0: i32, %arg1: memref<2000x4xf32, #tpu.memory_space<vmem>>, %arg2: memref<2000x272xf32, #tpu.memory_space<vmem>>, %arg3: memref<2000x144xf32, #tpu.memory_space<vmem>>, %arg4: memref<1x20xf32, #tpu.memory_space<vmem>>, %arg5: memref<4x80xf32, #tpu.memory_space<vmem>>, %arg6: memref<20x80xf32, #tpu.memory_space<vmem>>, %arg7: memref<128x16xf32, #tpu.memory_space<vmem>>, %arg8: memref<16x128xf32, #tpu.memory_space<vmem>>, %arg9: memref<4x256xf32, #tpu.memory_space<vmem>>, %arg10: memref<80x256xf32, #tpu.memory_space<vmem>>, %arg11: memref<128x256xf32, #tpu.memory_space<vmem>>, %arg12: memref<128x256xf32, #tpu.memory_space<vmem>>, %arg13: memref<1x256xf32, #tpu.memory_space<vmem>>, %arg14: memref<1x128xf32, #tpu.memory_space<vmem>>, %arg15: memref<1x128xf32, #tpu.memory_space<vmem>>, %arg16: memref<128x128xf32, #tpu.memory_space<vmem>>, %arg17: memref<1x128xf32, #tpu.memory_space<vmem>>, %arg18: memref<1x128xf32, #tpu.memory_space<vmem>>, %arg19: memref<1x128xf32, #tpu.memory_space<vmem>>, %arg20: memref<128x128xf32, #tpu.memory_space<vmem>>, %arg21: memref<1x128xf32, #tpu.memory_space<vmem>>, %arg22: memref<1x80xf32, #tpu.memory_space<vmem>>, %arg23: memref<1x1xf32, #tpu.memory_space<vmem>>, %arg24: memref<2000x16xf32, #tpu.memory_space<vmem>>, %arg25: memref<2000x128xf32, #tpu.memory_space<vmem>>, %arg26: memref<2000x16xf32, #tpu.memory_space<vmem>>) attributes {dimension_semantics = [#tpu.dimension_semantics<arbitrary>], iteration_bounds = array<i64: 80>, scalar_prefetch = 0 : i64, scratch_operands = 0 : i64, tpu.core_type = #tpu.core_type<tc>, window_params = [{transform_indices = @transform_0, window_bounds = array<i64: 2000, 4>}, {transform_indices = @transform_1, window_bounds = array<i64: 2000, 272>}, {transform_indices = @transform_2, window_bounds = array<i64: 2000, 144>}, {pipeline_mode = #tpu.pipeline_mode<synchronous>, transform_indices = @transform_3, window_bounds = array<i64: 1, 20>}, {pipeline_mode = #tpu.pipeline_mode<synchronous>, transform_indices = @transform_4, window_bounds = array<i64: 4, 80>}, {pipeline_mode = #tpu.pipeline_mode<synchronous>, transform_indices = @transform_5, window_bounds = array<i64: 20, 80>}, {pipeline_mode = #tpu.pipeline_mode<synchronous>, transform_indices = @transform_6, window_bounds = array<i64: 128, 16>}, {pipeline_mode = #tpu.pipeline_mode<synchronous>, transform_indices = @transform_7, window_bounds = array<i64: 16, 128>}, {pipeline_mode = #tpu.pipeline_mode<synchronous>, transform_indices = @transform_8, window_bounds = array<i64: 4, 256>}, {pipeline_mode = #tpu.pipeline_mode<synchronous>, transform_indices = @transform_9, window_bounds = array<i64: 80, 256>}, {pipeline_mode = #tpu.pipeline_mode<synchronous>, transform_indices = @transform_10, window_bounds = array<i64: 128, 256>}, {pipeline_mode = #tpu.pipeline_mode<synchronous>, transform_indices = @transform_11, window_bounds = array<i64: 128, 256>}, {pipeline_mode = #tpu.pipeline_mode<synchronous>, transform_indices = @transform_12, window_bounds = array<i64: 1, 256>}, {pipeline_mode = #tpu.pipeline_mode<synchronous>, transform_indices = @transform_13, window_bounds = array<i64: 1, 128>}, {pipeline_mode = #tpu.pipeline_mode<synchronous>, transform_indices = @transform_14, window_bounds = array<i64: 1, 128>}, {pipeline_mode = #tpu.pipeline_mode<synchronous>, transform_indices = @transform_15, window_bounds = array<i64: 128, 128>}, {pipeline_mode = #tpu.pipeline_mode<synchronous>, transform_indices = @transform_16, window_bounds = array<i64: 1, 128>}, {pipeline_mode = #tpu.pipeline_mode<synchronous>, transform_indices = @transform_17, window_bounds = array<i64: 1, 128>}, {pipeline_mode = #tpu.pipeline_mode<synchronous>, transform_indices = @transform_18, window_bounds = array<i64: 1, 128>}, {pipeline_mode = #tpu.pipeline_mode<synchronous>, transform_indices = @transform_19, window_bounds = array<i64: 128, 128>}, {pipeline_mode = #tpu.pipeline_mode<synchronous>, transform_indices = @transform_20, window_bounds = array<i64: 1, 128>}, {pipeline_mode = #tpu.pipeline_mode<synchronous>, transform_indices = @transform_21, window_bounds = array<i64: 1, 80>}, {pipeline_mode = #tpu.pipeline_mode<synchronous>, transform_indices = @transform_22, window_bounds = array<i64: 1, 1>}, {transform_indices = @transform_23, window_bounds = array<i64: 2000, 16>}, {transform_indices = @transform_24, window_bounds = array<i64: 2000, 128>}, {transform_indices = @transform_25, window_bounds = array<i64: 2000, 16>}]} {
    %get3A = arith.constant 0 : index
    %get3A_0 = arith.constant 0 : index
    %get3A_1 = vector.load %arg1[%get3A, %get3A_0] : memref<2000x4xf32, #tpu.memory_space<vmem>>, vector<2000x4xf32>
    %get3A_2 = arith.constant 0 : index
    %get3A_3 = arith.constant 0 : index
    %get3A_4 = vector.load %arg2[%get3A_2, %get3A_3] : memref<2000x272xf32, #tpu.memory_space<vmem>>, vector<2000x128xf32>
    %get3A_5 = arith.constant 0 : index
    %get3A_6 = arith.constant 128 : index
    %get3A_7 = vector.load %arg2[%get3A_5, %get3A_6] : memref<2000x272xf32, #tpu.memory_space<vmem>>, vector<2000x128xf32>
    %get3A_8 = arith.constant 0 : index
    %get3A_9 = arith.constant 256 : index
    %get3A_10 = vector.load %arg2[%get3A_8, %get3A_9] : memref<2000x272xf32, #tpu.memory_space<vmem>>, vector<2000x16xf32>
    %get3A_11 = arith.constant 0 : index
    %get3A_12 = arith.constant 0 : index
    %get3A_13 = vector.load %arg3[%get3A_11, %get3A_12] : memref<2000x144xf32, #tpu.memory_space<vmem>>, vector<2000x128xf32>
    %get3A_14 = arith.constant 0 : index
    %get3A_15 = arith.constant 128 : index
    %get3A_16 = vector.load %arg3[%get3A_14, %get3A_15] : memref<2000x144xf32, #tpu.memory_space<vmem>>, vector<2000x16xf32>
    %sub3A = arith.subf %get3A_10, %get3A_16 : vector<2000x16xf32>
    %get3A_17 = arith.constant 0 : index
    %get3A_18 = arith.constant 0 : index
    %get3A_19 = vector.load %arg4[%get3A_17, %get3A_18] : memref<1x20xf32, #tpu.memory_space<vmem>>, vector<1x20xf32>
    %get3A_20 = arith.constant 0 : index
    %get3A_21 = arith.constant 0 : index
    %get3A_22 = vector.load %arg5[%get3A_20, %get3A_21] : memref<4x80xf32, #tpu.memory_space<vmem>>, vector<4x80xf32>
    %get3A_23 = arith.constant 0 : index
    %get3A_24 = arith.constant 0 : index
    %get3A_25 = vector.load %arg6[%get3A_23, %get3A_24] : memref<20x80xf32, #tpu.memory_space<vmem>>, vector<20x80xf32>
    %mul3A = arith.mulf %sub3A, %sub3A : vector<2000x16xf32>
    %reduce_sum3A = arith.constant dense<0.000000e+00> : vector<2000xf32>
    %reduce_sum3A_26 = vector.multi_reduction <add>, %mul3A, %reduce_sum3A [1] : vector<2000x16xf32> to vector<2000xf32>
    %broadcast_in_dim3A = vector.shape_cast %reduce_sum3A_26 : vector<2000xf32> to vector<2000x1xf32>
    %sqrt3A = math.sqrt %broadcast_in_dim3A : vector<2000x1xf32>
    %sub3A_27 = vector.broadcast %sqrt3A : vector<2000x1xf32> to vector<2000x20xf32>
    %sub3A_28 = vector.broadcast %get3A_19 : vector<1x20xf32> to vector<2000x20xf32>
    %sub3A_29 = arith.subf %sub3A_27, %sub3A_28 : vector<2000x20xf32>
    %integer_pow3A = arith.mulf %sub3A_29, %sub3A_29 : vector<2000x20xf32>
    %mul3A_30 = arith.constant -1.805000e+00 : f32
    %mul3A_31 = vector.broadcast %mul3A_30 : f32 to vector<2000x20xf32>
    %mul3A_32 = arith.mulf %mul3A_31, %integer_pow3A : vector<2000x20xf32>
    %exp3A = math.exp %mul3A_32 : vector<2000x20xf32>
    %dot_general3A = arith.constant dense<0.000000e+00> : vector<2000x80xf32>
    %dot_general3A_33 = tpu.matmul %get3A_1, %get3A_22, %dot_general3A {dimension_numbers = #tpu.dot_dimension_numbers<[1], [0], [0], [1], [0, 0, 1, 1], [], []>, transpose_lhs_hint = false} : vector<2000x4xf32>, vector<4x80xf32>, vector<2000x80xf32> -> vector<2000x80xf32>
    %dot_general3A_34 = arith.constant dense<0.000000e+00> : vector<2000x80xf32>
    %dot_general3A_35 = tpu.matmul %exp3A, %get3A_25, %dot_general3A_34 {dimension_numbers = #tpu.dot_dimension_numbers<[1], [0], [0], [1], [0, 0, 1, 1], [], []>, transpose_lhs_hint = false} : vector<2000x20xf32>, vector<20x80xf32>, vector<2000x80xf32> -> vector<2000x80xf32>
    %mul3A_36 = arith.mulf %dot_general3A_33, %dot_general3A_35 : vector<2000x80xf32>
    %get3A_37 = arith.constant 0 : index
    %get3A_38 = arith.constant 0 : index
    %get3A_39 = vector.load %arg9[%get3A_37, %get3A_38] : memref<4x256xf32, #tpu.memory_space<vmem>>, vector<4x256xf32>
    %dot_general3A_40 = arith.constant dense<0.000000e+00> : vector<2000x256xf32>
    %dot_general3A_41 = tpu.matmul %get3A_1, %get3A_39, %dot_general3A_40 {dimension_numbers = #tpu.dot_dimension_numbers<[1], [0], [0], [1], [0, 0, 1, 1], [], []>, transpose_lhs_hint = false} : vector<2000x4xf32>, vector<4x256xf32>, vector<2000x256xf32> -> vector<2000x256xf32>
    %get3A_42 = arith.constant 0 : index
    %get3A_43 = arith.constant 0 : index
    %get3A_44 = vector.load %arg10[%get3A_42, %get3A_43] : memref<80x256xf32, #tpu.memory_space<vmem>>, vector<80x256xf32>
    %dot_general3A_45 = arith.constant dense<0.000000e+00> : vector<2000x256xf32>
    %dot_general3A_46 = tpu.matmul %mul3A_36, %get3A_44, %dot_general3A_45 {dimension_numbers = #tpu.dot_dimension_numbers<[1], [0], [0], [1], [0, 0, 1, 1], [], []>, transpose_lhs_hint = false} : vector<2000x80xf32>, vector<80x256xf32>, vector<2000x256xf32> -> vector<2000x256xf32>
    %add3A = arith.addf %dot_general3A_41, %dot_general3A_46 : vector<2000x256xf32>
    %get3A_47 = arith.constant 0 : index
    %get3A_48 = arith.constant 0 : index
    %get3A_49 = vector.load %arg11[%get3A_47, %get3A_48] : memref<128x256xf32, #tpu.memory_space<vmem>>, vector<128x256xf32>
    %dot_general3A_50 = arith.constant dense<0.000000e+00> : vector<2000x256xf32>
    %dot_general3A_51 = tpu.matmul %get3A_4, %get3A_49, %dot_general3A_50 {dimension_numbers = #tpu.dot_dimension_numbers<[1], [0], [0], [1], [0, 0, 1, 1], [], []>, transpose_lhs_hint = false} : vector<2000x128xf32>, vector<128x256xf32>, vector<2000x256xf32> -> vector<2000x256xf32>
    %add3A_52 = arith.addf %add3A, %dot_general3A_51 : vector<2000x256xf32>
    %get3A_53 = arith.constant 0 : index
    %get3A_54 = arith.constant 0 : index
    %get3A_55 = vector.load %arg12[%get3A_53, %get3A_54] : memref<128x256xf32, #tpu.memory_space<vmem>>, vector<128x256xf32>
    %dot_general3A_56 = arith.constant dense<0.000000e+00> : vector<2000x256xf32>
    %dot_general3A_57 = tpu.matmul %get3A_13, %get3A_55, %dot_general3A_56 {dimension_numbers = #tpu.dot_dimension_numbers<[1], [0], [0], [1], [0, 0, 1, 1], [], []>, transpose_lhs_hint = false} : vector<2000x128xf32>, vector<128x256xf32>, vector<2000x256xf32> -> vector<2000x256xf32>
    %add3A_58 = arith.addf %add3A_52, %dot_general3A_57 : vector<2000x256xf32>
    %get3A_59 = arith.constant 0 : index
    %get3A_60 = arith.constant 0 : index
    %get3A_61 = vector.load %arg13[%get3A_59, %get3A_60] : memref<1x256xf32, #tpu.memory_space<vmem>>, vector<1x256xf32>
    %add3A_62 = vector.broadcast %get3A_61 : vector<1x256xf32> to vector<2000x256xf32>
    %add3A_63 = arith.addf %add3A_58, %add3A_62 : vector<2000x256xf32>
    %slice3A = vector.extract_strided_slice %add3A_63 {offsets = [0, 0], sizes = [2000, 128], strides = [1, 1]} : vector<2000x256xf32> to vector<2000x128xf32>
    %slice3A_64 = vector.extract_strided_slice %add3A_63 {offsets = [0, 128], sizes = [2000, 128], strides = [1, 1]} : vector<2000x256xf32> to vector<2000x128xf32>
    %get3A_65 = arith.constant 0 : index
    %get3A_66 = arith.constant 0 : index
    %get3A_67 = vector.load %arg14[%get3A_65, %get3A_66] : memref<1x128xf32, #tpu.memory_space<vmem>>, vector<1x128xf32>
    %get3A_68 = arith.constant 0 : index
    %get3A_69 = arith.constant 0 : index
    %get3A_70 = vector.load %arg15[%get3A_68, %get3A_69] : memref<1x128xf32, #tpu.memory_space<vmem>>, vector<1x128xf32>
    %reduce_sum3A_71 = arith.constant dense<0.000000e+00> : vector<2000xf32>
    %reduce_sum3A_72 = vector.multi_reduction <add>, %slice3A, %reduce_sum3A_71 [1] : vector<2000x128xf32> to vector<2000xf32>
    %broadcast_in_dim3A_73 = vector.shape_cast %reduce_sum3A_72 : vector<2000xf32> to vector<2000x1xf32>
    %div3A = arith.constant 1.280000e+02 : f32
    %div3A_74 = vector.broadcast %div3A : f32 to vector<2000x1xf32>
    %div3A_75 = arith.divf %broadcast_in_dim3A_73, %div3A_74 : vector<2000x1xf32>
    %sub3A_76 = vector.broadcast %div3A_75 : vector<2000x1xf32> to vector<2000x128xf32>
    %sub3A_77 = arith.subf %slice3A, %sub3A_76 : vector<2000x128xf32>
    %integer_pow3A_78 = arith.mulf %sub3A_77, %sub3A_77 : vector<2000x128xf32>
    %reduce_sum3A_79 = arith.constant dense<0.000000e+00> : vector<2000xf32>
    %reduce_sum3A_80 = vector.multi_reduction <add>, %integer_pow3A_78, %reduce_sum3A_79 [1] : vector<2000x128xf32> to vector<2000xf32>
    %broadcast_in_dim3A_81 = vector.shape_cast %reduce_sum3A_80 : vector<2000xf32> to vector<2000x1xf32>
    %div3A_82 = arith.constant 1.280000e+02 : f32
    %div3A_83 = vector.broadcast %div3A_82 : f32 to vector<2000x1xf32>
    %div3A_84 = arith.divf %broadcast_in_dim3A_81, %div3A_83 : vector<2000x1xf32>
    %sub3A_85 = vector.broadcast %div3A_75 : vector<2000x1xf32> to vector<2000x128xf32>
    %sub3A_86 = arith.subf %slice3A, %sub3A_85 : vector<2000x128xf32>
    %add3A_87 = arith.constant 9.99999974E-6 : f32
    %add3A_88 = vector.broadcast %add3A_87 : f32 to vector<2000x1xf32>
    %add3A_89 = arith.addf %div3A_84, %add3A_88 : vector<2000x1xf32>
    %sqrt3A_90 = math.sqrt %add3A_89 : vector<2000x1xf32>
    %div3A_91 = vector.broadcast %sqrt3A_90 : vector<2000x1xf32> to vector<2000x128xf32>
    %div3A_92 = arith.divf %sub3A_86, %div3A_91 : vector<2000x128xf32>
    %mul3A_93 = vector.broadcast %get3A_67 : vector<1x128xf32> to vector<2000x128xf32>
    %mul3A_94 = arith.mulf %div3A_92, %mul3A_93 : vector<2000x128xf32>
    %add3A_95 = vector.broadcast %get3A_70 : vector<1x128xf32> to vector<2000x128xf32>
    %add3A_96 = arith.addf %mul3A_94, %add3A_95 : vector<2000x128xf32>
    %max3A = arith.constant 0.000000e+00 : f32
    %max3A_97 = vector.broadcast %max3A : f32 to vector<2000x128xf32>
    %max3A_98 = arith.maximumf %add3A_96, %max3A_97 : vector<2000x128xf32>
    %get3A_99 = arith.constant 0 : index
    %get3A_100 = arith.constant 0 : index
    %get3A_101 = vector.load %arg16[%get3A_99, %get3A_100] : memref<128x128xf32, #tpu.memory_space<vmem>>, vector<128x128xf32>
    %dot_general3A_102 = arith.constant dense<0.000000e+00> : vector<2000x128xf32>
    %dot_general3A_103 = tpu.matmul %max3A_98, %get3A_101, %dot_general3A_102 {dimension_numbers = #tpu.dot_dimension_numbers<[1], [0], [0], [1], [0, 0, 1, 1], [], []>, transpose_lhs_hint = false} : vector<2000x128xf32>, vector<128x128xf32>, vector<2000x128xf32> -> vector<2000x128xf32>
    %get3A_104 = arith.constant 0 : index
    %get3A_105 = arith.constant 0 : index
    %get3A_106 = vector.load %arg17[%get3A_104, %get3A_105] : memref<1x128xf32, #tpu.memory_space<vmem>>, vector<1x128xf32>
    %add3A_107 = vector.broadcast %get3A_106 : vector<1x128xf32> to vector<2000x128xf32>
    %add3A_108 = arith.addf %dot_general3A_103, %add3A_107 : vector<2000x128xf32>
    %get3A_109 = arith.constant 0 : index
    %get3A_110 = arith.constant 0 : index
    %get3A_111 = vector.load %arg18[%get3A_109, %get3A_110] : memref<1x128xf32, #tpu.memory_space<vmem>>, vector<1x128xf32>
    %get3A_112 = arith.constant 0 : index
    %get3A_113 = arith.constant 0 : index
    %get3A_114 = vector.load %arg19[%get3A_112, %get3A_113] : memref<1x128xf32, #tpu.memory_space<vmem>>, vector<1x128xf32>
    %reduce_sum3A_115 = arith.constant dense<0.000000e+00> : vector<2000xf32>
    %reduce_sum3A_116 = vector.multi_reduction <add>, %slice3A_64, %reduce_sum3A_115 [1] : vector<2000x128xf32> to vector<2000xf32>
    %broadcast_in_dim3A_117 = vector.shape_cast %reduce_sum3A_116 : vector<2000xf32> to vector<2000x1xf32>
    %div3A_118 = arith.constant 1.280000e+02 : f32
    %div3A_119 = vector.broadcast %div3A_118 : f32 to vector<2000x1xf32>
    %div3A_120 = arith.divf %broadcast_in_dim3A_117, %div3A_119 : vector<2000x1xf32>
    %sub3A_121 = vector.broadcast %div3A_120 : vector<2000x1xf32> to vector<2000x128xf32>
    %sub3A_122 = arith.subf %slice3A_64, %sub3A_121 : vector<2000x128xf32>
    %integer_pow3A_123 = arith.mulf %sub3A_122, %sub3A_122 : vector<2000x128xf32>
    %reduce_sum3A_124 = arith.constant dense<0.000000e+00> : vector<2000xf32>
    %reduce_sum3A_125 = vector.multi_reduction <add>, %integer_pow3A_123, %reduce_sum3A_124 [1] : vector<2000x128xf32> to vector<2000xf32>
    %broadcast_in_dim3A_126 = vector.shape_cast %reduce_sum3A_125 : vector<2000xf32> to vector<2000x1xf32>
    %div3A_127 = arith.constant 1.280000e+02 : f32
    %div3A_128 = vector.broadcast %div3A_127 : f32 to vector<2000x1xf32>
    %div3A_129 = arith.divf %broadcast_in_dim3A_126, %div3A_128 : vector<2000x1xf32>
    %sub3A_130 = vector.broadcast %div3A_120 : vector<2000x1xf32> to vector<2000x128xf32>
    %sub3A_131 = arith.subf %slice3A_64, %sub3A_130 : vector<2000x128xf32>
    %add3A_132 = arith.constant 9.99999974E-6 : f32
    %add3A_133 = vector.broadcast %add3A_132 : f32 to vector<2000x1xf32>
    %add3A_134 = arith.addf %div3A_129, %add3A_133 : vector<2000x1xf32>
    %sqrt3A_135 = math.sqrt %add3A_134 : vector<2000x1xf32>
    %div3A_136 = vector.broadcast %sqrt3A_135 : vector<2000x1xf32> to vector<2000x128xf32>
    %div3A_137 = arith.divf %sub3A_131, %div3A_136 : vector<2000x128xf32>
    %mul3A_138 = vector.broadcast %get3A_111 : vector<1x128xf32> to vector<2000x128xf32>
    %mul3A_139 = arith.mulf %div3A_137, %mul3A_138 : vector<2000x128xf32>
    %add3A_140 = vector.broadcast %get3A_114 : vector<1x128xf32> to vector<2000x128xf32>
    %add3A_141 = arith.addf %mul3A_139, %add3A_140 : vector<2000x128xf32>
    %max3A_142 = arith.constant 0.000000e+00 : f32
    %max3A_143 = vector.broadcast %max3A_142 : f32 to vector<2000x128xf32>
    %max3A_144 = arith.maximumf %add3A_141, %max3A_143 : vector<2000x128xf32>
    %get3A_145 = arith.constant 0 : index
    %get3A_146 = arith.constant 0 : index
    %get3A_147 = vector.load %arg20[%get3A_145, %get3A_146] : memref<128x128xf32, #tpu.memory_space<vmem>>, vector<128x128xf32>
    %dot_general3A_148 = arith.constant dense<0.000000e+00> : vector<2000x128xf32>
    %dot_general3A_149 = tpu.matmul %max3A_144, %get3A_147, %dot_general3A_148 {dimension_numbers = #tpu.dot_dimension_numbers<[1], [0], [0], [1], [0, 0, 1, 1], [], []>, transpose_lhs_hint = false} : vector<2000x128xf32>, vector<128x128xf32>, vector<2000x128xf32> -> vector<2000x128xf32>
    %get3A_150 = arith.constant 0 : index
    %get3A_151 = arith.constant 0 : index
    %get3A_152 = vector.load %arg21[%get3A_150, %get3A_151] : memref<1x128xf32, #tpu.memory_space<vmem>>, vector<1x128xf32>
    %add3A_153 = vector.broadcast %get3A_152 : vector<1x128xf32> to vector<2000x128xf32>
    %add3A_154 = arith.addf %dot_general3A_149, %add3A_153 : vector<2000x128xf32>
    %get3A_155 = arith.constant 0 : index
    %get3A_156 = arith.constant 0 : index
    %get3A_157 = vector.load %arg22[%get3A_155, %get3A_156] : memref<1x80xf32, #tpu.memory_space<vmem>>, vector<1x80xf32>
    %mul3A_158 = vector.broadcast %get3A_157 : vector<1x80xf32> to vector<2000x80xf32>
    %mul3A_159 = arith.mulf %mul3A_36, %mul3A_158 : vector<2000x80xf32>
    %reduce_sum3A_160 = arith.constant dense<0.000000e+00> : vector<2000xf32>
    %reduce_sum3A_161 = vector.multi_reduction <add>, %mul3A_159, %reduce_sum3A_160 [1] : vector<2000x80xf32> to vector<2000xf32>
    %broadcast_in_dim3A_162 = vector.shape_cast %reduce_sum3A_161 : vector<2000xf32> to vector<2000x1xf32>
    %get3A_163 = arith.constant 0 : index
    %get3A_164 = arith.constant 0 : index
    %get3A_165 = vector.load %arg23[%get3A_163, %get3A_164] : memref<1x1xf32, #tpu.memory_space<vmem>>, vector<1x1xf32>
    %add3A_166 = vector.broadcast %get3A_165 : vector<1x1xf32> to vector<2000x1xf32>
    %add3A_167 = arith.addf %broadcast_in_dim3A_162, %add3A_166 : vector<2000x1xf32>
    %neg3A = arith.constant 0.000000e+00 : f32
    %neg3A_168 = vector.broadcast %neg3A : f32 to vector<2000x1xf32>
    %neg3A_169 = arith.subf %neg3A_168, %add3A_167 : vector<2000x1xf32>
    %exp3A_170 = math.exp %neg3A_169 : vector<2000x1xf32>
    %add3A_171 = arith.constant 1.000000e+00 : f32
    %add3A_172 = vector.broadcast %add3A_171 : f32 to vector<2000x1xf32>
    %add3A_173 = arith.addf %add3A_172, %exp3A_170 : vector<2000x1xf32>
    %div3A_174 = arith.constant 1.000000e+00 : f32
    %div3A_175 = vector.broadcast %div3A_174 : f32 to vector<2000x1xf32>
    %div3A_176 = arith.divf %div3A_175, %add3A_173 : vector<2000x1xf32>
    %mul3A_177 = vector.broadcast %div3A_176 : vector<2000x1xf32> to vector<2000x128xf32>
    %mul3A_178 = arith.mulf %add3A_154, %mul3A_177 : vector<2000x128xf32>
    %mul3A_179 = arith.mulf %get3A_7, %add3A_108 : vector<2000x128xf32>
    %get3A_180 = arith.constant 0 : index
    %get3A_181 = arith.constant 0 : index
    %get3A_182 = vector.load %arg7[%get3A_180, %get3A_181] : memref<128x16xf32, #tpu.memory_space<vmem>>, vector<128x16xf32>
    %dot_general3A_183 = arith.constant dense<0.000000e+00> : vector<2000x16xf32>
    %dot_general3A_184 = tpu.matmul %mul3A_179, %get3A_182, %dot_general3A_183 {dimension_numbers = #tpu.dot_dimension_numbers<[1], [0], [0], [1], [0, 0, 1, 1], [], []>, transpose_lhs_hint = false} : vector<2000x128xf32>, vector<128x16xf32>, vector<2000x16xf32> -> vector<2000x16xf32>
    %mul3A_185 = arith.constant 0.353553385 : f32
    %mul3A_186 = vector.broadcast %mul3A_185 : f32 to vector<2000x16xf32>
    %mul3A_187 = arith.mulf %dot_general3A_184, %mul3A_186 : vector<2000x16xf32>
    %exp3A_188 = math.exp %mul3A_187 : vector<2000x16xf32>
    %swap3A = arith.constant 0 : index
    %swap3A_189 = arith.constant 0 : index
    %swap3A_190 = vector.load %arg24[%swap3A, %swap3A_189] : memref<2000x16xf32, #tpu.memory_space<vmem>>, vector<2000x16xf32>
    tpu.vector_store %arg24[%swap3A, %swap3A_189], %exp3A_188 {strides = array<i32>} : memref<2000x16xf32, #tpu.memory_space<vmem>>, vector<2000x16xf32>,
    %get3A_191 = arith.constant 0 : index
    %get3A_192 = arith.constant 0 : index
    %get3A_193 = vector.load %arg8[%get3A_191, %get3A_192] : memref<16x128xf32, #tpu.memory_space<vmem>>, vector<16x128xf32>
    %dot_general3A_194 = arith.constant dense<0.000000e+00> : vector<2000x128xf32>
    %dot_general3A_195 = tpu.matmul %exp3A_188, %get3A_193, %dot_general3A_194 {dimension_numbers = #tpu.dot_dimension_numbers<[1], [0], [0], [1], [0, 0, 1, 1], [], []>, transpose_lhs_hint = false} : vector<2000x16xf32>, vector<16x128xf32>, vector<2000x128xf32> -> vector<2000x128xf32>
    %mul3A_196 = arith.mulf %dot_general3A_195, %mul3A_178 : vector<2000x128xf32>
    %swap3A_197 = arith.constant 0 : index
    %swap3A_198 = arith.constant 0 : index
    %swap3A_199 = vector.load %arg25[%swap3A_197, %swap3A_198] : memref<2000x128xf32, #tpu.memory_space<vmem>>, vector<2000x128xf32>
    tpu.vector_store %arg25[%swap3A_197, %swap3A_198], %mul3A_196 {strides = array<i32>} : memref<2000x128xf32, #tpu.memory_space<vmem>>, vector<2000x128xf32>,
    %swap3A_200 = arith.constant 0 : index
    %swap3A_201 = arith.constant 0 : index
    %swap3A_202 = vector.load %arg26[%swap3A_200, %swap3A_201] : memref<2000x16xf32, #tpu.memory_space<vmem>>, vector<2000x16xf32>
    tpu.vector_store %arg26[%swap3A_200, %swap3A_201], %sub3A {strides = array<i32>} : memref<2000x16xf32, #tpu.memory_space<vmem>>, vector<2000x16xf32>,
    return
  }
  func.func @transform_0(%arg0: i32) -> (i32, i32) {
    %c0_i32 = arith.constant 0 : i32
    %c0_i32_0 = arith.constant 0 : i32
    return %arg0, %c0_i32 : i32, i32
  }
  func.func @transform_1(%arg0: i32) -> (i32, i32) {
    %c0_i32 = arith.constant 0 : i32
    %c0_i32_0 = arith.constant 0 : i32
    return %arg0, %c0_i32 : i32, i32
  }
  func.func @transform_2(%arg0: i32) -> (i32, i32) {
    %c0_i32 = arith.constant 0 : i32
    %c0_i32_0 = arith.constant 0 : i32
    return %arg0, %c0_i32 : i32, i32
  }
  func.func @transform_3(%arg0: i32) -> (i32, i32) {
    %c0_i32 = arith.constant 0 : i32
    %c0_i32_0 = arith.constant 0 : i32
    %c0_i32_1 = arith.constant 0 : i32
    return %c0_i32, %c0_i32_0 : i32, i32
  }
  func.func @transform_4(%arg0: i32) -> (i32, i32) {
    %c0_i32 = arith.constant 0 : i32
    %c0_i32_0 = arith.constant 0 : i32
    %c0_i32_1 = arith.constant 0 : i32
    return %c0_i32, %c0_i32_0 : i32, i32
  }
  func.func @transform_5(%arg0: i32) -> (i32, i32) {
    %c0_i32 = arith.constant 0 : i32
    %c0_i32_0 = arith.constant 0 : i32
    %c0_i32_1 = arith.constant 0 : i32
    return %c0_i32, %c0_i32_0 : i32, i32
  }
  func.func @transform_6(%arg0: i32) -> (i32, i32) {
    %c0_i32 = arith.constant 0 : i32
    %c0_i32_0 = arith.constant 0 : i32
    %c0_i32_1 = arith.constant 0 : i32
    return %c0_i32, %c0_i32_0 : i32, i32
  }
  func.func @transform_7(%arg0: i32) -> (i32, i32) {
    %c0_i32 = arith.constant 0 : i32
    %c0_i32_0 = arith.constant 0 : i32
    %c0_i32_1 = arith.constant 0 : i32
    return %c0_i32, %c0_i32_0 : i32, i32
  }
  func.func @transform_8(%arg0: i32) -> (i32, i32) {
    %c0_i32 = arith.constant 0 : i32
    %c0_i32_0 = arith.constant 0 : i32
    %c0_i32_1 = arith.constant 0 : i32
    return %c0_i32, %c0_i32_0 : i32, i32
  }
  func.func @transform_9(%arg0: i32) -> (i32, i32) {
    %c0_i32 = arith.constant 0 : i32
    %c0_i32_0 = arith.constant 0 : i32
    %c0_i32_1 = arith.constant 0 : i32
    return %c0_i32, %c0_i32_0 : i32, i32
  }
  func.func @transform_10(%arg0: i32) -> (i32, i32) {
    %c0_i32 = arith.constant 0 : i32
    %c0_i32_0 = arith.constant 0 : i32
    %c0_i32_1 = arith.constant 0 : i32
    return %c0_i32, %c0_i32_0 : i32, i32
  }
  func.func @transform_11(%arg0: i32) -> (i32, i32) {
    %c0_i32 = arith.constant 0 : i32
    %c0_i32_0 = arith.constant 0 : i32
    %c0_i32_1 = arith.constant 0 : i32
    return %c0_i32, %c0_i32_0 : i32, i32
  }
  func.func @transform_12(%arg0: i32) -> (i32, i32) {
    %c0_i32 = arith.constant 0 : i32
    %c0_i32_0 = arith.constant 0 : i32
    %c0_i32_1 = arith.constant 0 : i32
    return %c0_i32, %c0_i32_0 : i32, i32
  }
  func.func @transform_13(%arg0: i32) -> (i32, i32) {
    %c0_i32 = arith.constant 0 : i32
    %c0_i32_0 = arith.constant 0 : i32
    %c0_i32_1 = arith.constant 0 : i32
    return %c0_i32, %c0_i32_0 : i32, i32
  }
  func.func @transform_14(%arg0: i32) -> (i32, i32) {
    %c0_i32 = arith.constant 0 : i32
    %c0_i32_0 = arith.constant 0 : i32
    %c0_i32_1 = arith.constant 0 : i32
    return %c0_i32, %c0_i32_0 : i32, i32
  }
  func.func @transform_15(%arg0: i32) -> (i32, i32) {
    %c0_i32 = arith.constant 0 : i32
    %c0_i32_0 = arith.constant 0 : i32
    %c0_i32_1 = arith.constant 0 : i32
    return %c0_i32, %c0_i32_0 : i32, i32
  }
  func.func @transform_16(%arg0: i32) -> (i32, i32) {
    %c0_i32 = arith.constant 0 : i32
    %c0_i32_0 = arith.constant 0 : i32
    %c0_i32_1 = arith.constant 0 : i32
    return %c0_i32, %c0_i32_0 : i32, i32
  }
  func.func @transform_17(%arg0: i32) -> (i32, i32) {
    %c0_i32 = arith.constant 0 : i32
    %c0_i32_0 = arith.constant 0 : i32
    %c0_i32_1 = arith.constant 0 : i32
    return %c0_i32, %c0_i32_0 : i32, i32
  }
  func.func @transform_18(%arg0: i32) -> (i32, i32) {
    %c0_i32 = arith.constant 0 : i32
    %c0_i32_0 = arith.constant 0 : i32
    %c0_i32_1 = arith.constant 0 : i32
    return %c0_i32, %c0_i32_0 : i32, i32
  }
  func.func @transform_19(%arg0: i32) -> (i32, i32) {
    %c0_i32 = arith.constant 0 : i32
    %c0_i32_0 = arith.constant 0 : i32
    %c0_i32_1 = arith.constant 0 : i32
    return %c0_i32, %c0_i32_0 : i32, i32
  }
  func.func @transform_20(%arg0: i32) -> (i32, i32) {
    %c0_i32 = arith.constant 0 : i32
    %c0_i32_0 = arith.constant 0 : i32
    %c0_i32_1 = arith.constant 0 : i32
    return %c0_i32, %c0_i32_0 : i32, i32
  }
  func.func @transform_21(%arg0: i32) -> (i32, i32) {
    %c0_i32 = arith.constant 0 : i32
    %c0_i32_0 = arith.constant 0 : i32
    %c0_i32_1 = arith.constant 0 : i32
    return %c0_i32, %c0_i32_0 : i32, i32
  }
  func.func @transform_22(%arg0: i32) -> (i32, i32) {
    %c0_i32 = arith.constant 0 : i32
    %c0_i32_0 = arith.constant 0 : i32
    %c0_i32_1 = arith.constant 0 : i32
    return %c0_i32, %c0_i32_0 : i32, i32
  }
  func.func @transform_23(%arg0: i32) -> (i32, i32) {
    %c0_i32 = arith.constant 0 : i32
    %c0_i32_0 = arith.constant 0 : i32
    return %arg0, %c0_i32 : i32, i32
  }
  func.func @transform_24(%arg0: i32) -> (i32, i32) {
    %c0_i32 = arith.constant 0 : i32
    %c0_i32_0 = arith.constant 0 : i32
    return %arg0, %c0_i32 : i32, i32
  }
  func.func @transform_25(%arg0: i32) -> (i32, i32) {
    %c0_i32 = arith.constant 0 : i32
    %c0_i32_0 = arith.constant 0 : i32
    return %arg0, %c0_i32 : i32, i32
  }
}

module attributes {stable_mosaic.version = 14 : i64} {
  func.func @_node1_body(%arg0: i32, %arg1: memref<2000x16xf32, #tpu.memory_space<vmem>>, %arg2: memref<2000x16xf32, #tpu.memory_space<vmem>>, %arg3: memref<2000x128xf32, #tpu.memory_space<vmem>>, %arg4: memref<2000x128xf32, #tpu.memory_space<vmem>>, %arg5: memref<2000x128xf32, #tpu.memory_space<vmem>>, %arg6: memref<16x128xf32, #tpu.memory_space<vmem>>, %arg7: memref<128x128xf32, #tpu.memory_space<vmem>>, %arg8: memref<128x128xf32, #tpu.memory_space<vmem>>, %arg9: memref<1x128xf32, #tpu.memory_space<vmem>>, %arg10: memref<1x128xf32, #tpu.memory_space<vmem>>, %arg11: memref<1x128xf32, #tpu.memory_space<vmem>>, %arg12: memref<128x128xf32, #tpu.memory_space<vmem>>, %arg13: memref<1x128xf32, #tpu.memory_space<vmem>>, %arg14: memref<2000x128xf32, #tpu.memory_space<vmem>>) attributes {dimension_semantics = [#tpu.dimension_semantics<arbitrary>], iteration_bounds = array<i64: 5>, scalar_prefetch = 0 : i64, scratch_operands = 0 : i64, tpu.core_type = #tpu.core_type<tc>, window_params = [{transform_indices = @transform_0, window_bounds = array<i64: 2000, 16>}, {transform_indices = @transform_1, window_bounds = array<i64: 2000, 16>}, {transform_indices = @transform_2, window_bounds = array<i64: 2000, 128>}, {transform_indices = @transform_3, window_bounds = array<i64: 2000, 128>}, {transform_indices = @transform_4, window_bounds = array<i64: 2000, 128>}, {pipeline_mode = #tpu.pipeline_mode<synchronous>, transform_indices = @transform_5, window_bounds = array<i64: 16, 128>}, {pipeline_mode = #tpu.pipeline_mode<synchronous>, transform_indices = @transform_6, window_bounds = array<i64: 128, 128>}, {pipeline_mode = #tpu.pipeline_mode<synchronous>, transform_indices = @transform_7, window_bounds = array<i64: 128, 128>}, {pipeline_mode = #tpu.pipeline_mode<synchronous>, transform_indices = @transform_8, window_bounds = array<i64: 1, 128>}, {pipeline_mode = #tpu.pipeline_mode<synchronous>, transform_indices = @transform_9, window_bounds = array<i64: 1, 128>}, {pipeline_mode = #tpu.pipeline_mode<synchronous>, transform_indices = @transform_10, window_bounds = array<i64: 1, 128>}, {pipeline_mode = #tpu.pipeline_mode<synchronous>, transform_indices = @transform_11, window_bounds = array<i64: 128, 128>}, {pipeline_mode = #tpu.pipeline_mode<synchronous>, transform_indices = @transform_12, window_bounds = array<i64: 1, 128>}, {transform_indices = @transform_13, window_bounds = array<i64: 2000, 128>}]} {
    %get3A = arith.constant 0 : index
    %get3A_0 = arith.constant 0 : index
    %get3A_1 = vector.load %arg1[%get3A, %get3A_0] : memref<2000x16xf32, #tpu.memory_space<vmem>>, vector<2000x16xf32>
    %get3A_2 = arith.constant 0 : index
    %get3A_3 = arith.constant 0 : index
    %get3A_4 = vector.load %arg2[%get3A_2, %get3A_3] : memref<2000x16xf32, #tpu.memory_space<vmem>>, vector<2000x16xf32>
    %add3A = arith.addf %get3A_1, %get3A_4 : vector<2000x16xf32>
    %get3A_5 = arith.constant 0 : index
    %get3A_6 = arith.constant 0 : index
    %get3A_7 = vector.load %arg6[%get3A_5, %get3A_6] : memref<16x128xf32, #tpu.memory_space<vmem>>, vector<16x128xf32>
    %dot_general3A = arith.constant dense<0.000000e+00> : vector<2000x128xf32>
    %dot_general3A_8 = tpu.matmul %add3A, %get3A_7, %dot_general3A {dimension_numbers = #tpu.dot_dimension_numbers<[1], [0], [0], [1], [0, 0, 1, 1], [], []>, transpose_lhs_hint = false} : vector<2000x16xf32>, vector<16x128xf32>, vector<2000x128xf32> -> vector<2000x128xf32>
    %get3A_9 = arith.constant 0 : index
    %get3A_10 = arith.constant 0 : index
    %get3A_11 = vector.load %arg3[%get3A_9, %get3A_10] : memref<2000x128xf32, #tpu.memory_space<vmem>>, vector<2000x128xf32>
    %get3A_12 = arith.constant 0 : index
    %get3A_13 = arith.constant 0 : index
    %get3A_14 = vector.load %arg4[%get3A_12, %get3A_13] : memref<2000x128xf32, #tpu.memory_space<vmem>>, vector<2000x128xf32>
    %add3A_15 = arith.addf %get3A_11, %get3A_14 : vector<2000x128xf32>
    %add3A_16 = arith.constant 1.000000e-16 : f32
    %add3A_17 = vector.broadcast %add3A_16 : f32 to vector<2000x128xf32>
    %add3A_18 = arith.addf %dot_general3A_8, %add3A_17 : vector<2000x128xf32>
    %div3A = arith.divf %add3A_15, %add3A_18 : vector<2000x128xf32>
    %get3A_19 = arith.constant 0 : index
    %get3A_20 = arith.constant 0 : index
    %get3A_21 = vector.load %arg7[%get3A_19, %get3A_20] : memref<128x128xf32, #tpu.memory_space<vmem>>, vector<128x128xf32>
    %dot_general3A_22 = arith.constant dense<0.000000e+00> : vector<2000x128xf32>
    %dot_general3A_23 = tpu.matmul %div3A, %get3A_21, %dot_general3A_22 {dimension_numbers = #tpu.dot_dimension_numbers<[1], [0], [0], [1], [0, 0, 1, 1], [], []>, transpose_lhs_hint = false} : vector<2000x128xf32>, vector<128x128xf32>, vector<2000x128xf32> -> vector<2000x128xf32>
    %get3A_24 = arith.constant 0 : index
    %get3A_25 = arith.constant 0 : index
    %get3A_26 = vector.load %arg5[%get3A_24, %get3A_25] : memref<2000x128xf32, #tpu.memory_space<vmem>>, vector<2000x128xf32>
    %get3A_27 = arith.constant 0 : index
    %get3A_28 = arith.constant 0 : index
    %get3A_29 = vector.load %arg8[%get3A_27, %get3A_28] : memref<128x128xf32, #tpu.memory_space<vmem>>, vector<128x128xf32>
    %dot_general3A_30 = arith.constant dense<0.000000e+00> : vector<2000x128xf32>
    %dot_general3A_31 = tpu.matmul %get3A_26, %get3A_29, %dot_general3A_30 {dimension_numbers = #tpu.dot_dimension_numbers<[1], [0], [0], [1], [0, 0, 1, 1], [], []>, transpose_lhs_hint = false} : vector<2000x128xf32>, vector<128x128xf32>, vector<2000x128xf32> -> vector<2000x128xf32>
    %add3A_32 = arith.addf %dot_general3A_23, %dot_general3A_31 : vector<2000x128xf32>
    %get3A_33 = arith.constant 0 : index
    %get3A_34 = arith.constant 0 : index
    %get3A_35 = vector.load %arg9[%get3A_33, %get3A_34] : memref<1x128xf32, #tpu.memory_space<vmem>>, vector<1x128xf32>
    %add3A_36 = vector.broadcast %get3A_35 : vector<1x128xf32> to vector<2000x128xf32>
    %add3A_37 = arith.addf %add3A_32, %add3A_36 : vector<2000x128xf32>
    %get3A_38 = arith.constant 0 : index
    %get3A_39 = arith.constant 0 : index
    %get3A_40 = vector.load %arg10[%get3A_38, %get3A_39] : memref<1x128xf32, #tpu.memory_space<vmem>>, vector<1x128xf32>
    %get3A_41 = arith.constant 0 : index
    %get3A_42 = arith.constant 0 : index
    %get3A_43 = vector.load %arg11[%get3A_41, %get3A_42] : memref<1x128xf32, #tpu.memory_space<vmem>>, vector<1x128xf32>
    %reduce_sum3A = arith.constant dense<0.000000e+00> : vector<2000xf32>
    %reduce_sum3A_44 = vector.multi_reduction <add>, %add3A_37, %reduce_sum3A [1] : vector<2000x128xf32> to vector<2000xf32>
    %broadcast_in_dim3A = vector.shape_cast %reduce_sum3A_44 : vector<2000xf32> to vector<2000x1xf32>
    %div3A_45 = arith.constant 1.280000e+02 : f32
    %div3A_46 = vector.broadcast %div3A_45 : f32 to vector<2000x1xf32>
    %div3A_47 = arith.divf %broadcast_in_dim3A, %div3A_46 : vector<2000x1xf32>
    %sub3A = vector.broadcast %div3A_47 : vector<2000x1xf32> to vector<2000x128xf32>
    %sub3A_48 = arith.subf %add3A_37, %sub3A : vector<2000x128xf32>
    %integer_pow3A = arith.mulf %sub3A_48, %sub3A_48 : vector<2000x128xf32>
    %reduce_sum3A_49 = arith.constant dense<0.000000e+00> : vector<2000xf32>
    %reduce_sum3A_50 = vector.multi_reduction <add>, %integer_pow3A, %reduce_sum3A_49 [1] : vector<2000x128xf32> to vector<2000xf32>
    %broadcast_in_dim3A_51 = vector.shape_cast %reduce_sum3A_50 : vector<2000xf32> to vector<2000x1xf32>
    %div3A_52 = arith.constant 1.280000e+02 : f32
    %div3A_53 = vector.broadcast %div3A_52 : f32 to vector<2000x1xf32>
    %div3A_54 = arith.divf %broadcast_in_dim3A_51, %div3A_53 : vector<2000x1xf32>
    %sub3A_55 = vector.broadcast %div3A_47 : vector<2000x1xf32> to vector<2000x128xf32>
    %sub3A_56 = arith.subf %add3A_37, %sub3A_55 : vector<2000x128xf32>
    %add3A_57 = arith.constant 9.99999974E-6 : f32
    %add3A_58 = vector.broadcast %add3A_57 : f32 to vector<2000x1xf32>
    %add3A_59 = arith.addf %div3A_54, %add3A_58 : vector<2000x1xf32>
    %sqrt3A = math.sqrt %add3A_59 : vector<2000x1xf32>
    %div3A_60 = vector.broadcast %sqrt3A : vector<2000x1xf32> to vector<2000x128xf32>
    %div3A_61 = arith.divf %sub3A_56, %div3A_60 : vector<2000x128xf32>
    %mul3A = vector.broadcast %get3A_40 : vector<1x128xf32> to vector<2000x128xf32>
    %mul3A_62 = arith.mulf %div3A_61, %mul3A : vector<2000x128xf32>
    %add3A_63 = vector.broadcast %get3A_43 : vector<1x128xf32> to vector<2000x128xf32>
    %add3A_64 = arith.addf %mul3A_62, %add3A_63 : vector<2000x128xf32>
    %max3A = arith.constant 0.000000e+00 : f32
    %max3A_65 = vector.broadcast %max3A : f32 to vector<2000x128xf32>
    %max3A_66 = arith.maximumf %add3A_64, %max3A_65 : vector<2000x128xf32>
    %get3A_67 = arith.constant 0 : index
    %get3A_68 = arith.constant 0 : index
    %get3A_69 = vector.load %arg12[%get3A_67, %get3A_68] : memref<128x128xf32, #tpu.memory_space<vmem>>, vector<128x128xf32>
    %dot_general3A_70 = arith.constant dense<0.000000e+00> : vector<2000x128xf32>
    %dot_general3A_71 = tpu.matmul %max3A_66, %get3A_69, %dot_general3A_70 {dimension_numbers = #tpu.dot_dimension_numbers<[1], [0], [0], [1], [0, 0, 1, 1], [], []>, transpose_lhs_hint = false} : vector<2000x128xf32>, vector<128x128xf32>, vector<2000x128xf32> -> vector<2000x128xf32>
    %get3A_72 = arith.constant 0 : index
    %get3A_73 = arith.constant 0 : index
    %get3A_74 = vector.load %arg13[%get3A_72, %get3A_73] : memref<1x128xf32, #tpu.memory_space<vmem>>, vector<1x128xf32>
    %add3A_75 = vector.broadcast %get3A_74 : vector<1x128xf32> to vector<2000x128xf32>
    %add3A_76 = arith.addf %dot_general3A_71, %add3A_75 : vector<2000x128xf32>
    %get3A_77 = arith.constant 0 : index
    %get3A_78 = arith.constant 0 : index
    %get3A_79 = vector.load %arg5[%get3A_77, %get3A_78] : memref<2000x128xf32, #tpu.memory_space<vmem>>, vector<2000x128xf32>
    %add3A_80 = arith.addf %add3A_76, %get3A_79 : vector<2000x128xf32>
    %swap3A = arith.constant 0 : index
    %swap3A_81 = arith.constant 0 : index
    %swap3A_82 = vector.load %arg14[%swap3A, %swap3A_81] : memref<2000x128xf32, #tpu.memory_space<vmem>>, vector<2000x128xf32>
    tpu.vector_store %arg14[%swap3A, %swap3A_81], %add3A_80 {strides = array<i32>} : memref<2000x128xf32, #tpu.memory_space<vmem>>, vector<2000x128xf32>,
    return
  }
  func.func @transform_0(%arg0: i32) -> (i32, i32) {
    %c0_i32 = arith.constant 0 : i32
    %c0_i32_0 = arith.constant 0 : i32
    return %arg0, %c0_i32 : i32, i32
  }
  func.func @transform_1(%arg0: i32) -> (i32, i32) {
    %c0_i32 = arith.constant 0 : i32
    %c0_i32_0 = arith.constant 0 : i32
    return %arg0, %c0_i32 : i32, i32
  }
  func.func @transform_2(%arg0: i32) -> (i32, i32) {
    %c0_i32 = arith.constant 0 : i32
    %c0_i32_0 = arith.constant 0 : i32
    return %arg0, %c0_i32 : i32, i32
  }
  func.func @transform_3(%arg0: i32) -> (i32, i32) {
    %c0_i32 = arith.constant 0 : i32
    %c0_i32_0 = arith.constant 0 : i32
    return %arg0, %c0_i32 : i32, i32
  }
  func.func @transform_4(%arg0: i32) -> (i32, i32) {
    %c0_i32 = arith.constant 0 : i32
    %c0_i32_0 = arith.constant 0 : i32
    return %arg0, %c0_i32 : i32, i32
  }
  func.func @transform_5(%arg0: i32) -> (i32, i32) {
    %c0_i32 = arith.constant 0 : i32
    %c0_i32_0 = arith.constant 0 : i32
    %c0_i32_1 = arith.constant 0 : i32
    return %c0_i32, %c0_i32_0 : i32, i32
  }
  func.func @transform_6(%arg0: i32) -> (i32, i32) {
    %c0_i32 = arith.constant 0 : i32
    %c0_i32_0 = arith.constant 0 : i32
    %c0_i32_1 = arith.constant 0 : i32
    return %c0_i32, %c0_i32_0 : i32, i32
  }
  func.func @transform_7(%arg0: i32) -> (i32, i32) {
    %c0_i32 = arith.constant 0 : i32
    %c0_i32_0 = arith.constant 0 : i32
    %c0_i32_1 = arith.constant 0 : i32
    return %c0_i32, %c0_i32_0 : i32, i32
  }
  func.func @transform_8(%arg0: i32) -> (i32, i32) {
    %c0_i32 = arith.constant 0 : i32
    %c0_i32_0 = arith.constant 0 : i32
    %c0_i32_1 = arith.constant 0 : i32
    return %c0_i32, %c0_i32_0 : i32, i32
  }
  func.func @transform_9(%arg0: i32) -> (i32, i32) {
    %c0_i32 = arith.constant 0 : i32
    %c0_i32_0 = arith.constant 0 : i32
    %c0_i32_1 = arith.constant 0 : i32
    return %c0_i32, %c0_i32_0 : i32, i32
  }
  func.func @transform_10(%arg0: i32) -> (i32, i32) {
    %c0_i32 = arith.constant 0 : i32
    %c0_i32_0 = arith.constant 0 : i32
    %c0_i32_1 = arith.constant 0 : i32
    return %c0_i32, %c0_i32_0 : i32, i32
  }
  func.func @transform_11(%arg0: i32) -> (i32, i32) {
    %c0_i32 = arith.constant 0 : i32
    %c0_i32_0 = arith.constant 0 : i32
    %c0_i32_1 = arith.constant 0 : i32
    return %c0_i32, %c0_i32_0 : i32, i32
  }
  func.func @transform_12(%arg0: i32) -> (i32, i32) {
    %c0_i32 = arith.constant 0 : i32
    %c0_i32_0 = arith.constant 0 : i32
    %c0_i32_1 = arith.constant 0 : i32
    return %c0_i32, %c0_i32_0 : i32, i32
  }
  func.func @transform_13(%arg0: i32) -> (i32, i32) {
    %c0_i32 = arith.constant 0 : i32
    %c0_i32_0 = arith.constant 0 : i32
    return %arg0, %c0_i32 : i32, i32
  }
}

module attributes {stable_mosaic.version = 14 : i64} {
  func.func @_edge2_body(%arg0: i32, %arg1: memref<2000x4xf32, #tpu.memory_space<vmem>>, %arg2: memref<2000x16xf32, #tpu.memory_space<vmem>>, %arg3: memref<2000x256xf32, #tpu.memory_space<vmem>>, %arg4: memref<2000x128xf32, #tpu.memory_space<vmem>>, %arg5: memref<1x20xf32, #tpu.memory_space<vmem>>, %arg6: memref<4x80xf32, #tpu.memory_space<vmem>>, %arg7: memref<20x80xf32, #tpu.memory_space<vmem>>, %arg8: memref<128x16xf32, #tpu.memory_space<vmem>>, %arg9: memref<16x48xf32, #tpu.memory_space<vmem>>, %arg10: memref<16x48xf32, #tpu.memory_space<vmem>>, %arg11: memref<4x256xf32, #tpu.memory_space<vmem>>, %arg12: memref<80x256xf32, #tpu.memory_space<vmem>>, %arg13: memref<128x256xf32, #tpu.memory_space<vmem>>, %arg14: memref<128x256xf32, #tpu.memory_space<vmem>>, %arg15: memref<1x256xf32, #tpu.memory_space<vmem>>, %arg16: memref<1x128xf32, #tpu.memory_space<vmem>>, %arg17: memref<1x128xf32, #tpu.memory_space<vmem>>, %arg18: memref<128x128xf32, #tpu.memory_space<vmem>>, %arg19: memref<1x128xf32, #tpu.memory_space<vmem>>, %arg20: memref<1x128xf32, #tpu.memory_space<vmem>>, %arg21: memref<1x128xf32, #tpu.memory_space<vmem>>, %arg22: memref<128x16xf32, #tpu.memory_space<vmem>>, %arg23: memref<1x16xf32, #tpu.memory_space<vmem>>, %arg24: memref<1x80xf32, #tpu.memory_space<vmem>>, %arg25: memref<1x1xf32, #tpu.memory_space<vmem>>, %arg26: memref<2000x16xf32, #tpu.memory_space<vmem>>, %arg27: memref<2000x48xf32, #tpu.memory_space<vmem>>) attributes {dimension_semantics = [#tpu.dimension_semantics<arbitrary>], iteration_bounds = array<i64: 80>, scalar_prefetch = 0 : i64, scratch_operands = 0 : i64, tpu.core_type = #tpu.core_type<tc>, window_params = [{transform_indices = @transform_0, window_bounds = array<i64: 2000, 4>}, {transform_indices = @transform_1, window_bounds = array<i64: 2000, 16>}, {transform_indices = @transform_2, window_bounds = array<i64: 2000, 256>}, {transform_indices = @transform_3, window_bounds = array<i64: 2000, 128>}, {pipeline_mode = #tpu.pipeline_mode<synchronous>, transform_indices = @transform_4, window_bounds = array<i64: 1, 20>}, {pipeline_mode = #tpu.pipeline_mode<synchronous>, transform_indices = @transform_5, window_bounds = array<i64: 4, 80>}, {pipeline_mode = #tpu.pipeline_mode<synchronous>, transform_indices = @transform_6, window_bounds = array<i64: 20, 80>}, {pipeline_mode = #tpu.pipeline_mode<synchronous>, transform_indices = @transform_7, window_bounds = array<i64: 128, 16>}, {pipeline_mode = #tpu.pipeline_mode<synchronous>, transform_indices = @transform_8, window_bounds = array<i64: 16, 48>}, {pipeline_mode = #tpu.pipeline_mode<synchronous>, transform_indices = @transform_9, window_bounds = array<i64: 16, 48>}, {pipeline_mode = #tpu.pipeline_mode<synchronous>, transform_indices = @transform_10, window_bounds = array<i64: 4, 256>}, {pipeline_mode = #tpu.pipeline_mode<synchronous>, transform_indices = @transform_11, window_bounds = array<i64: 80, 256>}, {pipeline_mode = #tpu.pipeline_mode<synchronous>, transform_indices = @transform_12, window_bounds = array<i64: 128, 256>}, {pipeline_mode = #tpu.pipeline_mode<synchronous>, transform_indices = @transform_13, window_bounds = array<i64: 128, 256>}, {pipeline_mode = #tpu.pipeline_mode<synchronous>, transform_indices = @transform_14, window_bounds = array<i64: 1, 256>}, {pipeline_mode = #tpu.pipeline_mode<synchronous>, transform_indices = @transform_15, window_bounds = array<i64: 1, 128>}, {pipeline_mode = #tpu.pipeline_mode<synchronous>, transform_indices = @transform_16, window_bounds = array<i64: 1, 128>}, {pipeline_mode = #tpu.pipeline_mode<synchronous>, transform_indices = @transform_17, window_bounds = array<i64: 128, 128>}, {pipeline_mode = #tpu.pipeline_mode<synchronous>, transform_indices = @transform_18, window_bounds = array<i64: 1, 128>}, {pipeline_mode = #tpu.pipeline_mode<synchronous>, transform_indices = @transform_19, window_bounds = array<i64: 1, 128>}, {pipeline_mode = #tpu.pipeline_mode<synchronous>, transform_indices = @transform_20, window_bounds = array<i64: 1, 128>}, {pipeline_mode = #tpu.pipeline_mode<synchronous>, transform_indices = @transform_21, window_bounds = array<i64: 128, 16>}, {pipeline_mode = #tpu.pipeline_mode<synchronous>, transform_indices = @transform_22, window_bounds = array<i64: 1, 16>}, {pipeline_mode = #tpu.pipeline_mode<synchronous>, transform_indices = @transform_23, window_bounds = array<i64: 1, 80>}, {pipeline_mode = #tpu.pipeline_mode<synchronous>, transform_indices = @transform_24, window_bounds = array<i64: 1, 1>}, {transform_indices = @transform_25, window_bounds = array<i64: 2000, 16>}, {transform_indices = @transform_26, window_bounds = array<i64: 2000, 48>}]} {
    %get3A = arith.constant 0 : index
    %get3A_0 = arith.constant 0 : index
    %get3A_1 = vector.load %arg1[%get3A, %get3A_0] : memref<2000x4xf32, #tpu.memory_space<vmem>>, vector<2000x4xf32>
    %get3A_2 = arith.constant 0 : index
    %get3A_3 = arith.constant 0 : index
    %get3A_4 = vector.load %arg2[%get3A_2, %get3A_3] : memref<2000x16xf32, #tpu.memory_space<vmem>>, vector<2000x16xf32>
    %get3A_5 = arith.constant 0 : index
    %get3A_6 = arith.constant 0 : index
    %get3A_7 = vector.load %arg3[%get3A_5, %get3A_6] : memref<2000x256xf32, #tpu.memory_space<vmem>>, vector<2000x128xf32>
    %get3A_8 = arith.constant 0 : index
    %get3A_9 = arith.constant 128 : index
    %get3A_10 = vector.load %arg3[%get3A_8, %get3A_9] : memref<2000x256xf32, #tpu.memory_space<vmem>>, vector<2000x128xf32>
    %get3A_11 = arith.constant 0 : index
    %get3A_12 = arith.constant 0 : index
    %get3A_13 = vector.load %arg4[%get3A_11, %get3A_12] : memref<2000x128xf32, #tpu.memory_space<vmem>>, vector<2000x128xf32>
    %get3A_14 = arith.constant 0 : index
    %get3A_15 = arith.constant 0 : index
    %get3A_16 = vector.load %arg5[%get3A_14, %get3A_15] : memref<1x20xf32, #tpu.memory_space<vmem>>, vector<1x20xf32>
    %get3A_17 = arith.constant 0 : index
    %get3A_18 = arith.constant 0 : index
    %get3A_19 = vector.load %arg6[%get3A_17, %get3A_18] : memref<4x80xf32, #tpu.memory_space<vmem>>, vector<4x80xf32>
    %get3A_20 = arith.constant 0 : index
    %get3A_21 = arith.constant 0 : index
    %get3A_22 = vector.load %arg7[%get3A_20, %get3A_21] : memref<20x80xf32, #tpu.memory_space<vmem>>, vector<20x80xf32>
    %mul3A = arith.mulf %get3A_4, %get3A_4 : vector<2000x16xf32>
    %reduce_sum3A = arith.constant dense<0.000000e+00> : vector<2000xf32>
    %reduce_sum3A_23 = vector.multi_reduction <add>, %mul3A, %reduce_sum3A [1] : vector<2000x16xf32> to vector<2000xf32>
    %broadcast_in_dim3A = vector.shape_cast %reduce_sum3A_23 : vector<2000xf32> to vector<2000x1xf32>
    %sqrt3A = math.sqrt %broadcast_in_dim3A : vector<2000x1xf32>
    %sub3A = vector.broadcast %sqrt3A : vector<2000x1xf32> to vector<2000x20xf32>
    %sub3A_24 = vector.broadcast %get3A_16 : vector<1x20xf32> to vector<2000x20xf32>
    %sub3A_25 = arith.subf %sub3A, %sub3A_24 : vector<2000x20xf32>
    %integer_pow3A = arith.mulf %sub3A_25, %sub3A_25 : vector<2000x20xf32>
    %mul3A_26 = arith.constant -1.805000e+00 : f32
    %mul3A_27 = vector.broadcast %mul3A_26 : f32 to vector<2000x20xf32>
    %mul3A_28 = arith.mulf %mul3A_27, %integer_pow3A : vector<2000x20xf32>
    %exp3A = math.exp %mul3A_28 : vector<2000x20xf32>
    %dot_general3A = arith.constant dense<0.000000e+00> : vector<2000x80xf32>
    %dot_general3A_29 = tpu.matmul %get3A_1, %get3A_19, %dot_general3A {dimension_numbers = #tpu.dot_dimension_numbers<[1], [0], [0], [1], [0, 0, 1, 1], [], []>, transpose_lhs_hint = false} : vector<2000x4xf32>, vector<4x80xf32>, vector<2000x80xf32> -> vector<2000x80xf32>
    %dot_general3A_30 = arith.constant dense<0.000000e+00> : vector<2000x80xf32>
    %dot_general3A_31 = tpu.matmul %exp3A, %get3A_22, %dot_general3A_30 {dimension_numbers = #tpu.dot_dimension_numbers<[1], [0], [0], [1], [0, 0, 1, 1], [], []>, transpose_lhs_hint = false} : vector<2000x20xf32>, vector<20x80xf32>, vector<2000x80xf32> -> vector<2000x80xf32>
    %mul3A_32 = arith.mulf %dot_general3A_29, %dot_general3A_31 : vector<2000x80xf32>
    %get3A_33 = arith.constant 0 : index
    %get3A_34 = arith.constant 0 : index
    %get3A_35 = vector.load %arg11[%get3A_33, %get3A_34] : memref<4x256xf32, #tpu.memory_space<vmem>>, vector<4x256xf32>
    %dot_general3A_36 = arith.constant dense<0.000000e+00> : vector<2000x256xf32>
    %dot_general3A_37 = tpu.matmul %get3A_1, %get3A_35, %dot_general3A_36 {dimension_numbers = #tpu.dot_dimension_numbers<[1], [0], [0], [1], [0, 0, 1, 1], [], []>, transpose_lhs_hint = false} : vector<2000x4xf32>, vector<4x256xf32>, vector<2000x256xf32> -> vector<2000x256xf32>
    %get3A_38 = arith.constant 0 : index
    %get3A_39 = arith.constant 0 : index
    %get3A_40 = vector.load %arg12[%get3A_38, %get3A_39] : memref<80x256xf32, #tpu.memory_space<vmem>>, vector<80x256xf32>
    %dot_general3A_41 = arith.constant dense<0.000000e+00> : vector<2000x256xf32>
    %dot_general3A_42 = tpu.matmul %mul3A_32, %get3A_40, %dot_general3A_41 {dimension_numbers = #tpu.dot_dimension_numbers<[1], [0], [0], [1], [0, 0, 1, 1], [], []>, transpose_lhs_hint = false} : vector<2000x80xf32>, vector<80x256xf32>, vector<2000x256xf32> -> vector<2000x256xf32>
    %add3A = arith.addf %dot_general3A_37, %dot_general3A_42 : vector<2000x256xf32>
    %get3A_43 = arith.constant 0 : index
    %get3A_44 = arith.constant 0 : index
    %get3A_45 = vector.load %arg13[%get3A_43, %get3A_44] : memref<128x256xf32, #tpu.memory_space<vmem>>, vector<128x256xf32>
    %dot_general3A_46 = arith.constant dense<0.000000e+00> : vector<2000x256xf32>
    %dot_general3A_47 = tpu.matmul %get3A_7, %get3A_45, %dot_general3A_46 {dimension_numbers = #tpu.dot_dimension_numbers<[1], [0], [0], [1], [0, 0, 1, 1], [], []>, transpose_lhs_hint = false} : vector<2000x128xf32>, vector<128x256xf32>, vector<2000x256xf32> -> vector<2000x256xf32>
    %add3A_48 = arith.addf %add3A, %dot_general3A_47 : vector<2000x256xf32>
    %get3A_49 = arith.constant 0 : index
    %get3A_50 = arith.constant 0 : index
    %get3A_51 = vector.load %arg14[%get3A_49, %get3A_50] : memref<128x256xf32, #tpu.memory_space<vmem>>, vector<128x256xf32>
    %dot_general3A_52 = arith.constant dense<0.000000e+00> : vector<2000x256xf32>
    %dot_general3A_53 = tpu.matmul %get3A_13, %get3A_51, %dot_general3A_52 {dimension_numbers = #tpu.dot_dimension_numbers<[1], [0], [0], [1], [0, 0, 1, 1], [], []>, transpose_lhs_hint = false} : vector<2000x128xf32>, vector<128x256xf32>, vector<2000x256xf32> -> vector<2000x256xf32>
    %add3A_54 = arith.addf %add3A_48, %dot_general3A_53 : vector<2000x256xf32>
    %get3A_55 = arith.constant 0 : index
    %get3A_56 = arith.constant 0 : index
    %get3A_57 = vector.load %arg15[%get3A_55, %get3A_56] : memref<1x256xf32, #tpu.memory_space<vmem>>, vector<1x256xf32>
    %add3A_58 = vector.broadcast %get3A_57 : vector<1x256xf32> to vector<2000x256xf32>
    %add3A_59 = arith.addf %add3A_54, %add3A_58 : vector<2000x256xf32>
    %slice3A = vector.extract_strided_slice %add3A_59 {offsets = [0, 0], sizes = [2000, 128], strides = [1, 1]} : vector<2000x256xf32> to vector<2000x128xf32>
    %slice3A_60 = vector.extract_strided_slice %add3A_59 {offsets = [0, 128], sizes = [2000, 128], strides = [1, 1]} : vector<2000x256xf32> to vector<2000x128xf32>
    %get3A_61 = arith.constant 0 : index
    %get3A_62 = arith.constant 0 : index
    %get3A_63 = vector.load %arg16[%get3A_61, %get3A_62] : memref<1x128xf32, #tpu.memory_space<vmem>>, vector<1x128xf32>
    %get3A_64 = arith.constant 0 : index
    %get3A_65 = arith.constant 0 : index
    %get3A_66 = vector.load %arg17[%get3A_64, %get3A_65] : memref<1x128xf32, #tpu.memory_space<vmem>>, vector<1x128xf32>
    %reduce_sum3A_67 = arith.constant dense<0.000000e+00> : vector<2000xf32>
    %reduce_sum3A_68 = vector.multi_reduction <add>, %slice3A, %reduce_sum3A_67 [1] : vector<2000x128xf32> to vector<2000xf32>
    %broadcast_in_dim3A_69 = vector.shape_cast %reduce_sum3A_68 : vector<2000xf32> to vector<2000x1xf32>
    %div3A = arith.constant 1.280000e+02 : f32
    %div3A_70 = vector.broadcast %div3A : f32 to vector<2000x1xf32>
    %div3A_71 = arith.divf %broadcast_in_dim3A_69, %div3A_70 : vector<2000x1xf32>
    %sub3A_72 = vector.broadcast %div3A_71 : vector<2000x1xf32> to vector<2000x128xf32>
    %sub3A_73 = arith.subf %slice3A, %sub3A_72 : vector<2000x128xf32>
    %integer_pow3A_74 = arith.mulf %sub3A_73, %sub3A_73 : vector<2000x128xf32>
    %reduce_sum3A_75 = arith.constant dense<0.000000e+00> : vector<2000xf32>
    %reduce_sum3A_76 = vector.multi_reduction <add>, %integer_pow3A_74, %reduce_sum3A_75 [1] : vector<2000x128xf32> to vector<2000xf32>
    %broadcast_in_dim3A_77 = vector.shape_cast %reduce_sum3A_76 : vector<2000xf32> to vector<2000x1xf32>
    %div3A_78 = arith.constant 1.280000e+02 : f32
    %div3A_79 = vector.broadcast %div3A_78 : f32 to vector<2000x1xf32>
    %div3A_80 = arith.divf %broadcast_in_dim3A_77, %div3A_79 : vector<2000x1xf32>
    %sub3A_81 = vector.broadcast %div3A_71 : vector<2000x1xf32> to vector<2000x128xf32>
    %sub3A_82 = arith.subf %slice3A, %sub3A_81 : vector<2000x128xf32>
    %add3A_83 = arith.constant 9.99999974E-6 : f32
    %add3A_84 = vector.broadcast %add3A_83 : f32 to vector<2000x1xf32>
    %add3A_85 = arith.addf %div3A_80, %add3A_84 : vector<2000x1xf32>
    %sqrt3A_86 = math.sqrt %add3A_85 : vector<2000x1xf32>
    %div3A_87 = vector.broadcast %sqrt3A_86 : vector<2000x1xf32> to vector<2000x128xf32>
    %div3A_88 = arith.divf %sub3A_82, %div3A_87 : vector<2000x128xf32>
    %mul3A_89 = vector.broadcast %get3A_63 : vector<1x128xf32> to vector<2000x128xf32>
    %mul3A_90 = arith.mulf %div3A_88, %mul3A_89 : vector<2000x128xf32>
    %add3A_91 = vector.broadcast %get3A_66 : vector<1x128xf32> to vector<2000x128xf32>
    %add3A_92 = arith.addf %mul3A_90, %add3A_91 : vector<2000x128xf32>
    %max3A = arith.constant 0.000000e+00 : f32
    %max3A_93 = vector.broadcast %max3A : f32 to vector<2000x128xf32>
    %max3A_94 = arith.maximumf %add3A_92, %max3A_93 : vector<2000x128xf32>
    %get3A_95 = arith.constant 0 : index
    %get3A_96 = arith.constant 0 : index
    %get3A_97 = vector.load %arg18[%get3A_95, %get3A_96] : memref<128x128xf32, #tpu.memory_space<vmem>>, vector<128x128xf32>
    %dot_general3A_98 = arith.constant dense<0.000000e+00> : vector<2000x128xf32>
    %dot_general3A_99 = tpu.matmul %max3A_94, %get3A_97, %dot_general3A_98 {dimension_numbers = #tpu.dot_dimension_numbers<[1], [0], [0], [1], [0, 0, 1, 1], [], []>, transpose_lhs_hint = false} : vector<2000x128xf32>, vector<128x128xf32>, vector<2000x128xf32> -> vector<2000x128xf32>
    %get3A_100 = arith.constant 0 : index
    %get3A_101 = arith.constant 0 : index
    %get3A_102 = vector.load %arg19[%get3A_100, %get3A_101] : memref<1x128xf32, #tpu.memory_space<vmem>>, vector<1x128xf32>
    %add3A_103 = vector.broadcast %get3A_102 : vector<1x128xf32> to vector<2000x128xf32>
    %add3A_104 = arith.addf %dot_general3A_99, %add3A_103 : vector<2000x128xf32>
    %get3A_105 = arith.constant 0 : index
    %get3A_106 = arith.constant 0 : index
    %get3A_107 = vector.load %arg20[%get3A_105, %get3A_106] : memref<1x128xf32, #tpu.memory_space<vmem>>, vector<1x128xf32>
    %get3A_108 = arith.constant 0 : index
    %get3A_109 = arith.constant 0 : index
    %get3A_110 = vector.load %arg21[%get3A_108, %get3A_109] : memref<1x128xf32, #tpu.memory_space<vmem>>, vector<1x128xf32>
    %reduce_sum3A_111 = arith.constant dense<0.000000e+00> : vector<2000xf32>
    %reduce_sum3A_112 = vector.multi_reduction <add>, %slice3A_60, %reduce_sum3A_111 [1] : vector<2000x128xf32> to vector<2000xf32>
    %broadcast_in_dim3A_113 = vector.shape_cast %reduce_sum3A_112 : vector<2000xf32> to vector<2000x1xf32>
    %div3A_114 = arith.constant 1.280000e+02 : f32
    %div3A_115 = vector.broadcast %div3A_114 : f32 to vector<2000x1xf32>
    %div3A_116 = arith.divf %broadcast_in_dim3A_113, %div3A_115 : vector<2000x1xf32>
    %sub3A_117 = vector.broadcast %div3A_116 : vector<2000x1xf32> to vector<2000x128xf32>
    %sub3A_118 = arith.subf %slice3A_60, %sub3A_117 : vector<2000x128xf32>
    %integer_pow3A_119 = arith.mulf %sub3A_118, %sub3A_118 : vector<2000x128xf32>
    %reduce_sum3A_120 = arith.constant dense<0.000000e+00> : vector<2000xf32>
    %reduce_sum3A_121 = vector.multi_reduction <add>, %integer_pow3A_119, %reduce_sum3A_120 [1] : vector<2000x128xf32> to vector<2000xf32>
    %broadcast_in_dim3A_122 = vector.shape_cast %reduce_sum3A_121 : vector<2000xf32> to vector<2000x1xf32>
    %div3A_123 = arith.constant 1.280000e+02 : f32
    %div3A_124 = vector.broadcast %div3A_123 : f32 to vector<2000x1xf32>
    %div3A_125 = arith.divf %broadcast_in_dim3A_122, %div3A_124 : vector<2000x1xf32>
    %sub3A_126 = vector.broadcast %div3A_116 : vector<2000x1xf32> to vector<2000x128xf32>
    %sub3A_127 = arith.subf %slice3A_60, %sub3A_126 : vector<2000x128xf32>
    %add3A_128 = arith.constant 9.99999974E-6 : f32
    %add3A_129 = vector.broadcast %add3A_128 : f32 to vector<2000x1xf32>
    %add3A_130 = arith.addf %div3A_125, %add3A_129 : vector<2000x1xf32>
    %sqrt3A_131 = math.sqrt %add3A_130 : vector<2000x1xf32>
    %div3A_132 = vector.broadcast %sqrt3A_131 : vector<2000x1xf32> to vector<2000x128xf32>
    %div3A_133 = arith.divf %sub3A_127, %div3A_132 : vector<2000x128xf32>
    %mul3A_134 = vector.broadcast %get3A_107 : vector<1x128xf32> to vector<2000x128xf32>
    %mul3A_135 = arith.mulf %div3A_133, %mul3A_134 : vector<2000x128xf32>
    %add3A_136 = vector.broadcast %get3A_110 : vector<1x128xf32> to vector<2000x128xf32>
    %add3A_137 = arith.addf %mul3A_135, %add3A_136 : vector<2000x128xf32>
    %max3A_138 = arith.constant 0.000000e+00 : f32
    %max3A_139 = vector.broadcast %max3A_138 : f32 to vector<2000x128xf32>
    %max3A_140 = arith.maximumf %add3A_137, %max3A_139 : vector<2000x128xf32>
    %get3A_141 = arith.constant 0 : index
    %get3A_142 = arith.constant 0 : index
    %get3A_143 = vector.load %arg22[%get3A_141, %get3A_142] : memref<128x16xf32, #tpu.memory_space<vmem>>, vector<128x16xf32>
    %dot_general3A_144 = arith.constant dense<0.000000e+00> : vector<2000x16xf32>
    %dot_general3A_145 = tpu.matmul %max3A_140, %get3A_143, %dot_general3A_144 {dimension_numbers = #tpu.dot_dimension_numbers<[1], [0], [0], [1], [0, 0, 1, 1], [], []>, transpose_lhs_hint = false} : vector<2000x128xf32>, vector<128x16xf32>, vector<2000x16xf32> -> vector<2000x16xf32>
    %get3A_146 = arith.constant 0 : index
    %get3A_147 = arith.constant 0 : index
    %get3A_148 = vector.load %arg23[%get3A_146, %get3A_147] : memref<1x16xf32, #tpu.memory_space<vmem>>, vector<1x16xf32>
    %add3A_149 = vector.broadcast %get3A_148 : vector<1x16xf32> to vector<2000x16xf32>
    %add3A_150 = arith.addf %dot_general3A_145, %add3A_149 : vector<2000x16xf32>
    %get3A_151 = arith.constant 0 : index
    %get3A_152 = arith.constant 0 : index
    %get3A_153 = vector.load %arg24[%get3A_151, %get3A_152] : memref<1x80xf32, #tpu.memory_space<vmem>>, vector<1x80xf32>
    %mul3A_154 = vector.broadcast %get3A_153 : vector<1x80xf32> to vector<2000x80xf32>
    %mul3A_155 = arith.mulf %mul3A_32, %mul3A_154 : vector<2000x80xf32>
    %reduce_sum3A_156 = arith.constant dense<0.000000e+00> : vector<2000xf32>
    %reduce_sum3A_157 = vector.multi_reduction <add>, %mul3A_155, %reduce_sum3A_156 [1] : vector<2000x80xf32> to vector<2000xf32>
    %broadcast_in_dim3A_158 = vector.shape_cast %reduce_sum3A_157 : vector<2000xf32> to vector<2000x1xf32>
    %get3A_159 = arith.constant 0 : index
    %get3A_160 = arith.constant 0 : index
    %get3A_161 = vector.load %arg25[%get3A_159, %get3A_160] : memref<1x1xf32, #tpu.memory_space<vmem>>, vector<1x1xf32>
    %add3A_162 = vector.broadcast %get3A_161 : vector<1x1xf32> to vector<2000x1xf32>
    %add3A_163 = arith.addf %broadcast_in_dim3A_158, %add3A_162 : vector<2000x1xf32>
    %neg3A = arith.constant 0.000000e+00 : f32
    %neg3A_164 = vector.broadcast %neg3A : f32 to vector<2000x1xf32>
    %neg3A_165 = arith.subf %neg3A_164, %add3A_163 : vector<2000x1xf32>
    %exp3A_166 = math.exp %neg3A_165 : vector<2000x1xf32>
    %add3A_167 = arith.constant 1.000000e+00 : f32
    %add3A_168 = vector.broadcast %add3A_167 : f32 to vector<2000x1xf32>
    %add3A_169 = arith.addf %add3A_168, %exp3A_166 : vector<2000x1xf32>
    %div3A_170 = arith.constant 1.000000e+00 : f32
    %div3A_171 = vector.broadcast %div3A_170 : f32 to vector<2000x1xf32>
    %div3A_172 = arith.divf %div3A_171, %add3A_169 : vector<2000x1xf32>
    %mul3A_173 = vector.broadcast %div3A_172 : vector<2000x1xf32> to vector<2000x16xf32>
    %mul3A_174 = arith.mulf %add3A_150, %mul3A_173 : vector<2000x16xf32>
    %mul3A_175 = arith.mulf %get3A_10, %add3A_104 : vector<2000x128xf32>
    %get3A_176 = arith.constant 0 : index
    %get3A_177 = arith.constant 0 : index
    %get3A_178 = vector.load %arg8[%get3A_176, %get3A_177] : memref<128x16xf32, #tpu.memory_space<vmem>>, vector<128x16xf32>
    %dot_general3A_179 = arith.constant dense<0.000000e+00> : vector<2000x16xf32>
    %dot_general3A_180 = tpu.matmul %mul3A_175, %get3A_178, %dot_general3A_179 {dimension_numbers = #tpu.dot_dimension_numbers<[1], [0], [0], [1], [0, 0, 1, 1], [], []>, transpose_lhs_hint = false} : vector<2000x128xf32>, vector<128x16xf32>, vector<2000x16xf32> -> vector<2000x16xf32>
    %mul3A_181 = arith.constant 0.353553385 : f32
    %mul3A_182 = vector.broadcast %mul3A_181 : f32 to vector<2000x16xf32>
    %mul3A_183 = arith.mulf %dot_general3A_180, %mul3A_182 : vector<2000x16xf32>
    %exp3A_184 = math.exp %mul3A_183 : vector<2000x16xf32>
    %swap3A = arith.constant 0 : index
    %swap3A_185 = arith.constant 0 : index
    %swap3A_186 = vector.load %arg26[%swap3A, %swap3A_185] : memref<2000x16xf32, #tpu.memory_space<vmem>>, vector<2000x16xf32>
    tpu.vector_store %arg26[%swap3A, %swap3A_185], %exp3A_184 {strides = array<i32>} : memref<2000x16xf32, #tpu.memory_space<vmem>>, vector<2000x16xf32>,
    %mul3A_187 = arith.mulf %exp3A_184, %mul3A_174 : vector<2000x16xf32>
    %get3A_188 = arith.constant 0 : index
    %get3A_189 = arith.constant 0 : index
    %get3A_190 = vector.load %arg9[%get3A_188, %get3A_189] : memref<16x48xf32, #tpu.memory_space<vmem>>, vector<16x48xf32>
    %dot_general3A_191 = arith.constant dense<0.000000e+00> : vector<2000x48xf32>
    %dot_general3A_192 = tpu.matmul %mul3A_187, %get3A_190, %dot_general3A_191 {dimension_numbers = #tpu.dot_dimension_numbers<[1], [0], [0], [1], [0, 0, 1, 1], [], []>, transpose_lhs_hint = false} : vector<2000x16xf32>, vector<16x48xf32>, vector<2000x48xf32> -> vector<2000x48xf32>
    %get3A_193 = arith.constant 0 : index
    %get3A_194 = arith.constant 0 : index
    %get3A_195 = vector.load %arg10[%get3A_193, %get3A_194] : memref<16x48xf32, #tpu.memory_space<vmem>>, vector<16x48xf32>
    %dot_general3A_196 = arith.constant dense<0.000000e+00> : vector<2000x48xf32>
    %dot_general3A_197 = tpu.matmul %get3A_4, %get3A_195, %dot_general3A_196 {dimension_numbers = #tpu.dot_dimension_numbers<[1], [0], [0], [1], [0, 0, 1, 1], [], []>, transpose_lhs_hint = false} : vector<2000x16xf32>, vector<16x48xf32>, vector<2000x48xf32> -> vector<2000x48xf32>
    %mul3A_198 = arith.mulf %dot_general3A_192, %dot_general3A_197 : vector<2000x48xf32>
    %swap3A_199 = arith.constant 0 : index
    %swap3A_200 = arith.constant 0 : index
    %swap3A_201 = vector.load %arg27[%swap3A_199, %swap3A_200] : memref<2000x48xf32, #tpu.memory_space<vmem>>, vector<2000x48xf32>
    tpu.vector_store %arg27[%swap3A_199, %swap3A_200], %mul3A_198 {strides = array<i32>} : memref<2000x48xf32, #tpu.memory_space<vmem>>, vector<2000x48xf32>,
    return
  }
  func.func @transform_0(%arg0: i32) -> (i32, i32) {
    %c0_i32 = arith.constant 0 : i32
    %c0_i32_0 = arith.constant 0 : i32
    return %arg0, %c0_i32 : i32, i32
  }
  func.func @transform_1(%arg0: i32) -> (i32, i32) {
    %c0_i32 = arith.constant 0 : i32
    %c0_i32_0 = arith.constant 0 : i32
    return %arg0, %c0_i32 : i32, i32
  }
  func.func @transform_2(%arg0: i32) -> (i32, i32) {
    %c0_i32 = arith.constant 0 : i32
    %c0_i32_0 = arith.constant 0 : i32
    return %arg0, %c0_i32 : i32, i32
  }
  func.func @transform_3(%arg0: i32) -> (i32, i32) {
    %c0_i32 = arith.constant 0 : i32
    %c0_i32_0 = arith.constant 0 : i32
    return %arg0, %c0_i32 : i32, i32
  }
  func.func @transform_4(%arg0: i32) -> (i32, i32) {
    %c0_i32 = arith.constant 0 : i32
    %c0_i32_0 = arith.constant 0 : i32
    %c0_i32_1 = arith.constant 0 : i32
    return %c0_i32, %c0_i32_0 : i32, i32
  }
  func.func @transform_5(%arg0: i32) -> (i32, i32) {
    %c0_i32 = arith.constant 0 : i32
    %c0_i32_0 = arith.constant 0 : i32
    %c0_i32_1 = arith.constant 0 : i32
    return %c0_i32, %c0_i32_0 : i32, i32
  }
  func.func @transform_6(%arg0: i32) -> (i32, i32) {
    %c0_i32 = arith.constant 0 : i32
    %c0_i32_0 = arith.constant 0 : i32
    %c0_i32_1 = arith.constant 0 : i32
    return %c0_i32, %c0_i32_0 : i32, i32
  }
  func.func @transform_7(%arg0: i32) -> (i32, i32) {
    %c0_i32 = arith.constant 0 : i32
    %c0_i32_0 = arith.constant 0 : i32
    %c0_i32_1 = arith.constant 0 : i32
    return %c0_i32, %c0_i32_0 : i32, i32
  }
  func.func @transform_8(%arg0: i32) -> (i32, i32) {
    %c0_i32 = arith.constant 0 : i32
    %c0_i32_0 = arith.constant 0 : i32
    %c0_i32_1 = arith.constant 0 : i32
    return %c0_i32, %c0_i32_0 : i32, i32
  }
  func.func @transform_9(%arg0: i32) -> (i32, i32) {
    %c0_i32 = arith.constant 0 : i32
    %c0_i32_0 = arith.constant 0 : i32
    %c0_i32_1 = arith.constant 0 : i32
    return %c0_i32, %c0_i32_0 : i32, i32
  }
  func.func @transform_10(%arg0: i32) -> (i32, i32) {
    %c0_i32 = arith.constant 0 : i32
    %c0_i32_0 = arith.constant 0 : i32
    %c0_i32_1 = arith.constant 0 : i32
    return %c0_i32, %c0_i32_0 : i32, i32
  }
  func.func @transform_11(%arg0: i32) -> (i32, i32) {
    %c0_i32 = arith.constant 0 : i32
    %c0_i32_0 = arith.constant 0 : i32
    %c0_i32_1 = arith.constant 0 : i32
    return %c0_i32, %c0_i32_0 : i32, i32
  }
  func.func @transform_12(%arg0: i32) -> (i32, i32) {
    %c0_i32 = arith.constant 0 : i32
    %c0_i32_0 = arith.constant 0 : i32
    %c0_i32_1 = arith.constant 0 : i32
    return %c0_i32, %c0_i32_0 : i32, i32
  }
  func.func @transform_13(%arg0: i32) -> (i32, i32) {
    %c0_i32 = arith.constant 0 : i32
    %c0_i32_0 = arith.constant 0 : i32
    %c0_i32_1 = arith.constant 0 : i32
    return %c0_i32, %c0_i32_0 : i32, i32
  }
  func.func @transform_14(%arg0: i32) -> (i32, i32) {
    %c0_i32 = arith.constant 0 : i32
    %c0_i32_0 = arith.constant 0 : i32
    %c0_i32_1 = arith.constant 0 : i32
    return %c0_i32, %c0_i32_0 : i32, i32
  }
  func.func @transform_15(%arg0: i32) -> (i32, i32) {
    %c0_i32 = arith.constant 0 : i32
    %c0_i32_0 = arith.constant 0 : i32
    %c0_i32_1 = arith.constant 0 : i32
    return %c0_i32, %c0_i32_0 : i32, i32
  }
  func.func @transform_16(%arg0: i32) -> (i32, i32) {
    %c0_i32 = arith.constant 0 : i32
    %c0_i32_0 = arith.constant 0 : i32
    %c0_i32_1 = arith.constant 0 : i32
    return %c0_i32, %c0_i32_0 : i32, i32
  }
  func.func @transform_17(%arg0: i32) -> (i32, i32) {
    %c0_i32 = arith.constant 0 : i32
    %c0_i32_0 = arith.constant 0 : i32
    %c0_i32_1 = arith.constant 0 : i32
    return %c0_i32, %c0_i32_0 : i32, i32
  }
  func.func @transform_18(%arg0: i32) -> (i32, i32) {
    %c0_i32 = arith.constant 0 : i32
    %c0_i32_0 = arith.constant 0 : i32
    %c0_i32_1 = arith.constant 0 : i32
    return %c0_i32, %c0_i32_0 : i32, i32
  }
  func.func @transform_19(%arg0: i32) -> (i32, i32) {
    %c0_i32 = arith.constant 0 : i32
    %c0_i32_0 = arith.constant 0 : i32
    %c0_i32_1 = arith.constant 0 : i32
    return %c0_i32, %c0_i32_0 : i32, i32
  }
  func.func @transform_20(%arg0: i32) -> (i32, i32) {
    %c0_i32 = arith.constant 0 : i32
    %c0_i32_0 = arith.constant 0 : i32
    %c0_i32_1 = arith.constant 0 : i32
    return %c0_i32, %c0_i32_0 : i32, i32
  }
  func.func @transform_21(%arg0: i32) -> (i32, i32) {
    %c0_i32 = arith.constant 0 : i32
    %c0_i32_0 = arith.constant 0 : i32
    %c0_i32_1 = arith.constant 0 : i32
    return %c0_i32, %c0_i32_0 : i32, i32
  }
  func.func @transform_22(%arg0: i32) -> (i32, i32) {
    %c0_i32 = arith.constant 0 : i32
    %c0_i32_0 = arith.constant 0 : i32
    %c0_i32_1 = arith.constant 0 : i32
    return %c0_i32, %c0_i32_0 : i32, i32
  }
  func.func @transform_23(%arg0: i32) -> (i32, i32) {
    %c0_i32 = arith.constant 0 : i32
    %c0_i32_0 = arith.constant 0 : i32
    %c0_i32_1 = arith.constant 0 : i32
    return %c0_i32, %c0_i32_0 : i32, i32
  }
  func.func @transform_24(%arg0: i32) -> (i32, i32) {
    %c0_i32 = arith.constant 0 : i32
    %c0_i32_0 = arith.constant 0 : i32
    %c0_i32_1 = arith.constant 0 : i32
    return %c0_i32, %c0_i32_0 : i32, i32
  }
  func.func @transform_25(%arg0: i32) -> (i32, i32) {
    %c0_i32 = arith.constant 0 : i32
    %c0_i32_0 = arith.constant 0 : i32
    return %arg0, %c0_i32 : i32, i32
  }
  func.func @transform_26(%arg0: i32) -> (i32, i32) {
    %c0_i32 = arith.constant 0 : i32
    %c0_i32_0 = arith.constant 0 : i32
    return %arg0, %c0_i32 : i32, i32
  }
}

module attributes {stable_mosaic.version = 14 : i64} {
  func.func @_node2_body(%arg0: i32, %arg1: memref<2000x16xf32, #tpu.memory_space<vmem>>, %arg2: memref<2000x16xf32, #tpu.memory_space<vmem>>, %arg3: memref<2000x48xf32, #tpu.memory_space<vmem>>, %arg4: memref<2000x48xf32, #tpu.memory_space<vmem>>, %arg5: memref<2000x16xf32, #tpu.memory_space<vmem>>, %arg6: memref<2000x8xf32, #tpu.memory_space<vmem>>, %arg7: memref<16x48xf32, #tpu.memory_space<vmem>>, %arg8: memref<48x8xf32, #tpu.memory_space<vmem>>, %arg9: memref<2000x8xf32, #tpu.memory_space<vmem>>) attributes {dimension_semantics = [#tpu.dimension_semantics<arbitrary>], iteration_bounds = array<i64: 5>, scalar_prefetch = 0 : i64, scratch_operands = 0 : i64, tpu.core_type = #tpu.core_type<tc>, window_params = [{transform_indices = @transform_0, window_bounds = array<i64: 2000, 16>}, {transform_indices = @transform_1, window_bounds = array<i64: 2000, 16>}, {transform_indices = @transform_2, window_bounds = array<i64: 2000, 48>}, {transform_indices = @transform_3, window_bounds = array<i64: 2000, 48>}, {transform_indices = @transform_4, window_bounds = array<i64: 2000, 16>}, {transform_indices = @transform_5, window_bounds = array<i64: 2000, 8>}, {pipeline_mode = #tpu.pipeline_mode<synchronous>, transform_indices = @transform_6, window_bounds = array<i64: 16, 48>}, {pipeline_mode = #tpu.pipeline_mode<synchronous>, transform_indices = @transform_7, window_bounds = array<i64: 48, 8>}, {transform_indices = @transform_8, window_bounds = array<i64: 2000, 8>}]} {
    %get3A = arith.constant 0 : index
    %get3A_0 = arith.constant 0 : index
    %get3A_1 = vector.load %arg1[%get3A, %get3A_0] : memref<2000x16xf32, #tpu.memory_space<vmem>>, vector<2000x16xf32>
    %get3A_2 = arith.constant 0 : index
    %get3A_3 = arith.constant 0 : index
    %get3A_4 = vector.load %arg2[%get3A_2, %get3A_3] : memref<2000x16xf32, #tpu.memory_space<vmem>>, vector<2000x16xf32>
    %add3A = arith.addf %get3A_1, %get3A_4 : vector<2000x16xf32>
    %get3A_5 = arith.constant 0 : index
    %get3A_6 = arith.constant 0 : index
    %get3A_7 = vector.load %arg7[%get3A_5, %get3A_6] : memref<16x48xf32, #tpu.memory_space<vmem>>, vector<16x48xf32>
    %dot_general3A = arith.constant dense<0.000000e+00> : vector<2000x48xf32>
    %dot_general3A_8 = tpu.matmul %add3A, %get3A_7, %dot_general3A {dimension_numbers = #tpu.dot_dimension_numbers<[1], [0], [0], [1], [0, 0, 1, 1], [], []>, transpose_lhs_hint = false} : vector<2000x16xf32>, vector<16x48xf32>, vector<2000x48xf32> -> vector<2000x48xf32>
    %get3A_9 = arith.constant 0 : index
    %get3A_10 = arith.constant 0 : index
    %get3A_11 = vector.load %arg3[%get3A_9, %get3A_10] : memref<2000x48xf32, #tpu.memory_space<vmem>>, vector<2000x48xf32>
    %get3A_12 = arith.constant 0 : index
    %get3A_13 = arith.constant 0 : index
    %get3A_14 = vector.load %arg4[%get3A_12, %get3A_13] : memref<2000x48xf32, #tpu.memory_space<vmem>>, vector<2000x48xf32>
    %add3A_15 = arith.addf %get3A_11, %get3A_14 : vector<2000x48xf32>
    %add3A_16 = arith.constant 1.000000e-16 : f32
    %add3A_17 = vector.broadcast %add3A_16 : f32 to vector<2000x48xf32>
    %add3A_18 = arith.addf %dot_general3A_8, %add3A_17 : vector<2000x48xf32>
    %div3A = arith.divf %add3A_15, %add3A_18 : vector<2000x48xf32>
    %get3A_19 = arith.constant 0 : index
    %get3A_20 = arith.constant 0 : index
    %get3A_21 = vector.load %arg8[%get3A_19, %get3A_20] : memref<48x8xf32, #tpu.memory_space<vmem>>, vector<48x8xf32>
    %dot_general3A_22 = arith.constant dense<0.000000e+00> : vector<2000x8xf32>
    %dot_general3A_23 = tpu.matmul %div3A, %get3A_21, %dot_general3A_22 {dimension_numbers = #tpu.dot_dimension_numbers<[1], [0], [0], [1], [0, 0, 1, 1], [], []>, transpose_lhs_hint = false} : vector<2000x48xf32>, vector<48x8xf32>, vector<2000x8xf32> -> vector<2000x8xf32>
    %get3A_24 = arith.constant 0 : index
    %get3A_25 = arith.constant 0 : index
    %get3A_26 = vector.load %arg5[%get3A_24, %get3A_25] : memref<2000x16xf32, #tpu.memory_space<vmem>>, vector<2000x8xf32>
    %get3A_27 = arith.constant 0 : index
    %get3A_28 = arith.constant 0 : index
    %get3A_29 = vector.load %arg6[%get3A_27, %get3A_28] : memref<2000x8xf32, #tpu.memory_space<vmem>>, vector<2000x8xf32>
    %mul3A = arith.mulf %dot_general3A_23, %get3A_29 : vector<2000x8xf32>
    %add3A_30 = arith.addf %get3A_26, %mul3A : vector<2000x8xf32>
    %swap3A = arith.constant 0 : index
    %swap3A_31 = arith.constant 0 : index
    %swap3A_32 = vector.load %arg9[%swap3A, %swap3A_31] : memref<2000x8xf32, #tpu.memory_space<vmem>>, vector<2000x8xf32>
    tpu.vector_store %arg9[%swap3A, %swap3A_31], %add3A_30 {strides = array<i32>} : memref<2000x8xf32, #tpu.memory_space<vmem>>, vector<2000x8xf32>,
    return
  }
  func.func @transform_0(%arg0: i32) -> (i32, i32) {
    %c0_i32 = arith.constant 0 : i32
    %c0_i32_0 = arith.constant 0 : i32
    return %arg0, %c0_i32 : i32, i32
  }
  func.func @transform_1(%arg0: i32) -> (i32, i32) {
    %c0_i32 = arith.constant 0 : i32
    %c0_i32_0 = arith.constant 0 : i32
    return %arg0, %c0_i32 : i32, i32
  }
  func.func @transform_2(%arg0: i32) -> (i32, i32) {
    %c0_i32 = arith.constant 0 : i32
    %c0_i32_0 = arith.constant 0 : i32
    return %arg0, %c0_i32 : i32, i32
  }
  func.func @transform_3(%arg0: i32) -> (i32, i32) {
    %c0_i32 = arith.constant 0 : i32
    %c0_i32_0 = arith.constant 0 : i32
    return %arg0, %c0_i32 : i32, i32
  }
  func.func @transform_4(%arg0: i32) -> (i32, i32) {
    %c0_i32 = arith.constant 0 : i32
    %c0_i32_0 = arith.constant 0 : i32
    return %arg0, %c0_i32 : i32, i32
  }
  func.func @transform_5(%arg0: i32) -> (i32, i32) {
    %c0_i32 = arith.constant 0 : i32
    %c0_i32_0 = arith.constant 0 : i32
    return %arg0, %c0_i32 : i32, i32
  }
  func.func @transform_6(%arg0: i32) -> (i32, i32) {
    %c0_i32 = arith.constant 0 : i32
    %c0_i32_0 = arith.constant 0 : i32
    %c0_i32_1 = arith.constant 0 : i32
    return %c0_i32, %c0_i32_0 : i32, i32
  }
  func.func @transform_7(%arg0: i32) -> (i32, i32) {
    %c0_i32 = arith.constant 0 : i32
    %c0_i32_0 = arith.constant 0 : i32
    %c0_i32_1 = arith.constant 0 : i32
    return %c0_i32, %c0_i32_0 : i32, i32
  }
  func.func @transform_8(%arg0: i32) -> (i32, i32) {
    %c0_i32 = arith.constant 0 : i32
    %c0_i32_0 = arith.constant 0 : i32
    return %arg0, %c0_i32 : i32, i32
  }
}

</mosaic_0001>

<sc_bundles>
// kernel: kernel.14.cloned.1.call-start
scs
__scs_entry_jumppad:
0x0: {  	(pc) =	sbr.rel $0x88, $3  }
0x1: {  	(tag) =	ssettag $0x0;
	lr =	simm.s32 $0x1  }
0x2: {  	[smem:$0x3F6E] =	sst lr;
	_ =	strace $0xD0000000  }
0x3: {  	_ = 	snop  }
0x4: {  	_ = 	snop  }
0x5: {  	_ = 	snop  }
0x6: {  	_ = 	snop  }
0x7: {  	_ = 	snop  }
__scs_overlays_trampoline_lowered:
0x8: {  	[smem:$0x3F7D] =	sst s0  }
0x9: {  	[smem:$0x3F7E] =	sst s1  }
0xa: {  	[smem:$0x3F7F] =	sst s2  }
0xb: {  	[smem:$0x3F80] =	sst s3  }
0xc: {  	[smem:$0x3F81] =	sst s4  }
0xd: {  	[smem:$0x3F82] =	sst s5  }
0xe: {  	[smem:$0x3F83] =	sst s6  }
0xf: {  	[smem:$0x3F84] =	sst s7  }
0x10: {  	[smem:$0x3F85] =	sst s8  }
0x11: {  	[smem:$0x3F86] =	sst s9;
	s0 =	simm.s32 @!p0 $0x0  }
0x12: {  	s1 =	sld [smem:$0x3F6C];
	s0 =	simm.s32 @p0 $0x1  }
0x13: {  	[smem:$0x3F87] =	sst s0;
	s0 =	simm.s32 @!p1 $0x0  }
0x14: {  	s2 =	sld [smem:$0x3F6B];
	s0 =	simm.s32 @p1 $0x1  }
0x15: {  	[smem:$0x3F88] =	sst s0;
	s0 =	simm.s32 @!p2 $0x0  }
0x16: {  	s3 =	sld [smem:$0x3FDB];
	s0 =	simm.s32 @p2 $0x1  }
0x17: {  	s4 =	simm.s32 $0x1BF5;
	[smem:$0x3F8A] =	sst s0  }
0x18: {  	s0 =	sld [smem:$0x3F6D];
	_ =	swait.ge [sflag:s4], $0x0  }
0x19: {  	s7 =	sld [smem:$0x3F6E]  }
0x1a: {  	s8 =	sadd.s32 $0xFFFFE003, lr  }
0x1b: {  	s9 =	sadd.s32 $0xFFFFFEF7, lr;
	s5 =	simm.s32 $0xFFFFFFFF;
	p2 =	slt.u32 s8, $0xFFFFF086  }
0x1c: {  	p1 =	slt.u32 s9, $0xF7A;
	s5 =	simm.s32 @!p2 $0x0  }
0x1d: {  	s5 =	simm.s32 @p1 $0x1;
	p0 =	seq.s32 s7, s2  }
0x1e: {  	s7 =	smul.u32 @!p0 $0xF7A, s2;
	p2 =	seq.s32 @!p0 s5, $0x0  }
0x1f: {  	s9 =	smul.u32 $0xF7A, s1;
	s8 =	simm.s32 @!p0 $0x1BF5;
	p2 =	por !p2, p0  }
0x20: {  	[sflag:s8] =	ssyncset.s32 @!p0 $0xFFFFF086;
	s6 =	sadd.s32 @!p0 s3, s7;
	s7 =	simm.s32 @!p0 $0x108  }
0x21: {  	s3 =	sadd.s32 s3, s9;
	s6 =	sadd.s32 @!p0 $0x88, s6;
	s7 =	simm.s32 @p2 $0x1082  }
0x22: {  	[simem:s7], [sflag:s8] =	dma.local @!p0 [hbm:s6], $0xF7A  }
0x23: {  	s9 =	sor.u32 $0xD0000000, s2;
	s6 =	simm.s32 $0x108;
	_ =	swait.ge @!p0 [sflag:s8], $0x0  }
0x24: {  	s3 =	sadd.s32 $0x88, s3;
	s6 =	simm.s32 @!p1 $0x1082;
	[sflag:s4] =	ssyncset.s32 $0xFFFFF086  }
0x25: {  	[simem:s6], [sflag:s4] =	dma.local [hbm:s3], $0xF7A  }
0x26: {  	[smem:$0x3F6E] =	sst s1;
	(tag) =	ssettag s2;
	_ =	strace s9  }
0x27: {  	s1 =	sld [smem:$0x3F7E]  }
0x28: {  	s2 =	sld [smem:$0x3F7F]  }
0x29: {  	s4 =	sld [smem:$0x3F81]  }
0x2a: {  	p0 =	seq.s32 s5, $0x0;
	s5 =	sld [smem:$0x3F82]  }
0x2b: {  	s6 =	sld [smem:$0x3F83]  }
0x2c: {  	s7 =	sld [smem:$0x3F84]  }
0x2d: {  	s3 =	simm.s32 $0x108;
	s8 =	sld [smem:$0x3F85]  }
0x2e: {  	s3 =	simm.s32 @!p0 $0x1082;
	s9 =	sld [smem:$0x3F86]  }
0x2f: {  	lr =	sadd.s32 s0, s3;
	s0 =	sld [smem:$0x3F7D]  }
0x30: {  	s3 =	sld [smem:$0x3F80]  }
0x31: {  	[smem:$0x3F89] =	sst s10  }
0x32: {  	s10 =	sld [smem:$0x3F87];
	_ =	sdelay $0x3  }
0x33: {  	p0 =	seq.s32 s10, $0x1;
	s10 =	sld [smem:$0x3F89];
	_ =	sdelay $0x3  }
0x34: {  	[smem:$0x3F89] =	sst s10  }
0x35: {  	s10 =	sld [smem:$0x3F88];
	_ =	sdelay $0x3  }
0x36: {  	p1 =	seq.s32 s10, $0x1;
	s10 =	sld [smem:$0x3F89];
	_ =	sdelay $0x3  }
0x37: {  	[smem:$0x3F89] =	sst s10  }
0x38: {  	s10 =	sld [smem:$0x3F8A]  }
0x39: {  	_ = 	snop;
	(pc) =	sbr.ind lr, $3  }
0x3a: {  	_ = 	snop  }
0x3b: {  	_ = 	snop  }
0x3c: {  	p2 =	seq.s32 s10, $0x1;
	s10 =	sld [smem:$0x3F89]  }
0x3d: {  	_ =	shalt  }
0x3e: {  	_ =	shalt  }
0x3f: {  	_ =	shalt  }
0x40: {  	_ =	shalt  }
0x41: {  	_ =	shalt  }
0x42: {  	_ =	shalt  }
0x43: {  	_ =	shalt  }
0x44: {  	_ =	shalt  }
0x45: {  	_ =	shalt  }
0x46: {  	_ =	shalt  }
0x47: {  	_ =	shalt  }
0x48: {  	_ =	shalt  }
0x49: {  	_ =	shalt  }
0x4a: {  	_ =	shalt  }
0x4b: {  	_ =	shalt  }
0x4c: {  	_ =	shalt  }
0x4d: {  	_ =	shalt  }
0x4e: {  	_ =	shalt  }
0x4f: {  	_ =	shalt  }
0x50: {  	_ =	shalt  }
0x51: {  	_ =	shalt  }
0x52: {  	_ =	shalt  }
0x53: {  	_ =	shalt  }
0x54: {  	_ =	shalt  }
0x55: {  	_ =	shalt  }
0x56: {  	_ =	shalt  }
0x57: {  	_ =	shalt  }
0x58: {  	_ =	shalt  }
0x59: {  	_ =	shalt  }
0x5a: {  	_ =	shalt  }
0x5b: {  	_ =	shalt  }
0x5c: {  	_ =	shalt  }
0x5d: {  	_ =	shalt  }
0x5e: {  	_ =	shalt  }
0x5f: {  	_ =	shalt  }
0x60: {  	_ =	shalt  }
0x61: {  	_ =	shalt  }
0x62: {  	_ =	shalt  }
0x63: {  	_ =	shalt  }
0x64: {  	_ =	shalt  }
0x65: {  	_ =	shalt  }
0x66: {  	_ =	shalt  }
0x67: {  	_ =	shalt  }
0x68: {  	_ =	shalt  }
0x69: {  	_ =	shalt  }
0x6a: {  	_ =	shalt  }
0x6b: {  	_ =	shalt  }
0x6c: {  	_ =	shalt  }
0x6d: {  	_ =	shalt  }
0x6e: {  	_ =	shalt  }
0x6f: {  	_ =	shalt  }
0x70: {  	_ =	shalt  }
0x71: {  	_ =	shalt  }
0x72: {  	_ =	shalt  }
0x73: {  	_ =	shalt  }
0x74: {  	_ =	shalt  }
0x75: {  	_ =	shalt  }
0x76: {  	_ =	shalt  }
0x77: {  	_ =	shalt  }
0x78: {  	_ =	shalt  }
0x79: {  	_ =	shalt  }
0x7a: {  	_ =	shalt  }
0x7b: {  	_ =	shalt  }
0x7c: {  	_ =	shalt  }
0x7d: {  	_ =	shalt  }
0x7e: {  	_ =	shalt  }
0x7f: {  	_ =	shalt  }
0x80: {  	_ =	shalt  }
0x81: {  	_ =	shalt  }
0x82: {  	_ =	shalt  }
0x83: {  	_ =	shalt  }
0x84: {  	_ =	shalt  }
0x85: {  	_ =	shalt  }
0x86: {  	_ =	shalt  }
0x87: {  	_ =	shalt  }
.Lfunc_end0:
.L_simem_size_0:
called_computation_lowered:
.L_overlay_start_0:
0x88: {  	s2 =	sld [smem:$0x3FD9]  }
0x89: {  	s3 =	sld [smem:$0x3FFE];
	_ =	sdelay $0x1  }
0x8a: {  	s1 =	srdreg.scid  }
0x8b: {  	s0 =	sand.u32 $0x1, s1  }
0x8c: {  	s16 =	sshll.u32 s0, $0xA;
	s2 =	sadd.s32 s3, s2  }
0x8d: {  	s2 =	sadd.s32 s2, s16  }
0x8e: {  	[smem:$0x3F95] =	sst s2  }
0x8f: {  	_ = 	snop  }
0x90: {  	(tm) =	ssettm $0x1  }
0x91: {  	s17 =	sld [smem:$0x3FFB];
	_ =	sdelay $0x3  }
0x92: {  	_ =	strace s17  }
0x93: {  	s2 =	sld [smem:$0x3FFC];
	_ =	sdelay $0x3  }
0x94: {  	_ =	strace s2  }
0x95: {  	s2 =	sld [smem:$0x3FFD];
	_ =	sdelay $0x3  }
0x96: {  	_ =	strace s2  }
0x97: {  	_ =	strace $0x8FFFFFFF  }
0x98: {  	s18 =	sld [smem:$0x3FDB];
	_ =	sdelay $0x1  }
0x99: {  	s19 =	simm.s32 $_scs_section_size  }
0x9a: {  	s4 =	simm.s32 $_size__tile_overlayer_lowered;
	s5 =	simm.s32 $_tile_overlayer_lowered  }
0x9b: {  	s22 =	simm.s32 $0x1BFF;
	s21 =	sshll.u32 s5, $0x1;
	s2 =	sadd.s32 s19, s18  }
0x9c: {  	s6 =	simm.s32 $0x0;
	s20 =	sshll.u32 s4, $0x1;
	s4 =	sadd.s32 s21, s2  }
0x9d: {  	[timem:s6], [sflag:s22] =	dma.local [hbm:s4], s20  }
0x9e: {  	_ =	swait.ge [sflag:s22], s20  }
0x9f: {  	s3 =	ssub.s32 $0x0, s20;
	[sflag:s22] =	ssyncset.done $0x0  }
0xa0: {  	[sflag:s22] =	ssyncadd.s32 s3;
	_ =	sdelay $0x1  }
0xa1: {  	s23 =	simm.s32 $0x1B8B  }
0xa2: {  	_ =	swait.ge [sflag:s23], $0x1  }
0xa3: {  	[sflag:s23] =	ssyncset.done $0x0  }
0xa4: {  	s25 =	simm.s32 $0x1B8E;
	s24 =	sld [smem:$0x3FFE];
	[sflag:s23] =	ssyncadd.s32 $0xFFFFFFFF  }
0xa5: {  	s26 =	simm.s32 $execute0_lowered;
	[smem:$0x3FD2] =	sst s25  }
0xa6: {  	s4 =	sshll.u32 s26, $0x1;
	_ =	strace $0x80000046;
	[dreg:$0x1] =	wrdreg $0xFFFFFFFF  }
0xa7: {  	s28 =	simm.s32 $_size_execute0_lowered;
	s2 =	sadd.s32 s2, s4;
	[dreg:$0x0] =	wrdreg $0x0  }
0xa8: {  	s4 =	sshll.u32 s28, $0x1;
	[dreg:$0x2] =	wrdreg s2  }
0xa9: {  	[dreg:$0x3] =	wrdreg s4  }
0xaa: {  	[dreg:$0x4] =	wrdreg $0xC0  }
0xab: {  	_ =	task [dreg:s6], $0x5FFFF  }
0xac: {  	[dreg:$0x1] =	wrdreg $0xFFFFFFFF  }
0xad: {  	[dreg:$0x0] =	wrdreg $0x60  }
0xae: {  	[dreg:$0x2] =	wrdreg s24  }
0xaf: {  	[dreg:$0x3] =	wrdreg $0x9  }
0xb0: {  	_ =	task.clear_ibuf [dreg:s6], $0x4FFFF;
	_ =	strace $0x90000046  }
0xb1: {  	s29 =	simm.s32 $0x9;
	_ =	strace $0x80000048  }
0xb2: {  	_ =	swait.ge [sflag:s29], $0x1  }
0xb3: {  	[sflag:s29] =	ssyncadd.s32 $0xFFFFFFFF  }
0xb4: {  	_ =	strace $0x90000048  }
0xb5: {  	_ =	sfence  }
0xb6: {  	s30 =	sld [smem:$0x0];
	_ =	sdelay $0x2  }
0xb7: {  	s31 =	sshll.u32 s1, $0xD;
	s1 =	sshrl.u32 s1, $0x2  }
0xb8: {  	s3 =	sand.u32 $0x4000, s31;
	s1 =	sadd.s32 s1, s30  }
0xb9: {  	s0 =	sor.u32 s3, s0;
	s1 =	sshll.u32 s1, $0x11  }
0xba: {  	s0 =	sor.u32 s1, s0  }
0xbb: {  	s0 =	sadd.s32 $0x8F2B, s0  }
0xbc: {  	[sflag:s0] =	ssyncadd.remote.s32 $0x1  }
0xbd: {  	_ =	sfence.sel $0xFFFF  }
0xbe: {  	[dreg:$0x0] =	wrdreg $0xFFFFFFFF;
	(pc) =	sbr.abs _section_cstart, $3  }
0xbf: {  	[dreg:$0x1] =	wrdreg $0xFFFFFFFF  }
0xc0: {  	_ =	task.clear_ibuf [dreg:s6], $0x2FFFF;
	_ =	strace $0x9FFFFFFF  }
0xc1: {  	(tm) =	ssettm $0x7FFFFFFF  }
tec
execute0_lowered:
.L_overlay_start_1:
0x0: {  	(tag) =	ssettag $0x1  }
0x1: {  	s5 =	rddreg [dreg:$0x0]  }
0x2: {  	s0 =	rddreg [dreg:$0x1]  }
0x3: {  	s1 =	simm.s32 $0x0;
	s2 =	srdreg.scid;
	s12 =	simm.s32 $0x100  }
0x4: {  	s13 =	simm.s32 $0x8900;
	s14 =	simm.s32 $0x1;
	s15 =	simm.s32 $0x2  }
0x5: {  	s16 =	simm.s32 $0x0;
	[smem:$0x7FF] =	sst s1;
	s3 =	sadd.s32 $0x3FC00, s5  }
0x6: {  	s8 =	sand.u32 $0x1, s2;
	s4 =	sadd.s32 $0x13A00, s5;
	s2 =	stileid.u32  }
0x7: {  	s5 =	sadd.s32 $0x92E00, s5;
	_ =	strace $0x80000047;
	s31 =	smul.u32 $0x22000, s2  }
0x8: {  	s6 =	ssub.s32 $0x2, s8;
	s9 =	sshll.u32 s2, $0x1;
	s10 =	smul.u32 $0x11000, s8  }
0x9: {  	s11 =	sshll.u32 s2, $0x9;
	s7 =	sshrl.u32 s6, $0x1;
	s30 =	sor.u32 s9, s8  }
0xa: {  	s8 =	sshll.u32 s8, $0x8;
	s6 =	ssub.s32 s6, s7;
	s7 =	ssub.s32 $0x290, s30  }
0xb: {  	s8 =	sor.u32 s8, s11;
	s9 =	sadd.s32 s10, s31;
	s10 =	simm.s32 $0x3  }
0xc: {  	s11 =	simm.s32 $0x80;
	s6 =	smax.u32 s6, $0x1;
	s7 =	sshrl.u32 s7, $0x5  }
.LBB2_1:
0xd: {  	p1 =	sne.s32 s7, $0x1  }
.Ltmp0:
0xe: {  	_ = 	snop;
	(pc) =	sbr.rel @!p1 .LBB2_2-.Ltmp0, $2  }
0xf: {  	_ =	sdelay $0x2  }
0x10: {  	s17 =	sadd.s32 $0xFFFFFFFF, s7;
	s20 =	sshrl.u32 s8, $0x3;
	p0 =	por $0x0, $0x0  }
0x11: {  	s18 =	sadd.s32 s4, s20  }
0x12: {  	[tilespmem:s1], [sflag:$0x3] =	stream.linear.gather [hbm4b:s18+s1], $0x100, $0x38;
	[tilespmem:$0x11100] =	vst v63  }
0x13: {  	_ =	swait.ge [sflag:s10], $0x100  }
0x14: {  	[sflag:s10] =	ssyncset.done $0x0  }
0x15: {  	[sflag:s10] =	ssyncadd.s32 $0xFFFFFF00  }
0x16: {  	[tilespmem:s12], [sflag:$0x1] =	stream.indirect.gather [hbm4b:s3+s11], $0x110, s1, s11, $0xb8;
	[tilespmem:$0x11100] =	vst v63  }
0x17: {  	_ = 	snop  }
0x18: {  	[tilespmem:s13], [sflag:$0x2] =	stream.indirect.gather [hbm4b:s3+s11], $0x110, s11, s11, $0xb8;
	[tilespmem:$0x11100] =	vst v63  }
0x19: {  	_ =	swait.ge [sflag:s14], $0x8800  }
0x1a: {  	[sflag:s14] =	ssyncset.done $0x0  }
0x1b: {  	[sflag:s14] =	ssyncadd.s32 $0xFFFF7800  }
0x1c: {  	p1 =	sne.s32 s17, $0x1;
	_ =	swait.ge [sflag:s15], $0x8800  }
.Ltmp1:
0x1d: {  	s31 =	sshrl.u32 s9, $0x3;
	[sflag:s15] =	ssyncset.done $0x0;
	(pc) =	sbr.rel @!p1 .LBB2_4-.Ltmp1, $4  }
0x1e: {  	s19 =	sadd.s32 $0x2000, s8;
	s18 =	sadd.s32 s5, s31;
	[sflag:s15] =	ssyncadd.s32 $0xFFFF7800  }
0x1f: {  	[hbm4b:s18+s1] =	stream.linear.scatter [tilespmem:s12], [sflag:$0x3], $0x11000, $0x38;
	[tilespmem:$0x11100] =	vst v63  }
0x20: {  	p0 =	por $0x1, $0x1;
	s20 =	sshrl.u32 s19, $0x3;
	_ =	swait.ge [sflag:s10], $0x11000  }
0x21: {  	s18 =	sadd.s32 $0xFFFFFFFF, s17;
	s17 =	smov.u32 s9;
	[sflag:s10] =	ssyncset.done $0x0  }
.LBB2_5:
0x22: {  	s20 =	sadd.s32 s4, s20;
	[sflag:s10] =	ssyncadd.s32 $0xFFFEF000;
	s17 =	sadd.s32 $0x220000, s17  }
0x23: {  	[tilespmem:s1], [sflag:$0x3] =	stream.linear.gather [hbm4b:s20+s1], $0x100, $0x38;
	[tilespmem:$0x11100] =	vst v63  }
0x24: {  	p1 =	sne.s32 s18, $0x1;
	s18 =	sadd.s32 $0xFFFFFFFF, s18;
	_ =	swait.ge [sflag:s10], $0x100  }
0x25: {  	[sflag:s10] =	ssyncset.done $0x0  }
0x26: {  	[sflag:s10] =	ssyncadd.s32 $0xFFFFFF00  }
0x27: {  	[tilespmem:s12], [sflag:$0x1] =	stream.indirect.gather [hbm4b:s3+s11], $0x110, s1, s11, $0xb8;
	[tilespmem:$0x11100] =	vst v63  }
0x28: {  	_ = 	snop  }
0x29: {  	[tilespmem:s13], [sflag:$0x2] =	stream.indirect.gather [hbm4b:s3+s11], $0x110, s11, s11, $0xb8;
	[tilespmem:$0x11100] =	vst v63  }
0x2a: {  	_ =	swait.ge [sflag:s14], $0x8800  }
0x2b: {  	[sflag:s14] =	ssyncset.done $0x0  }
0x2c: {  	[sflag:s14] =	ssyncadd.s32 $0xFFFF7800  }
0x2d: {  	_ =	swait.ge [sflag:s15], $0x8800  }
.Ltmp2:
0x2e: {  	s20 =	sshrl.u32 s17, $0x3;
	[sflag:s15] =	ssyncset.done $0x0;
	(pc) =	sbr.rel @p1 .LBB2_5-.Ltmp2, $4  }
0x2f: {  	s20 =	sadd.s32 s5, s20;
	[sflag:s15] =	ssyncadd.s32 $0xFFFF7800  }
0x30: {  	[hbm4b:s20+s1] =	stream.linear.scatter [tilespmem:s12], [sflag:$0x3], $0x11000, $0x38;
	[tilespmem:$0x11100] =	vst v63  }
0x31: {  	s19 =	sadd.s32 $0x2000, s19;
	_ =	swait.ge [sflag:s10], $0x11000  }
0x32: {  	s20 =	sshrl.u32 s19, $0x3;
	[sflag:s10] =	ssyncset.done $0x0  }
.LBB2_6:
0x33: {  	s18 =	sadd.s32 s4, s20;
	[sflag:s10] =	ssyncadd.s32 @p0 $0xFFFEF000  }
0x34: {  	[tilespmem:s1], [sflag:$0x3] =	stream.linear.gather [hbm4b:s18+s1], $0x100, $0x38;
	[tilespmem:$0x11100] =	vst v63  }
0x35: {  	_ =	swait.ge [sflag:s10], $0x100  }
0x36: {  	[sflag:s10] =	ssyncset.done $0x0  }
0x37: {  	[sflag:s10] =	ssyncadd.s32 $0xFFFFFF00  }
0x38: {  	[tilespmem:s12], [sflag:$0x1] =	stream.indirect.gather [hbm4b:s3+s11], $0x110, s1, s11, $0xb8;
	[tilespmem:$0x11100] =	vst v63  }
0x39: {  	_ = 	snop  }
0x3a: {  	[tilespmem:s13], [sflag:$0x2] =	stream.indirect.gather [hbm4b:s3+s11], $0x110, s11, s11, $0xb8;
	[tilespmem:$0x11100] =	vst v63  }
0x3b: {  	_ =	swait.ge [sflag:s14], $0x8800  }
0x3c: {  	[sflag:s14] =	ssyncset.done $0x0  }
0x3d: {  	s17 =	sadd.s32 @p0 $0x220000, s17;
	s18 =	smov.u32 s9;
	[sflag:s14] =	ssyncadd.s32 $0xFFFF7800  }
0x3e: {  	s18 =	smov.u32 @p0 s17;
	_ =	swait.ge [sflag:s15], $0x8800  }
0x3f: {  	s16 =	sadd.s32 $0x1, s16;
	s17 =	sshrl.u32 s18, $0x3;
	[sflag:s15] =	ssyncset.done $0x0  }
0x40: {  	p0 =	sne.s32 s16, s6;
	s17 =	sadd.s32 s5, s17;
	[sflag:s15] =	ssyncadd.s32 $0xFFFF7800  }
0x41: {  	[hbm4b:s17+s1] =	stream.linear.scatter [tilespmem:s12], [sflag:$0x3], $0x11000, $0x38;
	[tilespmem:$0x11100] =	vst v63  }
.Ltmp3:
0x42: {  	_ = 	snop;
	(pc) =	sbr.rel @p0 .LBB2_1-.Ltmp3, $4  }
.Ltmp4:
0x43: {  	_ = 	snop;
	(pc) =	sbr.rel @!p0 .LBB2_7-.Ltmp4, $4  }
0x44: {  	_ =	swait.ge [sflag:s10], $0x11000  }
0x45: {  	[sflag:s10] =	ssyncset.done $0x0  }
0x46: {  	[sflag:s10] =	ssyncadd.s32 $0xFFFEF000  }
0x47: {  	_ = 	snop  }
.LBB2_2:
.Ltmp5:
0x48: {  	(pc) =	sbr.rel .LBB2_6-.Ltmp5, $2  }
0x49: {  	_ =	sdelay $0x2  }
0x4a: {  	s17 =	smov.u32 s9  }
.LBB2_4:
.Ltmp6:
0x4b: {  	(pc) =	sbr.rel .LBB2_6-.Ltmp6, $2  }
0x4c: {  	_ =	sdelay $0x2  }
0x4d: {  	s17 =	smov.u32 s9  }
.LBB2_7:
0x4e: {  	_ =	sfence.sel $0x180000  }
0x4f: {  	[bflag:$0x0] =	sbarrier.arrive $0xFFFF  }
0x50: {  	p0 =	sne.s32 s2, $0x0;
	_ =	strace $0x90000047  }
0x51: {  	s0 =	sadd.s32 @!p0 $0x100000, s0;
	[bflag:$0x2] =	sbarrier.arrive $0xFFFF  }
0x52: {  	[sflag:s0] =	ssyncadd.tile.s32 @!p0 $0x1;
	_ =	shalt  }
.Lfunc_end2:
_tile_overlayer_lowered:
.L_overlay_start_2:
0x53: {  	(tag) =	ssettag $0x2  }
0x54: {  	s0 =	rddreg [dreg:$0x0];
	s2 =	stileid.u32  }
0x55: {  	s1 =	rddreg [dreg:$0x1];
	p0 =	sne.s32 s2, $0x0  }
0x56: {  	s3 =	rddreg [dreg:$0x2];
	[bflag:$0x3] =	sbarrier.arrive $0xFFFF;
	s2 =	simm.s32 @!p0 $0x1C03  }
0x57: {  	[timem:s3], [sflag:s2] =	dma.local @!p0 [hbm:s0], s1  }
0x58: {  	s0 =	simm.s32 @!p0 $0x3  }
0x59: {  	_ =	swait.ge @!p0 [sflag:s0], s1  }
0x5a: {  	s1 =	ssub.s32 @!p0 $0x0, s1;
	[sflag:s0] =	ssyncset.done @!p0 $0x0  }
0x5b: {  	[sflag:s0] =	ssyncadd.s32 @!p0 s1  }
0x5c: {  	[bflag:$0x3] =	sbarrier.arrive $0xFFFF  }
0x5d: {  	_ =	shalt  }

// kernel: kernel.17.cloned.1.call-start
scs
__scs_entry_jumppad:
0x0: {  	(pc) =	sbr.rel $0x88, $3  }
0x1: {  	(tag) =	ssettag $0x0;
	lr =	simm.s32 $0x1  }
0x2: {  	[smem:$0x3F6E] =	sst lr;
	_ =	strace $0xD0000000  }
0x3: {  	_ = 	snop  }
0x4: {  	_ = 	snop  }
0x5: {  	_ = 	snop  }
0x6: {  	_ = 	snop  }
0x7: {  	_ = 	snop  }
__scs_overlays_trampoline_lowered:
0x8: {  	[smem:$0x3F7D] =	sst s0  }
0x9: {  	[smem:$0x3F7E] =	sst s1  }
0xa: {  	[smem:$0x3F7F] =	sst s2  }
0xb: {  	[smem:$0x3F80] =	sst s3  }
0xc: {  	[smem:$0x3F81] =	sst s4  }
0xd: {  	[smem:$0x3F82] =	sst s5  }
0xe: {  	[smem:$0x3F83] =	sst s6  }
0xf: {  	[smem:$0x3F84] =	sst s7  }
0x10: {  	[smem:$0x3F85] =	sst s8  }
0x11: {  	[smem:$0x3F86] =	sst s9;
	s0 =	simm.s32 @!p0 $0x0  }
0x12: {  	s1 =	sld [smem:$0x3F6C];
	s0 =	simm.s32 @p0 $0x1  }
0x13: {  	[smem:$0x3F87] =	sst s0;
	s0 =	simm.s32 @!p1 $0x0  }
0x14: {  	s2 =	sld [smem:$0x3F6B];
	s0 =	simm.s32 @p1 $0x1  }
0x15: {  	[smem:$0x3F88] =	sst s0;
	s0 =	simm.s32 @!p2 $0x0  }
0x16: {  	s3 =	sld [smem:$0x3FDB];
	s0 =	simm.s32 @p2 $0x1  }
0x17: {  	s4 =	simm.s32 $0x1BF5;
	[smem:$0x3F8A] =	sst s0  }
0x18: {  	s0 =	sld [smem:$0x3F6D];
	_ =	swait.ge [sflag:s4], $0x0  }
0x19: {  	s7 =	sld [smem:$0x3F6E]  }
0x1a: {  	s8 =	sadd.s32 $0xFFFFE003, lr  }
0x1b: {  	s9 =	sadd.s32 $0xFFFFFEF7, lr;
	s5 =	simm.s32 $0xFFFFFFFF;
	p2 =	slt.u32 s8, $0xFFFFF086  }
0x1c: {  	p1 =	slt.u32 s9, $0xF7A;
	s5 =	simm.s32 @!p2 $0x0  }
0x1d: {  	s5 =	simm.s32 @p1 $0x1;
	p0 =	seq.s32 s7, s2  }
0x1e: {  	s7 =	smul.u32 @!p0 $0xF7A, s2;
	p2 =	seq.s32 @!p0 s5, $0x0  }
0x1f: {  	s9 =	smul.u32 $0xF7A, s1;
	s8 =	simm.s32 @!p0 $0x1BF5;
	p2 =	por !p2, p0  }
0x20: {  	[sflag:s8] =	ssyncset.s32 @!p0 $0xFFFFF086;
	s6 =	sadd.s32 @!p0 s3, s7;
	s7 =	simm.s32 @!p0 $0x108  }
0x21: {  	s3 =	sadd.s32 s3, s9;
	s6 =	sadd.s32 @!p0 $0x88, s6;
	s7 =	simm.s32 @p2 $0x1082  }
0x22: {  	[simem:s7], [sflag:s8] =	dma.local @!p0 [hbm:s6], $0xF7A  }
0x23: {  	s9 =	sor.u32 $0xD0000000, s2;
	s6 =	simm.s32 $0x108;
	_ =	swait.ge @!p0 [sflag:s8], $0x0  }
0x24: {  	s3 =	sadd.s32 $0x88, s3;
	s6 =	simm.s32 @!p1 $0x1082;
	[sflag:s4] =	ssyncset.s32 $0xFFFFF086  }
0x25: {  	[simem:s6], [sflag:s4] =	dma.local [hbm:s3], $0xF7A  }
0x26: {  	[smem:$0x3F6E] =	sst s1;
	(tag) =	ssettag s2;
	_ =	strace s9  }
0x27: {  	s1 =	sld [smem:$0x3F7E]  }
0x28: {  	s2 =	sld [smem:$0x3F7F]  }
0x29: {  	s4 =	sld [smem:$0x3F81]  }
0x2a: {  	p0 =	seq.s32 s5, $0x0;
	s5 =	sld [smem:$0x3F82]  }
0x2b: {  	s6 =	sld [smem:$0x3F83]  }
0x2c: {  	s7 =	sld [smem:$0x3F84]  }
0x2d: {  	s3 =	simm.s32 $0x108;
	s8 =	sld [smem:$0x3F85]  }
0x2e: {  	s3 =	simm.s32 @!p0 $0x1082;
	s9 =	sld [smem:$0x3F86]  }
0x2f: {  	lr =	sadd.s32 s0, s3;
	s0 =	sld [smem:$0x3F7D]  }
0x30: {  	s3 =	sld [smem:$0x3F80]  }
0x31: {  	[smem:$0x3F89] =	sst s10  }
0x32: {  	s10 =	sld [smem:$0x3F87];
	_ =	sdelay $0x3  }
0x33: {  	p0 =	seq.s32 s10, $0x1;
	s10 =	sld [smem:$0x3F89];
	_ =	sdelay $0x3  }
0x34: {  	[smem:$0x3F89] =	sst s10  }
0x35: {  	s10 =	sld [smem:$0x3F88];
	_ =	sdelay $0x3  }
0x36: {  	p1 =	seq.s32 s10, $0x1;
	s10 =	sld [smem:$0x3F89];
	_ =	sdelay $0x3  }
0x37: {  	[smem:$0x3F89] =	sst s10  }
0x38: {  	s10 =	sld [smem:$0x3F8A]  }
0x39: {  	_ = 	snop;
	(pc) =	sbr.ind lr, $3  }
0x3a: {  	_ = 	snop  }
0x3b: {  	_ = 	snop  }
0x3c: {  	p2 =	seq.s32 s10, $0x1;
	s10 =	sld [smem:$0x3F89]  }
0x3d: {  	_ =	shalt  }
0x3e: {  	_ =	shalt  }
0x3f: {  	_ =	shalt  }
0x40: {  	_ =	shalt  }
0x41: {  	_ =	shalt  }
0x42: {  	_ =	shalt  }
0x43: {  	_ =	shalt  }
0x44: {  	_ =	shalt  }
0x45: {  	_ =	shalt  }
0x46: {  	_ =	shalt  }
0x47: {  	_ =	shalt  }
0x48: {  	_ =	shalt  }
0x49: {  	_ =	shalt  }
0x4a: {  	_ =	shalt  }
0x4b: {  	_ =	shalt  }
0x4c: {  	_ =	shalt  }
0x4d: {  	_ =	shalt  }
0x4e: {  	_ =	shalt  }
0x4f: {  	_ =	shalt  }
0x50: {  	_ =	shalt  }
0x51: {  	_ =	shalt  }
0x52: {  	_ =	shalt  }
0x53: {  	_ =	shalt  }
0x54: {  	_ =	shalt  }
0x55: {  	_ =	shalt  }
0x56: {  	_ =	shalt  }
0x57: {  	_ =	shalt  }
0x58: {  	_ =	shalt  }
0x59: {  	_ =	shalt  }
0x5a: {  	_ =	shalt  }
0x5b: {  	_ =	shalt  }
0x5c: {  	_ =	shalt  }
0x5d: {  	_ =	shalt  }
0x5e: {  	_ =	shalt  }
0x5f: {  	_ =	shalt  }
0x60: {  	_ =	shalt  }
0x61: {  	_ =	shalt  }
0x62: {  	_ =	shalt  }
0x63: {  	_ =	shalt  }
0x64: {  	_ =	shalt  }
0x65: {  	_ =	shalt  }
0x66: {  	_ =	shalt  }
0x67: {  	_ =	shalt  }
0x68: {  	_ =	shalt  }
0x69: {  	_ =	shalt  }
0x6a: {  	_ =	shalt  }
0x6b: {  	_ =	shalt  }
0x6c: {  	_ =	shalt  }
0x6d: {  	_ =	shalt  }
0x6e: {  	_ =	shalt  }
0x6f: {  	_ =	shalt  }
0x70: {  	_ =	shalt  }
0x71: {  	_ =	shalt  }
0x72: {  	_ =	shalt  }
0x73: {  	_ =	shalt  }
0x74: {  	_ =	shalt  }
0x75: {  	_ =	shalt  }
0x76: {  	_ =	shalt  }
0x77: {  	_ =	shalt  }
0x78: {  	_ =	shalt  }
0x79: {  	_ =	shalt  }
0x7a: {  	_ =	shalt  }
0x7b: {  	_ =	shalt  }
0x7c: {  	_ =	shalt  }
0x7d: {  	_ =	shalt  }
0x7e: {  	_ =	shalt  }
0x7f: {  	_ =	shalt  }
0x80: {  	_ =	shalt  }
0x81: {  	_ =	shalt  }
0x82: {  	_ =	shalt  }
0x83: {  	_ =	shalt  }
0x84: {  	_ =	shalt  }
0x85: {  	_ =	shalt  }
0x86: {  	_ =	shalt  }
0x87: {  	_ =	shalt  }
.Lfunc_end0:
.L_simem_size_0:
called_computation.1_lowered:
.L_overlay_start_0:
0x88: {  	s2 =	sld [smem:$0x3FD9]  }
0x89: {  	s3 =	sld [smem:$0x3FFE];
	_ =	sdelay $0x1  }
0x8a: {  	s1 =	srdreg.scid  }
0x8b: {  	s0 =	sand.u32 $0x1, s1  }
0x8c: {  	s17 =	sshll.u32 s0, $0xA;
	s2 =	sadd.s32 s3, s2  }
0x8d: {  	s2 =	sadd.s32 s2, s17  }
0x8e: {  	[smem:$0x3F95] =	sst s2  }
0x8f: {  	_ = 	snop  }
0x90: {  	(tm) =	ssettm $0x1  }
0x91: {  	s18 =	sld [smem:$0x3FFB];
	_ =	sdelay $0x3  }
0x92: {  	_ =	strace s18  }
0x93: {  	s2 =	sld [smem:$0x3FFC];
	_ =	sdelay $0x3  }
0x94: {  	_ =	strace s2  }
0x95: {  	s2 =	sld [smem:$0x3FFD];
	_ =	sdelay $0x3  }
0x96: {  	_ =	strace s2  }
0x97: {  	_ =	strace $0x8FFFFFFF  }
0x98: {  	s19 =	sld [smem:$0x3FDB];
	_ =	sdelay $0x1  }
0x99: {  	s20 =	simm.s32 $_scs_section_size  }
0x9a: {  	s4 =	simm.s32 $_size__tile_overlayer_lowered;
	s5 =	simm.s32 $_tile_overlayer_lowered  }
0x9b: {  	s6 =	simm.s32 $0x1BFF;
	s21 =	sshll.u32 s5, $0x1;
	s3 =	sadd.s32 s20, s19  }
0x9c: {  	s22 =	simm.s32 $0x0;
	s4 =	sshll.u32 s4, $0x1;
	s5 =	sadd.s32 s21, s3  }
0x9d: {  	[timem:s22], [sflag:s6] =	dma.local [hbm:s5], s4  }
0x9e: {  	_ =	swait.ge [sflag:s6], s4  }
0x9f: {  	s4 =	ssub.s32 $0x0, s4;
	[sflag:s6] =	ssyncset.done $0x0  }
0xa0: {  	[sflag:s6] =	ssyncadd.s32 s4;
	_ =	sdelay $0x1  }
0xa1: {  	s23 =	simm.s32 $0x1B8B  }
0xa2: {  	_ =	swait.ge [sflag:s23], $0x1  }
0xa3: {  	[sflag:s23] =	ssyncset.done $0x0  }
0xa4: {  	[sflag:s23] =	ssyncadd.s32 $0xFFFFFFFF  }
0xa5: {  	s4 =	sld [smem:$0x0]  }
0xa6: {  	s5 =	sand.u32 $0xFFFFFFFE, s1  }
0xa7: {  	p0 =	sne.s32 s1, s5  }
0xa8: {  	s5 =	sshll.u32 @p0 s5, $0xE  }
0xa9: {  	s5 =	sadd.s32 @p0 $0x11B8D, s5;
	s6 =	sshll.u32 @p0 s4, $0x11  }
0xaa: {  	s5 =	sor.u32 @p0 s6, s5  }
0xab: {  	[sflag:s5] =	ssyncadd.remote.s32 @p0 $0x1;
	_ =	sdelay $0x1  }
0xac: {  	s5 =	simm.s32 @p0 $0x1B8D  }
0xad: {  	_ =	swait.eq @p0 [sflag:s5], $0x1  }
0xae: {  	[sflag:s5] =	ssyncadd.s32 @p0 $0xFFFFFFFF  }
0xaf: {  	s6 =	sshll.u32 @!p0 s1, $0xE  }
0xb0: {  	s6 =	sor.u32 @!p0 $0x4000, s6;
	s5 =	simm.s32 @!p0 $0x1B8D  }
0xb1: {  	s4 =	sshll.u32 @!p0 s4, $0x11;
	s6 =	sadd.s32 @!p0 $0x11B8D, s6;
	_ =	swait.eq @!p0 [sflag:s5], $0x1  }
0xb2: {  	s4 =	sor.u32 @!p0 s4, s6;
	[sflag:s5] =	ssyncadd.s32 @!p0 $0xFFFFFFFF  }
0xb3: {  	s25 =	simm.s32 $0x1B8E;
	s24 =	sld [smem:$0x3FFE];
	[sflag:s4] =	ssyncadd.remote.s32 @!p0 $0x1  }
0xb4: {  	s26 =	simm.s32 $execute0_lowered;
	[smem:$0x3FD2] =	sst s25  }
0xb5: {  	s5 =	sshll.u32 s26, $0x1;
	_ =	strace $0x80000049;
	[dreg:$0x1] =	wrdreg $0xFFFFFFFF  }
0xb6: {  	s28 =	simm.s32 $_size_execute0_lowered;
	s3 =	sadd.s32 s3, s5;
	[dreg:$0x0] =	wrdreg $0x0  }
0xb7: {  	s5 =	sshll.u32 s28, $0x1;
	[dreg:$0x2] =	wrdreg s3  }
0xb8: {  	[dreg:$0x3] =	wrdreg s5  }
0xb9: {  	[dreg:$0x4] =	wrdreg $0xC0  }
0xba: {  	_ =	task [dreg:s22], $0x5FFFF  }
0xbb: {  	[dreg:$0x1] =	wrdreg $0xFFFFFFFF  }
0xbc: {  	[dreg:$0x0] =	wrdreg $0x60  }
0xbd: {  	[dreg:$0x2] =	wrdreg s24  }
0xbe: {  	[dreg:$0x3] =	wrdreg $0xA  }
0xbf: {  	_ =	task.clear_ibuf [dreg:s22], $0x4FFFF;
	_ =	strace $0x90000049  }
0xc0: {  	s29 =	simm.s32 $0xA;
	_ =	strace $0x8000004B  }
0xc1: {  	_ =	swait.ge [sflag:s29], $0x1  }
0xc2: {  	[sflag:s29] =	ssyncadd.s32 $0xFFFFFFFF  }
0xc3: {  	_ =	strace $0x9000004B  }
0xc4: {  	_ =	sfence  }
0xc5: {  	s30 =	sld [smem:$0x0];
	_ =	sdelay $0x2  }
0xc6: {  	s31 =	sshll.u32 s1, $0xD;
	s1 =	sshrl.u32 s1, $0x2  }
0xc7: {  	s4 =	sand.u32 $0x4000, s31;
	s1 =	sadd.s32 s1, s30  }
0xc8: {  	s0 =	sor.u32 s4, s0;
	s1 =	sshll.u32 s1, $0x11  }
0xc9: {  	s0 =	sor.u32 s1, s0  }
0xca: {  	s0 =	sadd.s32 $0x8F2B, s0  }
0xcb: {  	[sflag:s0] =	ssyncadd.remote.s32 $0x1  }
0xcc: {  	_ =	sfence.sel $0xFFFF  }
0xcd: {  	[dreg:$0x0] =	wrdreg $0xFFFFFFFF;
	(pc) =	sbr.abs _section_cstart, $3  }
0xce: {  	[dreg:$0x1] =	wrdreg $0xFFFFFFFF  }
0xcf: {  	_ =	task.clear_ibuf [dreg:s22], $0x2FFFF;
	_ =	strace $0x9FFFFFFF  }
0xd0: {  	(tm) =	ssettm $0x7FFFFFFF  }
0xd1: {  	_ =	shalt  }
tec
execute0_lowered:
.L_overlay_start_1:
0x0: {  	(tag) =	ssettag $0x1  }
0x1: {  	s5 =	rddreg [dreg:$0x0]  }
0x2: {  	s0 =	rddreg [dreg:$0x1]  }
0x3: {  	s1 =	simm.s32 $0x0;
	s2 =	srdreg.scid;
	s12 =	simm.s32 $0x100  }
0x4: {  	s13 =	simm.s32 $0x4900;
	s14 =	simm.s32 $0x1;
	s15 =	simm.s32 $0x2  }
0x5: {  	s16 =	simm.s32 $0x0;
	[smem:$0x7FF] =	sst s1;
	s3 =	sadd.s32 $0x5C3000, s5  }
0x6: {  	s8 =	sand.u32 $0x1, s2;
	s4 =	sadd.s32 $0x5EF000, s5;
	s2 =	stileid.u32  }
0x7: {  	s5 =	sadd.s32 $0x5F4000, s5;
	_ =	strace $0x8000004A;
	s31 =	smul.u32 $0x12000, s2  }
0x8: {  	s6 =	ssub.s32 $0x2, s8;
	s9 =	sshll.u32 s2, $0x1;
	s10 =	smul.u32 $0x9000, s8  }
0x9: {  	s11 =	sshll.u32 s2, $0x9;
	s7 =	sshrl.u32 s6, $0x1;
	s30 =	sor.u32 s9, s8  }
0xa: {  	s8 =	sshll.u32 s8, $0x8;
	s6 =	ssub.s32 s6, s7;
	s7 =	ssub.s32 $0x290, s30  }
0xb: {  	s8 =	sor.u32 s8, s11;
	s9 =	sadd.s32 s10, s31;
	s10 =	simm.s32 $0x3  }
0xc: {  	s11 =	simm.s32 $0x80;
	s6 =	smax.u32 s6, $0x1;
	s7 =	sshrl.u32 s7, $0x5  }
.LBB2_1:
0xd: {  	p1 =	sne.s32 s7, $0x1  }
.Ltmp0:
0xe: {  	_ = 	snop;
	(pc) =	sbr.rel @!p1 .LBB2_2-.Ltmp0, $2  }
0xf: {  	_ =	sdelay $0x2  }
0x10: {  	s17 =	sadd.s32 $0xFFFFFFFF, s7;
	s20 =	sshrl.u32 s8, $0x3;
	p0 =	por $0x0, $0x0  }
0x11: {  	s18 =	sadd.s32 s4, s20  }
0x12: {  	[tilespmem:s1], [sflag:$0x3] =	stream.linear.gather [hbm4b:s18+s1], $0x100, $0x38;
	[tilespmem:$0x9100] =	vst v63  }
0x13: {  	_ =	swait.ge [sflag:s10], $0x100  }
0x14: {  	[sflag:s10] =	ssyncset.done $0x0  }
0x15: {  	[sflag:s10] =	ssyncadd.s32 $0xFFFFFF00  }
0x16: {  	[tilespmem:s12], [sflag:$0x1] =	stream.indirect.gather [hbm4b:s3+s11], $0x90, s1, s11, $0xb8;
	[tilespmem:$0x9100] =	vst v63  }
0x17: {  	_ = 	snop  }
0x18: {  	[tilespmem:s13], [sflag:$0x2] =	stream.indirect.gather [hbm4b:s3+s11], $0x90, s11, s11, $0xb8;
	[tilespmem:$0x9100] =	vst v63  }
0x19: {  	_ =	swait.ge [sflag:s14], $0x4800  }
0x1a: {  	[sflag:s14] =	ssyncset.done $0x0  }
0x1b: {  	[sflag:s14] =	ssyncadd.s32 $0xFFFFB800  }
0x1c: {  	p1 =	sne.s32 s17, $0x1;
	_ =	swait.ge [sflag:s15], $0x4800  }
.Ltmp1:
0x1d: {  	s31 =	sshrl.u32 s9, $0x3;
	[sflag:s15] =	ssyncset.done $0x0;
	(pc) =	sbr.rel @!p1 .LBB2_4-.Ltmp1, $4  }
0x1e: {  	s19 =	sadd.s32 $0x2000, s8;
	s18 =	sadd.s32 s5, s31;
	[sflag:s15] =	ssyncadd.s32 $0xFFFFB800  }
0x1f: {  	[hbm4b:s18+s1] =	stream.linear.scatter [tilespmem:s12], [sflag:$0x3], $0x9000, $0x38;
	[tilespmem:$0x9100] =	vst v63  }
0x20: {  	p0 =	por $0x1, $0x1;
	s20 =	sshrl.u32 s19, $0x3;
	_ =	swait.ge [sflag:s10], $0x9000  }
0x21: {  	s18 =	sadd.s32 $0xFFFFFFFF, s17;
	s17 =	smov.u32 s9;
	[sflag:s10] =	ssyncset.done $0x0  }
.LBB2_5:
0x22: {  	s20 =	sadd.s32 s4, s20;
	[sflag:s10] =	ssyncadd.s32 $0xFFFF7000;
	s17 =	sadd.s32 $0x120000, s17  }
0x23: {  	[tilespmem:s1], [sflag:$0x3] =	stream.linear.gather [hbm4b:s20+s1], $0x100, $0x38;
	[tilespmem:$0x9100] =	vst v63  }
0x24: {  	p1 =	sne.s32 s18, $0x1;
	s18 =	sadd.s32 $0xFFFFFFFF, s18;
	_ =	swait.ge [sflag:s10], $0x100  }
0x25: {  	[sflag:s10] =	ssyncset.done $0x0  }
0x26: {  	[sflag:s10] =	ssyncadd.s32 $0xFFFFFF00  }
0x27: {  	[tilespmem:s12], [sflag:$0x1] =	stream.indirect.gather [hbm4b:s3+s11], $0x90, s1, s11, $0xb8;
	[tilespmem:$0x9100] =	vst v63  }
0x28: {  	_ = 	snop  }
0x29: {  	[tilespmem:s13], [sflag:$0x2] =	stream.indirect.gather [hbm4b:s3+s11], $0x90, s11, s11, $0xb8;
	[tilespmem:$0x9100] =	vst v63  }
0x2a: {  	_ =	swait.ge [sflag:s14], $0x4800  }
0x2b: {  	[sflag:s14] =	ssyncset.done $0x0  }
0x2c: {  	[sflag:s14] =	ssyncadd.s32 $0xFFFFB800  }
0x2d: {  	_ =	swait.ge [sflag:s15], $0x4800  }
.Ltmp2:
0x2e: {  	s20 =	sshrl.u32 s17, $0x3;
	[sflag:s15] =	ssyncset.done $0x0;
	(pc) =	sbr.rel @p1 .LBB2_5-.Ltmp2, $4  }
0x2f: {  	s20 =	sadd.s32 s5, s20;
	[sflag:s15] =	ssyncadd.s32 $0xFFFFB800  }
0x30: {  	[hbm4b:s20+s1] =	stream.linear.scatter [tilespmem:s12], [sflag:$0x3], $0x9000, $0x38;
	[tilespmem:$0x9100] =	vst v63  }
0x31: {  	s19 =	sadd.s32 $0x2000, s19;
	_ =	swait.ge [sflag:s10], $0x9000  }
0x32: {  	s20 =	sshrl.u32 s19, $0x3;
	[sflag:s10] =	ssyncset.done $0x0  }
.LBB2_6:
0x33: {  	s18 =	sadd.s32 s4, s20;
	[sflag:s10] =	ssyncadd.s32 @p0 $0xFFFF7000  }
0x34: {  	[tilespmem:s1], [sflag:$0x3] =	stream.linear.gather [hbm4b:s18+s1], $0x100, $0x38;
	[tilespmem:$0x9100] =	vst v63  }
0x35: {  	_ =	swait.ge [sflag:s10], $0x100  }
0x36: {  	[sflag:s10] =	ssyncset.done $0x0  }
0x37: {  	[sflag:s10] =	ssyncadd.s32 $0xFFFFFF00  }
0x38: {  	[tilespmem:s12], [sflag:$0x1] =	stream.indirect.gather [hbm4b:s3+s11], $0x90, s1, s11, $0xb8;
	[tilespmem:$0x9100] =	vst v63  }
0x39: {  	_ = 	snop  }
0x3a: {  	[tilespmem:s13], [sflag:$0x2] =	stream.indirect.gather [hbm4b:s3+s11], $0x90, s11, s11, $0xb8;
	[tilespmem:$0x9100] =	vst v63  }
0x3b: {  	_ =	swait.ge [sflag:s14], $0x4800  }
0x3c: {  	[sflag:s14] =	ssyncset.done $0x0  }
0x3d: {  	s17 =	sadd.s32 @p0 $0x120000, s17;
	s18 =	smov.u32 s9;
	[sflag:s14] =	ssyncadd.s32 $0xFFFFB800  }
0x3e: {  	s18 =	smov.u32 @p0 s17;
	_ =	swait.ge [sflag:s15], $0x4800  }
0x3f: {  	s16 =	sadd.s32 $0x1, s16;
	s17 =	sshrl.u32 s18, $0x3;
	[sflag:s15] =	ssyncset.done $0x0  }
0x40: {  	p0 =	sne.s32 s16, s6;
	s17 =	sadd.s32 s5, s17;
	[sflag:s15] =	ssyncadd.s32 $0xFFFFB800  }
0x41: {  	[hbm4b:s17+s1] =	stream.linear.scatter [tilespmem:s12], [sflag:$0x3], $0x9000, $0x38;
	[tilespmem:$0x9100] =	vst v63  }
.Ltmp3:
0x42: {  	_ = 	snop;
	(pc) =	sbr.rel @p0 .LBB2_1-.Ltmp3, $4  }
.Ltmp4:
0x43: {  	_ = 	snop;
	(pc) =	sbr.rel @!p0 .LBB2_7-.Ltmp4, $4  }
0x44: {  	_ =	swait.ge [sflag:s10], $0x9000  }
0x45: {  	[sflag:s10] =	ssyncset.done $0x0  }
0x46: {  	[sflag:s10] =	ssyncadd.s32 $0xFFFF7000  }
0x47: {  	_ = 	snop  }
.LBB2_2:
.Ltmp5:
0x48: {  	(pc) =	sbr.rel .LBB2_6-.Ltmp5, $2  }
0x49: {  	_ =	sdelay $0x2  }
0x4a: {  	s17 =	smov.u32 s9  }
.LBB2_4:
.Ltmp6:
0x4b: {  	(pc) =	sbr.rel .LBB2_6-.Ltmp6, $2  }
0x4c: {  	_ =	sdelay $0x2  }
0x4d: {  	s17 =	smov.u32 s9  }
.LBB2_7:
0x4e: {  	_ =	sfence.sel $0x180000  }
0x4f: {  	[bflag:$0x0] =	sbarrier.arrive $0xFFFF  }
0x50: {  	p0 =	sne.s32 s2, $0x0;
	_ =	strace $0x9000004A  }
0x51: {  	s0 =	sadd.s32 @!p0 $0x100000, s0;
	[bflag:$0x2] =	sbarrier.arrive $0xFFFF  }
0x52: {  	[sflag:s0] =	ssyncadd.tile.s32 @!p0 $0x1;
	_ =	shalt  }
.Lfunc_end2:
_tile_overlayer_lowered:
.L_overlay_start_2:
0x53: {  	(tag) =	ssettag $0x2  }
0x54: {  	s0 =	rddreg [dreg:$0x0];
	s2 =	stileid.u32  }
0x55: {  	s1 =	rddreg [dreg:$0x1];
	p0 =	sne.s32 s2, $0x0  }
0x56: {  	s3 =	rddreg [dreg:$0x2];
	[bflag:$0x3] =	sbarrier.arrive $0xFFFF;
	s2 =	simm.s32 @!p0 $0x1C03  }
0x57: {  	[timem:s3], [sflag:s2] =	dma.local @!p0 [hbm:s0], s1  }
0x58: {  	s0 =	simm.s32 @!p0 $0x3  }
0x59: {  	_ =	swait.ge @!p0 [sflag:s0], s1  }
0x5a: {  	s1 =	ssub.s32 @!p0 $0x0, s1;
	[sflag:s0] =	ssyncset.done @!p0 $0x0  }
0x5b: {  	[sflag:s0] =	ssyncadd.s32 @!p0 s1  }
0x5c: {  	[bflag:$0x3] =	sbarrier.arrive $0xFFFF  }
0x5d: {  	_ =	shalt  }

// kernel: kernel.20.cloned.1.call-start
scs
__scs_entry_jumppad:
0x0: {  	(pc) =	sbr.rel $0x88, $3  }
0x1: {  	(tag) =	ssettag $0x0;
	lr =	simm.s32 $0x1  }
0x2: {  	[smem:$0x3F6E] =	sst lr;
	_ =	strace $0xD0000000  }
0x3: {  	_ = 	snop  }
0x4: {  	_ = 	snop  }
0x5: {  	_ = 	snop  }
0x6: {  	_ = 	snop  }
0x7: {  	_ = 	snop  }
__scs_overlays_trampoline_lowered:
0x8: {  	[smem:$0x3F7D] =	sst s0  }
0x9: {  	[smem:$0x3F7E] =	sst s1  }
0xa: {  	[smem:$0x3F7F] =	sst s2  }
0xb: {  	[smem:$0x3F80] =	sst s3  }
0xc: {  	[smem:$0x3F81] =	sst s4  }
0xd: {  	[smem:$0x3F82] =	sst s5  }
0xe: {  	[smem:$0x3F83] =	sst s6  }
0xf: {  	[smem:$0x3F84] =	sst s7  }
0x10: {  	[smem:$0x3F85] =	sst s8  }
0x11: {  	[smem:$0x3F86] =	sst s9;
	s0 =	simm.s32 @!p0 $0x0  }
0x12: {  	s1 =	sld [smem:$0x3F6C];
	s0 =	simm.s32 @p0 $0x1  }
0x13: {  	[smem:$0x3F87] =	sst s0;
	s0 =	simm.s32 @!p1 $0x0  }
0x14: {  	s2 =	sld [smem:$0x3F6B];
	s0 =	simm.s32 @p1 $0x1  }
0x15: {  	[smem:$0x3F88] =	sst s0;
	s0 =	simm.s32 @!p2 $0x0  }
0x16: {  	s3 =	sld [smem:$0x3FDB];
	s0 =	simm.s32 @p2 $0x1  }
0x17: {  	s4 =	simm.s32 $0x1BF5;
	[smem:$0x3F8A] =	sst s0  }
0x18: {  	s0 =	sld [smem:$0x3F6D];
	_ =	swait.ge [sflag:s4], $0x0  }
0x19: {  	s7 =	sld [smem:$0x3F6E]  }
0x1a: {  	s8 =	sadd.s32 $0xFFFFE003, lr  }
0x1b: {  	s9 =	sadd.s32 $0xFFFFFEF7, lr;
	s5 =	simm.s32 $0xFFFFFFFF;
	p2 =	slt.u32 s8, $0xFFFFF086  }
0x1c: {  	p1 =	slt.u32 s9, $0xF7A;
	s5 =	simm.s32 @!p2 $0x0  }
0x1d: {  	s5 =	simm.s32 @p1 $0x1;
	p0 =	seq.s32 s7, s2  }
0x1e: {  	s7 =	smul.u32 @!p0 $0xF7A, s2;
	p2 =	seq.s32 @!p0 s5, $0x0  }
0x1f: {  	s9 =	smul.u32 $0xF7A, s1;
	s8 =	simm.s32 @!p0 $0x1BF5;
	p2 =	por !p2, p0  }
0x20: {  	[sflag:s8] =	ssyncset.s32 @!p0 $0xFFFFF086;
	s6 =	sadd.s32 @!p0 s3, s7;
	s7 =	simm.s32 @!p0 $0x108  }
0x21: {  	s3 =	sadd.s32 s3, s9;
	s6 =	sadd.s32 @!p0 $0x88, s6;
	s7 =	simm.s32 @p2 $0x1082  }
0x22: {  	[simem:s7], [sflag:s8] =	dma.local @!p0 [hbm:s6], $0xF7A  }
0x23: {  	s9 =	sor.u32 $0xD0000000, s2;
	s6 =	simm.s32 $0x108;
	_ =	swait.ge @!p0 [sflag:s8], $0x0  }
0x24: {  	s3 =	sadd.s32 $0x88, s3;
	s6 =	simm.s32 @!p1 $0x1082;
	[sflag:s4] =	ssyncset.s32 $0xFFFFF086  }
0x25: {  	[simem:s6], [sflag:s4] =	dma.local [hbm:s3], $0xF7A  }
0x26: {  	[smem:$0x3F6E] =	sst s1;
	(tag) =	ssettag s2;
	_ =	strace s9  }
0x27: {  	s1 =	sld [smem:$0x3F7E]  }
0x28: {  	s2 =	sld [smem:$0x3F7F]  }
0x29: {  	s4 =	sld [smem:$0x3F81]  }
0x2a: {  	p0 =	seq.s32 s5, $0x0;
	s5 =	sld [smem:$0x3F82]  }
0x2b: {  	s6 =	sld [smem:$0x3F83]  }
0x2c: {  	s7 =	sld [smem:$0x3F84]  }
0x2d: {  	s3 =	simm.s32 $0x108;
	s8 =	sld [smem:$0x3F85]  }
0x2e: {  	s3 =	simm.s32 @!p0 $0x1082;
	s9 =	sld [smem:$0x3F86]  }
0x2f: {  	lr =	sadd.s32 s0, s3;
	s0 =	sld [smem:$0x3F7D]  }
0x30: {  	s3 =	sld [smem:$0x3F80]  }
0x31: {  	[smem:$0x3F89] =	sst s10  }
0x32: {  	s10 =	sld [smem:$0x3F87];
	_ =	sdelay $0x3  }
0x33: {  	p0 =	seq.s32 s10, $0x1;
	s10 =	sld [smem:$0x3F89];
	_ =	sdelay $0x3  }
0x34: {  	[smem:$0x3F89] =	sst s10  }
0x35: {  	s10 =	sld [smem:$0x3F88];
	_ =	sdelay $0x3  }
0x36: {  	p1 =	seq.s32 s10, $0x1;
	s10 =	sld [smem:$0x3F89];
	_ =	sdelay $0x3  }
0x37: {  	[smem:$0x3F89] =	sst s10  }
0x38: {  	s10 =	sld [smem:$0x3F8A]  }
0x39: {  	_ = 	snop;
	(pc) =	sbr.ind lr, $3  }
0x3a: {  	_ = 	snop  }
0x3b: {  	_ = 	snop  }
0x3c: {  	p2 =	seq.s32 s10, $0x1;
	s10 =	sld [smem:$0x3F89]  }
0x3d: {  	_ =	shalt  }
0x3e: {  	_ =	shalt  }
0x3f: {  	_ =	shalt  }
0x40: {  	_ =	shalt  }
0x41: {  	_ =	shalt  }
0x42: {  	_ =	shalt  }
0x43: {  	_ =	shalt  }
0x44: {  	_ =	shalt  }
0x45: {  	_ =	shalt  }
0x46: {  	_ =	shalt  }
0x47: {  	_ =	shalt  }
0x48: {  	_ =	shalt  }
0x49: {  	_ =	shalt  }
0x4a: {  	_ =	shalt  }
0x4b: {  	_ =	shalt  }
0x4c: {  	_ =	shalt  }
0x4d: {  	_ =	shalt  }
0x4e: {  	_ =	shalt  }
0x4f: {  	_ =	shalt  }
0x50: {  	_ =	shalt  }
0x51: {  	_ =	shalt  }
0x52: {  	_ =	shalt  }
0x53: {  	_ =	shalt  }
0x54: {  	_ =	shalt  }
0x55: {  	_ =	shalt  }
0x56: {  	_ =	shalt  }
0x57: {  	_ =	shalt  }
0x58: {  	_ =	shalt  }
0x59: {  	_ =	shalt  }
0x5a: {  	_ =	shalt  }
0x5b: {  	_ =	shalt  }
0x5c: {  	_ =	shalt  }
0x5d: {  	_ =	shalt  }
0x5e: {  	_ =	shalt  }
0x5f: {  	_ =	shalt  }
0x60: {  	_ =	shalt  }
0x61: {  	_ =	shalt  }
0x62: {  	_ =	shalt  }
0x63: {  	_ =	shalt  }
0x64: {  	_ =	shalt  }
0x65: {  	_ =	shalt  }
0x66: {  	_ =	shalt  }
0x67: {  	_ =	shalt  }
0x68: {  	_ =	shalt  }
0x69: {  	_ =	shalt  }
0x6a: {  	_ =	shalt  }
0x6b: {  	_ =	shalt  }
0x6c: {  	_ =	shalt  }
0x6d: {  	_ =	shalt  }
0x6e: {  	_ =	shalt  }
0x6f: {  	_ =	shalt  }
0x70: {  	_ =	shalt  }
0x71: {  	_ =	shalt  }
0x72: {  	_ =	shalt  }
0x73: {  	_ =	shalt  }
0x74: {  	_ =	shalt  }
0x75: {  	_ =	shalt  }
0x76: {  	_ =	shalt  }
0x77: {  	_ =	shalt  }
0x78: {  	_ =	shalt  }
0x79: {  	_ =	shalt  }
0x7a: {  	_ =	shalt  }
0x7b: {  	_ =	shalt  }
0x7c: {  	_ =	shalt  }
0x7d: {  	_ =	shalt  }
0x7e: {  	_ =	shalt  }
0x7f: {  	_ =	shalt  }
0x80: {  	_ =	shalt  }
0x81: {  	_ =	shalt  }
0x82: {  	_ =	shalt  }
0x83: {  	_ =	shalt  }
0x84: {  	_ =	shalt  }
0x85: {  	_ =	shalt  }
0x86: {  	_ =	shalt  }
0x87: {  	_ =	shalt  }
.Lfunc_end0:
.L_simem_size_0:
called_computation.2_lowered:
.L_overlay_start_0:
0x88: {  	s2 =	sld [smem:$0x3FD9]  }
0x89: {  	s3 =	sld [smem:$0x3FFE];
	_ =	sdelay $0x1  }
0x8a: {  	s1 =	srdreg.scid  }
0x8b: {  	s0 =	sand.u32 $0x1, s1  }
0x8c: {  	s14 =	sshll.u32 s0, $0xA;
	s2 =	sadd.s32 s3, s2  }
0x8d: {  	s2 =	sadd.s32 s2, s14  }
0x8e: {  	[smem:$0x3F95] =	sst s2  }
0x8f: {  	_ = 	snop  }
0x90: {  	s2 =	sld [smem:$0x3FD0];
	_ =	sdelay $0x2  }
0x91: {  	s15 =	simm.s32 $0xB;
	s4 =	simm.s32 $0x10  }
0x92: {  	[smem:s4], [sflag:s15] =	dma.local [hbm:s2], $0x1  }
0x93: {  	_ =	swait.eq [sflag:s15], $0x1  }
0x94: {  	[sflag:s15] =	ssyncset.done $0x0  }
0x95: {  	[sflag:s15] =	ssyncadd.s32 $0xFFFFFFFF  }
0x96: {  	s16 =	sld [smem:$0x10];
	(tm) =	ssettm $0x1  }
0x97: {  	s17 =	sld [smem:$0x3FFB];
	_ =	sdelay $0x3  }
0x98: {  	_ =	strace s17  }
0x99: {  	s3 =	sld [smem:$0x3FFC];
	_ =	sdelay $0x3  }
0x9a: {  	_ =	strace s3  }
0x9b: {  	s3 =	sld [smem:$0x3FFD];
	_ =	sdelay $0x3  }
0x9c: {  	_ =	strace s3  }
0x9d: {  	_ =	strace $0x8FFFFFFF  }
0x9e: {  	s18 =	sld [smem:$0x3FDB];
	_ =	sdelay $0x1  }
0x9f: {  	s19 =	simm.s32 $_scs_section_size  }
0xa0: {  	s5 =	simm.s32 $_size__tile_overlayer_lowered;
	s6 =	simm.s32 $_tile_overlayer_lowered  }
0xa1: {  	s22 =	simm.s32 $0x1BFF;
	s21 =	sshll.u32 s6, $0x1;
	s3 =	sadd.s32 s19, s18  }
0xa2: {  	s7 =	simm.s32 $0x0;
	s20 =	sshll.u32 s5, $0x1;
	s5 =	sadd.s32 s21, s3  }
0xa3: {  	[timem:s7], [sflag:s22] =	dma.local [hbm:s5], s20  }
0xa4: {  	_ =	swait.ge [sflag:s22], s20  }
0xa5: {  	s4 =	ssub.s32 $0x0, s20;
	[sflag:s22] =	ssyncset.done $0x0  }
0xa6: {  	[sflag:s22] =	ssyncadd.s32 s4;
	_ =	sdelay $0x1  }
0xa7: {  	s23 =	simm.s32 $0x1B8B  }
0xa8: {  	_ =	swait.ge [sflag:s23], $0x1  }
0xa9: {  	[sflag:s23] =	ssyncset.done $0x0  }
0xaa: {  	s25 =	simm.s32 $0x1B8E;
	s24 =	sld [smem:$0x3FFE];
	[sflag:s23] =	ssyncadd.s32 $0xFFFFFFFF  }
0xab: {  	s26 =	simm.s32 $execute0_lowered;
	[smem:$0x3FD2] =	sst s25  }
0xac: {  	s5 =	sshll.u32 s26, $0x1;
	_ =	strace $0x8000004C;
	[dreg:$0x1] =	wrdreg $0xFFFFFFFF  }
0xad: {  	s28 =	simm.s32 $_size_execute0_lowered;
	s3 =	sadd.s32 s3, s5;
	[dreg:$0x0] =	wrdreg $0x0  }
0xae: {  	s5 =	sshll.u32 s28, $0x1;
	[dreg:$0x2] =	wrdreg s3  }
0xaf: {  	[dreg:$0x3] =	wrdreg s5  }
0xb0: {  	[dreg:$0x4] =	wrdreg $0xC0  }
0xb1: {  	_ =	task [dreg:s7], $0x5FFFF  }
0xb2: {  	[dreg:$0x1] =	wrdreg $0xFFFFFFFF  }
0xb3: {  	[dreg:$0x0] =	wrdreg $0x60  }
0xb4: {  	[dreg:$0x2] =	wrdreg s24  }
0xb5: {  	[dreg:$0x3] =	wrdreg s16  }
0xb6: {  	[dreg:$0x4] =	wrdreg $0x91000  }
0xb7: {  	[dreg:$0x5] =	wrdreg $0xB8100  }
0xb8: {  	[dreg:$0x6] =	wrdreg $0x9  }
0xb9: {  	_ =	task.clear_ibuf [dreg:s7], $0x7FFFF;
	_ =	strace $0x9000004C  }
0xba: {  	s29 =	simm.s32 $0x9;
	_ =	strace $0x8000004E  }
0xbb: {  	_ =	swait.ge [sflag:s29], $0x1  }
0xbc: {  	[sflag:s29] =	ssyncadd.s32 $0xFFFFFFFF  }
0xbd: {  	_ =	strace $0x9000004E  }
0xbe: {  	_ =	sfence  }
0xbf: {  	s30 =	sld [smem:$0x0];
	_ =	sdelay $0x2  }
0xc0: {  	s31 =	sshll.u32 s1, $0xD;
	s1 =	sshrl.u32 s1, $0x2  }
0xc1: {  	s3 =	sand.u32 $0x4000, s31;
	s1 =	sadd.s32 s1, s30  }
0xc2: {  	s0 =	sor.u32 s3, s0;
	s1 =	sshll.u32 s1, $0x11  }
0xc3: {  	s0 =	sor.u32 s1, s0  }
0xc4: {  	s0 =	sadd.s32 $0x8F2B, s0  }
0xc5: {  	[sflag:s0] =	ssyncadd.remote.s32 $0x1  }
0xc6: {  	_ =	sfence.sel $0xFFFF  }
0xc7: {  	[dreg:$0x0] =	wrdreg $0xFFFFFFFF;
	(pc) =	sbr.abs _section_cstart, $3  }
0xc8: {  	[dreg:$0x1] =	wrdreg $0xFFFFFFFF  }
0xc9: {  	_ =	task.clear_ibuf [dreg:s7], $0x2FFFF;
	_ =	strace $0x9FFFFFFF  }
0xca: {  	(tm) =	ssettm $0x7FFFFFFF  }
0xcb: {  	_ =	shalt  }
tec
execute0_lowered:
.L_overlay_start_1:
0x0: {  	(tag) =	ssettag $0x1  }
0x1: {  	s0 =	rddreg [dreg:$0x0]  }
0x2: {  	s1 =	rddreg [dreg:$0x1]  }
0x3: {  	s2 =	rddreg [dreg:$0x2]  }
0x4: {  	s3 =	rddreg [dreg:$0x3];
	s4 =	simm.s32 $0x0  }
0x5: {  	s5 =	srdreg.scid;
	s16 =	stileid.u32;
	s19 =	simm.s32 $0x100  }
0x6: {  	s20 =	simm.s32 $0x1100;
	s21 =	simm.s32 $0x80;
	s22 =	simm.s32 $0x900  }
0x7: {  	s23 =	simm.s32 $0x5100;
	s24 =	simm.s32 $0x0;
	[smem:$0x7FF] =	sst s4  }
0x8: {  	s14 =	sand.u32 $0x1, s5;
	s5 =	sadd.s32 $0x865000, s0;
	s6 =	sadd.s32 $0x1277200, s0  }
0x9: {  	s7 =	sadd.s32 $0x13A00, s0;
	s8 =	sadd.s32 $0x5F4000, s0;
	s12 =	sshll.u32 s16, $0x1  }
0xa: {  	s13 =	sshll.u32 s16, $0x9;
	s30 =	sshll.u32 s16, $0xA;
	s17 =	sshll.u32 s16, $0xD  }
0xb: {  	p0 =	sne.s32 s16, $0x0;
	_ =	strace $0x8000004D;
	s9 =	smul.u32 $0x4E20, s14  }
0xc: {  	s10 =	smul.u32 $0x27100, s14;
	s11 =	ssub.s32 $0x2, s14;
	s29 =	sor.u32 s12, s14  }
0xd: {  	s15 =	sshll.u32 s14, $0x8;
	s31 =	sshll.u32 s14, $0x9;
	s18 =	sshll.u32 s14, $0xC  }
0xe: {  	s16 =	sshrl.u32 @!p0 s2, $0x3;
	s28 =	sshrl.u32 s11, $0x1;
	s13 =	sor.u32 s15, s13  }
0xf: {  	s14 =	sor.u32 s31, s30;
	s15 =	sor.u32 s18, s17;
	s17 =	sshrl.u32 @!p0 s3, $0x3  }
0x10: {  	s18 =	simm.s32 $0x1;
	s9 =	sadd.s32 s9, s0;
	s0 =	sadd.s32 s10, s0  }
0x11: {  	s11 =	ssub.s32 s11, s28;
	s10 =	sadd.s32 $0x602E00, s0;
	s0 =	ssub.s32 $0x290, s29  }
0x12: {  	s9 =	sadd.s32 $0x5F9000, s9;
	s11 =	smax.u32 s11, $0x1;
	s12 =	sshrl.u32 s0, $0x5  }
.LBB2_1:
0x13: {  	s26 =	simm.s32 @!p0 $0x1C01;
	s25 =	simm.s32 @!p0 $0x1  }
0x14: {  	[spmem:s16], [sflag:s26] =	dma.local @!p0 [hbm:s8], $0x4E20  }
0x15: {  	_ =	swait.ge @!p0 [sflag:s25], $0x4E20  }
0x16: {  	[sflag:s25] =	ssyncset.done @!p0 $0x0  }
0x17: {  	p2 =	sne.s32 s12, $0x1;
	[sflag:s25] =	ssyncadd.s32 @!p0 $0xFFFFB1E0  }
0x18: {  	[spmem:s17], [sflag:s26] =	dma.local @!p0 [hbm:s1], $0x27100  }
.Ltmp0:
0x19: {  	_ =	swait.ge @!p0 [sflag:s25], $0x27100;
	(pc) =	sbr.rel @!p2 .LBB2_2-.Ltmp0, $4  }
0x1a: {  	[sflag:s25] =	ssyncset.done @!p0 $0x0  }
0x1b: {  	[sflag:s25] =	ssyncadd.s32 @!p0 $0xFFFD8F00  }
0x1c: {  	[bflag:$0x0] =	sbarrier.arrive $0xFFFF  }
0x1d: {  	s28 =	sadd.s32 $0xFFFFFFFF, s12;
	s0 =	sshrl.u32 s13, $0x3;
	p1 =	por $0x0, $0x0  }
0x1e: {  	s0 =	sadd.s32 s7, s0  }
0x1f: {  	[tilespmem:s4], [sflag:$0x1] =	stream.linear.gather [hbm4b:s0+s4], $0x100, $0x38;
	[tilespmem:$0x1F090] =	vst v63  }
0x20: {  	_ =	swait.ge [sflag:s18], $0x100  }
0x21: {  	s0 =	sand.u32 $0x1FFFFE00, s14;
	[sflag:s18] =	ssyncset.done $0x0  }
0x22: {  	s0 =	sadd.s32 s5, s0;
	[sflag:s18] =	ssyncadd.s32 $0xFFFFFF00  }
0x23: {  	[tilespmem:s19], [sflag:$0x1] =	stream.linear.gather [hbm4b:s0+s4], $0x1000, $0x38;
	[tilespmem:$0x1F090] =	vst v63  }
0x24: {  	_ =	swait.ge [sflag:s18], $0x1000  }
0x25: {  	s0 =	sand.u32 $0x1FFFF000, s15;
	[sflag:s18] =	ssyncset.done $0x0  }
0x26: {  	s0 =	sadd.s32 s6, s0;
	[sflag:s18] =	ssyncadd.s32 $0xFFFFF000  }
0x27: {  	[tilespmem:s20], [sflag:$0x1] =	stream.linear.gather [hbm4b:s0+s4], $0x8000, $0x38;
	[tilespmem:$0x1F090] =	vst v63  }
0x28: {  	_ =	swait.ge [sflag:s18], $0x8000  }
0x29: {  	[sflag:s18] =	ssyncset.done $0x0  }
0x2a: {  	[sflag:s18] =	ssyncadd.s32 $0xFFFF8000  }
0x2b: {  	[spmem:s2] =	stream.indirect.scatter.add.f32 [tilespmem:s19], [sflag:$0x1], $0x10, s4, s21, $0xb8;
	[tilespmem:$0x1F090] =	vst v63  }
0x2c: {  	_ =	swait.ge [sflag:s18], $0x800  }
0x2d: {  	[sflag:s18] =	ssyncset.done $0x0  }
0x2e: {  	[sflag:s18] =	ssyncadd.s32 $0xFFFFF800  }
0x2f: {  	[spmem:s3] =	stream.indirect.scatter.add.f32 [tilespmem:s20], [sflag:$0x1], $0x80, s4, s21, $0xb8;
	[tilespmem:$0x1F090] =	vst v63  }
0x30: {  	_ =	swait.ge [sflag:s18], $0x4000  }
0x31: {  	[sflag:s18] =	ssyncset.done $0x0  }
0x32: {  	[sflag:s18] =	ssyncadd.s32 $0xFFFFC000  }
0x33: {  	[spmem:s2] =	stream.indirect.scatter.add.f32 [tilespmem:s22], [sflag:$0x1], $0x10, s21, s21, $0xb8;
	[tilespmem:$0x1F090] =	vst v63  }
0x34: {  	p2 =	sne.s32 s28, $0x1;
	_ =	swait.ge [sflag:s18], $0x800  }
.Ltmp1:
0x35: {  	[sflag:s18] =	ssyncset.done $0x0;
	(pc) =	sbr.rel @!p2 .LBB2_4-.Ltmp1, $4  }
0x36: {  	s30 =	sadd.s32 $0x2000, s13;
	s31 =	sadd.s32 $0xFFFFFFFF, s28;
	[sflag:s18] =	ssyncadd.s32 $0xFFFFF800  }
0x37: {  	[spmem:s3] =	stream.indirect.scatter.add.f32 [tilespmem:s23], [sflag:$0x1], $0x80, s21, s21, $0xb8;
	[tilespmem:$0x1F090] =	vst v63  }
0x38: {  	s28 =	sadd.s32 $0x20000, s15;
	p1 =	por $0x1, $0x1;
	_ =	swait.ge [sflag:s18], $0x4000  }
0x39: {  	s29 =	smov.u32 s14;
	s0 =	sshrl.u32 s30, $0x3;
	[sflag:s18] =	ssyncset.done $0x0  }
.LBB2_5:
0x3a: {  	s0 =	sadd.s32 s7, s0;
	[sflag:s18] =	ssyncadd.s32 $0xFFFFC000;
	s29 =	sadd.s32 $0x4000, s29  }
0x3b: {  	[tilespmem:s4], [sflag:$0x1] =	stream.linear.gather [hbm4b:s0+s4], $0x100, $0x38;
	[tilespmem:$0x1F090] =	vst v63  }
0x3c: {  	p2 =	sne.s32 s31, $0x1;
	s31 =	sadd.s32 $0xFFFFFFFF, s31;
	_ =	swait.ge [sflag:s18], $0x100  }
0x3d: {  	s0 =	sand.u32 $0x1FFFFE00, s29;
	[sflag:s18] =	ssyncset.done $0x0  }
0x3e: {  	s0 =	sadd.s32 s5, s0;
	[sflag:s18] =	ssyncadd.s32 $0xFFFFFF00  }
0x3f: {  	[tilespmem:s19], [sflag:$0x1] =	stream.linear.gather [hbm4b:s0+s4], $0x1000, $0x38;
	[tilespmem:$0x1F090] =	vst v63  }
0x40: {  	_ =	swait.ge [sflag:s18], $0x1000  }
0x41: {  	s0 =	sand.u32 $0x1FFFF000, s28;
	[sflag:s18] =	ssyncset.done $0x0  }
0x42: {  	s0 =	sadd.s32 s6, s0;
	[sflag:s18] =	ssyncadd.s32 $0xFFFFF000  }
0x43: {  	[tilespmem:s20], [sflag:$0x1] =	stream.linear.gather [hbm4b:s0+s4], $0x8000, $0x38;
	[tilespmem:$0x1F090] =	vst v63  }
0x44: {  	_ =	swait.ge [sflag:s18], $0x8000  }
0x45: {  	[sflag:s18] =	ssyncset.done $0x0  }
0x46: {  	[sflag:s18] =	ssyncadd.s32 $0xFFFF8000  }
0x47: {  	[spmem:s2] =	stream.indirect.scatter.add.f32 [tilespmem:s19], [sflag:$0x1], $0x10, s4, s21, $0xb8;
	[tilespmem:$0x1F090] =	vst v63  }
0x48: {  	_ =	swait.ge [sflag:s18], $0x800  }
0x49: {  	[sflag:s18] =	ssyncset.done $0x0  }
0x4a: {  	[sflag:s18] =	ssyncadd.s32 $0xFFFFF800  }
0x4b: {  	[spmem:s3] =	stream.indirect.scatter.add.f32 [tilespmem:s20], [sflag:$0x1], $0x80, s4, s21, $0xb8;
	[tilespmem:$0x1F090] =	vst v63  }
0x4c: {  	_ =	swait.ge [sflag:s18], $0x4000  }
0x4d: {  	[sflag:s18] =	ssyncset.done $0x0  }
0x4e: {  	[sflag:s18] =	ssyncadd.s32 $0xFFFFC000  }
0x4f: {  	[spmem:s2] =	stream.indirect.scatter.add.f32 [tilespmem:s22], [sflag:$0x1], $0x10, s21, s21, $0xb8;
	[tilespmem:$0x1F090] =	vst v63  }
0x50: {  	_ =	swait.ge [sflag:s18], $0x800  }
.Ltmp2:
0x51: {  	[sflag:s18] =	ssyncset.done $0x0;
	(pc) =	sbr.rel @p2 .LBB2_5-.Ltmp2, $4  }
0x52: {  	[sflag:s18] =	ssyncadd.s32 $0xFFFFF800  }
0x53: {  	[spmem:s3] =	stream.indirect.scatter.add.f32 [tilespmem:s23], [sflag:$0x1], $0x80, s21, s21, $0xb8;
	[tilespmem:$0x1F090] =	vst v63  }
0x54: {  	s30 =	sadd.s32 $0x2000, s30;
	_ =	swait.ge [sflag:s18], $0x4000  }
0x55: {  	s28 =	sadd.s32 $0x20000, s28;
	s0 =	sshrl.u32 s30, $0x3;
	[sflag:s18] =	ssyncset.done $0x0  }
.LBB2_6:
0x56: {  	s0 =	sadd.s32 s7, s0;
	[sflag:s18] =	ssyncadd.s32 @p1 $0xFFFFC000  }
0x57: {  	[tilespmem:s4], [sflag:$0x1] =	stream.linear.gather [hbm4b:s0+s4], $0x100, $0x38;
	[tilespmem:$0x1F090] =	vst v63  }
0x58: {  	s29 =	sadd.s32 @p1 $0x4000, s29;
	s0 =	smov.u32 s14  }
0x59: {  	_ =	swait.ge [sflag:s18], $0x100;
	s0 =	smov.u32 @p1 s29  }
0x5a: {  	[sflag:s18] =	ssyncset.done $0x0;
	s0 =	sand.u32 $0x1FFFFE00, s0  }
0x5b: {  	[sflag:s18] =	ssyncadd.s32 $0xFFFFFF00;
	s0 =	sadd.s32 s5, s0  }
0x5c: {  	[tilespmem:s19], [sflag:$0x1] =	stream.linear.gather [hbm4b:s0+s4], $0x1000, $0x38;
	[tilespmem:$0x1F090] =	vst v63  }
0x5d: {  	_ =	swait.ge [sflag:s18], $0x1000  }
0x5e: {  	s31 =	sand.u32 $0x1FFFF000, s28;
	[sflag:s18] =	ssyncset.done $0x0  }
0x5f: {  	s0 =	sadd.s32 s6, s31;
	[sflag:s18] =	ssyncadd.s32 $0xFFFFF000  }
0x60: {  	[tilespmem:s20], [sflag:$0x1] =	stream.linear.gather [hbm4b:s0+s4], $0x8000, $0x38;
	[tilespmem:$0x1F090] =	vst v63  }
0x61: {  	_ =	swait.ge [sflag:s18], $0x8000  }
0x62: {  	[sflag:s18] =	ssyncset.done $0x0  }
0x63: {  	[sflag:s18] =	ssyncadd.s32 $0xFFFF8000  }
0x64: {  	[spmem:s2] =	stream.indirect.scatter.add.f32 [tilespmem:s19], [sflag:$0x1], $0x10, s4, s21, $0xb8;
	[tilespmem:$0x1F090] =	vst v63  }
0x65: {  	_ =	swait.ge [sflag:s18], $0x800  }
0x66: {  	[sflag:s18] =	ssyncset.done $0x0  }
0x67: {  	[sflag:s18] =	ssyncadd.s32 $0xFFFFF800  }
0x68: {  	[spmem:s3] =	stream.indirect.scatter.add.f32 [tilespmem:s20], [sflag:$0x1], $0x80, s4, s21, $0xb8;
	[tilespmem:$0x1F090] =	vst v63  }
0x69: {  	_ =	swait.ge [sflag:s18], $0x4000  }
0x6a: {  	[sflag:s18] =	ssyncset.done $0x0  }
0x6b: {  	[sflag:s18] =	ssyncadd.s32 $0xFFFFC000  }
0x6c: {  	[spmem:s2] =	stream.indirect.scatter.add.f32 [tilespmem:s22], [sflag:$0x1], $0x10, s21, s21, $0xb8;
	[tilespmem:$0x1F090] =	vst v63  }
0x6d: {  	_ =	swait.ge [sflag:s18], $0x800  }
0x6e: {  	[sflag:s18] =	ssyncset.done $0x0  }
0x6f: {  	[sflag:s18] =	ssyncadd.s32 $0xFFFFF800  }
0x70: {  	[spmem:s3] =	stream.indirect.scatter.add.f32 [tilespmem:s23], [sflag:$0x1], $0x80, s21, s21, $0xb8;
	[tilespmem:$0x1F090] =	vst v63  }
0x71: {  	_ =	swait.ge [sflag:s18], $0x4000  }
0x72: {  	[sflag:s18] =	ssyncset.done $0x0  }
0x73: {  	[sflag:s18] =	ssyncadd.s32 $0xFFFFC000  }
0x74: {  	[bflag:$0x0] =	sbarrier.arrive $0xFFFF  }
0x75: {  	[hbm:s9], [sflag:s26] =	dma.local @!p0 [spmem:s16], $0x4E20  }
0x76: {  	_ =	swait.ge @!p0 [sflag:s25], $0x4E20  }
0x77: {  	s24 =	sadd.s32 $0x1, s24;
	[sflag:s25] =	ssyncset.done @!p0 $0x0  }
0x78: {  	p1 =	sne.s32 s24, s11;
	[sflag:s25] =	ssyncadd.s32 @!p0 $0xFFFFB1E0  }
0x79: {  	[hbm:s10], [sflag:s26] =	dma.local @!p0 [spmem:s17], $0x27100  }
.Ltmp3:
0x7a: {  	_ = 	snop;
	(pc) =	sbr.rel @p1 .LBB2_1-.Ltmp3, $4  }
.Ltmp4:
0x7b: {  	_ = 	snop;
	(pc) =	sbr.rel @!p1 .LBB2_7-.Ltmp4, $4  }
0x7c: {  	_ =	swait.ge @!p0 [sflag:s25], $0x27100  }
0x7d: {  	[sflag:s25] =	ssyncset.done @!p0 $0x0  }
0x7e: {  	[sflag:s25] =	ssyncadd.s32 @!p0 $0xFFFD8F00  }
0x7f: {  	_ = 	snop  }
.LBB2_2:
.Ltmp5:
0x80: {  	(pc) =	sbr.rel .LBB2_6-.Ltmp5, $2  }
0x81: {  	_ =	sdelay $0x2  }
0x82: {  	s29 =	smov.u32 s14;
	s28 =	smov.u32 s15  }
.LBB2_4:
.Ltmp6:
0x83: {  	(pc) =	sbr.rel .LBB2_6-.Ltmp6, $2  }
0x84: {  	_ =	sdelay $0x2  }
0x85: {  	s29 =	smov.u32 s14  }
.LBB2_7:
0x86: {  	_ =	sfence.sel $0x180000  }
0x87: {  	[bflag:$0x0] =	sbarrier.arrive $0xFFFF  }
0x88: {  	_ =	strace $0x9000004D  }
0x89: {  	[bflag:$0x2] =	sbarrier.arrive $0xFFFF  }
0x8a: {  	s0 =	rddreg [dreg:$0x4]  }
0x8b: {  	s0 =	sadd.s32 @!p0 $0x100000, s0  }
0x8c: {  	[sflag:s0] =	ssyncadd.tile.s32 @!p0 $0x1;
	_ =	shalt  }
.Lfunc_end2:
_tile_overlayer_lowered:
.L_overlay_start_2:
0x8d: {  	(tag) =	ssettag $0x2  }
0x8e: {  	s0 =	rddreg [dreg:$0x0];
	s2 =	stileid.u32  }
0x8f: {  	s1 =	rddreg [dreg:$0x1];
	p0 =	sne.s32 s2, $0x0  }
0x90: {  	s3 =	rddreg [dreg:$0x2];
	[bflag:$0x3] =	sbarrier.arrive $0xFFFF;
	s2 =	simm.s32 @!p0 $0x1C01  }
0x91: {  	[timem:s3], [sflag:s2] =	dma.local @!p0 [hbm:s0], s1  }
0x92: {  	s0 =	simm.s32 @!p0 $0x1  }
0x93: {  	_ =	swait.ge @!p0 [sflag:s0], s1  }
0x94: {  	s1 =	ssub.s32 @!p0 $0x0, s1;
	[sflag:s0] =	ssyncset.done @!p0 $0x0  }
0x95: {  	[sflag:s0] =	ssyncadd.s32 @!p0 s1  }
0x96: {  	[bflag:$0x3] =	sbarrier.arrive $0xFFFF  }
0x97: {  	_ =	shalt  }

// kernel: kernel.23.cloned.1.call-start
scs
__scs_entry_jumppad:
0x0: {  	(pc) =	sbr.rel $0x88, $3  }
0x1: {  	(tag) =	ssettag $0x0;
	lr =	simm.s32 $0x1  }
0x2: {  	[smem:$0x3F6E] =	sst lr;
	_ =	strace $0xD0000000  }
0x3: {  	_ = 	snop  }
0x4: {  	_ = 	snop  }
0x5: {  	_ = 	snop  }
0x6: {  	_ = 	snop  }
0x7: {  	_ = 	snop  }
__scs_overlays_trampoline_lowered:
0x8: {  	[smem:$0x3F7D] =	sst s0  }
0x9: {  	[smem:$0x3F7E] =	sst s1  }
0xa: {  	[smem:$0x3F7F] =	sst s2  }
0xb: {  	[smem:$0x3F80] =	sst s3  }
0xc: {  	[smem:$0x3F81] =	sst s4  }
0xd: {  	[smem:$0x3F82] =	sst s5  }
0xe: {  	[smem:$0x3F83] =	sst s6  }
0xf: {  	[smem:$0x3F84] =	sst s7  }
0x10: {  	[smem:$0x3F85] =	sst s8  }
0x11: {  	[smem:$0x3F86] =	sst s9;
	s0 =	simm.s32 @!p0 $0x0  }
0x12: {  	s1 =	sld [smem:$0x3F6C];
	s0 =	simm.s32 @p0 $0x1  }
0x13: {  	[smem:$0x3F87] =	sst s0;
	s0 =	simm.s32 @!p1 $0x0  }
0x14: {  	s2 =	sld [smem:$0x3F6B];
	s0 =	simm.s32 @p1 $0x1  }
0x15: {  	[smem:$0x3F88] =	sst s0;
	s0 =	simm.s32 @!p2 $0x0  }
0x16: {  	s3 =	sld [smem:$0x3FDB];
	s0 =	simm.s32 @p2 $0x1  }
0x17: {  	s4 =	simm.s32 $0x1BF5;
	[smem:$0x3F8A] =	sst s0  }
0x18: {  	s0 =	sld [smem:$0x3F6D];
	_ =	swait.ge [sflag:s4], $0x0  }
0x19: {  	s7 =	sld [smem:$0x3F6E]  }
0x1a: {  	s8 =	sadd.s32 $0xFFFFE003, lr  }
0x1b: {  	s9 =	sadd.s32 $0xFFFFFEF7, lr;
	s5 =	simm.s32 $0xFFFFFFFF;
	p2 =	slt.u32 s8, $0xFFFFF086  }
0x1c: {  	p1 =	slt.u32 s9, $0xF7A;
	s5 =	simm.s32 @!p2 $0x0  }
0x1d: {  	s5 =	simm.s32 @p1 $0x1;
	p0 =	seq.s32 s7, s2  }
0x1e: {  	s7 =	smul.u32 @!p0 $0xF7A, s2;
	p2 =	seq.s32 @!p0 s5, $0x0  }
0x1f: {  	s9 =	smul.u32 $0xF7A, s1;
	s8 =	simm.s32 @!p0 $0x1BF5;
	p2 =	por !p2, p0  }
0x20: {  	[sflag:s8] =	ssyncset.s32 @!p0 $0xFFFFF086;
	s6 =	sadd.s32 @!p0 s3, s7;
	s7 =	simm.s32 @!p0 $0x108  }
0x21: {  	s3 =	sadd.s32 s3, s9;
	s6 =	sadd.s32 @!p0 $0x88, s6;
	s7 =	simm.s32 @p2 $0x1082  }
0x22: {  	[simem:s7], [sflag:s8] =	dma.local @!p0 [hbm:s6], $0xF7A  }
0x23: {  	s9 =	sor.u32 $0xD0000000, s2;
	s6 =	simm.s32 $0x108;
	_ =	swait.ge @!p0 [sflag:s8], $0x0  }
0x24: {  	s3 =	sadd.s32 $0x88, s3;
	s6 =	simm.s32 @!p1 $0x1082;
	[sflag:s4] =	ssyncset.s32 $0xFFFFF086  }
0x25: {  	[simem:s6], [sflag:s4] =	dma.local [hbm:s3], $0xF7A  }
0x26: {  	[smem:$0x3F6E] =	sst s1;
	(tag) =	ssettag s2;
	_ =	strace s9  }
0x27: {  	s1 =	sld [smem:$0x3F7E]  }
0x28: {  	s2 =	sld [smem:$0x3F7F]  }
0x29: {  	s4 =	sld [smem:$0x3F81]  }
0x2a: {  	p0 =	seq.s32 s5, $0x0;
	s5 =	sld [smem:$0x3F82]  }
0x2b: {  	s6 =	sld [smem:$0x3F83]  }
0x2c: {  	s7 =	sld [smem:$0x3F84]  }
0x2d: {  	s3 =	simm.s32 $0x108;
	s8 =	sld [smem:$0x3F85]  }
0x2e: {  	s3 =	simm.s32 @!p0 $0x1082;
	s9 =	sld [smem:$0x3F86]  }
0x2f: {  	lr =	sadd.s32 s0, s3;
	s0 =	sld [smem:$0x3F7D]  }
0x30: {  	s3 =	sld [smem:$0x3F80]  }
0x31: {  	[smem:$0x3F89] =	sst s10  }
0x32: {  	s10 =	sld [smem:$0x3F87];
	_ =	sdelay $0x3  }
0x33: {  	p0 =	seq.s32 s10, $0x1;
	s10 =	sld [smem:$0x3F89];
	_ =	sdelay $0x3  }
0x34: {  	[smem:$0x3F89] =	sst s10  }
0x35: {  	s10 =	sld [smem:$0x3F88];
	_ =	sdelay $0x3  }
0x36: {  	p1 =	seq.s32 s10, $0x1;
	s10 =	sld [smem:$0x3F89];
	_ =	sdelay $0x3  }
0x37: {  	[smem:$0x3F89] =	sst s10  }
0x38: {  	s10 =	sld [smem:$0x3F8A]  }
0x39: {  	_ = 	snop;
	(pc) =	sbr.ind lr, $3  }
0x3a: {  	_ = 	snop  }
0x3b: {  	_ = 	snop  }
0x3c: {  	p2 =	seq.s32 s10, $0x1;
	s10 =	sld [smem:$0x3F89]  }
0x3d: {  	_ =	shalt  }
0x3e: {  	_ =	shalt  }
0x3f: {  	_ =	shalt  }
0x40: {  	_ =	shalt  }
0x41: {  	_ =	shalt  }
0x42: {  	_ =	shalt  }
0x43: {  	_ =	shalt  }
0x44: {  	_ =	shalt  }
0x45: {  	_ =	shalt  }
0x46: {  	_ =	shalt  }
0x47: {  	_ =	shalt  }
0x48: {  	_ =	shalt  }
0x49: {  	_ =	shalt  }
0x4a: {  	_ =	shalt  }
0x4b: {  	_ =	shalt  }
0x4c: {  	_ =	shalt  }
0x4d: {  	_ =	shalt  }
0x4e: {  	_ =	shalt  }
0x4f: {  	_ =	shalt  }
0x50: {  	_ =	shalt  }
0x51: {  	_ =	shalt  }
0x52: {  	_ =	shalt  }
0x53: {  	_ =	shalt  }
0x54: {  	_ =	shalt  }
0x55: {  	_ =	shalt  }
0x56: {  	_ =	shalt  }
0x57: {  	_ =	shalt  }
0x58: {  	_ =	shalt  }
0x59: {  	_ =	shalt  }
0x5a: {  	_ =	shalt  }
0x5b: {  	_ =	shalt  }
0x5c: {  	_ =	shalt  }
0x5d: {  	_ =	shalt  }
0x5e: {  	_ =	shalt  }
0x5f: {  	_ =	shalt  }
0x60: {  	_ =	shalt  }
0x61: {  	_ =	shalt  }
0x62: {  	_ =	shalt  }
0x63: {  	_ =	shalt  }
0x64: {  	_ =	shalt  }
0x65: {  	_ =	shalt  }
0x66: {  	_ =	shalt  }
0x67: {  	_ =	shalt  }
0x68: {  	_ =	shalt  }
0x69: {  	_ =	shalt  }
0x6a: {  	_ =	shalt  }
0x6b: {  	_ =	shalt  }
0x6c: {  	_ =	shalt  }
0x6d: {  	_ =	shalt  }
0x6e: {  	_ =	shalt  }
0x6f: {  	_ =	shalt  }
0x70: {  	_ =	shalt  }
0x71: {  	_ =	shalt  }
0x72: {  	_ =	shalt  }
0x73: {  	_ =	shalt  }
0x74: {  	_ =	shalt  }
0x75: {  	_ =	shalt  }
0x76: {  	_ =	shalt  }
0x77: {  	_ =	shalt  }
0x78: {  	_ =	shalt  }
0x79: {  	_ =	shalt  }
0x7a: {  	_ =	shalt  }
0x7b: {  	_ =	shalt  }
0x7c: {  	_ =	shalt  }
0x7d: {  	_ =	shalt  }
0x7e: {  	_ =	shalt  }
0x7f: {  	_ =	shalt  }
0x80: {  	_ =	shalt  }
0x81: {  	_ =	shalt  }
0x82: {  	_ =	shalt  }
0x83: {  	_ =	shalt  }
0x84: {  	_ =	shalt  }
0x85: {  	_ =	shalt  }
0x86: {  	_ =	shalt  }
0x87: {  	_ =	shalt  }
.Lfunc_end0:
.L_simem_size_0:
called_computation.3_lowered:
.L_overlay_start_0:
0x88: {  	s2 =	sld [smem:$0x3FD9]  }
0x89: {  	s3 =	sld [smem:$0x3FFE];
	_ =	sdelay $0x1  }
0x8a: {  	s1 =	srdreg.scid  }
0x8b: {  	s0 =	sand.u32 $0x1, s1  }
0x8c: {  	s16 =	sshll.u32 s0, $0xA;
	s2 =	sadd.s32 s3, s2  }
0x8d: {  	s2 =	sadd.s32 s2, s16  }
0x8e: {  	[smem:$0x3F95] =	sst s2  }
0x8f: {  	_ = 	snop  }
0x90: {  	(tm) =	ssettm $0x1  }
0x91: {  	s17 =	sld [smem:$0x3FFB];
	_ =	sdelay $0x3  }
0x92: {  	_ =	strace s17  }
0x93: {  	s2 =	sld [smem:$0x3FFC];
	_ =	sdelay $0x3  }
0x94: {  	_ =	strace s2  }
0x95: {  	s2 =	sld [smem:$0x3FFD];
	_ =	sdelay $0x3  }
0x96: {  	_ =	strace s2  }
0x97: {  	_ =	strace $0x8FFFFFFF  }
0x98: {  	s18 =	sld [smem:$0x3FDB];
	_ =	sdelay $0x1  }
0x99: {  	s19 =	simm.s32 $_scs_section_size  }
0x9a: {  	s4 =	simm.s32 $_size__tile_overlayer_lowered;
	s5 =	simm.s32 $_tile_overlayer_lowered  }
0x9b: {  	s22 =	simm.s32 $0x1BFF;
	s21 =	sshll.u32 s5, $0x1;
	s2 =	sadd.s32 s19, s18  }
0x9c: {  	s6 =	simm.s32 $0x0;
	s20 =	sshll.u32 s4, $0x1;
	s4 =	sadd.s32 s21, s2  }
0x9d: {  	[timem:s6], [sflag:s22] =	dma.local [hbm:s4], s20  }
0x9e: {  	_ =	swait.ge [sflag:s22], s20  }
0x9f: {  	s3 =	ssub.s32 $0x0, s20;
	[sflag:s22] =	ssyncset.done $0x0  }
0xa0: {  	[sflag:s22] =	ssyncadd.s32 s3;
	_ =	sdelay $0x1  }
0xa1: {  	s23 =	simm.s32 $0x1B8B  }
0xa2: {  	_ =	swait.ge [sflag:s23], $0x1  }
0xa3: {  	[sflag:s23] =	ssyncset.done $0x0  }
0xa4: {  	s25 =	simm.s32 $0x1B8E;
	s24 =	sld [smem:$0x3FFE];
	[sflag:s23] =	ssyncadd.s32 $0xFFFFFFFF  }
0xa5: {  	s26 =	simm.s32 $execute0_lowered;
	[smem:$0x3FD2] =	sst s25  }
0xa6: {  	s4 =	sshll.u32 s26, $0x1;
	_ =	strace $0x8000004F;
	[dreg:$0x1] =	wrdreg $0xFFFFFFFF  }
0xa7: {  	s28 =	simm.s32 $_size_execute0_lowered;
	s2 =	sadd.s32 s2, s4;
	[dreg:$0x0] =	wrdreg $0x0  }
0xa8: {  	s4 =	sshll.u32 s28, $0x1;
	[dreg:$0x2] =	wrdreg s2  }
0xa9: {  	[dreg:$0x3] =	wrdreg s4  }
0xaa: {  	[dreg:$0x4] =	wrdreg $0xC0  }
0xab: {  	_ =	task [dreg:s6], $0x5FFFF  }
0xac: {  	[dreg:$0x1] =	wrdreg $0xFFFFFFFF  }
0xad: {  	[dreg:$0x0] =	wrdreg $0x60  }
0xae: {  	[dreg:$0x2] =	wrdreg s24  }
0xaf: {  	[dreg:$0x3] =	wrdreg $0x9  }
0xb0: {  	_ =	task.clear_ibuf [dreg:s6], $0x4FFFF;
	_ =	strace $0x9000004F  }
0xb1: {  	s29 =	simm.s32 $0x9;
	_ =	strace $0x80000051  }
0xb2: {  	_ =	swait.ge [sflag:s29], $0x1  }
0xb3: {  	[sflag:s29] =	ssyncadd.s32 $0xFFFFFFFF  }
0xb4: {  	_ =	strace $0x90000051  }
0xb5: {  	_ =	sfence  }
0xb6: {  	s30 =	sld [smem:$0x0];
	_ =	sdelay $0x2  }
0xb7: {  	s31 =	sshll.u32 s1, $0xD;
	s1 =	sshrl.u32 s1, $0x2  }
0xb8: {  	s3 =	sand.u32 $0x4000, s31;
	s1 =	sadd.s32 s1, s30  }
0xb9: {  	s0 =	sor.u32 s3, s0;
	s1 =	sshll.u32 s1, $0x11  }
0xba: {  	s0 =	sor.u32 s1, s0  }
0xbb: {  	s0 =	sadd.s32 $0x8F2B, s0  }
0xbc: {  	[sflag:s0] =	ssyncadd.remote.s32 $0x1  }
0xbd: {  	_ =	sfence.sel $0xFFFF  }
0xbe: {  	[dreg:$0x0] =	wrdreg $0xFFFFFFFF;
	(pc) =	sbr.abs _section_cstart, $3  }
0xbf: {  	[dreg:$0x1] =	wrdreg $0xFFFFFFFF  }
0xc0: {  	_ =	task.clear_ibuf [dreg:s6], $0x2FFFF;
	_ =	strace $0x9FFFFFFF  }
0xc1: {  	(tm) =	ssettm $0x7FFFFFFF  }
tec
execute0_lowered:
.L_overlay_start_1:
0x0: {  	(tag) =	ssettag $0x1  }
0x1: {  	s5 =	rddreg [dreg:$0x0]  }
0x2: {  	s0 =	rddreg [dreg:$0x1]  }
0x3: {  	s2 =	simm.s32 $0x0;
	s3 =	srdreg.scid;
	s1 =	stileid.u32  }
0x4: {  	s13 =	simm.s32 $0x8100;
	s14 =	simm.s32 $0x1;
	s15 =	simm.s32 $0x2  }
0x5: {  	s16 =	simm.s32 $0x0;
	[smem:$0x7FF] =	sst s2;
	s8 =	sand.u32 $0x1, s3  }
0x6: {  	s3 =	sadd.s32 $0x5F9000, s5;
	s7 =	sshll.u32 s1, $0x1;
	s4 =	sadd.s32 $0x13A00, s5  }
0x7: {  	s5 =	sadd.s32 $0x3FC00, s5;
	s31 =	sshll.u32 s1, $0x9;
	s11 =	sshll.u32 s1, $0xE  }
0x8: {  	_ =	strace $0x80000050;
	s6 =	ssub.s32 $0x2, s8;
	s7 =	sor.u32 s7, s8  }
0x9: {  	s10 =	sshll.u32 s8, $0x8;
	s12 =	sshll.u32 s8, $0xD;
	s9 =	sshrl.u32 s6, $0x1  }
0xa: {  	s7 =	ssub.s32 $0x290, s7;
	s8 =	sor.u32 s10, s31;
	s10 =	simm.s32 $0x3  }
0xb: {  	s6 =	ssub.s32 s6, s9;
	s7 =	sshrl.u32 s7, $0x5;
	s9 =	sor.u32 s12, s11  }
0xc: {  	s11 =	simm.s32 $0x80;
	s12 =	simm.s32 $0x100;
	s6 =	smax.u32 s6, $0x1  }
.LBB2_1:
0xd: {  	p1 =	sne.s32 s7, $0x1  }
.Ltmp0:
0xe: {  	_ = 	snop;
	(pc) =	sbr.rel @!p1 .LBB2_2-.Ltmp0, $2  }
0xf: {  	_ =	sdelay $0x2  }
0x10: {  	s17 =	sadd.s32 $0xFFFFFFFF, s7;
	s20 =	sshrl.u32 s8, $0x3;
	p0 =	por $0x0, $0x0  }
0x11: {  	s18 =	sadd.s32 s4, s20  }
0x12: {  	[tilespmem:s2], [sflag:$0x3] =	stream.linear.gather [hbm4b:s18+s2], $0x100, $0x38;
	[tilespmem:$0x10100] =	vst v63  }
0x13: {  	_ =	swait.ge [sflag:s10], $0x100  }
0x14: {  	[sflag:s10] =	ssyncset.done $0x0  }
0x15: {  	[sflag:s10] =	ssyncadd.s32 $0xFFFFFF00  }
0x16: {  	[tilespmem:s12], [sflag:$0x1] =	stream.indirect.gather [hbm4b:s3+s11], $0x100, s2, s11, $0xb8;
	[tilespmem:$0x10100] =	vst v63  }
0x17: {  	_ = 	snop  }
0x18: {  	[tilespmem:s13], [sflag:$0x2] =	stream.indirect.gather [hbm4b:s3+s11], $0x100, s11, s11, $0xb8;
	[tilespmem:$0x10100] =	vst v63  }
0x19: {  	_ =	swait.ge [sflag:s14], $0x8000  }
0x1a: {  	[sflag:s14] =	ssyncset.done $0x0  }
0x1b: {  	[sflag:s14] =	ssyncadd.s32 $0xFFFF8000  }
0x1c: {  	p1 =	sne.s32 s17, $0x1;
	_ =	swait.ge [sflag:s15], $0x8000  }
.Ltmp1:
0x1d: {  	s31 =	sand.u32 $0x1FFFE000, s9;
	[sflag:s15] =	ssyncset.done $0x0;
	(pc) =	sbr.rel @!p1 .LBB2_4-.Ltmp1, $4  }
0x1e: {  	s19 =	sadd.s32 $0x2000, s8;
	s18 =	sadd.s32 s5, s31;
	[sflag:s15] =	ssyncadd.s32 $0xFFFF8000  }
0x1f: {  	[hbm4b:s18+s2] =	stream.linear.scatter [tilespmem:s12], [sflag:$0x3], $0x10000, $0x38;
	[tilespmem:$0x10100] =	vst v63  }
0x20: {  	p0 =	por $0x1, $0x1;
	s20 =	sshrl.u32 s19, $0x3;
	_ =	swait.ge [sflag:s10], $0x10000  }
0x21: {  	s18 =	sadd.s32 $0xFFFFFFFF, s17;
	s17 =	smov.u32 s9;
	[sflag:s10] =	ssyncset.done $0x0  }
.LBB2_5:
0x22: {  	s20 =	sadd.s32 s4, s20;
	[sflag:s10] =	ssyncadd.s32 $0xFFFF0000;
	s17 =	sadd.s32 $0x40000, s17  }
0x23: {  	[tilespmem:s2], [sflag:$0x3] =	stream.linear.gather [hbm4b:s20+s2], $0x100, $0x38;
	[tilespmem:$0x10100] =	vst v63  }
0x24: {  	p1 =	sne.s32 s18, $0x1;
	s18 =	sadd.s32 $0xFFFFFFFF, s18;
	_ =	swait.ge [sflag:s10], $0x100  }
0x25: {  	[sflag:s10] =	ssyncset.done $0x0  }
0x26: {  	[sflag:s10] =	ssyncadd.s32 $0xFFFFFF00  }
0x27: {  	[tilespmem:s12], [sflag:$0x1] =	stream.indirect.gather [hbm4b:s3+s11], $0x100, s2, s11, $0xb8;
	[tilespmem:$0x10100] =	vst v63  }
0x28: {  	_ = 	snop  }
0x29: {  	[tilespmem:s13], [sflag:$0x2] =	stream.indirect.gather [hbm4b:s3+s11], $0x100, s11, s11, $0xb8;
	[tilespmem:$0x10100] =	vst v63  }
0x2a: {  	_ =	swait.ge [sflag:s14], $0x8000  }
0x2b: {  	[sflag:s14] =	ssyncset.done $0x0  }
0x2c: {  	[sflag:s14] =	ssyncadd.s32 $0xFFFF8000  }
0x2d: {  	_ =	swait.ge [sflag:s15], $0x8000  }
.Ltmp2:
0x2e: {  	s20 =	sand.u32 $0x1FFFE000, s17;
	[sflag:s15] =	ssyncset.done $0x0;
	(pc) =	sbr.rel @p1 .LBB2_5-.Ltmp2, $4  }
0x2f: {  	s20 =	sadd.s32 s5, s20;
	[sflag:s15] =	ssyncadd.s32 $0xFFFF8000  }
0x30: {  	[hbm4b:s20+s2] =	stream.linear.scatter [tilespmem:s12], [sflag:$0x3], $0x10000, $0x38;
	[tilespmem:$0x10100] =	vst v63  }
0x31: {  	s19 =	sadd.s32 $0x2000, s19;
	_ =	swait.ge [sflag:s10], $0x10000  }
0x32: {  	s20 =	sshrl.u32 s19, $0x3;
	[sflag:s10] =	ssyncset.done $0x0  }
.LBB2_6:
0x33: {  	s18 =	sadd.s32 s4, s20;
	[sflag:s10] =	ssyncadd.s32 @p0 $0xFFFF0000  }
0x34: {  	[tilespmem:s2], [sflag:$0x3] =	stream.linear.gather [hbm4b:s18+s2], $0x100, $0x38;
	[tilespmem:$0x10100] =	vst v63  }
0x35: {  	_ =	swait.ge [sflag:s10], $0x100  }
0x36: {  	[sflag:s10] =	ssyncset.done $0x0  }
0x37: {  	[sflag:s10] =	ssyncadd.s32 $0xFFFFFF00  }
0x38: {  	[tilespmem:s12], [sflag:$0x1] =	stream.indirect.gather [hbm4b:s3+s11], $0x100, s2, s11, $0xb8;
	[tilespmem:$0x10100] =	vst v63  }
0x39: {  	_ = 	snop  }
0x3a: {  	[tilespmem:s13], [sflag:$0x2] =	stream.indirect.gather [hbm4b:s3+s11], $0x100, s11, s11, $0xb8;
	[tilespmem:$0x10100] =	vst v63  }
0x3b: {  	_ =	swait.ge [sflag:s14], $0x8000  }
0x3c: {  	[sflag:s14] =	ssyncset.done $0x0  }
0x3d: {  	s17 =	sadd.s32 @p0 $0x40000, s17;
	s18 =	smov.u32 s9;
	[sflag:s14] =	ssyncadd.s32 $0xFFFF8000  }
0x3e: {  	s18 =	smov.u32 @p0 s17;
	_ =	swait.ge [sflag:s15], $0x8000  }
0x3f: {  	s16 =	sadd.s32 $0x1, s16;
	s17 =	sand.u32 $0x1FFFE000, s18;
	[sflag:s15] =	ssyncset.done $0x0  }
0x40: {  	p0 =	sne.s32 s16, s6;
	s17 =	sadd.s32 s5, s17;
	[sflag:s15] =	ssyncadd.s32 $0xFFFF8000  }
0x41: {  	[hbm4b:s17+s2] =	stream.linear.scatter [tilespmem:s12], [sflag:$0x3], $0x10000, $0x38;
	[tilespmem:$0x10100] =	vst v63  }
.Ltmp3:
0x42: {  	_ = 	snop;
	(pc) =	sbr.rel @p0 .LBB2_1-.Ltmp3, $4  }
.Ltmp4:
0x43: {  	_ = 	snop;
	(pc) =	sbr.rel @!p0 .LBB2_7-.Ltmp4, $4  }
0x44: {  	_ =	swait.ge [sflag:s10], $0x10000  }
0x45: {  	[sflag:s10] =	ssyncset.done $0x0  }
0x46: {  	[sflag:s10] =	ssyncadd.s32 $0xFFFF0000  }
0x47: {  	_ = 	snop  }
.LBB2_2:
.Ltmp5:
0x48: {  	(pc) =	sbr.rel .LBB2_6-.Ltmp5, $2  }
0x49: {  	_ =	sdelay $0x2  }
0x4a: {  	s17 =	smov.u32 s9  }
.LBB2_4:
.Ltmp6:
0x4b: {  	(pc) =	sbr.rel .LBB2_6-.Ltmp6, $2  }
0x4c: {  	_ =	sdelay $0x2  }
0x4d: {  	s17 =	smov.u32 s9  }
.LBB2_7:
0x4e: {  	_ =	sfence.sel $0x180000  }
0x4f: {  	[bflag:$0x0] =	sbarrier.arrive $0xFFFF  }
0x50: {  	p0 =	sne.s32 s1, $0x0;
	_ =	strace $0x90000050  }
0x51: {  	s0 =	sadd.s32 @!p0 $0x100000, s0;
	[bflag:$0x2] =	sbarrier.arrive $0xFFFF  }
0x52: {  	[sflag:s0] =	ssyncadd.tile.s32 @!p0 $0x1;
	_ =	shalt  }
.Lfunc_end2:
_tile_overlayer_lowered:
.L_overlay_start_2:
0x53: {  	(tag) =	ssettag $0x2  }
0x54: {  	s0 =	rddreg [dreg:$0x0];
	s2 =	stileid.u32  }
0x55: {  	s1 =	rddreg [dreg:$0x1];
	p0 =	sne.s32 s2, $0x0  }
0x56: {  	s3 =	rddreg [dreg:$0x2];
	[bflag:$0x3] =	sbarrier.arrive $0xFFFF;
	s2 =	simm.s32 @!p0 $0x1C03  }
0x57: {  	[timem:s3], [sflag:s2] =	dma.local @!p0 [hbm:s0], s1  }
0x58: {  	s0 =	simm.s32 @!p0 $0x3  }
0x59: {  	_ =	swait.ge @!p0 [sflag:s0], s1  }
0x5a: {  	s1 =	ssub.s32 @!p0 $0x0, s1;
	[sflag:s0] =	ssyncset.done @!p0 $0x0  }
0x5b: {  	[sflag:s0] =	ssyncadd.s32 @!p0 s1  }
0x5c: {  	[bflag:$0x3] =	sbarrier.arrive $0xFFFF  }
0x5d: {  	_ =	shalt  }

// kernel: kernel.26.cloned.1.call-start
scs
__scs_entry_jumppad:
0x0: {  	(pc) =	sbr.rel $0x88, $3  }
0x1: {  	(tag) =	ssettag $0x0;
	lr =	simm.s32 $0x1  }
0x2: {  	[smem:$0x3F6E] =	sst lr;
	_ =	strace $0xD0000000  }
0x3: {  	_ = 	snop  }
0x4: {  	_ = 	snop  }
0x5: {  	_ = 	snop  }
0x6: {  	_ = 	snop  }
0x7: {  	_ = 	snop  }
__scs_overlays_trampoline_lowered:
0x8: {  	[smem:$0x3F7D] =	sst s0  }
0x9: {  	[smem:$0x3F7E] =	sst s1  }
0xa: {  	[smem:$0x3F7F] =	sst s2  }
0xb: {  	[smem:$0x3F80] =	sst s3  }
0xc: {  	[smem:$0x3F81] =	sst s4  }
0xd: {  	[smem:$0x3F82] =	sst s5  }
0xe: {  	[smem:$0x3F83] =	sst s6  }
0xf: {  	[smem:$0x3F84] =	sst s7  }
0x10: {  	[smem:$0x3F85] =	sst s8  }
0x11: {  	[smem:$0x3F86] =	sst s9;
	s0 =	simm.s32 @!p0 $0x0  }
0x12: {  	s1 =	sld [smem:$0x3F6C];
	s0 =	simm.s32 @p0 $0x1  }
0x13: {  	[smem:$0x3F87] =	sst s0;
	s0 =	simm.s32 @!p1 $0x0  }
0x14: {  	s2 =	sld [smem:$0x3F6B];
	s0 =	simm.s32 @p1 $0x1  }
0x15: {  	[smem:$0x3F88] =	sst s0;
	s0 =	simm.s32 @!p2 $0x0  }
0x16: {  	s3 =	sld [smem:$0x3FDB];
	s0 =	simm.s32 @p2 $0x1  }
0x17: {  	s4 =	simm.s32 $0x1BF5;
	[smem:$0x3F8A] =	sst s0  }
0x18: {  	s0 =	sld [smem:$0x3F6D];
	_ =	swait.ge [sflag:s4], $0x0  }
0x19: {  	s7 =	sld [smem:$0x3F6E]  }
0x1a: {  	s8 =	sadd.s32 $0xFFFFE003, lr  }
0x1b: {  	s9 =	sadd.s32 $0xFFFFFEF7, lr;
	s5 =	simm.s32 $0xFFFFFFFF;
	p2 =	slt.u32 s8, $0xFFFFF086  }
0x1c: {  	p1 =	slt.u32 s9, $0xF7A;
	s5 =	simm.s32 @!p2 $0x0  }
0x1d: {  	s5 =	simm.s32 @p1 $0x1;
	p0 =	seq.s32 s7, s2  }
0x1e: {  	s7 =	smul.u32 @!p0 $0xF7A, s2;
	p2 =	seq.s32 @!p0 s5, $0x0  }
0x1f: {  	s9 =	smul.u32 $0xF7A, s1;
	s8 =	simm.s32 @!p0 $0x1BF5;
	p2 =	por !p2, p0  }
0x20: {  	[sflag:s8] =	ssyncset.s32 @!p0 $0xFFFFF086;
	s6 =	sadd.s32 @!p0 s3, s7;
	s7 =	simm.s32 @!p0 $0x108  }
0x21: {  	s3 =	sadd.s32 s3, s9;
	s6 =	sadd.s32 @!p0 $0x88, s6;
	s7 =	simm.s32 @p2 $0x1082  }
0x22: {  	[simem:s7], [sflag:s8] =	dma.local @!p0 [hbm:s6], $0xF7A  }
0x23: {  	s9 =	sor.u32 $0xD0000000, s2;
	s6 =	simm.s32 $0x108;
	_ =	swait.ge @!p0 [sflag:s8], $0x0  }
0x24: {  	s3 =	sadd.s32 $0x88, s3;
	s6 =	simm.s32 @!p1 $0x1082;
	[sflag:s4] =	ssyncset.s32 $0xFFFFF086  }
0x25: {  	[simem:s6], [sflag:s4] =	dma.local [hbm:s3], $0xF7A  }
0x26: {  	[smem:$0x3F6E] =	sst s1;
	(tag) =	ssettag s2;
	_ =	strace s9  }
0x27: {  	s1 =	sld [smem:$0x3F7E]  }
0x28: {  	s2 =	sld [smem:$0x3F7F]  }
0x29: {  	s4 =	sld [smem:$0x3F81]  }
0x2a: {  	p0 =	seq.s32 s5, $0x0;
	s5 =	sld [smem:$0x3F82]  }
0x2b: {  	s6 =	sld [smem:$0x3F83]  }
0x2c: {  	s7 =	sld [smem:$0x3F84]  }
0x2d: {  	s3 =	simm.s32 $0x108;
	s8 =	sld [smem:$0x3F85]  }
0x2e: {  	s3 =	simm.s32 @!p0 $0x1082;
	s9 =	sld [smem:$0x3F86]  }
0x2f: {  	lr =	sadd.s32 s0, s3;
	s0 =	sld [smem:$0x3F7D]  }
0x30: {  	s3 =	sld [smem:$0x3F80]  }
0x31: {  	[smem:$0x3F89] =	sst s10  }
0x32: {  	s10 =	sld [smem:$0x3F87];
	_ =	sdelay $0x3  }
0x33: {  	p0 =	seq.s32 s10, $0x1;
	s10 =	sld [smem:$0x3F89];
	_ =	sdelay $0x3  }
0x34: {  	[smem:$0x3F89] =	sst s10  }
0x35: {  	s10 =	sld [smem:$0x3F88];
	_ =	sdelay $0x3  }
0x36: {  	p1 =	seq.s32 s10, $0x1;
	s10 =	sld [smem:$0x3F89];
	_ =	sdelay $0x3  }
0x37: {  	[smem:$0x3F89] =	sst s10  }
0x38: {  	s10 =	sld [smem:$0x3F8A]  }
0x39: {  	_ = 	snop;
	(pc) =	sbr.ind lr, $3  }
0x3a: {  	_ = 	snop  }
0x3b: {  	_ = 	snop  }
0x3c: {  	p2 =	seq.s32 s10, $0x1;
	s10 =	sld [smem:$0x3F89]  }
0x3d: {  	_ =	shalt  }
0x3e: {  	_ =	shalt  }
0x3f: {  	_ =	shalt  }
0x40: {  	_ =	shalt  }
0x41: {  	_ =	shalt  }
0x42: {  	_ =	shalt  }
0x43: {  	_ =	shalt  }
0x44: {  	_ =	shalt  }
0x45: {  	_ =	shalt  }
0x46: {  	_ =	shalt  }
0x47: {  	_ =	shalt  }
0x48: {  	_ =	shalt  }
0x49: {  	_ =	shalt  }
0x4a: {  	_ =	shalt  }
0x4b: {  	_ =	shalt  }
0x4c: {  	_ =	shalt  }
0x4d: {  	_ =	shalt  }
0x4e: {  	_ =	shalt  }
0x4f: {  	_ =	shalt  }
0x50: {  	_ =	shalt  }
0x51: {  	_ =	shalt  }
0x52: {  	_ =	shalt  }
0x53: {  	_ =	shalt  }
0x54: {  	_ =	shalt  }
0x55: {  	_ =	shalt  }
0x56: {  	_ =	shalt  }
0x57: {  	_ =	shalt  }
0x58: {  	_ =	shalt  }
0x59: {  	_ =	shalt  }
0x5a: {  	_ =	shalt  }
0x5b: {  	_ =	shalt  }
0x5c: {  	_ =	shalt  }
0x5d: {  	_ =	shalt  }
0x5e: {  	_ =	shalt  }
0x5f: {  	_ =	shalt  }
0x60: {  	_ =	shalt  }
0x61: {  	_ =	shalt  }
0x62: {  	_ =	shalt  }
0x63: {  	_ =	shalt  }
0x64: {  	_ =	shalt  }
0x65: {  	_ =	shalt  }
0x66: {  	_ =	shalt  }
0x67: {  	_ =	shalt  }
0x68: {  	_ =	shalt  }
0x69: {  	_ =	shalt  }
0x6a: {  	_ =	shalt  }
0x6b: {  	_ =	shalt  }
0x6c: {  	_ =	shalt  }
0x6d: {  	_ =	shalt  }
0x6e: {  	_ =	shalt  }
0x6f: {  	_ =	shalt  }
0x70: {  	_ =	shalt  }
0x71: {  	_ =	shalt  }
0x72: {  	_ =	shalt  }
0x73: {  	_ =	shalt  }
0x74: {  	_ =	shalt  }
0x75: {  	_ =	shalt  }
0x76: {  	_ =	shalt  }
0x77: {  	_ =	shalt  }
0x78: {  	_ =	shalt  }
0x79: {  	_ =	shalt  }
0x7a: {  	_ =	shalt  }
0x7b: {  	_ =	shalt  }
0x7c: {  	_ =	shalt  }
0x7d: {  	_ =	shalt  }
0x7e: {  	_ =	shalt  }
0x7f: {  	_ =	shalt  }
0x80: {  	_ =	shalt  }
0x81: {  	_ =	shalt  }
0x82: {  	_ =	shalt  }
0x83: {  	_ =	shalt  }
0x84: {  	_ =	shalt  }
0x85: {  	_ =	shalt  }
0x86: {  	_ =	shalt  }
0x87: {  	_ =	shalt  }
.Lfunc_end0:
.L_simem_size_0:
called_computation.4_lowered:
.L_overlay_start_0:
0x88: {  	s2 =	sld [smem:$0x3FD9]  }
0x89: {  	s3 =	sld [smem:$0x3FFE];
	_ =	sdelay $0x1  }
0x8a: {  	s1 =	srdreg.scid  }
0x8b: {  	s0 =	sand.u32 $0x1, s1  }
0x8c: {  	s15 =	sshll.u32 s0, $0xA;
	s2 =	sadd.s32 s3, s2  }
0x8d: {  	s2 =	sadd.s32 s2, s15  }
0x8e: {  	[smem:$0x3F95] =	sst s2  }
0x8f: {  	_ = 	snop  }
0x90: {  	s2 =	sld [smem:$0x3FD0];
	_ =	sdelay $0x2  }
0x91: {  	s16 =	simm.s32 $0xB;
	s4 =	simm.s32 $0x10  }
0x92: {  	[smem:s4], [sflag:s16] =	dma.local [hbm:s2], $0x1  }
0x93: {  	_ =	swait.eq [sflag:s16], $0x1  }
0x94: {  	[sflag:s16] =	ssyncset.done $0x0  }
0x95: {  	[sflag:s16] =	ssyncadd.s32 $0xFFFFFFFF  }
0x96: {  	s17 =	sld [smem:$0x10];
	(tm) =	ssettm $0x1  }
0x97: {  	s18 =	sld [smem:$0x3FFB];
	_ =	sdelay $0x3  }
0x98: {  	_ =	strace s18  }
0x99: {  	s2 =	sld [smem:$0x3FFC];
	_ =	sdelay $0x3  }
0x9a: {  	_ =	strace s2  }
0x9b: {  	s2 =	sld [smem:$0x3FFD];
	_ =	sdelay $0x3  }
0x9c: {  	_ =	strace s2  }
0x9d: {  	_ =	strace $0x8FFFFFFF  }
0x9e: {  	s19 =	sld [smem:$0x3FDB];
	_ =	sdelay $0x1  }
0x9f: {  	s20 =	simm.s32 $_scs_section_size  }
0xa0: {  	s5 =	simm.s32 $_size__tile_overlayer_lowered;
	s6 =	simm.s32 $_tile_overlayer_lowered  }
0xa1: {  	s7 =	simm.s32 $0x1BFF;
	s21 =	sshll.u32 s6, $0x1;
	s4 =	sadd.s32 s20, s19  }
0xa2: {  	s22 =	simm.s32 $0x0;
	s5 =	sshll.u32 s5, $0x1;
	s6 =	sadd.s32 s21, s4  }
0xa3: {  	[timem:s22], [sflag:s7] =	dma.local [hbm:s6], s5  }
0xa4: {  	_ =	swait.ge [sflag:s7], s5  }
0xa5: {  	s5 =	ssub.s32 $0x0, s5;
	[sflag:s7] =	ssyncset.done $0x0  }
0xa6: {  	[sflag:s7] =	ssyncadd.s32 s5;
	_ =	sdelay $0x1  }
0xa7: {  	s23 =	simm.s32 $0x1B8B  }
0xa8: {  	_ =	swait.ge [sflag:s23], $0x1  }
0xa9: {  	[sflag:s23] =	ssyncset.done $0x0  }
0xaa: {  	[sflag:s23] =	ssyncadd.s32 $0xFFFFFFFF  }
0xab: {  	s5 =	sld [smem:$0x0]  }
0xac: {  	s6 =	sand.u32 $0xFFFFFFFE, s1  }
0xad: {  	p0 =	sne.s32 s1, s6  }
0xae: {  	s6 =	sshll.u32 @p0 s6, $0xE  }
0xaf: {  	s6 =	sadd.s32 @p0 $0x11B8D, s6;
	s7 =	sshll.u32 @p0 s5, $0x11  }
0xb0: {  	s6 =	sor.u32 @p0 s7, s6  }
0xb1: {  	[sflag:s6] =	ssyncadd.remote.s32 @p0 $0x1;
	_ =	sdelay $0x1  }
0xb2: {  	s6 =	simm.s32 @p0 $0x1B8D  }
0xb3: {  	_ =	swait.eq @p0 [sflag:s6], $0x1  }
0xb4: {  	[sflag:s6] =	ssyncadd.s32 @p0 $0xFFFFFFFF  }
0xb5: {  	s7 =	sshll.u32 @!p0 s1, $0xE  }
0xb6: {  	s7 =	sor.u32 @!p0 $0x4000, s7;
	s6 =	simm.s32 @!p0 $0x1B8D  }
0xb7: {  	s5 =	sshll.u32 @!p0 s5, $0x11;
	s7 =	sadd.s32 @!p0 $0x11B8D, s7;
	_ =	swait.eq @!p0 [sflag:s6], $0x1  }
0xb8: {  	s5 =	sor.u32 @!p0 s5, s7;
	[sflag:s6] =	ssyncadd.s32 @!p0 $0xFFFFFFFF  }
0xb9: {  	s25 =	simm.s32 $0x1B8E;
	s24 =	sld [smem:$0x3FFE];
	[sflag:s5] =	ssyncadd.remote.s32 @!p0 $0x1  }
0xba: {  	s26 =	simm.s32 $execute0_lowered;
	[smem:$0x3FD2] =	sst s25  }
0xbb: {  	s6 =	sshll.u32 s26, $0x1;
	_ =	strace $0x80000052;
	[dreg:$0x1] =	wrdreg $0xFFFFFFFF  }
0xbc: {  	s28 =	simm.s32 $_size_execute0_lowered;
	s4 =	sadd.s32 s4, s6;
	[dreg:$0x0] =	wrdreg $0x0  }
0xbd: {  	s6 =	sshll.u32 s28, $0x1;
	[dreg:$0x2] =	wrdreg s4  }
0xbe: {  	[dreg:$0x3] =	wrdreg s6  }
0xbf: {  	[dreg:$0x4] =	wrdreg $0xC0  }
0xc0: {  	_ =	task [dreg:s22], $0x5FFFF  }
0xc1: {  	[dreg:$0x1] =	wrdreg $0xFFFFFFFF  }
0xc2: {  	[dreg:$0x0] =	wrdreg $0x60  }
0xc3: {  	[dreg:$0x2] =	wrdreg s17  }
0xc4: {  	[dreg:$0x3] =	wrdreg s24  }
0xc5: {  	[dreg:$0x4] =	wrdreg $0xA  }
0xc6: {  	_ =	task.clear_ibuf [dreg:s22], $0x5FFFF;
	_ =	strace $0x90000052  }
0xc7: {  	s29 =	simm.s32 $0xA;
	_ =	strace $0x80000054  }
0xc8: {  	_ =	swait.ge [sflag:s29], $0x1  }
0xc9: {  	[sflag:s29] =	ssyncadd.s32 $0xFFFFFFFF  }
0xca: {  	_ =	strace $0x90000054  }
0xcb: {  	_ =	sfence  }
0xcc: {  	s30 =	sld [smem:$0x0];
	_ =	sdelay $0x2  }
0xcd: {  	s31 =	sshll.u32 s1, $0xD;
	s1 =	sshrl.u32 s1, $0x2  }
0xce: {  	s4 =	sand.u32 $0x4000, s31;
	s1 =	sadd.s32 s1, s30  }
0xcf: {  	s0 =	sor.u32 s4, s0;
	s1 =	sshll.u32 s1, $0x11  }
0xd0: {  	s0 =	sor.u32 s1, s0  }
0xd1: {  	s0 =	sadd.s32 $0x8F2B, s0  }
0xd2: {  	[sflag:s0] =	ssyncadd.remote.s32 $0x1  }
0xd3: {  	_ =	sfence.sel $0xFFFF  }
0xd4: {  	[dreg:$0x0] =	wrdreg $0xFFFFFFFF;
	(pc) =	sbr.abs _section_cstart, $3  }
0xd5: {  	[dreg:$0x1] =	wrdreg $0xFFFFFFFF  }
0xd6: {  	_ =	task.clear_ibuf [dreg:s22], $0x2FFFF;
	_ =	strace $0x9FFFFFFF  }
0xd7: {  	(tm) =	ssettm $0x7FFFFFFF  }
tec
execute0_lowered:
.L_overlay_start_1:
0x0: {  	(tag) =	ssettag $0x1  }
0x1: {  	s1 =	rddreg [dreg:$0x0]  }
0x2: {  	s5 =	rddreg [dreg:$0x1]  }
0x3: {  	s0 =	rddreg [dreg:$0x2];
	s3 =	simm.s32 $0x0;
	s4 =	srdreg.scid  }
0x4: {  	s2 =	stileid.u32;
	s13 =	simm.s32 $0x4100;
	s14 =	simm.s32 $0x1  }
0x5: {  	s15 =	simm.s32 $0x2;
	s16 =	simm.s32 $0x0;
	[smem:$0x7FF] =	sst s3  }
0x6: {  	s8 =	sand.u32 $0x1, s4;
	s7 =	sshll.u32 s2, $0x1;
	s4 =	sadd.s32 $0x5EF000, s5  }
0x7: {  	s5 =	sadd.s32 $0xB24200, s5;
	s31 =	sshll.u32 s2, $0x9;
	s11 =	sshll.u32 s2, $0xD  }
0x8: {  	_ =	strace $0x80000053;
	s6 =	ssub.s32 $0x2, s8;
	s7 =	sor.u32 s7, s8  }
0x9: {  	s10 =	sshll.u32 s8, $0x8;
	s12 =	sshll.u32 s8, $0xC;
	s9 =	sshrl.u32 s6, $0x1  }
0xa: {  	s7 =	ssub.s32 $0x290, s7;
	s8 =	sor.u32 s10, s31;
	s10 =	simm.s32 $0x3  }
0xb: {  	s6 =	ssub.s32 s6, s9;
	s7 =	sshrl.u32 s7, $0x5;
	s9 =	sor.u32 s12, s11  }
0xc: {  	s11 =	simm.s32 $0x80;
	s12 =	simm.s32 $0x100;
	s6 =	smax.u32 s6, $0x1  }
.LBB2_1:
0xd: {  	p1 =	sne.s32 s7, $0x1  }
.Ltmp0:
0xe: {  	_ = 	snop;
	(pc) =	sbr.rel @!p1 .LBB2_2-.Ltmp0, $2  }
0xf: {  	_ =	sdelay $0x2  }
0x10: {  	s17 =	sadd.s32 $0xFFFFFFFF, s7;
	s20 =	sshrl.u32 s8, $0x3;
	p0 =	por $0x0, $0x0  }
0x11: {  	s18 =	sadd.s32 s4, s20  }
0x12: {  	[tilespmem:s3], [sflag:$0x3] =	stream.linear.gather [hbm4b:s18+s3], $0x100, $0x38;
	[tilespmem:$0x8100] =	vst v63  }
0x13: {  	_ =	swait.ge [sflag:s10], $0x100  }
0x14: {  	[sflag:s10] =	ssyncset.done $0x0  }
0x15: {  	[sflag:s10] =	ssyncadd.s32 $0xFFFFFF00  }
0x16: {  	[tilespmem:s12], [sflag:$0x1] =	stream.indirect.gather [hbm4b:s1+s11], $0x80, s3, s11, $0xb8;
	[tilespmem:$0x8100] =	vst v63  }
0x17: {  	_ = 	snop  }
0x18: {  	[tilespmem:s13], [sflag:$0x2] =	stream.indirect.gather [hbm4b:s1+s11], $0x80, s11, s11, $0xb8;
	[tilespmem:$0x8100] =	vst v63  }
0x19: {  	_ =	swait.ge [sflag:s14], $0x4000  }
0x1a: {  	[sflag:s14] =	ssyncset.done $0x0  }
0x1b: {  	[sflag:s14] =	ssyncadd.s32 $0xFFFFC000  }
0x1c: {  	p1 =	sne.s32 s17, $0x1;
	_ =	swait.ge [sflag:s15], $0x4000  }
.Ltmp1:
0x1d: {  	s31 =	sand.u32 $0x1FFFF000, s9;
	[sflag:s15] =	ssyncset.done $0x0;
	(pc) =	sbr.rel @!p1 .LBB2_4-.Ltmp1, $4  }
0x1e: {  	s19 =	sadd.s32 $0x2000, s8;
	s18 =	sadd.s32 s5, s31;
	[sflag:s15] =	ssyncadd.s32 $0xFFFFC000  }
0x1f: {  	[hbm4b:s18+s3] =	stream.linear.scatter [tilespmem:s12], [sflag:$0x3], $0x8000, $0x38;
	[tilespmem:$0x8100] =	vst v63  }
0x20: {  	p0 =	por $0x1, $0x1;
	s20 =	sshrl.u32 s19, $0x3;
	_ =	swait.ge [sflag:s10], $0x8000  }
0x21: {  	s18 =	sadd.s32 $0xFFFFFFFF, s17;
	s17 =	smov.u32 s9;
	[sflag:s10] =	ssyncset.done $0x0  }
.LBB2_5:
0x22: {  	s20 =	sadd.s32 s4, s20;
	[sflag:s10] =	ssyncadd.s32 $0xFFFF8000;
	s17 =	sadd.s32 $0x20000, s17  }
0x23: {  	[tilespmem:s3], [sflag:$0x3] =	stream.linear.gather [hbm4b:s20+s3], $0x100, $0x38;
	[tilespmem:$0x8100] =	vst v63  }
0x24: {  	p1 =	sne.s32 s18, $0x1;
	s18 =	sadd.s32 $0xFFFFFFFF, s18;
	_ =	swait.ge [sflag:s10], $0x100  }
0x25: {  	[sflag:s10] =	ssyncset.done $0x0  }
0x26: {  	[sflag:s10] =	ssyncadd.s32 $0xFFFFFF00  }
0x27: {  	[tilespmem:s12], [sflag:$0x1] =	stream.indirect.gather [hbm4b:s1+s11], $0x80, s3, s11, $0xb8;
	[tilespmem:$0x8100] =	vst v63  }
0x28: {  	_ = 	snop  }
0x29: {  	[tilespmem:s13], [sflag:$0x2] =	stream.indirect.gather [hbm4b:s1+s11], $0x80, s11, s11, $0xb8;
	[tilespmem:$0x8100] =	vst v63  }
0x2a: {  	_ =	swait.ge [sflag:s14], $0x4000  }
0x2b: {  	[sflag:s14] =	ssyncset.done $0x0  }
0x2c: {  	[sflag:s14] =	ssyncadd.s32 $0xFFFFC000  }
0x2d: {  	_ =	swait.ge [sflag:s15], $0x4000  }
.Ltmp2:
0x2e: {  	s20 =	sand.u32 $0x1FFFF000, s17;
	[sflag:s15] =	ssyncset.done $0x0;
	(pc) =	sbr.rel @p1 .LBB2_5-.Ltmp2, $4  }
0x2f: {  	s20 =	sadd.s32 s5, s20;
	[sflag:s15] =	ssyncadd.s32 $0xFFFFC000  }
0x30: {  	[hbm4b:s20+s3] =	stream.linear.scatter [tilespmem:s12], [sflag:$0x3], $0x8000, $0x38;
	[tilespmem:$0x8100] =	vst v63  }
0x31: {  	s19 =	sadd.s32 $0x2000, s19;
	_ =	swait.ge [sflag:s10], $0x8000  }
0x32: {  	s20 =	sshrl.u32 s19, $0x3;
	[sflag:s10] =	ssyncset.done $0x0  }
.LBB2_6:
0x33: {  	s18 =	sadd.s32 s4, s20;
	[sflag:s10] =	ssyncadd.s32 @p0 $0xFFFF8000  }
0x34: {  	[tilespmem:s3], [sflag:$0x3] =	stream.linear.gather [hbm4b:s18+s3], $0x100, $0x38;
	[tilespmem:$0x8100] =	vst v63  }
0x35: {  	_ =	swait.ge [sflag:s10], $0x100  }
0x36: {  	[sflag:s10] =	ssyncset.done $0x0  }
0x37: {  	[sflag:s10] =	ssyncadd.s32 $0xFFFFFF00  }
0x38: {  	[tilespmem:s12], [sflag:$0x1] =	stream.indirect.gather [hbm4b:s1+s11], $0x80, s3, s11, $0xb8;
	[tilespmem:$0x8100] =	vst v63  }
0x39: {  	_ = 	snop  }
0x3a: {  	[tilespmem:s13], [sflag:$0x2] =	stream.indirect.gather [hbm4b:s1+s11], $0x80, s11, s11, $0xb8;
	[tilespmem:$0x8100] =	vst v63  }
0x3b: {  	_ =	swait.ge [sflag:s14], $0x4000  }
0x3c: {  	[sflag:s14] =	ssyncset.done $0x0  }
0x3d: {  	s17 =	sadd.s32 @p0 $0x20000, s17;
	s18 =	smov.u32 s9;
	[sflag:s14] =	ssyncadd.s32 $0xFFFFC000  }
0x3e: {  	s18 =	smov.u32 @p0 s17;
	_ =	swait.ge [sflag:s15], $0x4000  }
0x3f: {  	s16 =	sadd.s32 $0x1, s16;
	s17 =	sand.u32 $0x1FFFF000, s18;
	[sflag:s15] =	ssyncset.done $0x0  }
0x40: {  	p0 =	sne.s32 s16, s6;
	s17 =	sadd.s32 s5, s17;
	[sflag:s15] =	ssyncadd.s32 $0xFFFFC000  }
0x41: {  	[hbm4b:s17+s3] =	stream.linear.scatter [tilespmem:s12], [sflag:$0x3], $0x8000, $0x38;
	[tilespmem:$0x8100] =	vst v63  }
.Ltmp3:
0x42: {  	_ = 	snop;
	(pc) =	sbr.rel @p0 .LBB2_1-.Ltmp3, $4  }
.Ltmp4:
0x43: {  	_ = 	snop;
	(pc) =	sbr.rel @!p0 .LBB2_7-.Ltmp4, $4  }
0x44: {  	_ =	swait.ge [sflag:s10], $0x8000  }
0x45: {  	[sflag:s10] =	ssyncset.done $0x0  }
0x46: {  	[sflag:s10] =	ssyncadd.s32 $0xFFFF8000  }
0x47: {  	_ = 	snop  }
.LBB2_2:
.Ltmp5:
0x48: {  	(pc) =	sbr.rel .LBB2_6-.Ltmp5, $2  }
0x49: {  	_ =	sdelay $0x2  }
0x4a: {  	s17 =	smov.u32 s9  }
.LBB2_4:
.Ltmp6:
0x4b: {  	(pc) =	sbr.rel .LBB2_6-.Ltmp6, $2  }
0x4c: {  	_ =	sdelay $0x2  }
0x4d: {  	s17 =	smov.u32 s9  }
.LBB2_7:
0x4e: {  	_ =	sfence.sel $0x180000  }
0x4f: {  	[bflag:$0x0] =	sbarrier.arrive $0xFFFF  }
0x50: {  	p0 =	sne.s32 s2, $0x0;
	_ =	strace $0x90000053  }
0x51: {  	s0 =	sadd.s32 @!p0 $0x100000, s0;
	[bflag:$0x2] =	sbarrier.arrive $0xFFFF  }
0x52: {  	[sflag:s0] =	ssyncadd.tile.s32 @!p0 $0x1;
	_ =	shalt  }
.Lfunc_end2:
_tile_overlayer_lowered:
.L_overlay_start_2:
0x53: {  	(tag) =	ssettag $0x2  }
0x54: {  	s0 =	rddreg [dreg:$0x0];
	s2 =	stileid.u32  }
0x55: {  	s1 =	rddreg [dreg:$0x1];
	p0 =	sne.s32 s2, $0x0  }
0x56: {  	s3 =	rddreg [dreg:$0x2];
	[bflag:$0x3] =	sbarrier.arrive $0xFFFF;
	s2 =	simm.s32 @!p0 $0x1C03  }
0x57: {  	[timem:s3], [sflag:s2] =	dma.local @!p0 [hbm:s0], s1  }
0x58: {  	s0 =	simm.s32 @!p0 $0x3  }
0x59: {  	_ =	swait.ge @!p0 [sflag:s0], s1  }
0x5a: {  	s1 =	ssub.s32 @!p0 $0x0, s1;
	[sflag:s0] =	ssyncset.done @!p0 $0x0  }
0x5b: {  	[sflag:s0] =	ssyncadd.s32 @!p0 s1  }
0x5c: {  	[bflag:$0x3] =	sbarrier.arrive $0xFFFF  }
0x5d: {  	_ =	shalt  }

// kernel: kernel.29.cloned.1.call-start
scs
__scs_entry_jumppad:
0x0: {  	(pc) =	sbr.rel $0x88, $3  }
0x1: {  	(tag) =	ssettag $0x0;
	lr =	simm.s32 $0x1  }
0x2: {  	[smem:$0x3F6E] =	sst lr;
	_ =	strace $0xD0000000  }
0x3: {  	_ = 	snop  }
0x4: {  	_ = 	snop  }
0x5: {  	_ = 	snop  }
0x6: {  	_ = 	snop  }
0x7: {  	_ = 	snop  }
__scs_overlays_trampoline_lowered:
0x8: {  	[smem:$0x3F7D] =	sst s0  }
0x9: {  	[smem:$0x3F7E] =	sst s1  }
0xa: {  	[smem:$0x3F7F] =	sst s2  }
0xb: {  	[smem:$0x3F80] =	sst s3  }
0xc: {  	[smem:$0x3F81] =	sst s4  }
0xd: {  	[smem:$0x3F82] =	sst s5  }
0xe: {  	[smem:$0x3F83] =	sst s6  }
0xf: {  	[smem:$0x3F84] =	sst s7  }
0x10: {  	[smem:$0x3F85] =	sst s8  }
0x11: {  	[smem:$0x3F86] =	sst s9;
	s0 =	simm.s32 @!p0 $0x0  }
0x12: {  	s1 =	sld [smem:$0x3F6C];
	s0 =	simm.s32 @p0 $0x1  }
0x13: {  	[smem:$0x3F87] =	sst s0;
	s0 =	simm.s32 @!p1 $0x0  }
0x14: {  	s2 =	sld [smem:$0x3F6B];
	s0 =	simm.s32 @p1 $0x1  }
0x15: {  	[smem:$0x3F88] =	sst s0;
	s0 =	simm.s32 @!p2 $0x0  }
0x16: {  	s3 =	sld [smem:$0x3FDB];
	s0 =	simm.s32 @p2 $0x1  }
0x17: {  	s4 =	simm.s32 $0x1BF5;
	[smem:$0x3F8A] =	sst s0  }
0x18: {  	s0 =	sld [smem:$0x3F6D];
	_ =	swait.ge [sflag:s4], $0x0  }
0x19: {  	s7 =	sld [smem:$0x3F6E]  }
0x1a: {  	s8 =	sadd.s32 $0xFFFFE003, lr  }
0x1b: {  	s9 =	sadd.s32 $0xFFFFFEF7, lr;
	s5 =	simm.s32 $0xFFFFFFFF;
	p2 =	slt.u32 s8, $0xFFFFF086  }
0x1c: {  	p1 =	slt.u32 s9, $0xF7A;
	s5 =	simm.s32 @!p2 $0x0  }
0x1d: {  	s5 =	simm.s32 @p1 $0x1;
	p0 =	seq.s32 s7, s2  }
0x1e: {  	s7 =	smul.u32 @!p0 $0xF7A, s2;
	p2 =	seq.s32 @!p0 s5, $0x0  }
0x1f: {  	s9 =	smul.u32 $0xF7A, s1;
	s8 =	simm.s32 @!p0 $0x1BF5;
	p2 =	por !p2, p0  }
0x20: {  	[sflag:s8] =	ssyncset.s32 @!p0 $0xFFFFF086;
	s6 =	sadd.s32 @!p0 s3, s7;
	s7 =	simm.s32 @!p0 $0x108  }
0x21: {  	s3 =	sadd.s32 s3, s9;
	s6 =	sadd.s32 @!p0 $0x88, s6;
	s7 =	simm.s32 @p2 $0x1082  }
0x22: {  	[simem:s7], [sflag:s8] =	dma.local @!p0 [hbm:s6], $0xF7A  }
0x23: {  	s9 =	sor.u32 $0xD0000000, s2;
	s6 =	simm.s32 $0x108;
	_ =	swait.ge @!p0 [sflag:s8], $0x0  }
0x24: {  	s3 =	sadd.s32 $0x88, s3;
	s6 =	simm.s32 @!p1 $0x1082;
	[sflag:s4] =	ssyncset.s32 $0xFFFFF086  }
0x25: {  	[simem:s6], [sflag:s4] =	dma.local [hbm:s3], $0xF7A  }
0x26: {  	[smem:$0x3F6E] =	sst s1;
	(tag) =	ssettag s2;
	_ =	strace s9  }
0x27: {  	s1 =	sld [smem:$0x3F7E]  }
0x28: {  	s2 =	sld [smem:$0x3F7F]  }
0x29: {  	s4 =	sld [smem:$0x3F81]  }
0x2a: {  	p0 =	seq.s32 s5, $0x0;
	s5 =	sld [smem:$0x3F82]  }
0x2b: {  	s6 =	sld [smem:$0x3F83]  }
0x2c: {  	s7 =	sld [smem:$0x3F84]  }
0x2d: {  	s3 =	simm.s32 $0x108;
	s8 =	sld [smem:$0x3F85]  }
0x2e: {  	s3 =	simm.s32 @!p0 $0x1082;
	s9 =	sld [smem:$0x3F86]  }
0x2f: {  	lr =	sadd.s32 s0, s3;
	s0 =	sld [smem:$0x3F7D]  }
0x30: {  	s3 =	sld [smem:$0x3F80]  }
0x31: {  	[smem:$0x3F89] =	sst s10  }
0x32: {  	s10 =	sld [smem:$0x3F87];
	_ =	sdelay $0x3  }
0x33: {  	p0 =	seq.s32 s10, $0x1;
	s10 =	sld [smem:$0x3F89];
	_ =	sdelay $0x3  }
0x34: {  	[smem:$0x3F89] =	sst s10  }
0x35: {  	s10 =	sld [smem:$0x3F88];
	_ =	sdelay $0x3  }
0x36: {  	p1 =	seq.s32 s10, $0x1;
	s10 =	sld [smem:$0x3F89];
	_ =	sdelay $0x3  }
0x37: {  	[smem:$0x3F89] =	sst s10  }
0x38: {  	s10 =	sld [smem:$0x3F8A]  }
0x39: {  	_ = 	snop;
	(pc) =	sbr.ind lr, $3  }
0x3a: {  	_ = 	snop  }
0x3b: {  	_ = 	snop  }
0x3c: {  	p2 =	seq.s32 s10, $0x1;
	s10 =	sld [smem:$0x3F89]  }
0x3d: {  	_ =	shalt  }
0x3e: {  	_ =	shalt  }
0x3f: {  	_ =	shalt  }
0x40: {  	_ =	shalt  }
0x41: {  	_ =	shalt  }
0x42: {  	_ =	shalt  }
0x43: {  	_ =	shalt  }
0x44: {  	_ =	shalt  }
0x45: {  	_ =	shalt  }
0x46: {  	_ =	shalt  }
0x47: {  	_ =	shalt  }
0x48: {  	_ =	shalt  }
0x49: {  	_ =	shalt  }
0x4a: {  	_ =	shalt  }
0x4b: {  	_ =	shalt  }
0x4c: {  	_ =	shalt  }
0x4d: {  	_ =	shalt  }
0x4e: {  	_ =	shalt  }
0x4f: {  	_ =	shalt  }
0x50: {  	_ =	shalt  }
0x51: {  	_ =	shalt  }
0x52: {  	_ =	shalt  }
0x53: {  	_ =	shalt  }
0x54: {  	_ =	shalt  }
0x55: {  	_ =	shalt  }
0x56: {  	_ =	shalt  }
0x57: {  	_ =	shalt  }
0x58: {  	_ =	shalt  }
0x59: {  	_ =	shalt  }
0x5a: {  	_ =	shalt  }
0x5b: {  	_ =	shalt  }
0x5c: {  	_ =	shalt  }
0x5d: {  	_ =	shalt  }
0x5e: {  	_ =	shalt  }
0x5f: {  	_ =	shalt  }
0x60: {  	_ =	shalt  }
0x61: {  	_ =	shalt  }
0x62: {  	_ =	shalt  }
0x63: {  	_ =	shalt  }
0x64: {  	_ =	shalt  }
0x65: {  	_ =	shalt  }
0x66: {  	_ =	shalt  }
0x67: {  	_ =	shalt  }
0x68: {  	_ =	shalt  }
0x69: {  	_ =	shalt  }
0x6a: {  	_ =	shalt  }
0x6b: {  	_ =	shalt  }
0x6c: {  	_ =	shalt  }
0x6d: {  	_ =	shalt  }
0x6e: {  	_ =	shalt  }
0x6f: {  	_ =	shalt  }
0x70: {  	_ =	shalt  }
0x71: {  	_ =	shalt  }
0x72: {  	_ =	shalt  }
0x73: {  	_ =	shalt  }
0x74: {  	_ =	shalt  }
0x75: {  	_ =	shalt  }
0x76: {  	_ =	shalt  }
0x77: {  	_ =	shalt  }
0x78: {  	_ =	shalt  }
0x79: {  	_ =	shalt  }
0x7a: {  	_ =	shalt  }
0x7b: {  	_ =	shalt  }
0x7c: {  	_ =	shalt  }
0x7d: {  	_ =	shalt  }
0x7e: {  	_ =	shalt  }
0x7f: {  	_ =	shalt  }
0x80: {  	_ =	shalt  }
0x81: {  	_ =	shalt  }
0x82: {  	_ =	shalt  }
0x83: {  	_ =	shalt  }
0x84: {  	_ =	shalt  }
0x85: {  	_ =	shalt  }
0x86: {  	_ =	shalt  }
0x87: {  	_ =	shalt  }
.Lfunc_end0:
.L_simem_size_0:
called_computation.5_lowered:
.L_overlay_start_0:
0x88: {  	s2 =	sld [smem:$0x3FD9]  }
0x89: {  	s3 =	sld [smem:$0x3FFE];
	_ =	sdelay $0x1  }
0x8a: {  	s1 =	srdreg.scid  }
0x8b: {  	s0 =	sand.u32 $0x1, s1  }
0x8c: {  	s16 =	sshll.u32 s0, $0xA;
	s2 =	sadd.s32 s3, s2  }
0x8d: {  	s2 =	sadd.s32 s2, s16  }
0x8e: {  	[smem:$0x3F95] =	sst s2  }
0x8f: {  	_ = 	snop  }
0x90: {  	(tm) =	ssettm $0x1  }
0x91: {  	s17 =	sld [smem:$0x3FFB];
	_ =	sdelay $0x3  }
0x92: {  	_ =	strace s17  }
0x93: {  	s2 =	sld [smem:$0x3FFC];
	_ =	sdelay $0x3  }
0x94: {  	_ =	strace s2  }
0x95: {  	s2 =	sld [smem:$0x3FFD];
	_ =	sdelay $0x3  }
0x96: {  	_ =	strace s2  }
0x97: {  	_ =	strace $0x8FFFFFFF  }
0x98: {  	s18 =	sld [smem:$0x3FDB];
	_ =	sdelay $0x1  }
0x99: {  	s19 =	simm.s32 $_scs_section_size  }
0x9a: {  	s4 =	simm.s32 $_size__tile_overlayer_lowered;
	s5 =	simm.s32 $_tile_overlayer_lowered  }
0x9b: {  	s22 =	simm.s32 $0x1BFF;
	s21 =	sshll.u32 s5, $0x1;
	s2 =	sadd.s32 s19, s18  }
0x9c: {  	s6 =	simm.s32 $0x0;
	s20 =	sshll.u32 s4, $0x1;
	s4 =	sadd.s32 s21, s2  }
0x9d: {  	[timem:s6], [sflag:s22] =	dma.local [hbm:s4], s20  }
0x9e: {  	_ =	swait.ge [sflag:s22], s20  }
0x9f: {  	s3 =	ssub.s32 $0x0, s20;
	[sflag:s22] =	ssyncset.done $0x0  }
0xa0: {  	[sflag:s22] =	ssyncadd.s32 s3;
	_ =	sdelay $0x1  }
0xa1: {  	s23 =	simm.s32 $0x1B8B  }
0xa2: {  	_ =	swait.ge [sflag:s23], $0x1  }
0xa3: {  	[sflag:s23] =	ssyncset.done $0x0  }
0xa4: {  	s25 =	simm.s32 $0x1B8E;
	s24 =	sld [smem:$0x3FFE];
	[sflag:s23] =	ssyncadd.s32 $0xFFFFFFFF  }
0xa5: {  	s26 =	simm.s32 $execute0_lowered;
	[smem:$0x3FD2] =	sst s25  }
0xa6: {  	s4 =	sshll.u32 s26, $0x1;
	_ =	strace $0x80000055;
	[dreg:$0x1] =	wrdreg $0xFFFFFFFF  }
0xa7: {  	s28 =	simm.s32 $_size_execute0_lowered;
	s2 =	sadd.s32 s2, s4;
	[dreg:$0x0] =	wrdreg $0x0  }
0xa8: {  	s4 =	sshll.u32 s28, $0x1;
	[dreg:$0x2] =	wrdreg s2  }
0xa9: {  	[dreg:$0x3] =	wrdreg s4  }
0xaa: {  	[dreg:$0x4] =	wrdreg $0xC0  }
0xab: {  	_ =	task [dreg:s6], $0x5FFFF  }
0xac: {  	[dreg:$0x1] =	wrdreg $0xFFFFFFFF  }
0xad: {  	[dreg:$0x0] =	wrdreg $0x60  }
0xae: {  	[dreg:$0x2] =	wrdreg s24  }
0xaf: {  	[dreg:$0x3] =	wrdreg $0x41000  }
0xb0: {  	[dreg:$0x4] =	wrdreg $0x68100  }
0xb1: {  	[dreg:$0x5] =	wrdreg $0x9  }
0xb2: {  	_ =	task.clear_ibuf [dreg:s6], $0x6FFFF;
	_ =	strace $0x90000055  }
0xb3: {  	s29 =	simm.s32 $0x9;
	_ =	strace $0x80000057  }
0xb4: {  	_ =	swait.ge [sflag:s29], $0x1  }
0xb5: {  	[sflag:s29] =	ssyncadd.s32 $0xFFFFFFFF  }
0xb6: {  	_ =	strace $0x90000057  }
0xb7: {  	_ =	sfence  }
0xb8: {  	s30 =	sld [smem:$0x0];
	_ =	sdelay $0x2  }
0xb9: {  	s31 =	sshll.u32 s1, $0xD;
	s1 =	sshrl.u32 s1, $0x2  }
0xba: {  	s3 =	sand.u32 $0x4000, s31;
	s1 =	sadd.s32 s1, s30  }
0xbb: {  	s0 =	sor.u32 s3, s0;
	s1 =	sshll.u32 s1, $0x11  }
0xbc: {  	s0 =	sor.u32 s1, s0  }
0xbd: {  	s0 =	sadd.s32 $0x8F2B, s0  }
0xbe: {  	[sflag:s0] =	ssyncadd.remote.s32 $0x1  }
0xbf: {  	_ =	sfence.sel $0xFFFF  }
0xc0: {  	[dreg:$0x0] =	wrdreg $0xFFFFFFFF;
	(pc) =	sbr.abs _section_cstart, $3  }
0xc1: {  	[dreg:$0x1] =	wrdreg $0xFFFFFFFF  }
0xc2: {  	_ =	task.clear_ibuf [dreg:s6], $0x2FFFF;
	_ =	strace $0x9FFFFFFF  }
0xc3: {  	(tm) =	ssettm $0x7FFFFFFF  }
tec
execute0_lowered:
.L_overlay_start_1:
0x0: {  	(tag) =	ssettag $0x1  }
0x1: {  	s0 =	rddreg [dreg:$0x0]  }
0x2: {  	s1 =	rddreg [dreg:$0x1]  }
0x3: {  	s2 =	rddreg [dreg:$0x2];
	s3 =	simm.s32 $0x0;
	s7 =	srdreg.scid  }
0x4: {  	s16 =	stileid.u32;
	s19 =	simm.s32 $0x100;
	s20 =	simm.s32 $0x1100  }
0x5: {  	s21 =	simm.s32 $0x80;
	s22 =	simm.s32 $0x900;
	s23 =	simm.s32 $0x2900  }
0x6: {  	s24 =	simm.s32 $0x0;
	[smem:$0x7FF] =	sst s3;
	s4 =	sadd.s32 $0x12A200, s0  }
0x7: {  	s5 =	sadd.s32 $0x3FC00, s0;
	s6 =	sadd.s32 $0x13A00, s0;
	s14 =	sand.u32 $0x1, s7  }
0x8: {  	s7 =	sadd.s32 $0x5F4000, s0;
	s8 =	sadd.s32 $0x178400, s0;
	s13 =	sshll.u32 s16, $0x1  }
0x9: {  	s29 =	smul.u32 $0x6000, s16;
	s30 =	sshll.u32 s16, $0x9;
	s31 =	sshll.u32 s16, $0xA  }
0xa: {  	p0 =	sne.s32 s16, $0x0;
	_ =	strace $0x80000056;
	s9 =	smul.u32 $0x4E20, s14  }
0xb: {  	s10 =	smul.u32 $0xEA60, s14;
	s11 =	ssub.s32 $0x2, s14;
	s26 =	sor.u32 s13, s14  }
0xc: {  	s15 =	sshll.u32 s14, $0x8;
	s17 =	smul.u32 $0x3000, s14;
	s18 =	sshll.u32 s14, $0x9  }
0xd: {  	s16 =	sshrl.u32 @!p0 s1, $0x3;
	s12 =	sshrl.u32 s11, $0x1;
	s28 =	ssub.s32 $0x290, s26  }
0xe: {  	s13 =	sor.u32 s15, s30;
	s15 =	sor.u32 s18, s31;
	s18 =	simm.s32 $0x1  }
0xf: {  	s9 =	sadd.s32 s9, s0;
	s0 =	sadd.s32 s10, s0;
	s11 =	ssub.s32 s11, s12  }
0x10: {  	s12 =	sshrl.u32 s28, $0x5;
	s14 =	sadd.s32 s17, s29;
	s17 =	sshrl.u32 @!p0 s2, $0x3  }
0x11: {  	s9 =	sadd.s32 $0x1A4600, s9;
	s10 =	sadd.s32 $0x187000, s0;
	s11 =	smax.u32 s11, $0x1  }
.LBB2_1:
0x12: {  	s26 =	simm.s32 @!p0 $0x1C01;
	s25 =	simm.s32 @!p0 $0x1  }
0x13: {  	[spmem:s16], [sflag:s26] =	dma.local @!p0 [hbm:s7], $0x4E20  }
0x14: {  	_ =	swait.ge @!p0 [sflag:s25], $0x4E20  }
0x15: {  	[sflag:s25] =	ssyncset.done @!p0 $0x0  }
0x16: {  	p2 =	sne.s32 s12, $0x1;
	[sflag:s25] =	ssyncadd.s32 @!p0 $0xFFFFB1E0  }
0x17: {  	[spmem:s17], [sflag:s26] =	dma.local @!p0 [hbm:s8], $0xEA60  }
.Ltmp0:
0x18: {  	_ =	swait.ge @!p0 [sflag:s25], $0xEA60;
	(pc) =	sbr.rel @!p2 .LBB2_2-.Ltmp0, $4  }
0x19: {  	[sflag:s25] =	ssyncset.done @!p0 $0x0  }
0x1a: {  	[sflag:s25] =	ssyncadd.s32 @!p0 $0xFFFF15A0  }
0x1b: {  	[bflag:$0x0] =	sbarrier.arrive $0xFFFF  }
0x1c: {  	s28 =	sadd.s32 $0xFFFFFFFF, s12;
	s0 =	sshrl.u32 s13, $0x3;
	p1 =	por $0x0, $0x0  }
0x1d: {  	s0 =	sadd.s32 s6, s0  }
0x1e: {  	[tilespmem:s3], [sflag:$0x1] =	stream.linear.gather [hbm4b:s0+s3], $0x100, $0x38;
	[tilespmem:$0xDD40] =	vst v63  }
0x1f: {  	_ =	swait.ge [sflag:s18], $0x100  }
0x20: {  	s0 =	sand.u32 $0x1FFFFE00, s15;
	[sflag:s18] =	ssyncset.done $0x0  }
0x21: {  	s0 =	sadd.s32 s4, s0;
	[sflag:s18] =	ssyncadd.s32 $0xFFFFFF00  }
0x22: {  	[tilespmem:s19], [sflag:$0x1] =	stream.linear.gather [hbm4b:s0+s3], $0x1000, $0x38;
	[tilespmem:$0xDD40] =	vst v63  }
0x23: {  	_ =	swait.ge [sflag:s18], $0x1000  }
0x24: {  	s0 =	sshrl.u32 s14, $0x3;
	[sflag:s18] =	ssyncset.done $0x0  }
0x25: {  	s0 =	sadd.s32 s5, s0;
	[sflag:s18] =	ssyncadd.s32 $0xFFFFF000  }
0x26: {  	[tilespmem:s20], [sflag:$0x1] =	stream.linear.gather [hbm4b:s0+s3], $0x3000, $0x38;
	[tilespmem:$0xDD40] =	vst v63  }
0x27: {  	_ =	swait.ge [sflag:s18], $0x3000  }
0x28: {  	[sflag:s18] =	ssyncset.done $0x0  }
0x29: {  	[sflag:s18] =	ssyncadd.s32 $0xFFFFD000  }
0x2a: {  	[spmem:s1] =	stream.indirect.scatter.add.f32 [tilespmem:s19], [sflag:$0x1], $0x10, s3, s21, $0xb8;
	[tilespmem:$0xDD40] =	vst v63  }
0x2b: {  	_ =	swait.ge [sflag:s18], $0x800  }
0x2c: {  	[sflag:s18] =	ssyncset.done $0x0  }
0x2d: {  	[sflag:s18] =	ssyncadd.s32 $0xFFFFF800  }
0x2e: {  	[spmem:s2] =	stream.indirect.scatter.add.f32 [tilespmem:s20], [sflag:$0x1], $0x30, s3, s21, $0xb8;
	[tilespmem:$0xDD40] =	vst v63  }
0x2f: {  	_ =	swait.ge [sflag:s18], $0x1800  }
0x30: {  	[sflag:s18] =	ssyncset.done $0x0  }
0x31: {  	[sflag:s18] =	ssyncadd.s32 $0xFFFFE800  }
0x32: {  	[spmem:s1] =	stream.indirect.scatter.add.f32 [tilespmem:s22], [sflag:$0x1], $0x10, s21, s21, $0xb8;
	[tilespmem:$0xDD40] =	vst v63  }
0x33: {  	p2 =	sne.s32 s28, $0x1;
	_ =	swait.ge [sflag:s18], $0x800  }
.Ltmp1:
0x34: {  	[sflag:s18] =	ssyncset.done $0x0;
	(pc) =	sbr.rel @!p2 .LBB2_4-.Ltmp1, $4  }
0x35: {  	s30 =	sadd.s32 $0x2000, s13;
	s31 =	sadd.s32 $0xFFFFFFFF, s28;
	[sflag:s18] =	ssyncadd.s32 $0xFFFFF800  }
0x36: {  	[spmem:s2] =	stream.indirect.scatter.add.f32 [tilespmem:s23], [sflag:$0x1], $0x30, s21, s21, $0xb8;
	[tilespmem:$0xDD40] =	vst v63  }
0x37: {  	s28 =	sadd.s32 $0x4000, s15;
	p1 =	por $0x1, $0x1;
	_ =	swait.ge [sflag:s18], $0x1800  }
0x38: {  	s29 =	smov.u32 s14;
	s0 =	sshrl.u32 s30, $0x3;
	[sflag:s18] =	ssyncset.done $0x0  }
.LBB2_5:
0x39: {  	s0 =	sadd.s32 s6, s0;
	[sflag:s18] =	ssyncadd.s32 $0xFFFFE800;
	s29 =	sadd.s32 $0x60000, s29  }
0x3a: {  	[tilespmem:s3], [sflag:$0x1] =	stream.linear.gather [hbm4b:s0+s3], $0x100, $0x38;
	[tilespmem:$0xDD40] =	vst v63  }
0x3b: {  	p2 =	sne.s32 s31, $0x1;
	s31 =	sadd.s32 $0xFFFFFFFF, s31;
	_ =	swait.ge [sflag:s18], $0x100  }
0x3c: {  	s0 =	sand.u32 $0x1FFFFE00, s28;
	[sflag:s18] =	ssyncset.done $0x0  }
0x3d: {  	s0 =	sadd.s32 s4, s0;
	[sflag:s18] =	ssyncadd.s32 $0xFFFFFF00  }
0x3e: {  	[tilespmem:s19], [sflag:$0x1] =	stream.linear.gather [hbm4b:s0+s3], $0x1000, $0x38;
	[tilespmem:$0xDD40] =	vst v63  }
0x3f: {  	_ =	swait.ge [sflag:s18], $0x1000  }
0x40: {  	s0 =	sshrl.u32 s29, $0x3;
	[sflag:s18] =	ssyncset.done $0x0  }
0x41: {  	s0 =	sadd.s32 s5, s0;
	[sflag:s18] =	ssyncadd.s32 $0xFFFFF000  }
0x42: {  	[tilespmem:s20], [sflag:$0x1] =	stream.linear.gather [hbm4b:s0+s3], $0x3000, $0x38;
	[tilespmem:$0xDD40] =	vst v63  }
0x43: {  	_ =	swait.ge [sflag:s18], $0x3000  }
0x44: {  	[sflag:s18] =	ssyncset.done $0x0  }
0x45: {  	[sflag:s18] =	ssyncadd.s32 $0xFFFFD000  }
0x46: {  	[spmem:s1] =	stream.indirect.scatter.add.f32 [tilespmem:s19], [sflag:$0x1], $0x10, s3, s21, $0xb8;
	[tilespmem:$0xDD40] =	vst v63  }
0x47: {  	_ =	swait.ge [sflag:s18], $0x800  }
0x48: {  	[sflag:s18] =	ssyncset.done $0x0  }
0x49: {  	[sflag:s18] =	ssyncadd.s32 $0xFFFFF800  }
0x4a: {  	[spmem:s2] =	stream.indirect.scatter.add.f32 [tilespmem:s20], [sflag:$0x1], $0x30, s3, s21, $0xb8;
	[tilespmem:$0xDD40] =	vst v63  }
0x4b: {  	_ =	swait.ge [sflag:s18], $0x1800  }
0x4c: {  	[sflag:s18] =	ssyncset.done $0x0  }
0x4d: {  	[sflag:s18] =	ssyncadd.s32 $0xFFFFE800  }
0x4e: {  	[spmem:s1] =	stream.indirect.scatter.add.f32 [tilespmem:s22], [sflag:$0x1], $0x10, s21, s21, $0xb8;
	[tilespmem:$0xDD40] =	vst v63  }
0x4f: {  	_ =	swait.ge [sflag:s18], $0x800  }
.Ltmp2:
0x50: {  	[sflag:s18] =	ssyncset.done $0x0;
	(pc) =	sbr.rel @p2 .LBB2_5-.Ltmp2, $4  }
0x51: {  	[sflag:s18] =	ssyncadd.s32 $0xFFFFF800  }
0x52: {  	[spmem:s2] =	stream.indirect.scatter.add.f32 [tilespmem:s23], [sflag:$0x1], $0x30, s21, s21, $0xb8;
	[tilespmem:$0xDD40] =	vst v63  }
0x53: {  	s30 =	sadd.s32 $0x2000, s30;
	_ =	swait.ge [sflag:s18], $0x1800  }
0x54: {  	s28 =	sadd.s32 $0x4000, s28;
	s0 =	sshrl.u32 s30, $0x3;
	[sflag:s18] =	ssyncset.done $0x0  }
.LBB2_6:
0x55: {  	s0 =	sadd.s32 s6, s0;
	[sflag:s18] =	ssyncadd.s32 @p1 $0xFFFFE800  }
0x56: {  	[tilespmem:s3], [sflag:$0x1] =	stream.linear.gather [hbm4b:s0+s3], $0x100, $0x38;
	[tilespmem:$0xDD40] =	vst v63  }
0x57: {  	_ =	swait.ge [sflag:s18], $0x100  }
0x58: {  	s31 =	sand.u32 $0x1FFFFE00, s28;
	[sflag:s18] =	ssyncset.done $0x0  }
0x59: {  	s0 =	sadd.s32 s4, s31;
	[sflag:s18] =	ssyncadd.s32 $0xFFFFFF00  }
0x5a: {  	[tilespmem:s19], [sflag:$0x1] =	stream.linear.gather [hbm4b:s0+s3], $0x1000, $0x38;
	[tilespmem:$0xDD40] =	vst v63  }
0x5b: {  	s28 =	sadd.s32 @p1 $0x60000, s29;
	s0 =	smov.u32 s14  }
0x5c: {  	_ =	swait.ge [sflag:s18], $0x1000;
	s0 =	smov.u32 @p1 s28  }
0x5d: {  	[sflag:s18] =	ssyncset.done $0x0;
	s0 =	sshrl.u32 s0, $0x3  }
0x5e: {  	[sflag:s18] =	ssyncadd.s32 $0xFFFFF000;
	s0 =	sadd.s32 s5, s0  }
0x5f: {  	[tilespmem:s20], [sflag:$0x1] =	stream.linear.gather [hbm4b:s0+s3], $0x3000, $0x38;
	[tilespmem:$0xDD40] =	vst v63  }
0x60: {  	_ =	swait.ge [sflag:s18], $0x3000  }
0x61: {  	[sflag:s18] =	ssyncset.done $0x0  }
0x62: {  	[sflag:s18] =	ssyncadd.s32 $0xFFFFD000  }
0x63: {  	[spmem:s1] =	stream.indirect.scatter.add.f32 [tilespmem:s19], [sflag:$0x1], $0x10, s3, s21, $0xb8;
	[tilespmem:$0xDD40] =	vst v63  }
0x64: {  	_ =	swait.ge [sflag:s18], $0x800  }
0x65: {  	[sflag:s18] =	ssyncset.done $0x0  }
0x66: {  	[sflag:s18] =	ssyncadd.s32 $0xFFFFF800  }
0x67: {  	[spmem:s2] =	stream.indirect.scatter.add.f32 [tilespmem:s20], [sflag:$0x1], $0x30, s3, s21, $0xb8;
	[tilespmem:$0xDD40] =	vst v63  }
0x68: {  	_ =	swait.ge [sflag:s18], $0x1800  }
0x69: {  	[sflag:s18] =	ssyncset.done $0x0  }
0x6a: {  	[sflag:s18] =	ssyncadd.s32 $0xFFFFE800  }
0x6b: {  	[spmem:s1] =	stream.indirect.scatter.add.f32 [tilespmem:s22], [sflag:$0x1], $0x10, s21, s21, $0xb8;
	[tilespmem:$0xDD40] =	vst v63  }
0x6c: {  	_ =	swait.ge [sflag:s18], $0x800  }
0x6d: {  	[sflag:s18] =	ssyncset.done $0x0  }
0x6e: {  	[sflag:s18] =	ssyncadd.s32 $0xFFFFF800  }
0x6f: {  	[spmem:s2] =	stream.indirect.scatter.add.f32 [tilespmem:s23], [sflag:$0x1], $0x30, s21, s21, $0xb8;
	[tilespmem:$0xDD40] =	vst v63  }
0x70: {  	_ =	swait.ge [sflag:s18], $0x1800  }
0x71: {  	[sflag:s18] =	ssyncset.done $0x0  }
0x72: {  	[sflag:s18] =	ssyncadd.s32 $0xFFFFE800  }
0x73: {  	[bflag:$0x0] =	sbarrier.arrive $0xFFFF  }
0x74: {  	[hbm:s9], [sflag:s26] =	dma.local @!p0 [spmem:s16], $0x4E20  }
0x75: {  	_ =	swait.ge @!p0 [sflag:s25], $0x4E20  }
0x76: {  	s24 =	sadd.s32 $0x1, s24;
	[sflag:s25] =	ssyncset.done @!p0 $0x0  }
0x77: {  	p1 =	sne.s32 s24, s11;
	[sflag:s25] =	ssyncadd.s32 @!p0 $0xFFFFB1E0  }
0x78: {  	[hbm:s10], [sflag:s26] =	dma.local @!p0 [spmem:s17], $0xEA60  }
.Ltmp3:
0x79: {  	_ = 	snop;
	(pc) =	sbr.rel @p1 .LBB2_1-.Ltmp3, $4  }
.Ltmp4:
0x7a: {  	_ = 	snop;
	(pc) =	sbr.rel @!p1 .LBB2_7-.Ltmp4, $4  }
0x7b: {  	_ =	swait.ge @!p0 [sflag:s25], $0xEA60  }
0x7c: {  	[sflag:s25] =	ssyncset.done @!p0 $0x0  }
0x7d: {  	[sflag:s25] =	ssyncadd.s32 @!p0 $0xFFFF15A0  }
0x7e: {  	_ = 	snop  }
.LBB2_2:
.Ltmp5:
0x7f: {  	(pc) =	sbr.rel .LBB2_6-.Ltmp5, $2  }
0x80: {  	_ =	sdelay $0x2  }
0x81: {  	s29 =	smov.u32 s14;
	s28 =	smov.u32 s15  }
.LBB2_4:
.Ltmp6:
0x82: {  	(pc) =	sbr.rel .LBB2_6-.Ltmp6, $2  }
0x83: {  	_ =	sdelay $0x2  }
0x84: {  	s29 =	smov.u32 s14  }
.LBB2_7:
0x85: {  	_ =	sfence.sel $0x180000  }
0x86: {  	[bflag:$0x0] =	sbarrier.arrive $0xFFFF  }
0x87: {  	_ =	strace $0x90000056  }
0x88: {  	[bflag:$0x2] =	sbarrier.arrive $0xFFFF  }
0x89: {  	s0 =	rddreg [dreg:$0x3]  }
0x8a: {  	s0 =	sadd.s32 @!p0 $0x100000, s0  }
0x8b: {  	[sflag:s0] =	ssyncadd.tile.s32 @!p0 $0x1;
	_ =	shalt  }
.Lfunc_end2:
_tile_overlayer_lowered:
.L_overlay_start_2:
0x8c: {  	(tag) =	ssettag $0x2  }
0x8d: {  	s0 =	rddreg [dreg:$0x0];
	s2 =	stileid.u32  }
0x8e: {  	s1 =	rddreg [dreg:$0x1];
	p0 =	sne.s32 s2, $0x0  }
0x8f: {  	s3 =	rddreg [dreg:$0x2];
	[bflag:$0x3] =	sbarrier.arrive $0xFFFF;
	s2 =	simm.s32 @!p0 $0x1C01  }
0x90: {  	[timem:s3], [sflag:s2] =	dma.local @!p0 [hbm:s0], s1  }
0x91: {  	s0 =	simm.s32 @!p0 $0x1  }
0x92: {  	_ =	swait.ge @!p0 [sflag:s0], s1  }
0x93: {  	s1 =	ssub.s32 @!p0 $0x0, s1;
	[sflag:s0] =	ssyncset.done @!p0 $0x0  }
0x94: {  	[sflag:s0] =	ssyncadd.s32 @!p0 s1  }
0x95: {  	[bflag:$0x3] =	sbarrier.arrive $0xFFFF  }
0x96: {  	_ =	shalt  }

</sc_bundles>
